<compile_context>
chip_gen: v7x
topology: tpu7x:2x2x1
jax: 0.10.2.dev20260603
libtpu: 0.0.44.dev20260713+nightly
codegen_flags: <defaults>
</compile_context>

<pallas_src>
import functools

import jax
import jax.numpy as jnp
from jax.experimental import pallas as pl
from jax.experimental.pallas import tpu as pltpu
from jax.experimental.pallas import tpu_sc as plsc

DEPTH = 11
N_NODES = 2 ** DEPTH - 1
N_LEAVES = 2 ** DEPTH
D = 1024
H = 16
OUT = 1024
BATCH = 8192
BLK = 1024
RGRP = 64
LPB = 16
NLB = N_LEAVES // LPB
CH = 64
OFF_PAD = N_LEAVES + 128
XPAD = BATCH + NLB * CH + CH
NCHUNKS = 256

SC_NC = 2
SC_NS = 16
SC_NW = SC_NC * SC_NS
TPW = BATCH // SC_NW
SC_CH = 32
SC_NCH = TPW // SC_CH



def _routing_body(x_ref, nw_ref, nb_ref, leaves_ref, rank_ref, off_ref, cbm_ref, cnt_ref):
    b = pl.program_id(0)

    @pl.when(b == 0)
    def _():
        cnt_ref[...] = jnp.zeros_like(cnt_ref)

    x = x_ref[...]
    scores = jax.lax.dot_general(
        x, nw_ref[...], (((1,), (1,)), ((), ())),
        precision=jax.lax.Precision.HIGHEST,
        preferred_element_type=jnp.float32)
    scores = scores + nb_ref[...]
    cur = jnp.zeros((BLK, 1), jnp.int32)
    for i in range(DEPTH):
        platform = 2 ** i - 1
        w = 2 ** i
        sl = jax.lax.slice(scores, (0, platform), (BLK, platform + w))
        if i == 0:
            s = sl
        else:
            colw = jax.lax.broadcasted_iota(jnp.int32, (BLK, w), 1)
            onehot = (colw == cur).astype(jnp.float32)
            s = jnp.sum(sl * onehot, axis=1, keepdims=True)
        choice = (s >= 0).astype(jnp.int32)
        cur = cur * 2 + choice
    leaf = cur
    leaves_ref[...] = leaf

    cnt = cnt_ref[...]
    colg = jax.lax.broadcasted_iota(jnp.int32, (RGRP, N_LEAVES), 1)
    rr = jax.lax.broadcasted_iota(jnp.int32, (RGRP, RGRP), 0)
    rc = jax.lax.broadcasted_iota(jnp.int32, (RGRP, RGRP), 1)
    ranks = []
    for g in range(BLK // RGRP):
        lv = jax.lax.slice(leaf, (g * RGRP, 0), ((g + 1) * RGRP, 1))
        m = (colg == lv).astype(jnp.float32)
        prior = jnp.sum(m * cnt, axis=1, keepdims=True)
        eq = (lv == jnp.reshape(lv, (1, RGRP))) & (rr > rc)
        intra = jnp.sum(eq.astype(jnp.float32), axis=1, keepdims=True)
        ranks.append(prior + intra)
        cnt = cnt + jnp.sum(m, axis=0, keepdims=True)
    cnt_ref[...] = cnt
    rank_ref[...] = jnp.concatenate(ranks, axis=0).astype(jnp.int32)

    @pl.when(b == BATCH // BLK - 1)
    def _():
        c = cnt_ref[...]
        lane = jax.lax.broadcasted_iota(jnp.int32, (1, N_LEAVES), 1)
        lmod = lane % LPB

        def shift_from_left(v, k):
            return jnp.concatenate(
                [jnp.zeros((1, k), jnp.float32), jax.lax.slice(v, (0, 0), (1, N_LEAVES - k))],
                axis=1)

        def shift_from_right(v, k):
            return jnp.concatenate(
                [jax.lax.slice(v, (0, k), (1, N_LEAVES)), jnp.zeros((1, k), jnp.float32)],
                axis=1)

        s = c
        k = 1
        while k < LPB:
            s = s + jnp.where(lmod >= k, shift_from_left(s, k), 0.0)
            k *= 2
        excl_within = s - c
        t = s
        k = 1
        while k < LPB:
            t = jnp.maximum(t, jnp.where(lmod + k < LPB, shift_from_right(t, k), 0.0))
            k *= 2
        tpad = jnp.ceil(t / float(CH)) * float(CH)
        u = jnp.where(lmod == LPB - 1, tpad, 0.0)
        acc = u
        k = 1
        while k < N_LEAVES:
            acc = acc + shift_from_left(acc, k)
            k *= 2
        excl_u = acc - u
        off = excl_u + excl_within
        total = jnp.sum(u)
        pad = jnp.full((1, OFF_PAD - N_LEAVES), 1.0, jnp.float32) * total
        off_ref[...] = jnp.concatenate([off, pad], axis=1).astype(jnp.int32)
        kvec = jax.lax.broadcasted_iota(jnp.int32, (NCHUNKS, 1), 0).astype(jnp.float32) * float(CH)
        is_start = (lmod == 0)
        le = ((excl_u <= kvec) & is_start).astype(jnp.float32)
        cbm_ref[...] = (jnp.sum(le, axis=1, keepdims=True) - 1.0).astype(jnp.int32)


def _route(x, node_weights, node_biases):
    nw_pad = jnp.concatenate(
        [node_weights, jnp.zeros((1, D), node_weights.dtype)], axis=0)
    nb_pad = jnp.concatenate(
        [node_biases[:, 0], jnp.zeros((1,), node_biases.dtype)]).reshape(1, N_LEAVES)
    leaves, rank, off, cbm = pl.pallas_call(
        _routing_body,
        grid=(BATCH // BLK,),
        in_specs=[
            pl.BlockSpec((BLK, D), lambda b: (b, 0)),
            pl.BlockSpec((N_LEAVES, D), lambda b: (0, 0)),
            pl.BlockSpec((1, N_LEAVES), lambda b: (0, 0)),
        ],
        out_specs=[
            pl.BlockSpec((BLK, 1), lambda b: (b, 0)),
            pl.BlockSpec((BLK, 1), lambda b: (b, 0)),
            pl.BlockSpec((1, OFF_PAD), lambda b: (0, 0)),
            pl.BlockSpec((NCHUNKS, 1), lambda b: (0, 0)),
        ],
        out_shape=[
            jax.ShapeDtypeStruct((BATCH, 1), jnp.int32),
            jax.ShapeDtypeStruct((BATCH, 1), jnp.int32),
            jax.ShapeDtypeStruct((1, OFF_PAD), jnp.int32),
            jax.ShapeDtypeStruct((NCHUNKS, 1), jnp.int32),
        ],
        scratch_shapes=[pltpu.VMEM((1, N_LEAVES), jnp.float32)],
    )(x, nw_pad, nb_pad)
    return leaves, rank, off, cbm



def _dispatch(x, leaves, rank, offsets):
    mesh = plsc.VectorSubcoreMesh(core_axis_name="c", subcore_axis_name="s")

    @functools.partial(
        pl.kernel,
        mesh=mesh,
        out_type=[
            jax.ShapeDtypeStruct((XPAD, D), jnp.float32),
            jax.ShapeDtypeStruct((BATCH,), jnp.int32),
        ],
        scratch_types=[
            pltpu.VMEM((N_LEAVES,), jnp.int32),
            pltpu.VMEM((SC_CH, D), jnp.float32),
            pltpu.VMEM((SC_NCH, SC_CH), jnp.int32),
            pltpu.VMEM((SC_CH,), jnp.int32),
            pltpu.VMEM((SC_CH,), jnp.int32),
            pltpu.SemaphoreType.DMA,
        ],
        compiler_params=pltpu.CompilerParams(needs_layout_passes=False),
    )
    def body(x_hbm, lv_hbm, rk_hbm, off_hbm, xs_hbm, pos_hbm,
             off_v, rows_v, pos_v, lv_v, rk_v, sem):
        wid = jax.lax.axis_index("s") * SC_NC + jax.lax.axis_index("c")
        pltpu.sync_copy(off_hbm, off_v)
        for i in range(SC_NCH):
            base = wid * TPW + i * SC_CH
            pltpu.sync_copy(lv_hbm.at[pl.ds(base, SC_CH)], lv_v)
            pltpu.sync_copy(rk_hbm.at[pl.ds(base, SC_CH)], rk_v)
            for k in range(0, SC_CH, 16):
                lvv = lv_v[pl.ds(k, 16)]
                offv = plsc.load_gather(off_v, [lvv])
                pos_v[i, pl.ds(k, 16)] = offv + rk_v[pl.ds(k, 16)]
            pltpu.sync_copy(x_hbm.at[pl.ds(base, SC_CH)], rows_v)
            pltpu.async_copy(rows_v, xs_hbm.at[pos_v.at[i]], sem).wait()
            pltpu.sync_copy(pos_v.at[i], pos_hbm.at[pl.ds(base, SC_CH)])

    return body(x, leaves, rank, offsets)



def _expert_body(off_ref, cbm_ref, w1_ref, w2_ref, b1_ref, xs_ref, os_ref):
    k = pl.program_id(0)
    L = cbm_ref[k]
    base = k * CH
    y = jax.lax.dot_general(
        xs_ref[...], w1_ref[...], (((1,), (0,)), ((), ())),
        preferred_element_type=jnp.float32)
    y = y + b1_ref[0]
    a = jax.nn.gelu(y)
    g = base + jax.lax.broadcasted_iota(jnp.int32, (CH, 1), 0)
    masks = []
    for j in range(LPB):
        mj = (g >= off_ref[LPB * L + j]) & (g < off_ref[LPB * L + j + 1])
        masks.append(jnp.broadcast_to(mj, (CH, H)).astype(jnp.float32))
    mask = jnp.concatenate(masks, axis=1)
    am = a * mask
    os_ref[...] = jax.lax.dot_general(
        am, w2_ref[...], (((1,), (0,)), ((), ())),
        preferred_element_type=jnp.float32)


def _experts(off_flat, cbm_flat, w1t, w2r, b1r, xs):
    grid_spec = pltpu.PrefetchScalarGridSpec(
        num_scalar_prefetch=2,
        grid=(NCHUNKS,),
        in_specs=[
            pl.BlockSpec((D, LPB * H), lambda k, off, cbm: (0, cbm[k])),
            pl.BlockSpec((LPB * H, OUT), lambda k, off, cbm: (cbm[k], 0)),
            pl.BlockSpec((1, 1, LPB * H), lambda k, off, cbm: (cbm[k], 0, 0)),
            pl.BlockSpec((CH, D), lambda k, off, cbm: (k, 0)),
        ],
        out_specs=pl.BlockSpec((CH, OUT), lambda k, off, cbm: (k, 0)),
    )
    return pl.pallas_call(
        _expert_body,
        grid_spec=grid_spec,
        out_shape=jax.ShapeDtypeStruct((XPAD, OUT), jnp.float32),
    )(off_flat, cbm_flat, w1t, w2r, b1r, xs)



def _undispatch(os_full, pos):
    mesh = plsc.VectorSubcoreMesh(core_axis_name="c", subcore_axis_name="s")

    @functools.partial(
        pl.kernel,
        mesh=mesh,
        out_type=jax.ShapeDtypeStruct((BATCH, OUT), jnp.float32),
        scratch_types=[
            pltpu.VMEM((SC_CH, OUT), jnp.float32),
            pltpu.VMEM((SC_CH,), jnp.int32),
            pltpu.SemaphoreType.DMA,
        ],
    )
    def body(os_hbm, pos_hbm, out_hbm, rows_v, pos_v, sem):
        wid = jax.lax.axis_index("s") * SC_NC + jax.lax.axis_index("c")
        for i in range(SC_NCH):
            base = wid * TPW + i * SC_CH
            pltpu.sync_copy(pos_hbm.at[pl.ds(base, SC_CH)], pos_v)
            pltpu.async_copy(os_hbm.at[pos_v], rows_v, sem).wait()
            pltpu.sync_copy(rows_v, out_hbm.at[pl.ds(base, SC_CH)])

    return body(os_full, pos)



def kernel(x, node_weights, node_biases, w1s, b1s, w2s):
    leaves2d, rank2d, off2d, cbm2d = _route(x, node_weights, node_biases)
    leaves = leaves2d[:, 0]
    rank = rank2d[:, 0]
    off_flat = off2d[0]
    xs, pos = _dispatch(x, leaves, rank, off_flat[:N_LEAVES])
    w1t = w1s.transpose(1, 0, 2).reshape(D, N_LEAVES * H)
    w2r = w2s.reshape(N_LEAVES * H, OUT)
    b1r = b1s.reshape(NLB, 1, LPB * H)
    os_full = _experts(off_flat, cbm2d[:, 0], w1t, w2r, b1r, xs)
    return _undispatch(os_full, pos)

# --- scband reference (transcript-rebuilt; emitter-appended) ---
"""Pipeline reference for scband-fffwrapper-78692390797431 (READ-ONLY COPY).

The authoritative reference and input builder live on the scoring server;
editing this copy changes nothing except your own understanding.
"""

import jax, jax.numpy as jnp
import numpy as np

DEPTH = 11
INPUT_WIDTH = 1024
LEAF_WIDTH = 16
OUTPUT_WIDTH = 1024
N_NODES = 2 ** DEPTH - 1      # 2047 internal routing nodes
N_LEAVES = 2 ** DEPTH         # 2048 leaf experts
BATCH = 8192


def setup_inputs(seed: int = 0) -> dict:
    key = jax.random.key(seed)
    ks = jax.random.split(key, 6)
    x = jax.random.normal(ks[0], (BATCH, INPUT_WIDTH), dtype=jnp.float32)
    node_weights = jax.random.normal(ks[1], (N_NODES, INPUT_WIDTH), dtype=jnp.float32) * (INPUT_WIDTH ** -0.5)
    node_biases = jax.random.normal(ks[2], (N_NODES, 1), dtype=jnp.float32) * 0.01
    w1s = jax.random.normal(ks[3], (N_LEAVES, INPUT_WIDTH, LEAF_WIDTH), dtype=jnp.float32) * (INPUT_WIDTH ** -0.5)
    b1s = jnp.zeros((N_LEAVES, LEAF_WIDTH), dtype=jnp.float32)
    w2s = jax.random.normal(ks[4], (N_LEAVES, LEAF_WIDTH, OUTPUT_WIDTH), dtype=jnp.float32) * (LEAF_WIDTH ** -0.5)
    return {"x": x, "node_weights": node_weights, "node_biases": node_biases,
            "w1s": w1s, "b1s": b1s, "w2s": w2s}


def reference(x, node_weights, node_biases, w1s, b1s, w2s):
    # x: [B, D]; flatten already done (view(len(x), -1) in torch).
    batch = x.shape[0]
    current_nodes = jnp.zeros((batch,), dtype=jnp.int32)
    # Hard tree routing: at each depth, gather the node hyperplane and branch on sign.
    for i in range(DEPTH):
        plane_coeffs = jnp.take(node_weights, current_nodes, axis=0)          # [B, D] gather
        plane_offsets = jnp.take(node_biases, current_nodes, axis=0)[:, 0]    # [B]
        plane_score = jnp.sum(x * plane_coeffs, axis=-1) + plane_offsets      # bmm(x,coeffs)+b
        plane_choices = (plane_score >= 0).astype(jnp.int32)                  # [B]
        platform = 2 ** i - 1
        next_platform = 2 ** (i + 1) - 1
        current_nodes = (current_nodes - platform) * 2 + plane_choices + next_platform
    leaves = current_nodes - (2 ** DEPTH - 1)                                 # [B] in [0, N_LEAVES)
    # Per-token leaf expert MLP (vectorized equivalent of the per-sample python loop;
    # _fastinference entries are all None at init so every sample takes the compute path).
    w1 = jnp.take(w1s, leaves, axis=0)   # [B, D, H] big gather -> memory bound
    b1 = jnp.take(b1s, leaves, axis=0)   # [B, H]
    w2 = jnp.take(w2s, leaves, axis=0)   # [B, H, O]
    logits = jnp.einsum('bd,bdh->bh', x, w1) + b1
    activations = jax.nn.gelu(logits)
    new_logits = jnp.einsum('bh,bho->bo', activations, w2)                    # [B, O]
    return new_logits

if __name__ == "__main__":
    import jax
    _d = setup_inputs()
    print(jax.jit(kernel)(*tuple(_d.values())))

</pallas_src>

<mosaic_0001>
#map = affine_map<(d0, d1) -> (0, 0)>
#map1 = affine_map<(d0, d1) -> (0)>
module attributes {stable_mosaic.version = 14 : i64} {
  func.func @body(%arg0: i32, %arg1: i32, %arg2: memref<8192x1024xf32, #tpu.memory_space<hbm>>, %arg3: memref<8192xi32, #tpu.memory_space<hbm>>, %arg4: memref<8192xi32, #tpu.memory_space<hbm>>, %arg5: memref<2048xi32, #tpu.memory_space<hbm>>, %arg6: memref<16448x1024xf32, #tpu.memory_space<hbm>>, %arg7: memref<8192xi32, #tpu.memory_space<hbm>>, %arg8: memref<2048xi32, #tpu.memory_space<vmem>>, %arg9: memref<32x1024xf32, #tpu.memory_space<vmem>>, %arg10: memref<8x32xi32, #tpu.memory_space<vmem>>, %arg11: memref<32xi32, #tpu.memory_space<vmem>>, %arg12: memref<32xi32, #tpu.memory_space<vmem>>, %arg13: memref<!tpu.dma_semaphore, #tpu.memory_space<semaphore_mem>>) attributes {dimension_semantics = [#tpu.dimension_semantics<core_parallel>, #tpu.dimension_semantics<subcore_parallel>], iteration_bounds = array<i64: 2, 16>, scalar_prefetch = 0 : i64, scratch_operands = 6 : i64, tpu.core_type = #tpu.core_type<sc_vector_subcore>, window_params = [{transform_indices = #map}, {transform_indices = #map1}, {transform_indices = #map1}, {transform_indices = #map1}, {transform_indices = #map}, {transform_indices = #map1}]} {
    %mul3A = arith.constant 2 : i32
    %mul3A_0 = arith.muli %arg1, %mul3A : i32
    %add3A = arith.addi %mul3A_0, %arg0 : i32
    "tpu.region"() ({
      %run_scoped3A_307 = tpu.sem_alloc : memref<!tpu.dma_semaphore, #tpu.memory_space<semaphore_mem>>
      tpu.enqueue_dma source(%arg5 : memref<2048xi32, #tpu.memory_space<hbm>>) target(%arg8 : memref<2048xi32, #tpu.memory_space<vmem>>) target_semaphore(%run_scoped3A_307 : memref<!tpu.dma_semaphore, #tpu.memory_space<semaphore_mem>>)
      tpu.wait_dma2 semaphore(%run_scoped3A_307 : memref<!tpu.dma_semaphore, #tpu.memory_space<semaphore_mem>>) src(%arg5 : memref<2048xi32, #tpu.memory_space<hbm>>) dst(%arg8 : memref<2048xi32, #tpu.memory_space<vmem>>)
      tpu.yield
    }) : () -> ()
    %mul3A_1 = arith.constant 256 : i32
    %mul3A_2 = arith.muli %add3A, %mul3A_1 : i32
    %add3A_3 = arith.constant 0 : i32
    %add3A_4 = arith.addi %mul3A_2, %add3A_3 : i32
    "tpu.region"() ({
      %run_scoped3A_307 = tpu.sem_alloc : memref<!tpu.dma_semaphore, #tpu.memory_space<semaphore_mem>>
      %dma_start3A_308 = tpu.memref_slice %arg3[%add3A_4] : memref<8192xi32, #tpu.memory_space<hbm>> -> memref<32xi32, #tpu.memory_space<hbm>>
      %dma_start3A_309 = tpu.memref_slice %arg3[%add3A_4] : memref<8192xi32, #tpu.memory_space<hbm>> -> memref<32xi32, #tpu.memory_space<hbm>>
      tpu.enqueue_dma source(%dma_start3A_309 : memref<32xi32, #tpu.memory_space<hbm>>) target(%arg11 : memref<32xi32, #tpu.memory_space<vmem>>) target_semaphore(%run_scoped3A_307 : memref<!tpu.dma_semaphore, #tpu.memory_space<semaphore_mem>>)
      %dma_wait3A_310 = tpu.memref_slice %arg3[%add3A_4] : memref<8192xi32, #tpu.memory_space<hbm>> -> memref<32xi32, #tpu.memory_space<hbm>>
      %dma_wait3A_311 = tpu.memref_slice %arg3[%add3A_4] : memref<8192xi32, #tpu.memory_space<hbm>> -> memref<32xi32, #tpu.memory_space<hbm>>
      tpu.wait_dma2 semaphore(%run_scoped3A_307 : memref<!tpu.dma_semaphore, #tpu.memory_space<semaphore_mem>>) src(%dma_wait3A_311 : memref<32xi32, #tpu.memory_space<hbm>>) dst(%arg11 : memref<32xi32, #tpu.memory_space<vmem>>)
      tpu.yield
    }) : () -> ()
    "tpu.region"() ({
      %run_scoped3A_307 = tpu.sem_alloc : memref<!tpu.dma_semaphore, #tpu.memory_space<semaphore_mem>>
      %dma_start3A_308 = tpu.memref_slice %arg4[%add3A_4] : memref<8192xi32, #tpu.memory_space<hbm>> -> memref<32xi32, #tpu.memory_space<hbm>>
      %dma_start3A_309 = tpu.memref_slice %arg4[%add3A_4] : memref<8192xi32, #tpu.memory_space<hbm>> -> memref<32xi32, #tpu.memory_space<hbm>>
      tpu.enqueue_dma source(%dma_start3A_309 : memref<32xi32, #tpu.memory_space<hbm>>) target(%arg12 : memref<32xi32, #tpu.memory_space<vmem>>) target_semaphore(%run_scoped3A_307 : memref<!tpu.dma_semaphore, #tpu.memory_space<semaphore_mem>>)
      %dma_wait3A_310 = tpu.memref_slice %arg4[%add3A_4] : memref<8192xi32, #tpu.memory_space<hbm>> -> memref<32xi32, #tpu.memory_space<hbm>>
      %dma_wait3A_311 = tpu.memref_slice %arg4[%add3A_4] : memref<8192xi32, #tpu.memory_space<hbm>> -> memref<32xi32, #tpu.memory_space<hbm>>
      tpu.wait_dma2 semaphore(%run_scoped3A_307 : memref<!tpu.dma_semaphore, #tpu.memory_space<semaphore_mem>>) src(%dma_wait3A_311 : memref<32xi32, #tpu.memory_space<hbm>>) dst(%arg12 : memref<32xi32, #tpu.memory_space<vmem>>)
      tpu.yield
    }) : () -> ()
    %get3A = arith.constant 0 : index
    %get3A_5 = tpu.vector_load %arg11[%get3A] {strides = array<i32>} : memref<32xi32, #tpu.memory_space<vmem>>, vector<16xi32>,
    %gather3A = tpu.vector_load_idx %arg8[%get3A_5] : memref<2048xi32, #tpu.memory_space<vmem>>[vector<16xi32>], vector<16xi32>,
    %get3A_6 = arith.constant 0 : index
    %get3A_7 = tpu.vector_load %arg12[%get3A_6] {strides = array<i32>} : memref<32xi32, #tpu.memory_space<vmem>>, vector<16xi32>,
    %add3A_8 = arith.addi %gather3A, %get3A_7 : vector<16xi32>
    %swap3A = arith.constant 0 : i32
    %swap3A_9 = arith.index_cast %swap3A : i32 to index
    %swap3A_10 = arith.constant 0 : index
    %swap3A_11 = tpu.vector_load %arg10[%swap3A_9, %swap3A_10] {strides = array<i32>} : memref<8x32xi32, #tpu.memory_space<vmem>>, vector<16xi32>,
    tpu.vector_store %arg10[%swap3A_9, %swap3A_10], %add3A_8 {strides = array<i32>} : memref<8x32xi32, #tpu.memory_space<vmem>>, vector<16xi32>,
    %get3A_12 = arith.constant 16 : index
    %get3A_13 = tpu.vector_load %arg11[%get3A_12] {strides = array<i32>} : memref<32xi32, #tpu.memory_space<vmem>>, vector<16xi32>,
    %gather3A_14 = tpu.vector_load_idx %arg8[%get3A_13] : memref<2048xi32, #tpu.memory_space<vmem>>[vector<16xi32>], vector<16xi32>,
    %get3A_15 = arith.constant 16 : index
    %get3A_16 = tpu.vector_load %arg12[%get3A_15] {strides = array<i32>} : memref<32xi32, #tpu.memory_space<vmem>>, vector<16xi32>,
    %add3A_17 = arith.addi %gather3A_14, %get3A_16 : vector<16xi32>
    %swap3A_18 = arith.constant 0 : i32
    %swap3A_19 = arith.index_cast %swap3A_18 : i32 to index
    %swap3A_20 = arith.constant 16 : index
    %swap3A_21 = tpu.vector_load %arg10[%swap3A_19, %swap3A_20] {strides = array<i32>} : memref<8x32xi32, #tpu.memory_space<vmem>>, vector<16xi32>,
    tpu.vector_store %arg10[%swap3A_19, %swap3A_20], %add3A_17 {strides = array<i32>} : memref<8x32xi32, #tpu.memory_space<vmem>>, vector<16xi32>,
    "tpu.region"() ({
      %run_scoped3A_307 = tpu.sem_alloc : memref<!tpu.dma_semaphore, #tpu.memory_space<semaphore_mem>>
      %dma_start3A_308 = arith.constant 0 : i32
      %dma_start3A_309 = tpu.memref_slice %arg2[%add3A_4, %dma_start3A_308] : memref<8192x1024xf32, #tpu.memory_space<hbm>> -> memref<32x1024xf32, #tpu.memory_space<hbm>>
      %dma_start3A_310 = arith.constant 0 : i32
      %dma_start3A_311 = tpu.memref_slice %arg2[%add3A_4, %dma_start3A_310] : memref<8192x1024xf32, #tpu.memory_space<hbm>> -> memref<32x1024xf32, #tpu.memory_space<hbm>>
      tpu.enqueue_dma source(%dma_start3A_311 : memref<32x1024xf32, #tpu.memory_space<hbm>>) target(%arg9 : memref<32x1024xf32, #tpu.memory_space<vmem>>) target_semaphore(%run_scoped3A_307 : memref<!tpu.dma_semaphore, #tpu.memory_space<semaphore_mem>>)
      %dma_wait3A_312 = arith.constant 0 : i32
      %dma_wait3A_313 = tpu.memref_slice %arg2[%add3A_4, %dma_wait3A_312] : memref<8192x1024xf32, #tpu.memory_space<hbm>> -> memref<32x1024xf32, #tpu.memory_space<hbm>>
      %dma_wait3A_314 = arith.constant 0 : i32
      %dma_wait3A_315 = tpu.memref_slice %arg2[%add3A_4, %dma_wait3A_314] : memref<8192x1024xf32, #tpu.memory_space<hbm>> -> memref<32x1024xf32, #tpu.memory_space<hbm>>
      tpu.wait_dma2 semaphore(%run_scoped3A_307 : memref<!tpu.dma_semaphore, #tpu.memory_space<semaphore_mem>>) src(%dma_wait3A_315 : memref<32x1024xf32, #tpu.memory_space<hbm>>) dst(%arg9 : memref<32x1024xf32, #tpu.memory_space<vmem>>)
      tpu.yield
    }) : () -> ()
    %dma_start3A = arith.constant 0 : i32
    %dma_start3A_22 = arith.constant 0 : i32
    %dma_start3A_23 = tpu.memref_slice %arg10[%dma_start3A, %dma_start3A_22] : memref<8x32xi32, #tpu.memory_space<vmem>> -> memref<1x32xi32, #tpu.memory_space<vmem>>
    %dma_start3A_24 = tpu.memref_squeeze %dma_start3A_23 : memref<1x32xi32, #tpu.memory_space<vmem>> -> memref<32xi32, #tpu.memory_space<vmem>>
    %dma_start3A_25 = arith.constant 0 : i32
    %dma_start3A_26 = arith.constant 0 : i32
    %dma_start3A_27 = tpu.memref_slice %arg6[%dma_start3A_25, %dma_start3A_26] : memref<16448x1024xf32, #tpu.memory_space<hbm>> -> memref<16448x1024xf32, #tpu.memory_space<hbm>>
    tpu.enqueue_indirect_dma source(%arg9 : memref<32x1024xf32, #tpu.memory_space<vmem>>) target(%dma_start3A_27 : memref<16448x1024xf32, #tpu.memory_space<hbm>>) offsets(%dma_start3A_24 : memref<32xi32, #tpu.memory_space<vmem>>) semaphore(%arg13 : memref<!tpu.dma_semaphore, #tpu.memory_space<semaphore_mem>>)
    %dma_wait3A = arith.constant 0 : i32
    %dma_wait3A_28 = arith.constant 0 : i32
    %dma_wait3A_29 = tpu.memref_slice %arg10[%dma_wait3A, %dma_wait3A_28] : memref<8x32xi32, #tpu.memory_space<vmem>> -> memref<1x32xi32, #tpu.memory_space<vmem>>
    %dma_wait3A_30 = tpu.memref_squeeze %dma_wait3A_29 : memref<1x32xi32, #tpu.memory_space<vmem>> -> memref<32xi32, #tpu.memory_space<vmem>>
    %dma_wait3A_31 = arith.constant 0 : i32
    %dma_wait3A_32 = arith.constant 0 : i32
    %dma_wait3A_33 = tpu.memref_slice %arg6[%dma_wait3A_31, %dma_wait3A_32] : memref<16448x1024xf32, #tpu.memory_space<hbm>> -> memref<16448x1024xf32, #tpu.memory_space<hbm>>
    tpu.wait_indirect_dma semaphore(%arg13 : memref<!tpu.dma_semaphore, #tpu.memory_space<semaphore_mem>>) src(%arg9 : memref<32x1024xf32, #tpu.memory_space<vmem>>) dst(%dma_wait3A_33 : memref<16448x1024xf32, #tpu.memory_space<hbm>>)
    %run_scoped3A = arith.constant 0 : i32
    "tpu.region"() ({
      %run_scoped3A_307 = tpu.sem_alloc : memref<!tpu.dma_semaphore, #tpu.memory_space<semaphore_mem>>
      %dma_start3A_308 = arith.constant 0 : i32
      %dma_start3A_309 = tpu.memref_slice %arg10[%run_scoped3A, %dma_start3A_308] : memref<8x32xi32, #tpu.memory_space<vmem>> -> memref<1x32xi32, #tpu.memory_space<vmem>>
      %dma_start3A_310 = tpu.memref_squeeze %dma_start3A_309 : memref<1x32xi32, #tpu.memory_space<vmem>> -> memref<32xi32, #tpu.memory_space<vmem>>
      %dma_start3A_311 = tpu.memref_slice %arg7[%add3A_4] : memref<8192xi32, #tpu.memory_space<hbm>> -> memref<32xi32, #tpu.memory_space<hbm>>
      %dma_start3A_312 = tpu.memref_slice %arg7[%add3A_4] : memref<8192xi32, #tpu.memory_space<hbm>> -> memref<32xi32, #tpu.memory_space<hbm>>
      %dma_start3A_313 = arith.constant 0 : i32
      %dma_start3A_314 = tpu.memref_slice %arg10[%run_scoped3A, %dma_start3A_313] : memref<8x32xi32, #tpu.memory_space<vmem>> -> memref<1x32xi32, #tpu.memory_space<vmem>>
      %dma_start3A_315 = tpu.memref_squeeze %dma_start3A_314 : memref<1x32xi32, #tpu.memory_space<vmem>> -> memref<32xi32, #tpu.memory_space<vmem>>
      tpu.enqueue_dma source(%dma_start3A_315 : memref<32xi32, #tpu.memory_space<vmem>>) target(%dma_start3A_312 : memref<32xi32, #tpu.memory_space<hbm>>) target_semaphore(%run_scoped3A_307 : memref<!tpu.dma_semaphore, #tpu.memory_space<semaphore_mem>>)
      %dma_wait3A_316 = arith.constant 0 : i32
      %dma_wait3A_317 = tpu.memref_slice %arg10[%run_scoped3A, %dma_wait3A_316] : memref<8x32xi32, #tpu.memory_space<vmem>> -> memref<1x32xi32, #tpu.memory_space<vmem>>
      %dma_wait3A_318 = tpu.memref_squeeze %dma_wait3A_317 : memref<1x32xi32, #tpu.memory_space<vmem>> -> memref<32xi32, #tpu.memory_space<vmem>>
      %dma_wait3A_319 = tpu.memref_slice %arg7[%add3A_4] : memref<8192xi32, #tpu.memory_space<hbm>> -> memref<32xi32, #tpu.memory_space<hbm>>
      %dma_wait3A_320 = tpu.memref_slice %arg7[%add3A_4] : memref<8192xi32, #tpu.memory_space<hbm>> -> memref<32xi32, #tpu.memory_space<hbm>>
      %dma_wait3A_321 = arith.constant 0 : i32
      %dma_wait3A_322 = tpu.memref_slice %arg10[%run_scoped3A, %dma_wait3A_321] : memref<8x32xi32, #tpu.memory_space<vmem>> -> memref<1x32xi32, #tpu.memory_space<vmem>>
      %dma_wait3A_323 = tpu.memref_squeeze %dma_wait3A_322 : memref<1x32xi32, #tpu.memory_space<vmem>> -> memref<32xi32, #tpu.memory_space<vmem>>
      tpu.wait_dma2 semaphore(%run_scoped3A_307 : memref<!tpu.dma_semaphore, #tpu.memory_space<semaphore_mem>>) src(%dma_wait3A_323 : memref<32xi32, #tpu.memory_space<vmem>>) dst(%dma_wait3A_320 : memref<32xi32, #tpu.memory_space<hbm>>)
      tpu.yield
    }) : () -> ()
    %mul3A_34 = arith.constant 256 : i32
    %mul3A_35 = arith.muli %add3A, %mul3A_34 : i32
    %add3A_36 = arith.constant 32 : i32
    %add3A_37 = arith.addi %mul3A_35, %add3A_36 : i32
    "tpu.region"() ({
      %run_scoped3A_307 = tpu.sem_alloc : memref<!tpu.dma_semaphore, #tpu.memory_space<semaphore_mem>>
      %dma_start3A_308 = tpu.memref_slice %arg3[%add3A_37] : memref<8192xi32, #tpu.memory_space<hbm>> -> memref<32xi32, #tpu.memory_space<hbm>>
      %dma_start3A_309 = tpu.memref_slice %arg3[%add3A_37] : memref<8192xi32, #tpu.memory_space<hbm>> -> memref<32xi32, #tpu.memory_space<hbm>>
      tpu.enqueue_dma source(%dma_start3A_309 : memref<32xi32, #tpu.memory_space<hbm>>) target(%arg11 : memref<32xi32, #tpu.memory_space<vmem>>) target_semaphore(%run_scoped3A_307 : memref<!tpu.dma_semaphore, #tpu.memory_space<semaphore_mem>>)
      %dma_wait3A_310 = tpu.memref_slice %arg3[%add3A_37] : memref<8192xi32, #tpu.memory_space<hbm>> -> memref<32xi32, #tpu.memory_space<hbm>>
      %dma_wait3A_311 = tpu.memref_slice %arg3[%add3A_37] : memref<8192xi32, #tpu.memory_space<hbm>> -> memref<32xi32, #tpu.memory_space<hbm>>
      tpu.wait_dma2 semaphore(%run_scoped3A_307 : memref<!tpu.dma_semaphore, #tpu.memory_space<semaphore_mem>>) src(%dma_wait3A_311 : memref<32xi32, #tpu.memory_space<hbm>>) dst(%arg11 : memref<32xi32, #tpu.memory_space<vmem>>)
      tpu.yield
    }) : () -> ()
    "tpu.region"() ({
      %run_scoped3A_307 = tpu.sem_alloc : memref<!tpu.dma_semaphore, #tpu.memory_space<semaphore_mem>>
      %dma_start3A_308 = tpu.memref_slice %arg4[%add3A_37] : memref<8192xi32, #tpu.memory_space<hbm>> -> memref<32xi32, #tpu.memory_space<hbm>>
      %dma_start3A_309 = tpu.memref_slice %arg4[%add3A_37] : memref<8192xi32, #tpu.memory_space<hbm>> -> memref<32xi32, #tpu.memory_space<hbm>>
      tpu.enqueue_dma source(%dma_start3A_309 : memref<32xi32, #tpu.memory_space<hbm>>) target(%arg12 : memref<32xi32, #tpu.memory_space<vmem>>) target_semaphore(%run_scoped3A_307 : memref<!tpu.dma_semaphore, #tpu.memory_space<semaphore_mem>>)
      %dma_wait3A_310 = tpu.memref_slice %arg4[%add3A_37] : memref<8192xi32, #tpu.memory_space<hbm>> -> memref<32xi32, #tpu.memory_space<hbm>>
      %dma_wait3A_311 = tpu.memref_slice %arg4[%add3A_37] : memref<8192xi32, #tpu.memory_space<hbm>> -> memref<32xi32, #tpu.memory_space<hbm>>
      tpu.wait_dma2 semaphore(%run_scoped3A_307 : memref<!tpu.dma_semaphore, #tpu.memory_space<semaphore_mem>>) src(%dma_wait3A_311 : memref<32xi32, #tpu.memory_space<hbm>>) dst(%arg12 : memref<32xi32, #tpu.memory_space<vmem>>)
      tpu.yield
    }) : () -> ()
    %get3A_38 = arith.constant 0 : index
    %get3A_39 = tpu.vector_load %arg11[%get3A_38] {strides = array<i32>} : memref<32xi32, #tpu.memory_space<vmem>>, vector<16xi32>,
    %gather3A_40 = tpu.vector_load_idx %arg8[%get3A_39] : memref<2048xi32, #tpu.memory_space<vmem>>[vector<16xi32>], vector<16xi32>,
    %get3A_41 = arith.constant 0 : index
    %get3A_42 = tpu.vector_load %arg12[%get3A_41] {strides = array<i32>} : memref<32xi32, #tpu.memory_space<vmem>>, vector<16xi32>,
    %add3A_43 = arith.addi %gather3A_40, %get3A_42 : vector<16xi32>
    %swap3A_44 = arith.constant 1 : i32
    %swap3A_45 = arith.index_cast %swap3A_44 : i32 to index
    %swap3A_46 = arith.constant 0 : index
    %swap3A_47 = tpu.vector_load %arg10[%swap3A_45, %swap3A_46] {strides = array<i32>} : memref<8x32xi32, #tpu.memory_space<vmem>>, vector<16xi32>,
    tpu.vector_store %arg10[%swap3A_45, %swap3A_46], %add3A_43 {strides = array<i32>} : memref<8x32xi32, #tpu.memory_space<vmem>>, vector<16xi32>,
    %get3A_48 = arith.constant 16 : index
    %get3A_49 = tpu.vector_load %arg11[%get3A_48] {strides = array<i32>} : memref<32xi32, #tpu.memory_space<vmem>>, vector<16xi32>,
    %gather3A_50 = tpu.vector_load_idx %arg8[%get3A_49] : memref<2048xi32, #tpu.memory_space<vmem>>[vector<16xi32>], vector<16xi32>,
    %get3A_51 = arith.constant 16 : index
    %get3A_52 = tpu.vector_load %arg12[%get3A_51] {strides = array<i32>} : memref<32xi32, #tpu.memory_space<vmem>>, vector<16xi32>,
    %add3A_53 = arith.addi %gather3A_50, %get3A_52 : vector<16xi32>
    %swap3A_54 = arith.constant 1 : i32
    %swap3A_55 = arith.index_cast %swap3A_54 : i32 to index
    %swap3A_56 = arith.constant 16 : index
    %swap3A_57 = tpu.vector_load %arg10[%swap3A_55, %swap3A_56] {strides = array<i32>} : memref<8x32xi32, #tpu.memory_space<vmem>>, vector<16xi32>,
    tpu.vector_store %arg10[%swap3A_55, %swap3A_56], %add3A_53 {strides = array<i32>} : memref<8x32xi32, #tpu.memory_space<vmem>>, vector<16xi32>,
    "tpu.region"() ({
      %run_scoped3A_307 = tpu.sem_alloc : memref<!tpu.dma_semaphore, #tpu.memory_space<semaphore_mem>>
      %dma_start3A_308 = arith.constant 0 : i32
      %dma_start3A_309 = tpu.memref_slice %arg2[%add3A_37, %dma_start3A_308] : memref<8192x1024xf32, #tpu.memory_space<hbm>> -> memref<32x1024xf32, #tpu.memory_space<hbm>>
      %dma_start3A_310 = arith.constant 0 : i32
      %dma_start3A_311 = tpu.memref_slice %arg2[%add3A_37, %dma_start3A_310] : memref<8192x1024xf32, #tpu.memory_space<hbm>> -> memref<32x1024xf32, #tpu.memory_space<hbm>>
      tpu.enqueue_dma source(%dma_start3A_311 : memref<32x1024xf32, #tpu.memory_space<hbm>>) target(%arg9 : memref<32x1024xf32, #tpu.memory_space<vmem>>) target_semaphore(%run_scoped3A_307 : memref<!tpu.dma_semaphore, #tpu.memory_space<semaphore_mem>>)
      %dma_wait3A_312 = arith.constant 0 : i32
      %dma_wait3A_313 = tpu.memref_slice %arg2[%add3A_37, %dma_wait3A_312] : memref<8192x1024xf32, #tpu.memory_space<hbm>> -> memref<32x1024xf32, #tpu.memory_space<hbm>>
      %dma_wait3A_314 = arith.constant 0 : i32
      %dma_wait3A_315 = tpu.memref_slice %arg2[%add3A_37, %dma_wait3A_314] : memref<8192x1024xf32, #tpu.memory_space<hbm>> -> memref<32x1024xf32, #tpu.memory_space<hbm>>
      tpu.wait_dma2 semaphore(%run_scoped3A_307 : memref<!tpu.dma_semaphore, #tpu.memory_space<semaphore_mem>>) src(%dma_wait3A_315 : memref<32x1024xf32, #tpu.memory_space<hbm>>) dst(%arg9 : memref<32x1024xf32, #tpu.memory_space<vmem>>)
      tpu.yield
    }) : () -> ()
    %dma_start3A_58 = arith.constant 1 : i32
    %dma_start3A_59 = arith.constant 0 : i32
    %dma_start3A_60 = tpu.memref_slice %arg10[%dma_start3A_58, %dma_start3A_59] : memref<8x32xi32, #tpu.memory_space<vmem>> -> memref<1x32xi32, #tpu.memory_space<vmem>>
    %dma_start3A_61 = tpu.memref_squeeze %dma_start3A_60 : memref<1x32xi32, #tpu.memory_space<vmem>> -> memref<32xi32, #tpu.memory_space<vmem>>
    %dma_start3A_62 = arith.constant 0 : i32
    %dma_start3A_63 = arith.constant 0 : i32
    %dma_start3A_64 = tpu.memref_slice %arg6[%dma_start3A_62, %dma_start3A_63] : memref<16448x1024xf32, #tpu.memory_space<hbm>> -> memref<16448x1024xf32, #tpu.memory_space<hbm>>
    tpu.enqueue_indirect_dma source(%arg9 : memref<32x1024xf32, #tpu.memory_space<vmem>>) target(%dma_start3A_64 : memref<16448x1024xf32, #tpu.memory_space<hbm>>) offsets(%dma_start3A_61 : memref<32xi32, #tpu.memory_space<vmem>>) semaphore(%arg13 : memref<!tpu.dma_semaphore, #tpu.memory_space<semaphore_mem>>)
    %dma_wait3A_65 = arith.constant 1 : i32
    %dma_wait3A_66 = arith.constant 0 : i32
    %dma_wait3A_67 = tpu.memref_slice %arg10[%dma_wait3A_65, %dma_wait3A_66] : memref<8x32xi32, #tpu.memory_space<vmem>> -> memref<1x32xi32, #tpu.memory_space<vmem>>
    %dma_wait3A_68 = tpu.memref_squeeze %dma_wait3A_67 : memref<1x32xi32, #tpu.memory_space<vmem>> -> memref<32xi32, #tpu.memory_space<vmem>>
    %dma_wait3A_69 = arith.constant 0 : i32
    %dma_wait3A_70 = arith.constant 0 : i32
    %dma_wait3A_71 = tpu.memref_slice %arg6[%dma_wait3A_69, %dma_wait3A_70] : memref<16448x1024xf32, #tpu.memory_space<hbm>> -> memref<16448x1024xf32, #tpu.memory_space<hbm>>
    tpu.wait_indirect_dma semaphore(%arg13 : memref<!tpu.dma_semaphore, #tpu.memory_space<semaphore_mem>>) src(%arg9 : memref<32x1024xf32, #tpu.memory_space<vmem>>) dst(%dma_wait3A_71 : memref<16448x1024xf32, #tpu.memory_space<hbm>>)
    %run_scoped3A_72 = arith.constant 1 : i32
    "tpu.region"() ({
      %run_scoped3A_307 = tpu.sem_alloc : memref<!tpu.dma_semaphore, #tpu.memory_space<semaphore_mem>>
      %dma_start3A_308 = arith.constant 0 : i32
      %dma_start3A_309 = tpu.memref_slice %arg10[%run_scoped3A_72, %dma_start3A_308] : memref<8x32xi32, #tpu.memory_space<vmem>> -> memref<1x32xi32, #tpu.memory_space<vmem>>
      %dma_start3A_310 = tpu.memref_squeeze %dma_start3A_309 : memref<1x32xi32, #tpu.memory_space<vmem>> -> memref<32xi32, #tpu.memory_space<vmem>>
      %dma_start3A_311 = tpu.memref_slice %arg7[%add3A_37] : memref<8192xi32, #tpu.memory_space<hbm>> -> memref<32xi32, #tpu.memory_space<hbm>>
      %dma_start3A_312 = tpu.memref_slice %arg7[%add3A_37] : memref<8192xi32, #tpu.memory_space<hbm>> -> memref<32xi32, #tpu.memory_space<hbm>>
      %dma_start3A_313 = arith.constant 0 : i32
      %dma_start3A_314 = tpu.memref_slice %arg10[%run_scoped3A_72, %dma_start3A_313] : memref<8x32xi32, #tpu.memory_space<vmem>> -> memref<1x32xi32, #tpu.memory_space<vmem>>
      %dma_start3A_315 = tpu.memref_squeeze %dma_start3A_314 : memref<1x32xi32, #tpu.memory_space<vmem>> -> memref<32xi32, #tpu.memory_space<vmem>>
      tpu.enqueue_dma source(%dma_start3A_315 : memref<32xi32, #tpu.memory_space<vmem>>) target(%dma_start3A_312 : memref<32xi32, #tpu.memory_space<hbm>>) target_semaphore(%run_scoped3A_307 : memref<!tpu.dma_semaphore, #tpu.memory_space<semaphore_mem>>)
      %dma_wait3A_316 = arith.constant 0 : i32
      %dma_wait3A_317 = tpu.memref_slice %arg10[%run_scoped3A_72, %dma_wait3A_316] : memref<8x32xi32, #tpu.memory_space<vmem>> -> memref<1x32xi32, #tpu.memory_space<vmem>>
      %dma_wait3A_318 = tpu.memref_squeeze %dma_wait3A_317 : memref<1x32xi32, #tpu.memory_space<vmem>> -> memref<32xi32, #tpu.memory_space<vmem>>
      %dma_wait3A_319 = tpu.memref_slice %arg7[%add3A_37] : memref<8192xi32, #tpu.memory_space<hbm>> -> memref<32xi32, #tpu.memory_space<hbm>>
      %dma_wait3A_320 = tpu.memref_slice %arg7[%add3A_37] : memref<8192xi32, #tpu.memory_space<hbm>> -> memref<32xi32, #tpu.memory_space<hbm>>
      %dma_wait3A_321 = arith.constant 0 : i32
      %dma_wait3A_322 = tpu.memref_slice %arg10[%run_scoped3A_72, %dma_wait3A_321] : memref<8x32xi32, #tpu.memory_space<vmem>> -> memref<1x32xi32, #tpu.memory_space<vmem>>
      %dma_wait3A_323 = tpu.memref_squeeze %dma_wait3A_322 : memref<1x32xi32, #tpu.memory_space<vmem>> -> memref<32xi32, #tpu.memory_space<vmem>>
      tpu.wait_dma2 semaphore(%run_scoped3A_307 : memref<!tpu.dma_semaphore, #tpu.memory_space<semaphore_mem>>) src(%dma_wait3A_323 : memref<32xi32, #tpu.memory_space<vmem>>) dst(%dma_wait3A_320 : memref<32xi32, #tpu.memory_space<hbm>>)
      tpu.yield
    }) : () -> ()
    %mul3A_73 = arith.constant 256 : i32
    %mul3A_74 = arith.muli %add3A, %mul3A_73 : i32
    %add3A_75 = arith.constant 64 : i32
    %add3A_76 = arith.addi %mul3A_74, %add3A_75 : i32
    "tpu.region"() ({
      %run_scoped3A_307 = tpu.sem_alloc : memref<!tpu.dma_semaphore, #tpu.memory_space<semaphore_mem>>
      %dma_start3A_308 = tpu.memref_slice %arg3[%add3A_76] : memref<8192xi32, #tpu.memory_space<hbm>> -> memref<32xi32, #tpu.memory_space<hbm>>
      %dma_start3A_309 = tpu.memref_slice %arg3[%add3A_76] : memref<8192xi32, #tpu.memory_space<hbm>> -> memref<32xi32, #tpu.memory_space<hbm>>
      tpu.enqueue_dma source(%dma_start3A_309 : memref<32xi32, #tpu.memory_space<hbm>>) target(%arg11 : memref<32xi32, #tpu.memory_space<vmem>>) target_semaphore(%run_scoped3A_307 : memref<!tpu.dma_semaphore, #tpu.memory_space<semaphore_mem>>)
      %dma_wait3A_310 = tpu.memref_slice %arg3[%add3A_76] : memref<8192xi32, #tpu.memory_space<hbm>> -> memref<32xi32, #tpu.memory_space<hbm>>
      %dma_wait3A_311 = tpu.memref_slice %arg3[%add3A_76] : memref<8192xi32, #tpu.memory_space<hbm>> -> memref<32xi32, #tpu.memory_space<hbm>>
      tpu.wait_dma2 semaphore(%run_scoped3A_307 : memref<!tpu.dma_semaphore, #tpu.memory_space<semaphore_mem>>) src(%dma_wait3A_311 : memref<32xi32, #tpu.memory_space<hbm>>) dst(%arg11 : memref<32xi32, #tpu.memory_space<vmem>>)
      tpu.yield
    }) : () -> ()
    "tpu.region"() ({
      %run_scoped3A_307 = tpu.sem_alloc : memref<!tpu.dma_semaphore, #tpu.memory_space<semaphore_mem>>
      %dma_start3A_308 = tpu.memref_slice %arg4[%add3A_76] : memref<8192xi32, #tpu.memory_space<hbm>> -> memref<32xi32, #tpu.memory_space<hbm>>
      %dma_start3A_309 = tpu.memref_slice %arg4[%add3A_76] : memref<8192xi32, #tpu.memory_space<hbm>> -> memref<32xi32, #tpu.memory_space<hbm>>
      tpu.enqueue_dma source(%dma_start3A_309 : memref<32xi32, #tpu.memory_space<hbm>>) target(%arg12 : memref<32xi32, #tpu.memory_space<vmem>>) target_semaphore(%run_scoped3A_307 : memref<!tpu.dma_semaphore, #tpu.memory_space<semaphore_mem>>)
      %dma_wait3A_310 = tpu.memref_slice %arg4[%add3A_76] : memref<8192xi32, #tpu.memory_space<hbm>> -> memref<32xi32, #tpu.memory_space<hbm>>
      %dma_wait3A_311 = tpu.memref_slice %arg4[%add3A_76] : memref<8192xi32, #tpu.memory_space<hbm>> -> memref<32xi32, #tpu.memory_space<hbm>>
      tpu.wait_dma2 semaphore(%run_scoped3A_307 : memref<!tpu.dma_semaphore, #tpu.memory_space<semaphore_mem>>) src(%dma_wait3A_311 : memref<32xi32, #tpu.memory_space<hbm>>) dst(%arg12 : memref<32xi32, #tpu.memory_space<vmem>>)
      tpu.yield
    }) : () -> ()
    %get3A_77 = arith.constant 0 : index
    %get3A_78 = tpu.vector_load %arg11[%get3A_77] {strides = array<i32>} : memref<32xi32, #tpu.memory_space<vmem>>, vector<16xi32>,
    %gather3A_79 = tpu.vector_load_idx %arg8[%get3A_78] : memref<2048xi32, #tpu.memory_space<vmem>>[vector<16xi32>], vector<16xi32>,
    %get3A_80 = arith.constant 0 : index
    %get3A_81 = tpu.vector_load %arg12[%get3A_80] {strides = array<i32>} : memref<32xi32, #tpu.memory_space<vmem>>, vector<16xi32>,
    %add3A_82 = arith.addi %gather3A_79, %get3A_81 : vector<16xi32>
    %swap3A_83 = arith.constant 2 : i32
    %swap3A_84 = arith.index_cast %swap3A_83 : i32 to index
    %swap3A_85 = arith.constant 0 : index
    %swap3A_86 = tpu.vector_load %arg10[%swap3A_84, %swap3A_85] {strides = array<i32>} : memref<8x32xi32, #tpu.memory_space<vmem>>, vector<16xi32>,
    tpu.vector_store %arg10[%swap3A_84, %swap3A_85], %add3A_82 {strides = array<i32>} : memref<8x32xi32, #tpu.memory_space<vmem>>, vector<16xi32>,
    %get3A_87 = arith.constant 16 : index
    %get3A_88 = tpu.vector_load %arg11[%get3A_87] {strides = array<i32>} : memref<32xi32, #tpu.memory_space<vmem>>, vector<16xi32>,
    %gather3A_89 = tpu.vector_load_idx %arg8[%get3A_88] : memref<2048xi32, #tpu.memory_space<vmem>>[vector<16xi32>], vector<16xi32>,
    %get3A_90 = arith.constant 16 : index
    %get3A_91 = tpu.vector_load %arg12[%get3A_90] {strides = array<i32>} : memref<32xi32, #tpu.memory_space<vmem>>, vector<16xi32>,
    %add3A_92 = arith.addi %gather3A_89, %get3A_91 : vector<16xi32>
    %swap3A_93 = arith.constant 2 : i32
    %swap3A_94 = arith.index_cast %swap3A_93 : i32 to index
    %swap3A_95 = arith.constant 16 : index
    %swap3A_96 = tpu.vector_load %arg10[%swap3A_94, %swap3A_95] {strides = array<i32>} : memref<8x32xi32, #tpu.memory_space<vmem>>, vector<16xi32>,
    tpu.vector_store %arg10[%swap3A_94, %swap3A_95], %add3A_92 {strides = array<i32>} : memref<8x32xi32, #tpu.memory_space<vmem>>, vector<16xi32>,
    "tpu.region"() ({
      %run_scoped3A_307 = tpu.sem_alloc : memref<!tpu.dma_semaphore, #tpu.memory_space<semaphore_mem>>
      %dma_start3A_308 = arith.constant 0 : i32
      %dma_start3A_309 = tpu.memref_slice %arg2[%add3A_76, %dma_start3A_308] : memref<8192x1024xf32, #tpu.memory_space<hbm>> -> memref<32x1024xf32, #tpu.memory_space<hbm>>
      %dma_start3A_310 = arith.constant 0 : i32
      %dma_start3A_311 = tpu.memref_slice %arg2[%add3A_76, %dma_start3A_310] : memref<8192x1024xf32, #tpu.memory_space<hbm>> -> memref<32x1024xf32, #tpu.memory_space<hbm>>
      tpu.enqueue_dma source(%dma_start3A_311 : memref<32x1024xf32, #tpu.memory_space<hbm>>) target(%arg9 : memref<32x1024xf32, #tpu.memory_space<vmem>>) target_semaphore(%run_scoped3A_307 : memref<!tpu.dma_semaphore, #tpu.memory_space<semaphore_mem>>)
      %dma_wait3A_312 = arith.constant 0 : i32
      %dma_wait3A_313 = tpu.memref_slice %arg2[%add3A_76, %dma_wait3A_312] : memref<8192x1024xf32, #tpu.memory_space<hbm>> -> memref<32x1024xf32, #tpu.memory_space<hbm>>
      %dma_wait3A_314 = arith.constant 0 : i32
      %dma_wait3A_315 = tpu.memref_slice %arg2[%add3A_76, %dma_wait3A_314] : memref<8192x1024xf32, #tpu.memory_space<hbm>> -> memref<32x1024xf32, #tpu.memory_space<hbm>>
      tpu.wait_dma2 semaphore(%run_scoped3A_307 : memref<!tpu.dma_semaphore, #tpu.memory_space<semaphore_mem>>) src(%dma_wait3A_315 : memref<32x1024xf32, #tpu.memory_space<hbm>>) dst(%arg9 : memref<32x1024xf32, #tpu.memory_space<vmem>>)
      tpu.yield
    }) : () -> ()
    %dma_start3A_97 = arith.constant 2 : i32
    %dma_start3A_98 = arith.constant 0 : i32
    %dma_start3A_99 = tpu.memref_slice %arg10[%dma_start3A_97, %dma_start3A_98] : memref<8x32xi32, #tpu.memory_space<vmem>> -> memref<1x32xi32, #tpu.memory_space<vmem>>
    %dma_start3A_100 = tpu.memref_squeeze %dma_start3A_99 : memref<1x32xi32, #tpu.memory_space<vmem>> -> memref<32xi32, #tpu.memory_space<vmem>>
    %dma_start3A_101 = arith.constant 0 : i32
    %dma_start3A_102 = arith.constant 0 : i32
    %dma_start3A_103 = tpu.memref_slice %arg6[%dma_start3A_101, %dma_start3A_102] : memref<16448x1024xf32, #tpu.memory_space<hbm>> -> memref<16448x1024xf32, #tpu.memory_space<hbm>>
    tpu.enqueue_indirect_dma source(%arg9 : memref<32x1024xf32, #tpu.memory_space<vmem>>) target(%dma_start3A_103 : memref<16448x1024xf32, #tpu.memory_space<hbm>>) offsets(%dma_start3A_100 : memref<32xi32, #tpu.memory_space<vmem>>) semaphore(%arg13 : memref<!tpu.dma_semaphore, #tpu.memory_space<semaphore_mem>>)
    %dma_wait3A_104 = arith.constant 2 : i32
    %dma_wait3A_105 = arith.constant 0 : i32
    %dma_wait3A_106 = tpu.memref_slice %arg10[%dma_wait3A_104, %dma_wait3A_105] : memref<8x32xi32, #tpu.memory_space<vmem>> -> memref<1x32xi32, #tpu.memory_space<vmem>>
    %dma_wait3A_107 = tpu.memref_squeeze %dma_wait3A_106 : memref<1x32xi32, #tpu.memory_space<vmem>> -> memref<32xi32, #tpu.memory_space<vmem>>
    %dma_wait3A_108 = arith.constant 0 : i32
    %dma_wait3A_109 = arith.constant 0 : i32
    %dma_wait3A_110 = tpu.memref_slice %arg6[%dma_wait3A_108, %dma_wait3A_109] : memref<16448x1024xf32, #tpu.memory_space<hbm>> -> memref<16448x1024xf32, #tpu.memory_space<hbm>>
    tpu.wait_indirect_dma semaphore(%arg13 : memref<!tpu.dma_semaphore, #tpu.memory_space<semaphore_mem>>) src(%arg9 : memref<32x1024xf32, #tpu.memory_space<vmem>>) dst(%dma_wait3A_110 : memref<16448x1024xf32, #tpu.memory_space<hbm>>)
    %run_scoped3A_111 = arith.constant 2 : i32
    "tpu.region"() ({
      %run_scoped3A_307 = tpu.sem_alloc : memref<!tpu.dma_semaphore, #tpu.memory_space<semaphore_mem>>
      %dma_start3A_308 = arith.constant 0 : i32
      %dma_start3A_309 = tpu.memref_slice %arg10[%run_scoped3A_111, %dma_start3A_308] : memref<8x32xi32, #tpu.memory_space<vmem>> -> memref<1x32xi32, #tpu.memory_space<vmem>>
      %dma_start3A_310 = tpu.memref_squeeze %dma_start3A_309 : memref<1x32xi32, #tpu.memory_space<vmem>> -> memref<32xi32, #tpu.memory_space<vmem>>
      %dma_start3A_311 = tpu.memref_slice %arg7[%add3A_76] : memref<8192xi32, #tpu.memory_space<hbm>> -> memref<32xi32, #tpu.memory_space<hbm>>
      %dma_start3A_312 = tpu.memref_slice %arg7[%add3A_76] : memref<8192xi32, #tpu.memory_space<hbm>> -> memref<32xi32, #tpu.memory_space<hbm>>
      %dma_start3A_313 = arith.constant 0 : i32
      %dma_start3A_314 = tpu.memref_slice %arg10[%run_scoped3A_111, %dma_start3A_313] : memref<8x32xi32, #tpu.memory_space<vmem>> -> memref<1x32xi32, #tpu.memory_space<vmem>>
      %dma_start3A_315 = tpu.memref_squeeze %dma_start3A_314 : memref<1x32xi32, #tpu.memory_space<vmem>> -> memref<32xi32, #tpu.memory_space<vmem>>
      tpu.enqueue_dma source(%dma_start3A_315 : memref<32xi32, #tpu.memory_space<vmem>>) target(%dma_start3A_312 : memref<32xi32, #tpu.memory_space<hbm>>) target_semaphore(%run_scoped3A_307 : memref<!tpu.dma_semaphore, #tpu.memory_space<semaphore_mem>>)
      %dma_wait3A_316 = arith.constant 0 : i32
      %dma_wait3A_317 = tpu.memref_slice %arg10[%run_scoped3A_111, %dma_wait3A_316] : memref<8x32xi32, #tpu.memory_space<vmem>> -> memref<1x32xi32, #tpu.memory_space<vmem>>
      %dma_wait3A_318 = tpu.memref_squeeze %dma_wait3A_317 : memref<1x32xi32, #tpu.memory_space<vmem>> -> memref<32xi32, #tpu.memory_space<vmem>>
      %dma_wait3A_319 = tpu.memref_slice %arg7[%add3A_76] : memref<8192xi32, #tpu.memory_space<hbm>> -> memref<32xi32, #tpu.memory_space<hbm>>
      %dma_wait3A_320 = tpu.memref_slice %arg7[%add3A_76] : memref<8192xi32, #tpu.memory_space<hbm>> -> memref<32xi32, #tpu.memory_space<hbm>>
      %dma_wait3A_321 = arith.constant 0 : i32
      %dma_wait3A_322 = tpu.memref_slice %arg10[%run_scoped3A_111, %dma_wait3A_321] : memref<8x32xi32, #tpu.memory_space<vmem>> -> memref<1x32xi32, #tpu.memory_space<vmem>>
      %dma_wait3A_323 = tpu.memref_squeeze %dma_wait3A_322 : memref<1x32xi32, #tpu.memory_space<vmem>> -> memref<32xi32, #tpu.memory_space<vmem>>
      tpu.wait_dma2 semaphore(%run_scoped3A_307 : memref<!tpu.dma_semaphore, #tpu.memory_space<semaphore_mem>>) src(%dma_wait3A_323 : memref<32xi32, #tpu.memory_space<vmem>>) dst(%dma_wait3A_320 : memref<32xi32, #tpu.memory_space<hbm>>)
      tpu.yield
    }) : () -> ()
    %mul3A_112 = arith.constant 256 : i32
    %mul3A_113 = arith.muli %add3A, %mul3A_112 : i32
    %add3A_114 = arith.constant 96 : i32
    %add3A_115 = arith.addi %mul3A_113, %add3A_114 : i32
    "tpu.region"() ({
      %run_scoped3A_307 = tpu.sem_alloc : memref<!tpu.dma_semaphore, #tpu.memory_space<semaphore_mem>>
      %dma_start3A_308 = tpu.memref_slice %arg3[%add3A_115] : memref<8192xi32, #tpu.memory_space<hbm>> -> memref<32xi32, #tpu.memory_space<hbm>>
      %dma_start3A_309 = tpu.memref_slice %arg3[%add3A_115] : memref<8192xi32, #tpu.memory_space<hbm>> -> memref<32xi32, #tpu.memory_space<hbm>>
      tpu.enqueue_dma source(%dma_start3A_309 : memref<32xi32, #tpu.memory_space<hbm>>) target(%arg11 : memref<32xi32, #tpu.memory_space<vmem>>) target_semaphore(%run_scoped3A_307 : memref<!tpu.dma_semaphore, #tpu.memory_space<semaphore_mem>>)
      %dma_wait3A_310 = tpu.memref_slice %arg3[%add3A_115] : memref<8192xi32, #tpu.memory_space<hbm>> -> memref<32xi32, #tpu.memory_space<hbm>>
      %dma_wait3A_311 = tpu.memref_slice %arg3[%add3A_115] : memref<8192xi32, #tpu.memory_space<hbm>> -> memref<32xi32, #tpu.memory_space<hbm>>
      tpu.wait_dma2 semaphore(%run_scoped3A_307 : memref<!tpu.dma_semaphore, #tpu.memory_space<semaphore_mem>>) src(%dma_wait3A_311 : memref<32xi32, #tpu.memory_space<hbm>>) dst(%arg11 : memref<32xi32, #tpu.memory_space<vmem>>)
      tpu.yield
    }) : () -> ()
    "tpu.region"() ({
      %run_scoped3A_307 = tpu.sem_alloc : memref<!tpu.dma_semaphore, #tpu.memory_space<semaphore_mem>>
      %dma_start3A_308 = tpu.memref_slice %arg4[%add3A_115] : memref<8192xi32, #tpu.memory_space<hbm>> -> memref<32xi32, #tpu.memory_space<hbm>>
      %dma_start3A_309 = tpu.memref_slice %arg4[%add3A_115] : memref<8192xi32, #tpu.memory_space<hbm>> -> memref<32xi32, #tpu.memory_space<hbm>>
      tpu.enqueue_dma source(%dma_start3A_309 : memref<32xi32, #tpu.memory_space<hbm>>) target(%arg12 : memref<32xi32, #tpu.memory_space<vmem>>) target_semaphore(%run_scoped3A_307 : memref<!tpu.dma_semaphore, #tpu.memory_space<semaphore_mem>>)
      %dma_wait3A_310 = tpu.memref_slice %arg4[%add3A_115] : memref<8192xi32, #tpu.memory_space<hbm>> -> memref<32xi32, #tpu.memory_space<hbm>>
      %dma_wait3A_311 = tpu.memref_slice %arg4[%add3A_115] : memref<8192xi32, #tpu.memory_space<hbm>> -> memref<32xi32, #tpu.memory_space<hbm>>
      tpu.wait_dma2 semaphore(%run_scoped3A_307 : memref<!tpu.dma_semaphore, #tpu.memory_space<semaphore_mem>>) src(%dma_wait3A_311 : memref<32xi32, #tpu.memory_space<hbm>>) dst(%arg12 : memref<32xi32, #tpu.memory_space<vmem>>)
      tpu.yield
    }) : () -> ()
    %get3A_116 = arith.constant 0 : index
    %get3A_117 = tpu.vector_load %arg11[%get3A_116] {strides = array<i32>} : memref<32xi32, #tpu.memory_space<vmem>>, vector<16xi32>,
    %gather3A_118 = tpu.vector_load_idx %arg8[%get3A_117] : memref<2048xi32, #tpu.memory_space<vmem>>[vector<16xi32>], vector<16xi32>,
    %get3A_119 = arith.constant 0 : index
    %get3A_120 = tpu.vector_load %arg12[%get3A_119] {strides = array<i32>} : memref<32xi32, #tpu.memory_space<vmem>>, vector<16xi32>,
    %add3A_121 = arith.addi %gather3A_118, %get3A_120 : vector<16xi32>
    %swap3A_122 = arith.constant 3 : i32
    %swap3A_123 = arith.index_cast %swap3A_122 : i32 to index
    %swap3A_124 = arith.constant 0 : index
    %swap3A_125 = tpu.vector_load %arg10[%swap3A_123, %swap3A_124] {strides = array<i32>} : memref<8x32xi32, #tpu.memory_space<vmem>>, vector<16xi32>,
    tpu.vector_store %arg10[%swap3A_123, %swap3A_124], %add3A_121 {strides = array<i32>} : memref<8x32xi32, #tpu.memory_space<vmem>>, vector<16xi32>,
    %get3A_126 = arith.constant 16 : index
    %get3A_127 = tpu.vector_load %arg11[%get3A_126] {strides = array<i32>} : memref<32xi32, #tpu.memory_space<vmem>>, vector<16xi32>,
    %gather3A_128 = tpu.vector_load_idx %arg8[%get3A_127] : memref<2048xi32, #tpu.memory_space<vmem>>[vector<16xi32>], vector<16xi32>,
    %get3A_129 = arith.constant 16 : index
    %get3A_130 = tpu.vector_load %arg12[%get3A_129] {strides = array<i32>} : memref<32xi32, #tpu.memory_space<vmem>>, vector<16xi32>,
    %add3A_131 = arith.addi %gather3A_128, %get3A_130 : vector<16xi32>
    %swap3A_132 = arith.constant 3 : i32
    %swap3A_133 = arith.index_cast %swap3A_132 : i32 to index
    %swap3A_134 = arith.constant 16 : index
    %swap3A_135 = tpu.vector_load %arg10[%swap3A_133, %swap3A_134] {strides = array<i32>} : memref<8x32xi32, #tpu.memory_space<vmem>>, vector<16xi32>,
    tpu.vector_store %arg10[%swap3A_133, %swap3A_134], %add3A_131 {strides = array<i32>} : memref<8x32xi32, #tpu.memory_space<vmem>>, vector<16xi32>,
    "tpu.region"() ({
      %run_scoped3A_307 = tpu.sem_alloc : memref<!tpu.dma_semaphore, #tpu.memory_space<semaphore_mem>>
      %dma_start3A_308 = arith.constant 0 : i32
      %dma_start3A_309 = tpu.memref_slice %arg2[%add3A_115, %dma_start3A_308] : memref<8192x1024xf32, #tpu.memory_space<hbm>> -> memref<32x1024xf32, #tpu.memory_space<hbm>>
      %dma_start3A_310 = arith.constant 0 : i32
      %dma_start3A_311 = tpu.memref_slice %arg2[%add3A_115, %dma_start3A_310] : memref<8192x1024xf32, #tpu.memory_space<hbm>> -> memref<32x1024xf32, #tpu.memory_space<hbm>>
      tpu.enqueue_dma source(%dma_start3A_311 : memref<32x1024xf32, #tpu.memory_space<hbm>>) target(%arg9 : memref<32x1024xf32, #tpu.memory_space<vmem>>) target_semaphore(%run_scoped3A_307 : memref<!tpu.dma_semaphore, #tpu.memory_space<semaphore_mem>>)
      %dma_wait3A_312 = arith.constant 0 : i32
      %dma_wait3A_313 = tpu.memref_slice %arg2[%add3A_115, %dma_wait3A_312] : memref<8192x1024xf32, #tpu.memory_space<hbm>> -> memref<32x1024xf32, #tpu.memory_space<hbm>>
      %dma_wait3A_314 = arith.constant 0 : i32
      %dma_wait3A_315 = tpu.memref_slice %arg2[%add3A_115, %dma_wait3A_314] : memref<8192x1024xf32, #tpu.memory_space<hbm>> -> memref<32x1024xf32, #tpu.memory_space<hbm>>
      tpu.wait_dma2 semaphore(%run_scoped3A_307 : memref<!tpu.dma_semaphore, #tpu.memory_space<semaphore_mem>>) src(%dma_wait3A_315 : memref<32x1024xf32, #tpu.memory_space<hbm>>) dst(%arg9 : memref<32x1024xf32, #tpu.memory_space<vmem>>)
      tpu.yield
    }) : () -> ()
    %dma_start3A_136 = arith.constant 3 : i32
    %dma_start3A_137 = arith.constant 0 : i32
    %dma_start3A_138 = tpu.memref_slice %arg10[%dma_start3A_136, %dma_start3A_137] : memref<8x32xi32, #tpu.memory_space<vmem>> -> memref<1x32xi32, #tpu.memory_space<vmem>>
    %dma_start3A_139 = tpu.memref_squeeze %dma_start3A_138 : memref<1x32xi32, #tpu.memory_space<vmem>> -> memref<32xi32, #tpu.memory_space<vmem>>
    %dma_start3A_140 = arith.constant 0 : i32
    %dma_start3A_141 = arith.constant 0 : i32
    %dma_start3A_142 = tpu.memref_slice %arg6[%dma_start3A_140, %dma_start3A_141] : memref<16448x1024xf32, #tpu.memory_space<hbm>> -> memref<16448x1024xf32, #tpu.memory_space<hbm>>
    tpu.enqueue_indirect_dma source(%arg9 : memref<32x1024xf32, #tpu.memory_space<vmem>>) target(%dma_start3A_142 : memref<16448x1024xf32, #tpu.memory_space<hbm>>) offsets(%dma_start3A_139 : memref<32xi32, #tpu.memory_space<vmem>>) semaphore(%arg13 : memref<!tpu.dma_semaphore, #tpu.memory_space<semaphore_mem>>)
    %dma_wait3A_143 = arith.constant 3 : i32
    %dma_wait3A_144 = arith.constant 0 : i32
    %dma_wait3A_145 = tpu.memref_slice %arg10[%dma_wait3A_143, %dma_wait3A_144] : memref<8x32xi32, #tpu.memory_space<vmem>> -> memref<1x32xi32, #tpu.memory_space<vmem>>
    %dma_wait3A_146 = tpu.memref_squeeze %dma_wait3A_145 : memref<1x32xi32, #tpu.memory_space<vmem>> -> memref<32xi32, #tpu.memory_space<vmem>>
    %dma_wait3A_147 = arith.constant 0 : i32
    %dma_wait3A_148 = arith.constant 0 : i32
    %dma_wait3A_149 = tpu.memref_slice %arg6[%dma_wait3A_147, %dma_wait3A_148] : memref<16448x1024xf32, #tpu.memory_space<hbm>> -> memref<16448x1024xf32, #tpu.memory_space<hbm>>
    tpu.wait_indirect_dma semaphore(%arg13 : memref<!tpu.dma_semaphore, #tpu.memory_space<semaphore_mem>>) src(%arg9 : memref<32x1024xf32, #tpu.memory_space<vmem>>) dst(%dma_wait3A_149 : memref<16448x1024xf32, #tpu.memory_space<hbm>>)
    %run_scoped3A_150 = arith.constant 3 : i32
    "tpu.region"() ({
      %run_scoped3A_307 = tpu.sem_alloc : memref<!tpu.dma_semaphore, #tpu.memory_space<semaphore_mem>>
      %dma_start3A_308 = arith.constant 0 : i32
      %dma_start3A_309 = tpu.memref_slice %arg10[%run_scoped3A_150, %dma_start3A_308] : memref<8x32xi32, #tpu.memory_space<vmem>> -> memref<1x32xi32, #tpu.memory_space<vmem>>
      %dma_start3A_310 = tpu.memref_squeeze %dma_start3A_309 : memref<1x32xi32, #tpu.memory_space<vmem>> -> memref<32xi32, #tpu.memory_space<vmem>>
      %dma_start3A_311 = tpu.memref_slice %arg7[%add3A_115] : memref<8192xi32, #tpu.memory_space<hbm>> -> memref<32xi32, #tpu.memory_space<hbm>>
      %dma_start3A_312 = tpu.memref_slice %arg7[%add3A_115] : memref<8192xi32, #tpu.memory_space<hbm>> -> memref<32xi32, #tpu.memory_space<hbm>>
      %dma_start3A_313 = arith.constant 0 : i32
      %dma_start3A_314 = tpu.memref_slice %arg10[%run_scoped3A_150, %dma_start3A_313] : memref<8x32xi32, #tpu.memory_space<vmem>> -> memref<1x32xi32, #tpu.memory_space<vmem>>
      %dma_start3A_315 = tpu.memref_squeeze %dma_start3A_314 : memref<1x32xi32, #tpu.memory_space<vmem>> -> memref<32xi32, #tpu.memory_space<vmem>>
      tpu.enqueue_dma source(%dma_start3A_315 : memref<32xi32, #tpu.memory_space<vmem>>) target(%dma_start3A_312 : memref<32xi32, #tpu.memory_space<hbm>>) target_semaphore(%run_scoped3A_307 : memref<!tpu.dma_semaphore, #tpu.memory_space<semaphore_mem>>)
      %dma_wait3A_316 = arith.constant 0 : i32
      %dma_wait3A_317 = tpu.memref_slice %arg10[%run_scoped3A_150, %dma_wait3A_316] : memref<8x32xi32, #tpu.memory_space<vmem>> -> memref<1x32xi32, #tpu.memory_space<vmem>>
      %dma_wait3A_318 = tpu.memref_squeeze %dma_wait3A_317 : memref<1x32xi32, #tpu.memory_space<vmem>> -> memref<32xi32, #tpu.memory_space<vmem>>
      %dma_wait3A_319 = tpu.memref_slice %arg7[%add3A_115] : memref<8192xi32, #tpu.memory_space<hbm>> -> memref<32xi32, #tpu.memory_space<hbm>>
      %dma_wait3A_320 = tpu.memref_slice %arg7[%add3A_115] : memref<8192xi32, #tpu.memory_space<hbm>> -> memref<32xi32, #tpu.memory_space<hbm>>
      %dma_wait3A_321 = arith.constant 0 : i32
      %dma_wait3A_322 = tpu.memref_slice %arg10[%run_scoped3A_150, %dma_wait3A_321] : memref<8x32xi32, #tpu.memory_space<vmem>> -> memref<1x32xi32, #tpu.memory_space<vmem>>
      %dma_wait3A_323 = tpu.memref_squeeze %dma_wait3A_322 : memref<1x32xi32, #tpu.memory_space<vmem>> -> memref<32xi32, #tpu.memory_space<vmem>>
      tpu.wait_dma2 semaphore(%run_scoped3A_307 : memref<!tpu.dma_semaphore, #tpu.memory_space<semaphore_mem>>) src(%dma_wait3A_323 : memref<32xi32, #tpu.memory_space<vmem>>) dst(%dma_wait3A_320 : memref<32xi32, #tpu.memory_space<hbm>>)
      tpu.yield
    }) : () -> ()
    %mul3A_151 = arith.constant 256 : i32
    %mul3A_152 = arith.muli %add3A, %mul3A_151 : i32
    %add3A_153 = arith.constant 128 : i32
    %add3A_154 = arith.addi %mul3A_152, %add3A_153 : i32
    "tpu.region"() ({
      %run_scoped3A_307 = tpu.sem_alloc : memref<!tpu.dma_semaphore, #tpu.memory_space<semaphore_mem>>
      %dma_start3A_308 = tpu.memref_slice %arg3[%add3A_154] : memref<8192xi32, #tpu.memory_space<hbm>> -> memref<32xi32, #tpu.memory_space<hbm>>
      %dma_start3A_309 = tpu.memref_slice %arg3[%add3A_154] : memref<8192xi32, #tpu.memory_space<hbm>> -> memref<32xi32, #tpu.memory_space<hbm>>
      tpu.enqueue_dma source(%dma_start3A_309 : memref<32xi32, #tpu.memory_space<hbm>>) target(%arg11 : memref<32xi32, #tpu.memory_space<vmem>>) target_semaphore(%run_scoped3A_307 : memref<!tpu.dma_semaphore, #tpu.memory_space<semaphore_mem>>)
      %dma_wait3A_310 = tpu.memref_slice %arg3[%add3A_154] : memref<8192xi32, #tpu.memory_space<hbm>> -> memref<32xi32, #tpu.memory_space<hbm>>
      %dma_wait3A_311 = tpu.memref_slice %arg3[%add3A_154] : memref<8192xi32, #tpu.memory_space<hbm>> -> memref<32xi32, #tpu.memory_space<hbm>>
      tpu.wait_dma2 semaphore(%run_scoped3A_307 : memref<!tpu.dma_semaphore, #tpu.memory_space<semaphore_mem>>) src(%dma_wait3A_311 : memref<32xi32, #tpu.memory_space<hbm>>) dst(%arg11 : memref<32xi32, #tpu.memory_space<vmem>>)
      tpu.yield
    }) : () -> ()
    "tpu.region"() ({
      %run_scoped3A_307 = tpu.sem_alloc : memref<!tpu.dma_semaphore, #tpu.memory_space<semaphore_mem>>
      %dma_start3A_308 = tpu.memref_slice %arg4[%add3A_154] : memref<8192xi32, #tpu.memory_space<hbm>> -> memref<32xi32, #tpu.memory_space<hbm>>
      %dma_start3A_309 = tpu.memref_slice %arg4[%add3A_154] : memref<8192xi32, #tpu.memory_space<hbm>> -> memref<32xi32, #tpu.memory_space<hbm>>
      tpu.enqueue_dma source(%dma_start3A_309 : memref<32xi32, #tpu.memory_space<hbm>>) target(%arg12 : memref<32xi32, #tpu.memory_space<vmem>>) target_semaphore(%run_scoped3A_307 : memref<!tpu.dma_semaphore, #tpu.memory_space<semaphore_mem>>)
      %dma_wait3A_310 = tpu.memref_slice %arg4[%add3A_154] : memref<8192xi32, #tpu.memory_space<hbm>> -> memref<32xi32, #tpu.memory_space<hbm>>
      %dma_wait3A_311 = tpu.memref_slice %arg4[%add3A_154] : memref<8192xi32, #tpu.memory_space<hbm>> -> memref<32xi32, #tpu.memory_space<hbm>>
      tpu.wait_dma2 semaphore(%run_scoped3A_307 : memref<!tpu.dma_semaphore, #tpu.memory_space<semaphore_mem>>) src(%dma_wait3A_311 : memref<32xi32, #tpu.memory_space<hbm>>) dst(%arg12 : memref<32xi32, #tpu.memory_space<vmem>>)
      tpu.yield
    }) : () -> ()
    %get3A_155 = arith.constant 0 : index
    %get3A_156 = tpu.vector_load %arg11[%get3A_155] {strides = array<i32>} : memref<32xi32, #tpu.memory_space<vmem>>, vector<16xi32>,
    %gather3A_157 = tpu.vector_load_idx %arg8[%get3A_156] : memref<2048xi32, #tpu.memory_space<vmem>>[vector<16xi32>], vector<16xi32>,
    %get3A_158 = arith.constant 0 : index
    %get3A_159 = tpu.vector_load %arg12[%get3A_158] {strides = array<i32>} : memref<32xi32, #tpu.memory_space<vmem>>, vector<16xi32>,
    %add3A_160 = arith.addi %gather3A_157, %get3A_159 : vector<16xi32>
    %swap3A_161 = arith.constant 4 : i32
    %swap3A_162 = arith.index_cast %swap3A_161 : i32 to index
    %swap3A_163 = arith.constant 0 : index
    %swap3A_164 = tpu.vector_load %arg10[%swap3A_162, %swap3A_163] {strides = array<i32>} : memref<8x32xi32, #tpu.memory_space<vmem>>, vector<16xi32>,
    tpu.vector_store %arg10[%swap3A_162, %swap3A_163], %add3A_160 {strides = array<i32>} : memref<8x32xi32, #tpu.memory_space<vmem>>, vector<16xi32>,
    %get3A_165 = arith.constant 16 : index
    %get3A_166 = tpu.vector_load %arg11[%get3A_165] {strides = array<i32>} : memref<32xi32, #tpu.memory_space<vmem>>, vector<16xi32>,
    %gather3A_167 = tpu.vector_load_idx %arg8[%get3A_166] : memref<2048xi32, #tpu.memory_space<vmem>>[vector<16xi32>], vector<16xi32>,
    %get3A_168 = arith.constant 16 : index
    %get3A_169 = tpu.vector_load %arg12[%get3A_168] {strides = array<i32>} : memref<32xi32, #tpu.memory_space<vmem>>, vector<16xi32>,
    %add3A_170 = arith.addi %gather3A_167, %get3A_169 : vector<16xi32>
    %swap3A_171 = arith.constant 4 : i32
    %swap3A_172 = arith.index_cast %swap3A_171 : i32 to index
    %swap3A_173 = arith.constant 16 : index
    %swap3A_174 = tpu.vector_load %arg10[%swap3A_172, %swap3A_173] {strides = array<i32>} : memref<8x32xi32, #tpu.memory_space<vmem>>, vector<16xi32>,
    tpu.vector_store %arg10[%swap3A_172, %swap3A_173], %add3A_170 {strides = array<i32>} : memref<8x32xi32, #tpu.memory_space<vmem>>, vector<16xi32>,
    "tpu.region"() ({
      %run_scoped3A_307 = tpu.sem_alloc : memref<!tpu.dma_semaphore, #tpu.memory_space<semaphore_mem>>
      %dma_start3A_308 = arith.constant 0 : i32
      %dma_start3A_309 = tpu.memref_slice %arg2[%add3A_154, %dma_start3A_308] : memref<8192x1024xf32, #tpu.memory_space<hbm>> -> memref<32x1024xf32, #tpu.memory_space<hbm>>
      %dma_start3A_310 = arith.constant 0 : i32
      %dma_start3A_311 = tpu.memref_slice %arg2[%add3A_154, %dma_start3A_310] : memref<8192x1024xf32, #tpu.memory_space<hbm>> -> memref<32x1024xf32, #tpu.memory_space<hbm>>
      tpu.enqueue_dma source(%dma_start3A_311 : memref<32x1024xf32, #tpu.memory_space<hbm>>) target(%arg9 : memref<32x1024xf32, #tpu.memory_space<vmem>>) target_semaphore(%run_scoped3A_307 : memref<!tpu.dma_semaphore, #tpu.memory_space<semaphore_mem>>)
      %dma_wait3A_312 = arith.constant 0 : i32
      %dma_wait3A_313 = tpu.memref_slice %arg2[%add3A_154, %dma_wait3A_312] : memref<8192x1024xf32, #tpu.memory_space<hbm>> -> memref<32x1024xf32, #tpu.memory_space<hbm>>
      %dma_wait3A_314 = arith.constant 0 : i32
      %dma_wait3A_315 = tpu.memref_slice %arg2[%add3A_154, %dma_wait3A_314] : memref<8192x1024xf32, #tpu.memory_space<hbm>> -> memref<32x1024xf32, #tpu.memory_space<hbm>>
      tpu.wait_dma2 semaphore(%run_scoped3A_307 : memref<!tpu.dma_semaphore, #tpu.memory_space<semaphore_mem>>) src(%dma_wait3A_315 : memref<32x1024xf32, #tpu.memory_space<hbm>>) dst(%arg9 : memref<32x1024xf32, #tpu.memory_space<vmem>>)
      tpu.yield
    }) : () -> ()
    %dma_start3A_175 = arith.constant 4 : i32
    %dma_start3A_176 = arith.constant 0 : i32
    %dma_start3A_177 = tpu.memref_slice %arg10[%dma_start3A_175, %dma_start3A_176] : memref<8x32xi32, #tpu.memory_space<vmem>> -> memref<1x32xi32, #tpu.memory_space<vmem>>
    %dma_start3A_178 = tpu.memref_squeeze %dma_start3A_177 : memref<1x32xi32, #tpu.memory_space<vmem>> -> memref<32xi32, #tpu.memory_space<vmem>>
    %dma_start3A_179 = arith.constant 0 : i32
    %dma_start3A_180 = arith.constant 0 : i32
    %dma_start3A_181 = tpu.memref_slice %arg6[%dma_start3A_179, %dma_start3A_180] : memref<16448x1024xf32, #tpu.memory_space<hbm>> -> memref<16448x1024xf32, #tpu.memory_space<hbm>>
    tpu.enqueue_indirect_dma source(%arg9 : memref<32x1024xf32, #tpu.memory_space<vmem>>) target(%dma_start3A_181 : memref<16448x1024xf32, #tpu.memory_space<hbm>>) offsets(%dma_start3A_178 : memref<32xi32, #tpu.memory_space<vmem>>) semaphore(%arg13 : memref<!tpu.dma_semaphore, #tpu.memory_space<semaphore_mem>>)
    %dma_wait3A_182 = arith.constant 4 : i32
    %dma_wait3A_183 = arith.constant 0 : i32
    %dma_wait3A_184 = tpu.memref_slice %arg10[%dma_wait3A_182, %dma_wait3A_183] : memref<8x32xi32, #tpu.memory_space<vmem>> -> memref<1x32xi32, #tpu.memory_space<vmem>>
    %dma_wait3A_185 = tpu.memref_squeeze %dma_wait3A_184 : memref<1x32xi32, #tpu.memory_space<vmem>> -> memref<32xi32, #tpu.memory_space<vmem>>
    %dma_wait3A_186 = arith.constant 0 : i32
    %dma_wait3A_187 = arith.constant 0 : i32
    %dma_wait3A_188 = tpu.memref_slice %arg6[%dma_wait3A_186, %dma_wait3A_187] : memref<16448x1024xf32, #tpu.memory_space<hbm>> -> memref<16448x1024xf32, #tpu.memory_space<hbm>>
    tpu.wait_indirect_dma semaphore(%arg13 : memref<!tpu.dma_semaphore, #tpu.memory_space<semaphore_mem>>) src(%arg9 : memref<32x1024xf32, #tpu.memory_space<vmem>>) dst(%dma_wait3A_188 : memref<16448x1024xf32, #tpu.memory_space<hbm>>)
    %run_scoped3A_189 = arith.constant 4 : i32
    "tpu.region"() ({
      %run_scoped3A_307 = tpu.sem_alloc : memref<!tpu.dma_semaphore, #tpu.memory_space<semaphore_mem>>
      %dma_start3A_308 = arith.constant 0 : i32
      %dma_start3A_309 = tpu.memref_slice %arg10[%run_scoped3A_189, %dma_start3A_308] : memref<8x32xi32, #tpu.memory_space<vmem>> -> memref<1x32xi32, #tpu.memory_space<vmem>>
      %dma_start3A_310 = tpu.memref_squeeze %dma_start3A_309 : memref<1x32xi32, #tpu.memory_space<vmem>> -> memref<32xi32, #tpu.memory_space<vmem>>
      %dma_start3A_311 = tpu.memref_slice %arg7[%add3A_154] : memref<8192xi32, #tpu.memory_space<hbm>> -> memref<32xi32, #tpu.memory_space<hbm>>
      %dma_start3A_312 = tpu.memref_slice %arg7[%add3A_154] : memref<8192xi32, #tpu.memory_space<hbm>> -> memref<32xi32, #tpu.memory_space<hbm>>
      %dma_start3A_313 = arith.constant 0 : i32
      %dma_start3A_314 = tpu.memref_slice %arg10[%run_scoped3A_189, %dma_start3A_313] : memref<8x32xi32, #tpu.memory_space<vmem>> -> memref<1x32xi32, #tpu.memory_space<vmem>>
      %dma_start3A_315 = tpu.memref_squeeze %dma_start3A_314 : memref<1x32xi32, #tpu.memory_space<vmem>> -> memref<32xi32, #tpu.memory_space<vmem>>
      tpu.enqueue_dma source(%dma_start3A_315 : memref<32xi32, #tpu.memory_space<vmem>>) target(%dma_start3A_312 : memref<32xi32, #tpu.memory_space<hbm>>) target_semaphore(%run_scoped3A_307 : memref<!tpu.dma_semaphore, #tpu.memory_space<semaphore_mem>>)
      %dma_wait3A_316 = arith.constant 0 : i32
      %dma_wait3A_317 = tpu.memref_slice %arg10[%run_scoped3A_189, %dma_wait3A_316] : memref<8x32xi32, #tpu.memory_space<vmem>> -> memref<1x32xi32, #tpu.memory_space<vmem>>
      %dma_wait3A_318 = tpu.memref_squeeze %dma_wait3A_317 : memref<1x32xi32, #tpu.memory_space<vmem>> -> memref<32xi32, #tpu.memory_space<vmem>>
      %dma_wait3A_319 = tpu.memref_slice %arg7[%add3A_154] : memref<8192xi32, #tpu.memory_space<hbm>> -> memref<32xi32, #tpu.memory_space<hbm>>
      %dma_wait3A_320 = tpu.memref_slice %arg7[%add3A_154] : memref<8192xi32, #tpu.memory_space<hbm>> -> memref<32xi32, #tpu.memory_space<hbm>>
      %dma_wait3A_321 = arith.constant 0 : i32
      %dma_wait3A_322 = tpu.memref_slice %arg10[%run_scoped3A_189, %dma_wait3A_321] : memref<8x32xi32, #tpu.memory_space<vmem>> -> memref<1x32xi32, #tpu.memory_space<vmem>>
      %dma_wait3A_323 = tpu.memref_squeeze %dma_wait3A_322 : memref<1x32xi32, #tpu.memory_space<vmem>> -> memref<32xi32, #tpu.memory_space<vmem>>
      tpu.wait_dma2 semaphore(%run_scoped3A_307 : memref<!tpu.dma_semaphore, #tpu.memory_space<semaphore_mem>>) src(%dma_wait3A_323 : memref<32xi32, #tpu.memory_space<vmem>>) dst(%dma_wait3A_320 : memref<32xi32, #tpu.memory_space<hbm>>)
      tpu.yield
    }) : () -> ()
    %mul3A_190 = arith.constant 256 : i32
    %mul3A_191 = arith.muli %add3A, %mul3A_190 : i32
    %add3A_192 = arith.constant 160 : i32
    %add3A_193 = arith.addi %mul3A_191, %add3A_192 : i32
    "tpu.region"() ({
      %run_scoped3A_307 = tpu.sem_alloc : memref<!tpu.dma_semaphore, #tpu.memory_space<semaphore_mem>>
      %dma_start3A_308 = tpu.memref_slice %arg3[%add3A_193] : memref<8192xi32, #tpu.memory_space<hbm>> -> memref<32xi32, #tpu.memory_space<hbm>>
      %dma_start3A_309 = tpu.memref_slice %arg3[%add3A_193] : memref<8192xi32, #tpu.memory_space<hbm>> -> memref<32xi32, #tpu.memory_space<hbm>>
      tpu.enqueue_dma source(%dma_start3A_309 : memref<32xi32, #tpu.memory_space<hbm>>) target(%arg11 : memref<32xi32, #tpu.memory_space<vmem>>) target_semaphore(%run_scoped3A_307 : memref<!tpu.dma_semaphore, #tpu.memory_space<semaphore_mem>>)
      %dma_wait3A_310 = tpu.memref_slice %arg3[%add3A_193] : memref<8192xi32, #tpu.memory_space<hbm>> -> memref<32xi32, #tpu.memory_space<hbm>>
      %dma_wait3A_311 = tpu.memref_slice %arg3[%add3A_193] : memref<8192xi32, #tpu.memory_space<hbm>> -> memref<32xi32, #tpu.memory_space<hbm>>
      tpu.wait_dma2 semaphore(%run_scoped3A_307 : memref<!tpu.dma_semaphore, #tpu.memory_space<semaphore_mem>>) src(%dma_wait3A_311 : memref<32xi32, #tpu.memory_space<hbm>>) dst(%arg11 : memref<32xi32, #tpu.memory_space<vmem>>)
      tpu.yield
    }) : () -> ()
    "tpu.region"() ({
      %run_scoped3A_307 = tpu.sem_alloc : memref<!tpu.dma_semaphore, #tpu.memory_space<semaphore_mem>>
      %dma_start3A_308 = tpu.memref_slice %arg4[%add3A_193] : memref<8192xi32, #tpu.memory_space<hbm>> -> memref<32xi32, #tpu.memory_space<hbm>>
      %dma_start3A_309 = tpu.memref_slice %arg4[%add3A_193] : memref<8192xi32, #tpu.memory_space<hbm>> -> memref<32xi32, #tpu.memory_space<hbm>>
      tpu.enqueue_dma source(%dma_start3A_309 : memref<32xi32, #tpu.memory_space<hbm>>) target(%arg12 : memref<32xi32, #tpu.memory_space<vmem>>) target_semaphore(%run_scoped3A_307 : memref<!tpu.dma_semaphore, #tpu.memory_space<semaphore_mem>>)
      %dma_wait3A_310 = tpu.memref_slice %arg4[%add3A_193] : memref<8192xi32, #tpu.memory_space<hbm>> -> memref<32xi32, #tpu.memory_space<hbm>>
      %dma_wait3A_311 = tpu.memref_slice %arg4[%add3A_193] : memref<8192xi32, #tpu.memory_space<hbm>> -> memref<32xi32, #tpu.memory_space<hbm>>
      tpu.wait_dma2 semaphore(%run_scoped3A_307 : memref<!tpu.dma_semaphore, #tpu.memory_space<semaphore_mem>>) src(%dma_wait3A_311 : memref<32xi32, #tpu.memory_space<hbm>>) dst(%arg12 : memref<32xi32, #tpu.memory_space<vmem>>)
      tpu.yield
    }) : () -> ()
    %get3A_194 = arith.constant 0 : index
    %get3A_195 = tpu.vector_load %arg11[%get3A_194] {strides = array<i32>} : memref<32xi32, #tpu.memory_space<vmem>>, vector<16xi32>,
    %gather3A_196 = tpu.vector_load_idx %arg8[%get3A_195] : memref<2048xi32, #tpu.memory_space<vmem>>[vector<16xi32>], vector<16xi32>,
    %get3A_197 = arith.constant 0 : index
    %get3A_198 = tpu.vector_load %arg12[%get3A_197] {strides = array<i32>} : memref<32xi32, #tpu.memory_space<vmem>>, vector<16xi32>,
    %add3A_199 = arith.addi %gather3A_196, %get3A_198 : vector<16xi32>
    %swap3A_200 = arith.constant 5 : i32
    %swap3A_201 = arith.index_cast %swap3A_200 : i32 to index
    %swap3A_202 = arith.constant 0 : index
    %swap3A_203 = tpu.vector_load %arg10[%swap3A_201, %swap3A_202] {strides = array<i32>} : memref<8x32xi32, #tpu.memory_space<vmem>>, vector<16xi32>,
    tpu.vector_store %arg10[%swap3A_201, %swap3A_202], %add3A_199 {strides = array<i32>} : memref<8x32xi32, #tpu.memory_space<vmem>>, vector<16xi32>,
    %get3A_204 = arith.constant 16 : index
    %get3A_205 = tpu.vector_load %arg11[%get3A_204] {strides = array<i32>} : memref<32xi32, #tpu.memory_space<vmem>>, vector<16xi32>,
    %gather3A_206 = tpu.vector_load_idx %arg8[%get3A_205] : memref<2048xi32, #tpu.memory_space<vmem>>[vector<16xi32>], vector<16xi32>,
    %get3A_207 = arith.constant 16 : index
    %get3A_208 = tpu.vector_load %arg12[%get3A_207] {strides = array<i32>} : memref<32xi32, #tpu.memory_space<vmem>>, vector<16xi32>,
    %add3A_209 = arith.addi %gather3A_206, %get3A_208 : vector<16xi32>
    %swap3A_210 = arith.constant 5 : i32
    %swap3A_211 = arith.index_cast %swap3A_210 : i32 to index
    %swap3A_212 = arith.constant 16 : index
    %swap3A_213 = tpu.vector_load %arg10[%swap3A_211, %swap3A_212] {strides = array<i32>} : memref<8x32xi32, #tpu.memory_space<vmem>>, vector<16xi32>,
    tpu.vector_store %arg10[%swap3A_211, %swap3A_212], %add3A_209 {strides = array<i32>} : memref<8x32xi32, #tpu.memory_space<vmem>>, vector<16xi32>,
    "tpu.region"() ({
      %run_scoped3A_307 = tpu.sem_alloc : memref<!tpu.dma_semaphore, #tpu.memory_space<semaphore_mem>>
      %dma_start3A_308 = arith.constant 0 : i32
      %dma_start3A_309 = tpu.memref_slice %arg2[%add3A_193, %dma_start3A_308] : memref<8192x1024xf32, #tpu.memory_space<hbm>> -> memref<32x1024xf32, #tpu.memory_space<hbm>>
      %dma_start3A_310 = arith.constant 0 : i32
      %dma_start3A_311 = tpu.memref_slice %arg2[%add3A_193, %dma_start3A_310] : memref<8192x1024xf32, #tpu.memory_space<hbm>> -> memref<32x1024xf32, #tpu.memory_space<hbm>>
      tpu.enqueue_dma source(%dma_start3A_311 : memref<32x1024xf32, #tpu.memory_space<hbm>>) target(%arg9 : memref<32x1024xf32, #tpu.memory_space<vmem>>) target_semaphore(%run_scoped3A_307 : memref<!tpu.dma_semaphore, #tpu.memory_space<semaphore_mem>>)
      %dma_wait3A_312 = arith.constant 0 : i32
      %dma_wait3A_313 = tpu.memref_slice %arg2[%add3A_193, %dma_wait3A_312] : memref<8192x1024xf32, #tpu.memory_space<hbm>> -> memref<32x1024xf32, #tpu.memory_space<hbm>>
      %dma_wait3A_314 = arith.constant 0 : i32
      %dma_wait3A_315 = tpu.memref_slice %arg2[%add3A_193, %dma_wait3A_314] : memref<8192x1024xf32, #tpu.memory_space<hbm>> -> memref<32x1024xf32, #tpu.memory_space<hbm>>
      tpu.wait_dma2 semaphore(%run_scoped3A_307 : memref<!tpu.dma_semaphore, #tpu.memory_space<semaphore_mem>>) src(%dma_wait3A_315 : memref<32x1024xf32, #tpu.memory_space<hbm>>) dst(%arg9 : memref<32x1024xf32, #tpu.memory_space<vmem>>)
      tpu.yield
    }) : () -> ()
    %dma_start3A_214 = arith.constant 5 : i32
    %dma_start3A_215 = arith.constant 0 : i32
    %dma_start3A_216 = tpu.memref_slice %arg10[%dma_start3A_214, %dma_start3A_215] : memref<8x32xi32, #tpu.memory_space<vmem>> -> memref<1x32xi32, #tpu.memory_space<vmem>>
    %dma_start3A_217 = tpu.memref_squeeze %dma_start3A_216 : memref<1x32xi32, #tpu.memory_space<vmem>> -> memref<32xi32, #tpu.memory_space<vmem>>
    %dma_start3A_218 = arith.constant 0 : i32
    %dma_start3A_219 = arith.constant 0 : i32
    %dma_start3A_220 = tpu.memref_slice %arg6[%dma_start3A_218, %dma_start3A_219] : memref<16448x1024xf32, #tpu.memory_space<hbm>> -> memref<16448x1024xf32, #tpu.memory_space<hbm>>
    tpu.enqueue_indirect_dma source(%arg9 : memref<32x1024xf32, #tpu.memory_space<vmem>>) target(%dma_start3A_220 : memref<16448x1024xf32, #tpu.memory_space<hbm>>) offsets(%dma_start3A_217 : memref<32xi32, #tpu.memory_space<vmem>>) semaphore(%arg13 : memref<!tpu.dma_semaphore, #tpu.memory_space<semaphore_mem>>)
    %dma_wait3A_221 = arith.constant 5 : i32
    %dma_wait3A_222 = arith.constant 0 : i32
    %dma_wait3A_223 = tpu.memref_slice %arg10[%dma_wait3A_221, %dma_wait3A_222] : memref<8x32xi32, #tpu.memory_space<vmem>> -> memref<1x32xi32, #tpu.memory_space<vmem>>
    %dma_wait3A_224 = tpu.memref_squeeze %dma_wait3A_223 : memref<1x32xi32, #tpu.memory_space<vmem>> -> memref<32xi32, #tpu.memory_space<vmem>>
    %dma_wait3A_225 = arith.constant 0 : i32
    %dma_wait3A_226 = arith.constant 0 : i32
    %dma_wait3A_227 = tpu.memref_slice %arg6[%dma_wait3A_225, %dma_wait3A_226] : memref<16448x1024xf32, #tpu.memory_space<hbm>> -> memref<16448x1024xf32, #tpu.memory_space<hbm>>
    tpu.wait_indirect_dma semaphore(%arg13 : memref<!tpu.dma_semaphore, #tpu.memory_space<semaphore_mem>>) src(%arg9 : memref<32x1024xf32, #tpu.memory_space<vmem>>) dst(%dma_wait3A_227 : memref<16448x1024xf32, #tpu.memory_space<hbm>>)
    %run_scoped3A_228 = arith.constant 5 : i32
    "tpu.region"() ({
      %run_scoped3A_307 = tpu.sem_alloc : memref<!tpu.dma_semaphore, #tpu.memory_space<semaphore_mem>>
      %dma_start3A_308 = arith.constant 0 : i32
      %dma_start3A_309 = tpu.memref_slice %arg10[%run_scoped3A_228, %dma_start3A_308] : memref<8x32xi32, #tpu.memory_space<vmem>> -> memref<1x32xi32, #tpu.memory_space<vmem>>
      %dma_start3A_310 = tpu.memref_squeeze %dma_start3A_309 : memref<1x32xi32, #tpu.memory_space<vmem>> -> memref<32xi32, #tpu.memory_space<vmem>>
      %dma_start3A_311 = tpu.memref_slice %arg7[%add3A_193] : memref<8192xi32, #tpu.memory_space<hbm>> -> memref<32xi32, #tpu.memory_space<hbm>>
      %dma_start3A_312 = tpu.memref_slice %arg7[%add3A_193] : memref<8192xi32, #tpu.memory_space<hbm>> -> memref<32xi32, #tpu.memory_space<hbm>>
      %dma_start3A_313 = arith.constant 0 : i32
      %dma_start3A_314 = tpu.memref_slice %arg10[%run_scoped3A_228, %dma_start3A_313] : memref<8x32xi32, #tpu.memory_space<vmem>> -> memref<1x32xi32, #tpu.memory_space<vmem>>
      %dma_start3A_315 = tpu.memref_squeeze %dma_start3A_314 : memref<1x32xi32, #tpu.memory_space<vmem>> -> memref<32xi32, #tpu.memory_space<vmem>>
      tpu.enqueue_dma source(%dma_start3A_315 : memref<32xi32, #tpu.memory_space<vmem>>) target(%dma_start3A_312 : memref<32xi32, #tpu.memory_space<hbm>>) target_semaphore(%run_scoped3A_307 : memref<!tpu.dma_semaphore, #tpu.memory_space<semaphore_mem>>)
      %dma_wait3A_316 = arith.constant 0 : i32
      %dma_wait3A_317 = tpu.memref_slice %arg10[%run_scoped3A_228, %dma_wait3A_316] : memref<8x32xi32, #tpu.memory_space<vmem>> -> memref<1x32xi32, #tpu.memory_space<vmem>>
      %dma_wait3A_318 = tpu.memref_squeeze %dma_wait3A_317 : memref<1x32xi32, #tpu.memory_space<vmem>> -> memref<32xi32, #tpu.memory_space<vmem>>
      %dma_wait3A_319 = tpu.memref_slice %arg7[%add3A_193] : memref<8192xi32, #tpu.memory_space<hbm>> -> memref<32xi32, #tpu.memory_space<hbm>>
      %dma_wait3A_320 = tpu.memref_slice %arg7[%add3A_193] : memref<8192xi32, #tpu.memory_space<hbm>> -> memref<32xi32, #tpu.memory_space<hbm>>
      %dma_wait3A_321 = arith.constant 0 : i32
      %dma_wait3A_322 = tpu.memref_slice %arg10[%run_scoped3A_228, %dma_wait3A_321] : memref<8x32xi32, #tpu.memory_space<vmem>> -> memref<1x32xi32, #tpu.memory_space<vmem>>
      %dma_wait3A_323 = tpu.memref_squeeze %dma_wait3A_322 : memref<1x32xi32, #tpu.memory_space<vmem>> -> memref<32xi32, #tpu.memory_space<vmem>>
      tpu.wait_dma2 semaphore(%run_scoped3A_307 : memref<!tpu.dma_semaphore, #tpu.memory_space<semaphore_mem>>) src(%dma_wait3A_323 : memref<32xi32, #tpu.memory_space<vmem>>) dst(%dma_wait3A_320 : memref<32xi32, #tpu.memory_space<hbm>>)
      tpu.yield
    }) : () -> ()
    %mul3A_229 = arith.constant 256 : i32
    %mul3A_230 = arith.muli %add3A, %mul3A_229 : i32
    %add3A_231 = arith.constant 192 : i32
    %add3A_232 = arith.addi %mul3A_230, %add3A_231 : i32
    "tpu.region"() ({
      %run_scoped3A_307 = tpu.sem_alloc : memref<!tpu.dma_semaphore, #tpu.memory_space<semaphore_mem>>
      %dma_start3A_308 = tpu.memref_slice %arg3[%add3A_232] : memref<8192xi32, #tpu.memory_space<hbm>> -> memref<32xi32, #tpu.memory_space<hbm>>
      %dma_start3A_309 = tpu.memref_slice %arg3[%add3A_232] : memref<8192xi32, #tpu.memory_space<hbm>> -> memref<32xi32, #tpu.memory_space<hbm>>
      tpu.enqueue_dma source(%dma_start3A_309 : memref<32xi32, #tpu.memory_space<hbm>>) target(%arg11 : memref<32xi32, #tpu.memory_space<vmem>>) target_semaphore(%run_scoped3A_307 : memref<!tpu.dma_semaphore, #tpu.memory_space<semaphore_mem>>)
      %dma_wait3A_310 = tpu.memref_slice %arg3[%add3A_232] : memref<8192xi32, #tpu.memory_space<hbm>> -> memref<32xi32, #tpu.memory_space<hbm>>
      %dma_wait3A_311 = tpu.memref_slice %arg3[%add3A_232] : memref<8192xi32, #tpu.memory_space<hbm>> -> memref<32xi32, #tpu.memory_space<hbm>>
      tpu.wait_dma2 semaphore(%run_scoped3A_307 : memref<!tpu.dma_semaphore, #tpu.memory_space<semaphore_mem>>) src(%dma_wait3A_311 : memref<32xi32, #tpu.memory_space<hbm>>) dst(%arg11 : memref<32xi32, #tpu.memory_space<vmem>>)
      tpu.yield
    }) : () -> ()
    "tpu.region"() ({
      %run_scoped3A_307 = tpu.sem_alloc : memref<!tpu.dma_semaphore, #tpu.memory_space<semaphore_mem>>
      %dma_start3A_308 = tpu.memref_slice %arg4[%add3A_232] : memref<8192xi32, #tpu.memory_space<hbm>> -> memref<32xi32, #tpu.memory_space<hbm>>
      %dma_start3A_309 = tpu.memref_slice %arg4[%add3A_232] : memref<8192xi32, #tpu.memory_space<hbm>> -> memref<32xi32, #tpu.memory_space<hbm>>
      tpu.enqueue_dma source(%dma_start3A_309 : memref<32xi32, #tpu.memory_space<hbm>>) target(%arg12 : memref<32xi32, #tpu.memory_space<vmem>>) target_semaphore(%run_scoped3A_307 : memref<!tpu.dma_semaphore, #tpu.memory_space<semaphore_mem>>)
      %dma_wait3A_310 = tpu.memref_slice %arg4[%add3A_232] : memref<8192xi32, #tpu.memory_space<hbm>> -> memref<32xi32, #tpu.memory_space<hbm>>
      %dma_wait3A_311 = tpu.memref_slice %arg4[%add3A_232] : memref<8192xi32, #tpu.memory_space<hbm>> -> memref<32xi32, #tpu.memory_space<hbm>>
      tpu.wait_dma2 semaphore(%run_scoped3A_307 : memref<!tpu.dma_semaphore, #tpu.memory_space<semaphore_mem>>) src(%dma_wait3A_311 : memref<32xi32, #tpu.memory_space<hbm>>) dst(%arg12 : memref<32xi32, #tpu.memory_space<vmem>>)
      tpu.yield
    }) : () -> ()
    %get3A_233 = arith.constant 0 : index
    %get3A_234 = tpu.vector_load %arg11[%get3A_233] {strides = array<i32>} : memref<32xi32, #tpu.memory_space<vmem>>, vector<16xi32>,
    %gather3A_235 = tpu.vector_load_idx %arg8[%get3A_234] : memref<2048xi32, #tpu.memory_space<vmem>>[vector<16xi32>], vector<16xi32>,
    %get3A_236 = arith.constant 0 : index
    %get3A_237 = tpu.vector_load %arg12[%get3A_236] {strides = array<i32>} : memref<32xi32, #tpu.memory_space<vmem>>, vector<16xi32>,
    %add3A_238 = arith.addi %gather3A_235, %get3A_237 : vector<16xi32>
    %swap3A_239 = arith.constant 6 : i32
    %swap3A_240 = arith.index_cast %swap3A_239 : i32 to index
    %swap3A_241 = arith.constant 0 : index
    %swap3A_242 = tpu.vector_load %arg10[%swap3A_240, %swap3A_241] {strides = array<i32>} : memref<8x32xi32, #tpu.memory_space<vmem>>, vector<16xi32>,
    tpu.vector_store %arg10[%swap3A_240, %swap3A_241], %add3A_238 {strides = array<i32>} : memref<8x32xi32, #tpu.memory_space<vmem>>, vector<16xi32>,
    %get3A_243 = arith.constant 16 : index
    %get3A_244 = tpu.vector_load %arg11[%get3A_243] {strides = array<i32>} : memref<32xi32, #tpu.memory_space<vmem>>, vector<16xi32>,
    %gather3A_245 = tpu.vector_load_idx %arg8[%get3A_244] : memref<2048xi32, #tpu.memory_space<vmem>>[vector<16xi32>], vector<16xi32>,
    %get3A_246 = arith.constant 16 : index
    %get3A_247 = tpu.vector_load %arg12[%get3A_246] {strides = array<i32>} : memref<32xi32, #tpu.memory_space<vmem>>, vector<16xi32>,
    %add3A_248 = arith.addi %gather3A_245, %get3A_247 : vector<16xi32>
    %swap3A_249 = arith.constant 6 : i32
    %swap3A_250 = arith.index_cast %swap3A_249 : i32 to index
    %swap3A_251 = arith.constant 16 : index
    %swap3A_252 = tpu.vector_load %arg10[%swap3A_250, %swap3A_251] {strides = array<i32>} : memref<8x32xi32, #tpu.memory_space<vmem>>, vector<16xi32>,
    tpu.vector_store %arg10[%swap3A_250, %swap3A_251], %add3A_248 {strides = array<i32>} : memref<8x32xi32, #tpu.memory_space<vmem>>, vector<16xi32>,
    "tpu.region"() ({
      %run_scoped3A_307 = tpu.sem_alloc : memref<!tpu.dma_semaphore, #tpu.memory_space<semaphore_mem>>
      %dma_start3A_308 = arith.constant 0 : i32
      %dma_start3A_309 = tpu.memref_slice %arg2[%add3A_232, %dma_start3A_308] : memref<8192x1024xf32, #tpu.memory_space<hbm>> -> memref<32x1024xf32, #tpu.memory_space<hbm>>
      %dma_start3A_310 = arith.constant 0 : i32
      %dma_start3A_311 = tpu.memref_slice %arg2[%add3A_232, %dma_start3A_310] : memref<8192x1024xf32, #tpu.memory_space<hbm>> -> memref<32x1024xf32, #tpu.memory_space<hbm>>
      tpu.enqueue_dma source(%dma_start3A_311 : memref<32x1024xf32, #tpu.memory_space<hbm>>) target(%arg9 : memref<32x1024xf32, #tpu.memory_space<vmem>>) target_semaphore(%run_scoped3A_307 : memref<!tpu.dma_semaphore, #tpu.memory_space<semaphore_mem>>)
      %dma_wait3A_312 = arith.constant 0 : i32
      %dma_wait3A_313 = tpu.memref_slice %arg2[%add3A_232, %dma_wait3A_312] : memref<8192x1024xf32, #tpu.memory_space<hbm>> -> memref<32x1024xf32, #tpu.memory_space<hbm>>
      %dma_wait3A_314 = arith.constant 0 : i32
      %dma_wait3A_315 = tpu.memref_slice %arg2[%add3A_232, %dma_wait3A_314] : memref<8192x1024xf32, #tpu.memory_space<hbm>> -> memref<32x1024xf32, #tpu.memory_space<hbm>>
      tpu.wait_dma2 semaphore(%run_scoped3A_307 : memref<!tpu.dma_semaphore, #tpu.memory_space<semaphore_mem>>) src(%dma_wait3A_315 : memref<32x1024xf32, #tpu.memory_space<hbm>>) dst(%arg9 : memref<32x1024xf32, #tpu.memory_space<vmem>>)
      tpu.yield
    }) : () -> ()
    %dma_start3A_253 = arith.constant 6 : i32
    %dma_start3A_254 = arith.constant 0 : i32
    %dma_start3A_255 = tpu.memref_slice %arg10[%dma_start3A_253, %dma_start3A_254] : memref<8x32xi32, #tpu.memory_space<vmem>> -> memref<1x32xi32, #tpu.memory_space<vmem>>
    %dma_start3A_256 = tpu.memref_squeeze %dma_start3A_255 : memref<1x32xi32, #tpu.memory_space<vmem>> -> memref<32xi32, #tpu.memory_space<vmem>>
    %dma_start3A_257 = arith.constant 0 : i32
    %dma_start3A_258 = arith.constant 0 : i32
    %dma_start3A_259 = tpu.memref_slice %arg6[%dma_start3A_257, %dma_start3A_258] : memref<16448x1024xf32, #tpu.memory_space<hbm>> -> memref<16448x1024xf32, #tpu.memory_space<hbm>>
    tpu.enqueue_indirect_dma source(%arg9 : memref<32x1024xf32, #tpu.memory_space<vmem>>) target(%dma_start3A_259 : memref<16448x1024xf32, #tpu.memory_space<hbm>>) offsets(%dma_start3A_256 : memref<32xi32, #tpu.memory_space<vmem>>) semaphore(%arg13 : memref<!tpu.dma_semaphore, #tpu.memory_space<semaphore_mem>>)
    %dma_wait3A_260 = arith.constant 6 : i32
    %dma_wait3A_261 = arith.constant 0 : i32
    %dma_wait3A_262 = tpu.memref_slice %arg10[%dma_wait3A_260, %dma_wait3A_261] : memref<8x32xi32, #tpu.memory_space<vmem>> -> memref<1x32xi32, #tpu.memory_space<vmem>>
    %dma_wait3A_263 = tpu.memref_squeeze %dma_wait3A_262 : memref<1x32xi32, #tpu.memory_space<vmem>> -> memref<32xi32, #tpu.memory_space<vmem>>
    %dma_wait3A_264 = arith.constant 0 : i32
    %dma_wait3A_265 = arith.constant 0 : i32
    %dma_wait3A_266 = tpu.memref_slice %arg6[%dma_wait3A_264, %dma_wait3A_265] : memref<16448x1024xf32, #tpu.memory_space<hbm>> -> memref<16448x1024xf32, #tpu.memory_space<hbm>>
    tpu.wait_indirect_dma semaphore(%arg13 : memref<!tpu.dma_semaphore, #tpu.memory_space<semaphore_mem>>) src(%arg9 : memref<32x1024xf32, #tpu.memory_space<vmem>>) dst(%dma_wait3A_266 : memref<16448x1024xf32, #tpu.memory_space<hbm>>)
    %run_scoped3A_267 = arith.constant 6 : i32
    "tpu.region"() ({
      %run_scoped3A_307 = tpu.sem_alloc : memref<!tpu.dma_semaphore, #tpu.memory_space<semaphore_mem>>
      %dma_start3A_308 = arith.constant 0 : i32
      %dma_start3A_309 = tpu.memref_slice %arg10[%run_scoped3A_267, %dma_start3A_308] : memref<8x32xi32, #tpu.memory_space<vmem>> -> memref<1x32xi32, #tpu.memory_space<vmem>>
      %dma_start3A_310 = tpu.memref_squeeze %dma_start3A_309 : memref<1x32xi32, #tpu.memory_space<vmem>> -> memref<32xi32, #tpu.memory_space<vmem>>
      %dma_start3A_311 = tpu.memref_slice %arg7[%add3A_232] : memref<8192xi32, #tpu.memory_space<hbm>> -> memref<32xi32, #tpu.memory_space<hbm>>
      %dma_start3A_312 = tpu.memref_slice %arg7[%add3A_232] : memref<8192xi32, #tpu.memory_space<hbm>> -> memref<32xi32, #tpu.memory_space<hbm>>
      %dma_start3A_313 = arith.constant 0 : i32
      %dma_start3A_314 = tpu.memref_slice %arg10[%run_scoped3A_267, %dma_start3A_313] : memref<8x32xi32, #tpu.memory_space<vmem>> -> memref<1x32xi32, #tpu.memory_space<vmem>>
      %dma_start3A_315 = tpu.memref_squeeze %dma_start3A_314 : memref<1x32xi32, #tpu.memory_space<vmem>> -> memref<32xi32, #tpu.memory_space<vmem>>
      tpu.enqueue_dma source(%dma_start3A_315 : memref<32xi32, #tpu.memory_space<vmem>>) target(%dma_start3A_312 : memref<32xi32, #tpu.memory_space<hbm>>) target_semaphore(%run_scoped3A_307 : memref<!tpu.dma_semaphore, #tpu.memory_space<semaphore_mem>>)
      %dma_wait3A_316 = arith.constant 0 : i32
      %dma_wait3A_317 = tpu.memref_slice %arg10[%run_scoped3A_267, %dma_wait3A_316] : memref<8x32xi32, #tpu.memory_space<vmem>> -> memref<1x32xi32, #tpu.memory_space<vmem>>
      %dma_wait3A_318 = tpu.memref_squeeze %dma_wait3A_317 : memref<1x32xi32, #tpu.memory_space<vmem>> -> memref<32xi32, #tpu.memory_space<vmem>>
      %dma_wait3A_319 = tpu.memref_slice %arg7[%add3A_232] : memref<8192xi32, #tpu.memory_space<hbm>> -> memref<32xi32, #tpu.memory_space<hbm>>
      %dma_wait3A_320 = tpu.memref_slice %arg7[%add3A_232] : memref<8192xi32, #tpu.memory_space<hbm>> -> memref<32xi32, #tpu.memory_space<hbm>>
      %dma_wait3A_321 = arith.constant 0 : i32
      %dma_wait3A_322 = tpu.memref_slice %arg10[%run_scoped3A_267, %dma_wait3A_321] : memref<8x32xi32, #tpu.memory_space<vmem>> -> memref<1x32xi32, #tpu.memory_space<vmem>>
      %dma_wait3A_323 = tpu.memref_squeeze %dma_wait3A_322 : memref<1x32xi32, #tpu.memory_space<vmem>> -> memref<32xi32, #tpu.memory_space<vmem>>
      tpu.wait_dma2 semaphore(%run_scoped3A_307 : memref<!tpu.dma_semaphore, #tpu.memory_space<semaphore_mem>>) src(%dma_wait3A_323 : memref<32xi32, #tpu.memory_space<vmem>>) dst(%dma_wait3A_320 : memref<32xi32, #tpu.memory_space<hbm>>)
      tpu.yield
    }) : () -> ()
    %mul3A_268 = arith.constant 256 : i32
    %mul3A_269 = arith.muli %add3A, %mul3A_268 : i32
    %add3A_270 = arith.constant 224 : i32
    %add3A_271 = arith.addi %mul3A_269, %add3A_270 : i32
    "tpu.region"() ({
      %run_scoped3A_307 = tpu.sem_alloc : memref<!tpu.dma_semaphore, #tpu.memory_space<semaphore_mem>>
      %dma_start3A_308 = tpu.memref_slice %arg3[%add3A_271] : memref<8192xi32, #tpu.memory_space<hbm>> -> memref<32xi32, #tpu.memory_space<hbm>>
      %dma_start3A_309 = tpu.memref_slice %arg3[%add3A_271] : memref<8192xi32, #tpu.memory_space<hbm>> -> memref<32xi32, #tpu.memory_space<hbm>>
      tpu.enqueue_dma source(%dma_start3A_309 : memref<32xi32, #tpu.memory_space<hbm>>) target(%arg11 : memref<32xi32, #tpu.memory_space<vmem>>) target_semaphore(%run_scoped3A_307 : memref<!tpu.dma_semaphore, #tpu.memory_space<semaphore_mem>>)
      %dma_wait3A_310 = tpu.memref_slice %arg3[%add3A_271] : memref<8192xi32, #tpu.memory_space<hbm>> -> memref<32xi32, #tpu.memory_space<hbm>>
      %dma_wait3A_311 = tpu.memref_slice %arg3[%add3A_271] : memref<8192xi32, #tpu.memory_space<hbm>> -> memref<32xi32, #tpu.memory_space<hbm>>
      tpu.wait_dma2 semaphore(%run_scoped3A_307 : memref<!tpu.dma_semaphore, #tpu.memory_space<semaphore_mem>>) src(%dma_wait3A_311 : memref<32xi32, #tpu.memory_space<hbm>>) dst(%arg11 : memref<32xi32, #tpu.memory_space<vmem>>)
      tpu.yield
    }) : () -> ()
    "tpu.region"() ({
      %run_scoped3A_307 = tpu.sem_alloc : memref<!tpu.dma_semaphore, #tpu.memory_space<semaphore_mem>>
      %dma_start3A_308 = tpu.memref_slice %arg4[%add3A_271] : memref<8192xi32, #tpu.memory_space<hbm>> -> memref<32xi32, #tpu.memory_space<hbm>>
      %dma_start3A_309 = tpu.memref_slice %arg4[%add3A_271] : memref<8192xi32, #tpu.memory_space<hbm>> -> memref<32xi32, #tpu.memory_space<hbm>>
      tpu.enqueue_dma source(%dma_start3A_309 : memref<32xi32, #tpu.memory_space<hbm>>) target(%arg12 : memref<32xi32, #tpu.memory_space<vmem>>) target_semaphore(%run_scoped3A_307 : memref<!tpu.dma_semaphore, #tpu.memory_space<semaphore_mem>>)
      %dma_wait3A_310 = tpu.memref_slice %arg4[%add3A_271] : memref<8192xi32, #tpu.memory_space<hbm>> -> memref<32xi32, #tpu.memory_space<hbm>>
      %dma_wait3A_311 = tpu.memref_slice %arg4[%add3A_271] : memref<8192xi32, #tpu.memory_space<hbm>> -> memref<32xi32, #tpu.memory_space<hbm>>
      tpu.wait_dma2 semaphore(%run_scoped3A_307 : memref<!tpu.dma_semaphore, #tpu.memory_space<semaphore_mem>>) src(%dma_wait3A_311 : memref<32xi32, #tpu.memory_space<hbm>>) dst(%arg12 : memref<32xi32, #tpu.memory_space<vmem>>)
      tpu.yield
    }) : () -> ()
    %get3A_272 = arith.constant 0 : index
    %get3A_273 = tpu.vector_load %arg11[%get3A_272] {strides = array<i32>} : memref<32xi32, #tpu.memory_space<vmem>>, vector<16xi32>,
    %gather3A_274 = tpu.vector_load_idx %arg8[%get3A_273] : memref<2048xi32, #tpu.memory_space<vmem>>[vector<16xi32>], vector<16xi32>,
    %get3A_275 = arith.constant 0 : index
    %get3A_276 = tpu.vector_load %arg12[%get3A_275] {strides = array<i32>} : memref<32xi32, #tpu.memory_space<vmem>>, vector<16xi32>,
    %add3A_277 = arith.addi %gather3A_274, %get3A_276 : vector<16xi32>
    %swap3A_278 = arith.constant 7 : i32
    %swap3A_279 = arith.index_cast %swap3A_278 : i32 to index
    %swap3A_280 = arith.constant 0 : index
    %swap3A_281 = tpu.vector_load %arg10[%swap3A_279, %swap3A_280] {strides = array<i32>} : memref<8x32xi32, #tpu.memory_space<vmem>>, vector<16xi32>,
    tpu.vector_store %arg10[%swap3A_279, %swap3A_280], %add3A_277 {strides = array<i32>} : memref<8x32xi32, #tpu.memory_space<vmem>>, vector<16xi32>,
    %get3A_282 = arith.constant 16 : index
    %get3A_283 = tpu.vector_load %arg11[%get3A_282] {strides = array<i32>} : memref<32xi32, #tpu.memory_space<vmem>>, vector<16xi32>,
    %gather3A_284 = tpu.vector_load_idx %arg8[%get3A_283] : memref<2048xi32, #tpu.memory_space<vmem>>[vector<16xi32>], vector<16xi32>,
    %get3A_285 = arith.constant 16 : index
    %get3A_286 = tpu.vector_load %arg12[%get3A_285] {strides = array<i32>} : memref<32xi32, #tpu.memory_space<vmem>>, vector<16xi32>,
    %add3A_287 = arith.addi %gather3A_284, %get3A_286 : vector<16xi32>
    %swap3A_288 = arith.constant 7 : i32
    %swap3A_289 = arith.index_cast %swap3A_288 : i32 to index
    %swap3A_290 = arith.constant 16 : index
    %swap3A_291 = tpu.vector_load %arg10[%swap3A_289, %swap3A_290] {strides = array<i32>} : memref<8x32xi32, #tpu.memory_space<vmem>>, vector<16xi32>,
    tpu.vector_store %arg10[%swap3A_289, %swap3A_290], %add3A_287 {strides = array<i32>} : memref<8x32xi32, #tpu.memory_space<vmem>>, vector<16xi32>,
    "tpu.region"() ({
      %run_scoped3A_307 = tpu.sem_alloc : memref<!tpu.dma_semaphore, #tpu.memory_space<semaphore_mem>>
      %dma_start3A_308 = arith.constant 0 : i32
      %dma_start3A_309 = tpu.memref_slice %arg2[%add3A_271, %dma_start3A_308] : memref<8192x1024xf32, #tpu.memory_space<hbm>> -> memref<32x1024xf32, #tpu.memory_space<hbm>>
      %dma_start3A_310 = arith.constant 0 : i32
      %dma_start3A_311 = tpu.memref_slice %arg2[%add3A_271, %dma_start3A_310] : memref<8192x1024xf32, #tpu.memory_space<hbm>> -> memref<32x1024xf32, #tpu.memory_space<hbm>>
      tpu.enqueue_dma source(%dma_start3A_311 : memref<32x1024xf32, #tpu.memory_space<hbm>>) target(%arg9 : memref<32x1024xf32, #tpu.memory_space<vmem>>) target_semaphore(%run_scoped3A_307 : memref<!tpu.dma_semaphore, #tpu.memory_space<semaphore_mem>>)
      %dma_wait3A_312 = arith.constant 0 : i32
      %dma_wait3A_313 = tpu.memref_slice %arg2[%add3A_271, %dma_wait3A_312] : memref<8192x1024xf32, #tpu.memory_space<hbm>> -> memref<32x1024xf32, #tpu.memory_space<hbm>>
      %dma_wait3A_314 = arith.constant 0 : i32
      %dma_wait3A_315 = tpu.memref_slice %arg2[%add3A_271, %dma_wait3A_314] : memref<8192x1024xf32, #tpu.memory_space<hbm>> -> memref<32x1024xf32, #tpu.memory_space<hbm>>
      tpu.wait_dma2 semaphore(%run_scoped3A_307 : memref<!tpu.dma_semaphore, #tpu.memory_space<semaphore_mem>>) src(%dma_wait3A_315 : memref<32x1024xf32, #tpu.memory_space<hbm>>) dst(%arg9 : memref<32x1024xf32, #tpu.memory_space<vmem>>)
      tpu.yield
    }) : () -> ()
    %dma_start3A_292 = arith.constant 7 : i32
    %dma_start3A_293 = arith.constant 0 : i32
    %dma_start3A_294 = tpu.memref_slice %arg10[%dma_start3A_292, %dma_start3A_293] : memref<8x32xi32, #tpu.memory_space<vmem>> -> memref<1x32xi32, #tpu.memory_space<vmem>>
    %dma_start3A_295 = tpu.memref_squeeze %dma_start3A_294 : memref<1x32xi32, #tpu.memory_space<vmem>> -> memref<32xi32, #tpu.memory_space<vmem>>
    %dma_start3A_296 = arith.constant 0 : i32
    %dma_start3A_297 = arith.constant 0 : i32
    %dma_start3A_298 = tpu.memref_slice %arg6[%dma_start3A_296, %dma_start3A_297] : memref<16448x1024xf32, #tpu.memory_space<hbm>> -> memref<16448x1024xf32, #tpu.memory_space<hbm>>
    tpu.enqueue_indirect_dma source(%arg9 : memref<32x1024xf32, #tpu.memory_space<vmem>>) target(%dma_start3A_298 : memref<16448x1024xf32, #tpu.memory_space<hbm>>) offsets(%dma_start3A_295 : memref<32xi32, #tpu.memory_space<vmem>>) semaphore(%arg13 : memref<!tpu.dma_semaphore, #tpu.memory_space<semaphore_mem>>)
    %dma_wait3A_299 = arith.constant 7 : i32
    %dma_wait3A_300 = arith.constant 0 : i32
    %dma_wait3A_301 = tpu.memref_slice %arg10[%dma_wait3A_299, %dma_wait3A_300] : memref<8x32xi32, #tpu.memory_space<vmem>> -> memref<1x32xi32, #tpu.memory_space<vmem>>
    %dma_wait3A_302 = tpu.memref_squeeze %dma_wait3A_301 : memref<1x32xi32, #tpu.memory_space<vmem>> -> memref<32xi32, #tpu.memory_space<vmem>>
    %dma_wait3A_303 = arith.constant 0 : i32
    %dma_wait3A_304 = arith.constant 0 : i32
    %dma_wait3A_305 = tpu.memref_slice %arg6[%dma_wait3A_303, %dma_wait3A_304] : memref<16448x1024xf32, #tpu.memory_space<hbm>> -> memref<16448x1024xf32, #tpu.memory_space<hbm>>
    tpu.wait_indirect_dma semaphore(%arg13 : memref<!tpu.dma_semaphore, #tpu.memory_space<semaphore_mem>>) src(%arg9 : memref<32x1024xf32, #tpu.memory_space<vmem>>) dst(%dma_wait3A_305 : memref<16448x1024xf32, #tpu.memory_space<hbm>>)
    %run_scoped3A_306 = arith.constant 7 : i32
    "tpu.region"() ({
      %run_scoped3A_307 = tpu.sem_alloc : memref<!tpu.dma_semaphore, #tpu.memory_space<semaphore_mem>>
      %dma_start3A_308 = arith.constant 0 : i32
      %dma_start3A_309 = tpu.memref_slice %arg10[%run_scoped3A_306, %dma_start3A_308] : memref<8x32xi32, #tpu.memory_space<vmem>> -> memref<1x32xi32, #tpu.memory_space<vmem>>
      %dma_start3A_310 = tpu.memref_squeeze %dma_start3A_309 : memref<1x32xi32, #tpu.memory_space<vmem>> -> memref<32xi32, #tpu.memory_space<vmem>>
      %dma_start3A_311 = tpu.memref_slice %arg7[%add3A_271] : memref<8192xi32, #tpu.memory_space<hbm>> -> memref<32xi32, #tpu.memory_space<hbm>>
      %dma_start3A_312 = tpu.memref_slice %arg7[%add3A_271] : memref<8192xi32, #tpu.memory_space<hbm>> -> memref<32xi32, #tpu.memory_space<hbm>>
      %dma_start3A_313 = arith.constant 0 : i32
      %dma_start3A_314 = tpu.memref_slice %arg10[%run_scoped3A_306, %dma_start3A_313] : memref<8x32xi32, #tpu.memory_space<vmem>> -> memref<1x32xi32, #tpu.memory_space<vmem>>
      %dma_start3A_315 = tpu.memref_squeeze %dma_start3A_314 : memref<1x32xi32, #tpu.memory_space<vmem>> -> memref<32xi32, #tpu.memory_space<vmem>>
      tpu.enqueue_dma source(%dma_start3A_315 : memref<32xi32, #tpu.memory_space<vmem>>) target(%dma_start3A_312 : memref<32xi32, #tpu.memory_space<hbm>>) target_semaphore(%run_scoped3A_307 : memref<!tpu.dma_semaphore, #tpu.memory_space<semaphore_mem>>)
      %dma_wait3A_316 = arith.constant 0 : i32
      %dma_wait3A_317 = tpu.memref_slice %arg10[%run_scoped3A_306, %dma_wait3A_316] : memref<8x32xi32, #tpu.memory_space<vmem>> -> memref<1x32xi32, #tpu.memory_space<vmem>>
      %dma_wait3A_318 = tpu.memref_squeeze %dma_wait3A_317 : memref<1x32xi32, #tpu.memory_space<vmem>> -> memref<32xi32, #tpu.memory_space<vmem>>
      %dma_wait3A_319 = tpu.memref_slice %arg7[%add3A_271] : memref<8192xi32, #tpu.memory_space<hbm>> -> memref<32xi32, #tpu.memory_space<hbm>>
      %dma_wait3A_320 = tpu.memref_slice %arg7[%add3A_271] : memref<8192xi32, #tpu.memory_space<hbm>> -> memref<32xi32, #tpu.memory_space<hbm>>
      %dma_wait3A_321 = arith.constant 0 : i32
      %dma_wait3A_322 = tpu.memref_slice %arg10[%run_scoped3A_306, %dma_wait3A_321] : memref<8x32xi32, #tpu.memory_space<vmem>> -> memref<1x32xi32, #tpu.memory_space<vmem>>
      %dma_wait3A_323 = tpu.memref_squeeze %dma_wait3A_322 : memref<1x32xi32, #tpu.memory_space<vmem>> -> memref<32xi32, #tpu.memory_space<vmem>>
      tpu.wait_dma2 semaphore(%run_scoped3A_307 : memref<!tpu.dma_semaphore, #tpu.memory_space<semaphore_mem>>) src(%dma_wait3A_323 : memref<32xi32, #tpu.memory_space<vmem>>) dst(%dma_wait3A_320 : memref<32xi32, #tpu.memory_space<hbm>>)
      tpu.yield
    }) : () -> ()
    return
  }
}

#map = affine_map<(d0, d1) -> (0, 0)>
#map1 = affine_map<(d0, d1) -> (0)>
module attributes {stable_mosaic.version = 14 : i64} {
  func.func @body(%arg0: i32, %arg1: i32, %arg2: memref<16448x1024xf32, #tpu.memory_space<hbm>>, %arg3: memref<8192xi32, #tpu.memory_space<hbm>>, %arg4: memref<8192x1024xf32, #tpu.memory_space<hbm>>, %arg5: memref<32x1024xf32, #tpu.memory_space<vmem>>, %arg6: memref<32xi32, #tpu.memory_space<vmem>>, %arg7: memref<!tpu.dma_semaphore, #tpu.memory_space<semaphore_mem>>) attributes {dimension_semantics = [#tpu.dimension_semantics<core_parallel>, #tpu.dimension_semantics<subcore_parallel>], iteration_bounds = array<i64: 2, 16>, scalar_prefetch = 0 : i64, scratch_operands = 3 : i64, tpu.core_type = #tpu.core_type<sc_vector_subcore>, window_params = [{transform_indices = #map}, {transform_indices = #map1}, {transform_indices = #map}]} {
    %mul3A = arith.constant 2 : i32
    %mul3A_0 = arith.muli %arg1, %mul3A : i32
    %add3A = arith.addi %mul3A_0, %arg0 : i32
    %mul3A_1 = arith.constant 256 : i32
    %mul3A_2 = arith.muli %add3A, %mul3A_1 : i32
    %add3A_3 = arith.constant 0 : i32
    %add3A_4 = arith.addi %mul3A_2, %add3A_3 : i32
    "tpu.region"() ({
      %run_scoped3A = tpu.sem_alloc : memref<!tpu.dma_semaphore, #tpu.memory_space<semaphore_mem>>
      %dma_start3A_79 = tpu.memref_slice %arg3[%add3A_4] : memref<8192xi32, #tpu.memory_space<hbm>> -> memref<32xi32, #tpu.memory_space<hbm>>
      %dma_start3A_80 = tpu.memref_slice %arg3[%add3A_4] : memref<8192xi32, #tpu.memory_space<hbm>> -> memref<32xi32, #tpu.memory_space<hbm>>
      tpu.enqueue_dma source(%dma_start3A_80 : memref<32xi32, #tpu.memory_space<hbm>>) target(%arg6 : memref<32xi32, #tpu.memory_space<vmem>>) target_semaphore(%run_scoped3A : memref<!tpu.dma_semaphore, #tpu.memory_space<semaphore_mem>>)
      %dma_wait3A_81 = tpu.memref_slice %arg3[%add3A_4] : memref<8192xi32, #tpu.memory_space<hbm>> -> memref<32xi32, #tpu.memory_space<hbm>>
      %dma_wait3A_82 = tpu.memref_slice %arg3[%add3A_4] : memref<8192xi32, #tpu.memory_space<hbm>> -> memref<32xi32, #tpu.memory_space<hbm>>
      tpu.wait_dma2 semaphore(%run_scoped3A : memref<!tpu.dma_semaphore, #tpu.memory_space<semaphore_mem>>) src(%dma_wait3A_82 : memref<32xi32, #tpu.memory_space<hbm>>) dst(%arg6 : memref<32xi32, #tpu.memory_space<vmem>>)
      tpu.yield
    }) : () -> ()
    %dma_start3A = arith.constant 0 : i32
    %dma_start3A_5 = arith.constant 0 : i32
    %dma_start3A_6 = tpu.memref_slice %arg2[%dma_start3A, %dma_start3A_5] : memref<16448x1024xf32, #tpu.memory_space<hbm>> -> memref<16448x1024xf32, #tpu.memory_space<hbm>>
    tpu.enqueue_indirect_dma source(%dma_start3A_6 : memref<16448x1024xf32, #tpu.memory_space<hbm>>) target(%arg5 : memref<32x1024xf32, #tpu.memory_space<vmem>>) offsets(%arg6 : memref<32xi32, #tpu.memory_space<vmem>>) semaphore(%arg7 : memref<!tpu.dma_semaphore, #tpu.memory_space<semaphore_mem>>)
    %dma_wait3A = arith.constant 0 : i32
    %dma_wait3A_7 = arith.constant 0 : i32
    %dma_wait3A_8 = tpu.memref_slice %arg2[%dma_wait3A, %dma_wait3A_7] : memref<16448x1024xf32, #tpu.memory_space<hbm>> -> memref<16448x1024xf32, #tpu.memory_space<hbm>>
    tpu.wait_indirect_dma semaphore(%arg7 : memref<!tpu.dma_semaphore, #tpu.memory_space<semaphore_mem>>) src(%dma_wait3A_8 : memref<16448x1024xf32, #tpu.memory_space<hbm>>) dst(%arg5 : memref<32x1024xf32, #tpu.memory_space<vmem>>)
    "tpu.region"() ({
      %run_scoped3A = tpu.sem_alloc : memref<!tpu.dma_semaphore, #tpu.memory_space<semaphore_mem>>
      %dma_start3A_79 = arith.constant 0 : i32
      %dma_start3A_80 = tpu.memref_slice %arg4[%add3A_4, %dma_start3A_79] : memref<8192x1024xf32, #tpu.memory_space<hbm>> -> memref<32x1024xf32, #tpu.memory_space<hbm>>
      %dma_start3A_81 = arith.constant 0 : i32
      %dma_start3A_82 = tpu.memref_slice %arg4[%add3A_4, %dma_start3A_81] : memref<8192x1024xf32, #tpu.memory_space<hbm>> -> memref<32x1024xf32, #tpu.memory_space<hbm>>
      tpu.enqueue_dma source(%arg5 : memref<32x1024xf32, #tpu.memory_space<vmem>>) target(%dma_start3A_82 : memref<32x1024xf32, #tpu.memory_space<hbm>>) target_semaphore(%run_scoped3A : memref<!tpu.dma_semaphore, #tpu.memory_space<semaphore_mem>>)
      %dma_wait3A_83 = arith.constant 0 : i32
      %dma_wait3A_84 = tpu.memref_slice %arg4[%add3A_4, %dma_wait3A_83] : memref<8192x1024xf32, #tpu.memory_space<hbm>> -> memref<32x1024xf32, #tpu.memory_space<hbm>>
      %dma_wait3A_85 = arith.constant 0 : i32
      %dma_wait3A_86 = tpu.memref_slice %arg4[%add3A_4, %dma_wait3A_85] : memref<8192x1024xf32, #tpu.memory_space<hbm>> -> memref<32x1024xf32, #tpu.memory_space<hbm>>
      tpu.wait_dma2 semaphore(%run_scoped3A : memref<!tpu.dma_semaphore, #tpu.memory_space<semaphore_mem>>) src(%arg5 : memref<32x1024xf32, #tpu.memory_space<vmem>>) dst(%dma_wait3A_86 : memref<32x1024xf32, #tpu.memory_space<hbm>>)
      tpu.yield
    }) : () -> ()
    %mul3A_9 = arith.constant 256 : i32
    %mul3A_10 = arith.muli %add3A, %mul3A_9 : i32
    %add3A_11 = arith.constant 32 : i32
    %add3A_12 = arith.addi %mul3A_10, %add3A_11 : i32
    "tpu.region"() ({
      %run_scoped3A = tpu.sem_alloc : memref<!tpu.dma_semaphore, #tpu.memory_space<semaphore_mem>>
      %dma_start3A_79 = tpu.memref_slice %arg3[%add3A_12] : memref<8192xi32, #tpu.memory_space<hbm>> -> memref<32xi32, #tpu.memory_space<hbm>>
      %dma_start3A_80 = tpu.memref_slice %arg3[%add3A_12] : memref<8192xi32, #tpu.memory_space<hbm>> -> memref<32xi32, #tpu.memory_space<hbm>>
      tpu.enqueue_dma source(%dma_start3A_80 : memref<32xi32, #tpu.memory_space<hbm>>) target(%arg6 : memref<32xi32, #tpu.memory_space<vmem>>) target_semaphore(%run_scoped3A : memref<!tpu.dma_semaphore, #tpu.memory_space<semaphore_mem>>)
      %dma_wait3A_81 = tpu.memref_slice %arg3[%add3A_12] : memref<8192xi32, #tpu.memory_space<hbm>> -> memref<32xi32, #tpu.memory_space<hbm>>
      %dma_wait3A_82 = tpu.memref_slice %arg3[%add3A_12] : memref<8192xi32, #tpu.memory_space<hbm>> -> memref<32xi32, #tpu.memory_space<hbm>>
      tpu.wait_dma2 semaphore(%run_scoped3A : memref<!tpu.dma_semaphore, #tpu.memory_space<semaphore_mem>>) src(%dma_wait3A_82 : memref<32xi32, #tpu.memory_space<hbm>>) dst(%arg6 : memref<32xi32, #tpu.memory_space<vmem>>)
      tpu.yield
    }) : () -> ()
    %dma_start3A_13 = arith.constant 0 : i32
    %dma_start3A_14 = arith.constant 0 : i32
    %dma_start3A_15 = tpu.memref_slice %arg2[%dma_start3A_13, %dma_start3A_14] : memref<16448x1024xf32, #tpu.memory_space<hbm>> -> memref<16448x1024xf32, #tpu.memory_space<hbm>>
    tpu.enqueue_indirect_dma source(%dma_start3A_15 : memref<16448x1024xf32, #tpu.memory_space<hbm>>) target(%arg5 : memref<32x1024xf32, #tpu.memory_space<vmem>>) offsets(%arg6 : memref<32xi32, #tpu.memory_space<vmem>>) semaphore(%arg7 : memref<!tpu.dma_semaphore, #tpu.memory_space<semaphore_mem>>)
    %dma_wait3A_16 = arith.constant 0 : i32
    %dma_wait3A_17 = arith.constant 0 : i32
    %dma_wait3A_18 = tpu.memref_slice %arg2[%dma_wait3A_16, %dma_wait3A_17] : memref<16448x1024xf32, #tpu.memory_space<hbm>> -> memref<16448x1024xf32, #tpu.memory_space<hbm>>
    tpu.wait_indirect_dma semaphore(%arg7 : memref<!tpu.dma_semaphore, #tpu.memory_space<semaphore_mem>>) src(%dma_wait3A_18 : memref<16448x1024xf32, #tpu.memory_space<hbm>>) dst(%arg5 : memref<32x1024xf32, #tpu.memory_space<vmem>>)
    "tpu.region"() ({
      %run_scoped3A = tpu.sem_alloc : memref<!tpu.dma_semaphore, #tpu.memory_space<semaphore_mem>>
      %dma_start3A_79 = arith.constant 0 : i32
      %dma_start3A_80 = tpu.memref_slice %arg4[%add3A_12, %dma_start3A_79] : memref<8192x1024xf32, #tpu.memory_space<hbm>> -> memref<32x1024xf32, #tpu.memory_space<hbm>>
      %dma_start3A_81 = arith.constant 0 : i32
      %dma_start3A_82 = tpu.memref_slice %arg4[%add3A_12, %dma_start3A_81] : memref<8192x1024xf32, #tpu.memory_space<hbm>> -> memref<32x1024xf32, #tpu.memory_space<hbm>>
      tpu.enqueue_dma source(%arg5 : memref<32x1024xf32, #tpu.memory_space<vmem>>) target(%dma_start3A_82 : memref<32x1024xf32, #tpu.memory_space<hbm>>) target_semaphore(%run_scoped3A : memref<!tpu.dma_semaphore, #tpu.memory_space<semaphore_mem>>)
      %dma_wait3A_83 = arith.constant 0 : i32
      %dma_wait3A_84 = tpu.memref_slice %arg4[%add3A_12, %dma_wait3A_83] : memref<8192x1024xf32, #tpu.memory_space<hbm>> -> memref<32x1024xf32, #tpu.memory_space<hbm>>
      %dma_wait3A_85 = arith.constant 0 : i32
      %dma_wait3A_86 = tpu.memref_slice %arg4[%add3A_12, %dma_wait3A_85] : memref<8192x1024xf32, #tpu.memory_space<hbm>> -> memref<32x1024xf32, #tpu.memory_space<hbm>>
      tpu.wait_dma2 semaphore(%run_scoped3A : memref<!tpu.dma_semaphore, #tpu.memory_space<semaphore_mem>>) src(%arg5 : memref<32x1024xf32, #tpu.memory_space<vmem>>) dst(%dma_wait3A_86 : memref<32x1024xf32, #tpu.memory_space<hbm>>)
      tpu.yield
    }) : () -> ()
    %mul3A_19 = arith.constant 256 : i32
    %mul3A_20 = arith.muli %add3A, %mul3A_19 : i32
    %add3A_21 = arith.constant 64 : i32
    %add3A_22 = arith.addi %mul3A_20, %add3A_21 : i32
    "tpu.region"() ({
      %run_scoped3A = tpu.sem_alloc : memref<!tpu.dma_semaphore, #tpu.memory_space<semaphore_mem>>
      %dma_start3A_79 = tpu.memref_slice %arg3[%add3A_22] : memref<8192xi32, #tpu.memory_space<hbm>> -> memref<32xi32, #tpu.memory_space<hbm>>
      %dma_start3A_80 = tpu.memref_slice %arg3[%add3A_22] : memref<8192xi32, #tpu.memory_space<hbm>> -> memref<32xi32, #tpu.memory_space<hbm>>
      tpu.enqueue_dma source(%dma_start3A_80 : memref<32xi32, #tpu.memory_space<hbm>>) target(%arg6 : memref<32xi32, #tpu.memory_space<vmem>>) target_semaphore(%run_scoped3A : memref<!tpu.dma_semaphore, #tpu.memory_space<semaphore_mem>>)
      %dma_wait3A_81 = tpu.memref_slice %arg3[%add3A_22] : memref<8192xi32, #tpu.memory_space<hbm>> -> memref<32xi32, #tpu.memory_space<hbm>>
      %dma_wait3A_82 = tpu.memref_slice %arg3[%add3A_22] : memref<8192xi32, #tpu.memory_space<hbm>> -> memref<32xi32, #tpu.memory_space<hbm>>
      tpu.wait_dma2 semaphore(%run_scoped3A : memref<!tpu.dma_semaphore, #tpu.memory_space<semaphore_mem>>) src(%dma_wait3A_82 : memref<32xi32, #tpu.memory_space<hbm>>) dst(%arg6 : memref<32xi32, #tpu.memory_space<vmem>>)
      tpu.yield
    }) : () -> ()
    %dma_start3A_23 = arith.constant 0 : i32
    %dma_start3A_24 = arith.constant 0 : i32
    %dma_start3A_25 = tpu.memref_slice %arg2[%dma_start3A_23, %dma_start3A_24] : memref<16448x1024xf32, #tpu.memory_space<hbm>> -> memref<16448x1024xf32, #tpu.memory_space<hbm>>
    tpu.enqueue_indirect_dma source(%dma_start3A_25 : memref<16448x1024xf32, #tpu.memory_space<hbm>>) target(%arg5 : memref<32x1024xf32, #tpu.memory_space<vmem>>) offsets(%arg6 : memref<32xi32, #tpu.memory_space<vmem>>) semaphore(%arg7 : memref<!tpu.dma_semaphore, #tpu.memory_space<semaphore_mem>>)
    %dma_wait3A_26 = arith.constant 0 : i32
    %dma_wait3A_27 = arith.constant 0 : i32
    %dma_wait3A_28 = tpu.memref_slice %arg2[%dma_wait3A_26, %dma_wait3A_27] : memref<16448x1024xf32, #tpu.memory_space<hbm>> -> memref<16448x1024xf32, #tpu.memory_space<hbm>>
    tpu.wait_indirect_dma semaphore(%arg7 : memref<!tpu.dma_semaphore, #tpu.memory_space<semaphore_mem>>) src(%dma_wait3A_28 : memref<16448x1024xf32, #tpu.memory_space<hbm>>) dst(%arg5 : memref<32x1024xf32, #tpu.memory_space<vmem>>)
    "tpu.region"() ({
      %run_scoped3A = tpu.sem_alloc : memref<!tpu.dma_semaphore, #tpu.memory_space<semaphore_mem>>
      %dma_start3A_79 = arith.constant 0 : i32
      %dma_start3A_80 = tpu.memref_slice %arg4[%add3A_22, %dma_start3A_79] : memref<8192x1024xf32, #tpu.memory_space<hbm>> -> memref<32x1024xf32, #tpu.memory_space<hbm>>
      %dma_start3A_81 = arith.constant 0 : i32
      %dma_start3A_82 = tpu.memref_slice %arg4[%add3A_22, %dma_start3A_81] : memref<8192x1024xf32, #tpu.memory_space<hbm>> -> memref<32x1024xf32, #tpu.memory_space<hbm>>
      tpu.enqueue_dma source(%arg5 : memref<32x1024xf32, #tpu.memory_space<vmem>>) target(%dma_start3A_82 : memref<32x1024xf32, #tpu.memory_space<hbm>>) target_semaphore(%run_scoped3A : memref<!tpu.dma_semaphore, #tpu.memory_space<semaphore_mem>>)
      %dma_wait3A_83 = arith.constant 0 : i32
      %dma_wait3A_84 = tpu.memref_slice %arg4[%add3A_22, %dma_wait3A_83] : memref<8192x1024xf32, #tpu.memory_space<hbm>> -> memref<32x1024xf32, #tpu.memory_space<hbm>>
      %dma_wait3A_85 = arith.constant 0 : i32
      %dma_wait3A_86 = tpu.memref_slice %arg4[%add3A_22, %dma_wait3A_85] : memref<8192x1024xf32, #tpu.memory_space<hbm>> -> memref<32x1024xf32, #tpu.memory_space<hbm>>
      tpu.wait_dma2 semaphore(%run_scoped3A : memref<!tpu.dma_semaphore, #tpu.memory_space<semaphore_mem>>) src(%arg5 : memref<32x1024xf32, #tpu.memory_space<vmem>>) dst(%dma_wait3A_86 : memref<32x1024xf32, #tpu.memory_space<hbm>>)
      tpu.yield
    }) : () -> ()
    %mul3A_29 = arith.constant 256 : i32
    %mul3A_30 = arith.muli %add3A, %mul3A_29 : i32
    %add3A_31 = arith.constant 96 : i32
    %add3A_32 = arith.addi %mul3A_30, %add3A_31 : i32
    "tpu.region"() ({
      %run_scoped3A = tpu.sem_alloc : memref<!tpu.dma_semaphore, #tpu.memory_space<semaphore_mem>>
      %dma_start3A_79 = tpu.memref_slice %arg3[%add3A_32] : memref<8192xi32, #tpu.memory_space<hbm>> -> memref<32xi32, #tpu.memory_space<hbm>>
      %dma_start3A_80 = tpu.memref_slice %arg3[%add3A_32] : memref<8192xi32, #tpu.memory_space<hbm>> -> memref<32xi32, #tpu.memory_space<hbm>>
      tpu.enqueue_dma source(%dma_start3A_80 : memref<32xi32, #tpu.memory_space<hbm>>) target(%arg6 : memref<32xi32, #tpu.memory_space<vmem>>) target_semaphore(%run_scoped3A : memref<!tpu.dma_semaphore, #tpu.memory_space<semaphore_mem>>)
      %dma_wait3A_81 = tpu.memref_slice %arg3[%add3A_32] : memref<8192xi32, #tpu.memory_space<hbm>> -> memref<32xi32, #tpu.memory_space<hbm>>
      %dma_wait3A_82 = tpu.memref_slice %arg3[%add3A_32] : memref<8192xi32, #tpu.memory_space<hbm>> -> memref<32xi32, #tpu.memory_space<hbm>>
      tpu.wait_dma2 semaphore(%run_scoped3A : memref<!tpu.dma_semaphore, #tpu.memory_space<semaphore_mem>>) src(%dma_wait3A_82 : memref<32xi32, #tpu.memory_space<hbm>>) dst(%arg6 : memref<32xi32, #tpu.memory_space<vmem>>)
      tpu.yield
    }) : () -> ()
    %dma_start3A_33 = arith.constant 0 : i32
    %dma_start3A_34 = arith.constant 0 : i32
    %dma_start3A_35 = tpu.memref_slice %arg2[%dma_start3A_33, %dma_start3A_34] : memref<16448x1024xf32, #tpu.memory_space<hbm>> -> memref<16448x1024xf32, #tpu.memory_space<hbm>>
    tpu.enqueue_indirect_dma source(%dma_start3A_35 : memref<16448x1024xf32, #tpu.memory_space<hbm>>) target(%arg5 : memref<32x1024xf32, #tpu.memory_space<vmem>>) offsets(%arg6 : memref<32xi32, #tpu.memory_space<vmem>>) semaphore(%arg7 : memref<!tpu.dma_semaphore, #tpu.memory_space<semaphore_mem>>)
    %dma_wait3A_36 = arith.constant 0 : i32
    %dma_wait3A_37 = arith.constant 0 : i32
    %dma_wait3A_38 = tpu.memref_slice %arg2[%dma_wait3A_36, %dma_wait3A_37] : memref<16448x1024xf32, #tpu.memory_space<hbm>> -> memref<16448x1024xf32, #tpu.memory_space<hbm>>
    tpu.wait_indirect_dma semaphore(%arg7 : memref<!tpu.dma_semaphore, #tpu.memory_space<semaphore_mem>>) src(%dma_wait3A_38 : memref<16448x1024xf32, #tpu.memory_space<hbm>>) dst(%arg5 : memref<32x1024xf32, #tpu.memory_space<vmem>>)
    "tpu.region"() ({
      %run_scoped3A = tpu.sem_alloc : memref<!tpu.dma_semaphore, #tpu.memory_space<semaphore_mem>>
      %dma_start3A_79 = arith.constant 0 : i32
      %dma_start3A_80 = tpu.memref_slice %arg4[%add3A_32, %dma_start3A_79] : memref<8192x1024xf32, #tpu.memory_space<hbm>> -> memref<32x1024xf32, #tpu.memory_space<hbm>>
      %dma_start3A_81 = arith.constant 0 : i32
      %dma_start3A_82 = tpu.memref_slice %arg4[%add3A_32, %dma_start3A_81] : memref<8192x1024xf32, #tpu.memory_space<hbm>> -> memref<32x1024xf32, #tpu.memory_space<hbm>>
      tpu.enqueue_dma source(%arg5 : memref<32x1024xf32, #tpu.memory_space<vmem>>) target(%dma_start3A_82 : memref<32x1024xf32, #tpu.memory_space<hbm>>) target_semaphore(%run_scoped3A : memref<!tpu.dma_semaphore, #tpu.memory_space<semaphore_mem>>)
      %dma_wait3A_83 = arith.constant 0 : i32
      %dma_wait3A_84 = tpu.memref_slice %arg4[%add3A_32, %dma_wait3A_83] : memref<8192x1024xf32, #tpu.memory_space<hbm>> -> memref<32x1024xf32, #tpu.memory_space<hbm>>
      %dma_wait3A_85 = arith.constant 0 : i32
      %dma_wait3A_86 = tpu.memref_slice %arg4[%add3A_32, %dma_wait3A_85] : memref<8192x1024xf32, #tpu.memory_space<hbm>> -> memref<32x1024xf32, #tpu.memory_space<hbm>>
      tpu.wait_dma2 semaphore(%run_scoped3A : memref<!tpu.dma_semaphore, #tpu.memory_space<semaphore_mem>>) src(%arg5 : memref<32x1024xf32, #tpu.memory_space<vmem>>) dst(%dma_wait3A_86 : memref<32x1024xf32, #tpu.memory_space<hbm>>)
      tpu.yield
    }) : () -> ()
    %mul3A_39 = arith.constant 256 : i32
    %mul3A_40 = arith.muli %add3A, %mul3A_39 : i32
    %add3A_41 = arith.constant 128 : i32
    %add3A_42 = arith.addi %mul3A_40, %add3A_41 : i32
    "tpu.region"() ({
      %run_scoped3A = tpu.sem_alloc : memref<!tpu.dma_semaphore, #tpu.memory_space<semaphore_mem>>
      %dma_start3A_79 = tpu.memref_slice %arg3[%add3A_42] : memref<8192xi32, #tpu.memory_space<hbm>> -> memref<32xi32, #tpu.memory_space<hbm>>
      %dma_start3A_80 = tpu.memref_slice %arg3[%add3A_42] : memref<8192xi32, #tpu.memory_space<hbm>> -> memref<32xi32, #tpu.memory_space<hbm>>
      tpu.enqueue_dma source(%dma_start3A_80 : memref<32xi32, #tpu.memory_space<hbm>>) target(%arg6 : memref<32xi32, #tpu.memory_space<vmem>>) target_semaphore(%run_scoped3A : memref<!tpu.dma_semaphore, #tpu.memory_space<semaphore_mem>>)
      %dma_wait3A_81 = tpu.memref_slice %arg3[%add3A_42] : memref<8192xi32, #tpu.memory_space<hbm>> -> memref<32xi32, #tpu.memory_space<hbm>>
      %dma_wait3A_82 = tpu.memref_slice %arg3[%add3A_42] : memref<8192xi32, #tpu.memory_space<hbm>> -> memref<32xi32, #tpu.memory_space<hbm>>
      tpu.wait_dma2 semaphore(%run_scoped3A : memref<!tpu.dma_semaphore, #tpu.memory_space<semaphore_mem>>) src(%dma_wait3A_82 : memref<32xi32, #tpu.memory_space<hbm>>) dst(%arg6 : memref<32xi32, #tpu.memory_space<vmem>>)
      tpu.yield
    }) : () -> ()
    %dma_start3A_43 = arith.constant 0 : i32
    %dma_start3A_44 = arith.constant 0 : i32
    %dma_start3A_45 = tpu.memref_slice %arg2[%dma_start3A_43, %dma_start3A_44] : memref<16448x1024xf32, #tpu.memory_space<hbm>> -> memref<16448x1024xf32, #tpu.memory_space<hbm>>
    tpu.enqueue_indirect_dma source(%dma_start3A_45 : memref<16448x1024xf32, #tpu.memory_space<hbm>>) target(%arg5 : memref<32x1024xf32, #tpu.memory_space<vmem>>) offsets(%arg6 : memref<32xi32, #tpu.memory_space<vmem>>) semaphore(%arg7 : memref<!tpu.dma_semaphore, #tpu.memory_space<semaphore_mem>>)
    %dma_wait3A_46 = arith.constant 0 : i32
    %dma_wait3A_47 = arith.constant 0 : i32
    %dma_wait3A_48 = tpu.memref_slice %arg2[%dma_wait3A_46, %dma_wait3A_47] : memref<16448x1024xf32, #tpu.memory_space<hbm>> -> memref<16448x1024xf32, #tpu.memory_space<hbm>>
    tpu.wait_indirect_dma semaphore(%arg7 : memref<!tpu.dma_semaphore, #tpu.memory_space<semaphore_mem>>) src(%dma_wait3A_48 : memref<16448x1024xf32, #tpu.memory_space<hbm>>) dst(%arg5 : memref<32x1024xf32, #tpu.memory_space<vmem>>)
    "tpu.region"() ({
      %run_scoped3A = tpu.sem_alloc : memref<!tpu.dma_semaphore, #tpu.memory_space<semaphore_mem>>
      %dma_start3A_79 = arith.constant 0 : i32
      %dma_start3A_80 = tpu.memref_slice %arg4[%add3A_42, %dma_start3A_79] : memref<8192x1024xf32, #tpu.memory_space<hbm>> -> memref<32x1024xf32, #tpu.memory_space<hbm>>
      %dma_start3A_81 = arith.constant 0 : i32
      %dma_start3A_82 = tpu.memref_slice %arg4[%add3A_42, %dma_start3A_81] : memref<8192x1024xf32, #tpu.memory_space<hbm>> -> memref<32x1024xf32, #tpu.memory_space<hbm>>
      tpu.enqueue_dma source(%arg5 : memref<32x1024xf32, #tpu.memory_space<vmem>>) target(%dma_start3A_82 : memref<32x1024xf32, #tpu.memory_space<hbm>>) target_semaphore(%run_scoped3A : memref<!tpu.dma_semaphore, #tpu.memory_space<semaphore_mem>>)
      %dma_wait3A_83 = arith.constant 0 : i32
      %dma_wait3A_84 = tpu.memref_slice %arg4[%add3A_42, %dma_wait3A_83] : memref<8192x1024xf32, #tpu.memory_space<hbm>> -> memref<32x1024xf32, #tpu.memory_space<hbm>>
      %dma_wait3A_85 = arith.constant 0 : i32
      %dma_wait3A_86 = tpu.memref_slice %arg4[%add3A_42, %dma_wait3A_85] : memref<8192x1024xf32, #tpu.memory_space<hbm>> -> memref<32x1024xf32, #tpu.memory_space<hbm>>
      tpu.wait_dma2 semaphore(%run_scoped3A : memref<!tpu.dma_semaphore, #tpu.memory_space<semaphore_mem>>) src(%arg5 : memref<32x1024xf32, #tpu.memory_space<vmem>>) dst(%dma_wait3A_86 : memref<32x1024xf32, #tpu.memory_space<hbm>>)
      tpu.yield
    }) : () -> ()
    %mul3A_49 = arith.constant 256 : i32
    %mul3A_50 = arith.muli %add3A, %mul3A_49 : i32
    %add3A_51 = arith.constant 160 : i32
    %add3A_52 = arith.addi %mul3A_50, %add3A_51 : i32
    "tpu.region"() ({
      %run_scoped3A = tpu.sem_alloc : memref<!tpu.dma_semaphore, #tpu.memory_space<semaphore_mem>>
      %dma_start3A_79 = tpu.memref_slice %arg3[%add3A_52] : memref<8192xi32, #tpu.memory_space<hbm>> -> memref<32xi32, #tpu.memory_space<hbm>>
      %dma_start3A_80 = tpu.memref_slice %arg3[%add3A_52] : memref<8192xi32, #tpu.memory_space<hbm>> -> memref<32xi32, #tpu.memory_space<hbm>>
      tpu.enqueue_dma source(%dma_start3A_80 : memref<32xi32, #tpu.memory_space<hbm>>) target(%arg6 : memref<32xi32, #tpu.memory_space<vmem>>) target_semaphore(%run_scoped3A : memref<!tpu.dma_semaphore, #tpu.memory_space<semaphore_mem>>)
      %dma_wait3A_81 = tpu.memref_slice %arg3[%add3A_52] : memref<8192xi32, #tpu.memory_space<hbm>> -> memref<32xi32, #tpu.memory_space<hbm>>
      %dma_wait3A_82 = tpu.memref_slice %arg3[%add3A_52] : memref<8192xi32, #tpu.memory_space<hbm>> -> memref<32xi32, #tpu.memory_space<hbm>>
      tpu.wait_dma2 semaphore(%run_scoped3A : memref<!tpu.dma_semaphore, #tpu.memory_space<semaphore_mem>>) src(%dma_wait3A_82 : memref<32xi32, #tpu.memory_space<hbm>>) dst(%arg6 : memref<32xi32, #tpu.memory_space<vmem>>)
      tpu.yield
    }) : () -> ()
    %dma_start3A_53 = arith.constant 0 : i32
    %dma_start3A_54 = arith.constant 0 : i32
    %dma_start3A_55 = tpu.memref_slice %arg2[%dma_start3A_53, %dma_start3A_54] : memref<16448x1024xf32, #tpu.memory_space<hbm>> -> memref<16448x1024xf32, #tpu.memory_space<hbm>>
    tpu.enqueue_indirect_dma source(%dma_start3A_55 : memref<16448x1024xf32, #tpu.memory_space<hbm>>) target(%arg5 : memref<32x1024xf32, #tpu.memory_space<vmem>>) offsets(%arg6 : memref<32xi32, #tpu.memory_space<vmem>>) semaphore(%arg7 : memref<!tpu.dma_semaphore, #tpu.memory_space<semaphore_mem>>)
    %dma_wait3A_56 = arith.constant 0 : i32
    %dma_wait3A_57 = arith.constant 0 : i32
    %dma_wait3A_58 = tpu.memref_slice %arg2[%dma_wait3A_56, %dma_wait3A_57] : memref<16448x1024xf32, #tpu.memory_space<hbm>> -> memref<16448x1024xf32, #tpu.memory_space<hbm>>
    tpu.wait_indirect_dma semaphore(%arg7 : memref<!tpu.dma_semaphore, #tpu.memory_space<semaphore_mem>>) src(%dma_wait3A_58 : memref<16448x1024xf32, #tpu.memory_space<hbm>>) dst(%arg5 : memref<32x1024xf32, #tpu.memory_space<vmem>>)
    "tpu.region"() ({
      %run_scoped3A = tpu.sem_alloc : memref<!tpu.dma_semaphore, #tpu.memory_space<semaphore_mem>>
      %dma_start3A_79 = arith.constant 0 : i32
      %dma_start3A_80 = tpu.memref_slice %arg4[%add3A_52, %dma_start3A_79] : memref<8192x1024xf32, #tpu.memory_space<hbm>> -> memref<32x1024xf32, #tpu.memory_space<hbm>>
      %dma_start3A_81 = arith.constant 0 : i32
      %dma_start3A_82 = tpu.memref_slice %arg4[%add3A_52, %dma_start3A_81] : memref<8192x1024xf32, #tpu.memory_space<hbm>> -> memref<32x1024xf32, #tpu.memory_space<hbm>>
      tpu.enqueue_dma source(%arg5 : memref<32x1024xf32, #tpu.memory_space<vmem>>) target(%dma_start3A_82 : memref<32x1024xf32, #tpu.memory_space<hbm>>) target_semaphore(%run_scoped3A : memref<!tpu.dma_semaphore, #tpu.memory_space<semaphore_mem>>)
      %dma_wait3A_83 = arith.constant 0 : i32
      %dma_wait3A_84 = tpu.memref_slice %arg4[%add3A_52, %dma_wait3A_83] : memref<8192x1024xf32, #tpu.memory_space<hbm>> -> memref<32x1024xf32, #tpu.memory_space<hbm>>
      %dma_wait3A_85 = arith.constant 0 : i32
      %dma_wait3A_86 = tpu.memref_slice %arg4[%add3A_52, %dma_wait3A_85] : memref<8192x1024xf32, #tpu.memory_space<hbm>> -> memref<32x1024xf32, #tpu.memory_space<hbm>>
      tpu.wait_dma2 semaphore(%run_scoped3A : memref<!tpu.dma_semaphore, #tpu.memory_space<semaphore_mem>>) src(%arg5 : memref<32x1024xf32, #tpu.memory_space<vmem>>) dst(%dma_wait3A_86 : memref<32x1024xf32, #tpu.memory_space<hbm>>)
      tpu.yield
    }) : () -> ()
    %mul3A_59 = arith.constant 256 : i32
    %mul3A_60 = arith.muli %add3A, %mul3A_59 : i32
    %add3A_61 = arith.constant 192 : i32
    %add3A_62 = arith.addi %mul3A_60, %add3A_61 : i32
    "tpu.region"() ({
      %run_scoped3A = tpu.sem_alloc : memref<!tpu.dma_semaphore, #tpu.memory_space<semaphore_mem>>
      %dma_start3A_79 = tpu.memref_slice %arg3[%add3A_62] : memref<8192xi32, #tpu.memory_space<hbm>> -> memref<32xi32, #tpu.memory_space<hbm>>
      %dma_start3A_80 = tpu.memref_slice %arg3[%add3A_62] : memref<8192xi32, #tpu.memory_space<hbm>> -> memref<32xi32, #tpu.memory_space<hbm>>
      tpu.enqueue_dma source(%dma_start3A_80 : memref<32xi32, #tpu.memory_space<hbm>>) target(%arg6 : memref<32xi32, #tpu.memory_space<vmem>>) target_semaphore(%run_scoped3A : memref<!tpu.dma_semaphore, #tpu.memory_space<semaphore_mem>>)
      %dma_wait3A_81 = tpu.memref_slice %arg3[%add3A_62] : memref<8192xi32, #tpu.memory_space<hbm>> -> memref<32xi32, #tpu.memory_space<hbm>>
      %dma_wait3A_82 = tpu.memref_slice %arg3[%add3A_62] : memref<8192xi32, #tpu.memory_space<hbm>> -> memref<32xi32, #tpu.memory_space<hbm>>
      tpu.wait_dma2 semaphore(%run_scoped3A : memref<!tpu.dma_semaphore, #tpu.memory_space<semaphore_mem>>) src(%dma_wait3A_82 : memref<32xi32, #tpu.memory_space<hbm>>) dst(%arg6 : memref<32xi32, #tpu.memory_space<vmem>>)
      tpu.yield
    }) : () -> ()
    %dma_start3A_63 = arith.constant 0 : i32
    %dma_start3A_64 = arith.constant 0 : i32
    %dma_start3A_65 = tpu.memref_slice %arg2[%dma_start3A_63, %dma_start3A_64] : memref<16448x1024xf32, #tpu.memory_space<hbm>> -> memref<16448x1024xf32, #tpu.memory_space<hbm>>
    tpu.enqueue_indirect_dma source(%dma_start3A_65 : memref<16448x1024xf32, #tpu.memory_space<hbm>>) target(%arg5 : memref<32x1024xf32, #tpu.memory_space<vmem>>) offsets(%arg6 : memref<32xi32, #tpu.memory_space<vmem>>) semaphore(%arg7 : memref<!tpu.dma_semaphore, #tpu.memory_space<semaphore_mem>>)
    %dma_wait3A_66 = arith.constant 0 : i32
    %dma_wait3A_67 = arith.constant 0 : i32
    %dma_wait3A_68 = tpu.memref_slice %arg2[%dma_wait3A_66, %dma_wait3A_67] : memref<16448x1024xf32, #tpu.memory_space<hbm>> -> memref<16448x1024xf32, #tpu.memory_space<hbm>>
    tpu.wait_indirect_dma semaphore(%arg7 : memref<!tpu.dma_semaphore, #tpu.memory_space<semaphore_mem>>) src(%dma_wait3A_68 : memref<16448x1024xf32, #tpu.memory_space<hbm>>) dst(%arg5 : memref<32x1024xf32, #tpu.memory_space<vmem>>)
    "tpu.region"() ({
      %run_scoped3A = tpu.sem_alloc : memref<!tpu.dma_semaphore, #tpu.memory_space<semaphore_mem>>
      %dma_start3A_79 = arith.constant 0 : i32
      %dma_start3A_80 = tpu.memref_slice %arg4[%add3A_62, %dma_start3A_79] : memref<8192x1024xf32, #tpu.memory_space<hbm>> -> memref<32x1024xf32, #tpu.memory_space<hbm>>
      %dma_start3A_81 = arith.constant 0 : i32
      %dma_start3A_82 = tpu.memref_slice %arg4[%add3A_62, %dma_start3A_81] : memref<8192x1024xf32, #tpu.memory_space<hbm>> -> memref<32x1024xf32, #tpu.memory_space<hbm>>
      tpu.enqueue_dma source(%arg5 : memref<32x1024xf32, #tpu.memory_space<vmem>>) target(%dma_start3A_82 : memref<32x1024xf32, #tpu.memory_space<hbm>>) target_semaphore(%run_scoped3A : memref<!tpu.dma_semaphore, #tpu.memory_space<semaphore_mem>>)
      %dma_wait3A_83 = arith.constant 0 : i32
      %dma_wait3A_84 = tpu.memref_slice %arg4[%add3A_62, %dma_wait3A_83] : memref<8192x1024xf32, #tpu.memory_space<hbm>> -> memref<32x1024xf32, #tpu.memory_space<hbm>>
      %dma_wait3A_85 = arith.constant 0 : i32
      %dma_wait3A_86 = tpu.memref_slice %arg4[%add3A_62, %dma_wait3A_85] : memref<8192x1024xf32, #tpu.memory_space<hbm>> -> memref<32x1024xf32, #tpu.memory_space<hbm>>
      tpu.wait_dma2 semaphore(%run_scoped3A : memref<!tpu.dma_semaphore, #tpu.memory_space<semaphore_mem>>) src(%arg5 : memref<32x1024xf32, #tpu.memory_space<vmem>>) dst(%dma_wait3A_86 : memref<32x1024xf32, #tpu.memory_space<hbm>>)
      tpu.yield
    }) : () -> ()
    %mul3A_69 = arith.constant 256 : i32
    %mul3A_70 = arith.muli %add3A, %mul3A_69 : i32
    %add3A_71 = arith.constant 224 : i32
    %add3A_72 = arith.addi %mul3A_70, %add3A_71 : i32
    "tpu.region"() ({
      %run_scoped3A = tpu.sem_alloc : memref<!tpu.dma_semaphore, #tpu.memory_space<semaphore_mem>>
      %dma_start3A_79 = tpu.memref_slice %arg3[%add3A_72] : memref<8192xi32, #tpu.memory_space<hbm>> -> memref<32xi32, #tpu.memory_space<hbm>>
      %dma_start3A_80 = tpu.memref_slice %arg3[%add3A_72] : memref<8192xi32, #tpu.memory_space<hbm>> -> memref<32xi32, #tpu.memory_space<hbm>>
      tpu.enqueue_dma source(%dma_start3A_80 : memref<32xi32, #tpu.memory_space<hbm>>) target(%arg6 : memref<32xi32, #tpu.memory_space<vmem>>) target_semaphore(%run_scoped3A : memref<!tpu.dma_semaphore, #tpu.memory_space<semaphore_mem>>)
      %dma_wait3A_81 = tpu.memref_slice %arg3[%add3A_72] : memref<8192xi32, #tpu.memory_space<hbm>> -> memref<32xi32, #tpu.memory_space<hbm>>
      %dma_wait3A_82 = tpu.memref_slice %arg3[%add3A_72] : memref<8192xi32, #tpu.memory_space<hbm>> -> memref<32xi32, #tpu.memory_space<hbm>>
      tpu.wait_dma2 semaphore(%run_scoped3A : memref<!tpu.dma_semaphore, #tpu.memory_space<semaphore_mem>>) src(%dma_wait3A_82 : memref<32xi32, #tpu.memory_space<hbm>>) dst(%arg6 : memref<32xi32, #tpu.memory_space<vmem>>)
      tpu.yield
    }) : () -> ()
    %dma_start3A_73 = arith.constant 0 : i32
    %dma_start3A_74 = arith.constant 0 : i32
    %dma_start3A_75 = tpu.memref_slice %arg2[%dma_start3A_73, %dma_start3A_74] : memref<16448x1024xf32, #tpu.memory_space<hbm>> -> memref<16448x1024xf32, #tpu.memory_space<hbm>>
    tpu.enqueue_indirect_dma source(%dma_start3A_75 : memref<16448x1024xf32, #tpu.memory_space<hbm>>) target(%arg5 : memref<32x1024xf32, #tpu.memory_space<vmem>>) offsets(%arg6 : memref<32xi32, #tpu.memory_space<vmem>>) semaphore(%arg7 : memref<!tpu.dma_semaphore, #tpu.memory_space<semaphore_mem>>)
    %dma_wait3A_76 = arith.constant 0 : i32
    %dma_wait3A_77 = arith.constant 0 : i32
    %dma_wait3A_78 = tpu.memref_slice %arg2[%dma_wait3A_76, %dma_wait3A_77] : memref<16448x1024xf32, #tpu.memory_space<hbm>> -> memref<16448x1024xf32, #tpu.memory_space<hbm>>
    tpu.wait_indirect_dma semaphore(%arg7 : memref<!tpu.dma_semaphore, #tpu.memory_space<semaphore_mem>>) src(%dma_wait3A_78 : memref<16448x1024xf32, #tpu.memory_space<hbm>>) dst(%arg5 : memref<32x1024xf32, #tpu.memory_space<vmem>>)
    "tpu.region"() ({
      %run_scoped3A = tpu.sem_alloc : memref<!tpu.dma_semaphore, #tpu.memory_space<semaphore_mem>>
      %dma_start3A_79 = arith.constant 0 : i32
      %dma_start3A_80 = tpu.memref_slice %arg4[%add3A_72, %dma_start3A_79] : memref<8192x1024xf32, #tpu.memory_space<hbm>> -> memref<32x1024xf32, #tpu.memory_space<hbm>>
      %dma_start3A_81 = arith.constant 0 : i32
      %dma_start3A_82 = tpu.memref_slice %arg4[%add3A_72, %dma_start3A_81] : memref<8192x1024xf32, #tpu.memory_space<hbm>> -> memref<32x1024xf32, #tpu.memory_space<hbm>>
      tpu.enqueue_dma source(%arg5 : memref<32x1024xf32, #tpu.memory_space<vmem>>) target(%dma_start3A_82 : memref<32x1024xf32, #tpu.memory_space<hbm>>) target_semaphore(%run_scoped3A : memref<!tpu.dma_semaphore, #tpu.memory_space<semaphore_mem>>)
      %dma_wait3A_83 = arith.constant 0 : i32
      %dma_wait3A_84 = tpu.memref_slice %arg4[%add3A_72, %dma_wait3A_83] : memref<8192x1024xf32, #tpu.memory_space<hbm>> -> memref<32x1024xf32, #tpu.memory_space<hbm>>
      %dma_wait3A_85 = arith.constant 0 : i32
      %dma_wait3A_86 = tpu.memref_slice %arg4[%add3A_72, %dma_wait3A_85] : memref<8192x1024xf32, #tpu.memory_space<hbm>> -> memref<32x1024xf32, #tpu.memory_space<hbm>>
      tpu.wait_dma2 semaphore(%run_scoped3A : memref<!tpu.dma_semaphore, #tpu.memory_space<semaphore_mem>>) src(%arg5 : memref<32x1024xf32, #tpu.memory_space<vmem>>) dst(%dma_wait3A_86 : memref<32x1024xf32, #tpu.memory_space<hbm>>)
      tpu.yield
    }) : () -> ()
    return
  }
}

module attributes {stable_mosaic.version = 14 : i64} {
  func.func @_routing_body(%arg0: i32, %arg1: memref<1024x1024xf32, #tpu.memory_space<vmem>>, %arg2: memref<2048x1024xf32, #tpu.memory_space<vmem>>, %arg3: memref<1x2048xf32, #tpu.memory_space<vmem>>, %arg4: memref<1024x1xi32, #tpu.memory_space<vmem>>, %arg5: memref<1024x1xi32, #tpu.memory_space<vmem>>, %arg6: memref<1x2176xi32, #tpu.memory_space<vmem>>, %arg7: memref<256x1xi32, #tpu.memory_space<vmem>>, %arg8: memref<1x2048xf32, #tpu.memory_space<vmem>>) attributes {dimension_semantics = [#tpu.dimension_semantics<arbitrary>], iteration_bounds = array<i64: 8>, scalar_prefetch = 0 : i64, scratch_operands = 1 : i64, tpu.core_type = #tpu.core_type<tc>, window_params = [{transform_indices = @transform_0, window_bounds = array<i64: 1024, 1024>}, {pipeline_mode = #tpu.pipeline_mode<synchronous>, transform_indices = @transform_1, window_bounds = array<i64: 2048, 1024>}, {pipeline_mode = #tpu.pipeline_mode<synchronous>, transform_indices = @transform_2, window_bounds = array<i64: 1, 2048>}, {transform_indices = @transform_3, window_bounds = array<i64: 1024, 1>}, {transform_indices = @transform_4, window_bounds = array<i64: 1024, 1>}, {pipeline_mode = #tpu.pipeline_mode<synchronous>, transform_indices = @transform_5, window_bounds = array<i64: 1, 2176>}, {pipeline_mode = #tpu.pipeline_mode<synchronous>, transform_indices = @transform_6, window_bounds = array<i64: 256, 1>}]} {
    %eq3A = arith.constant 0 : i32
    %eq3A_0 = arith.cmpi eq, %arg0, %eq3A : i32
    %convert_element_type3A = arith.extui %eq3A_0 : i1 to i32
    %cond3A = arith.constant 0 : i32
    %cond3A_1 = arith.cmpi ne, %convert_element_type3A, %cond3A : i32
    scf.if %cond3A_1 {
      %broadcast_in_dim3A_630 = arith.constant 0.000000e+00 : f32
      %broadcast_in_dim3A_631 = vector.broadcast %broadcast_in_dim3A_630 : f32 to vector<1x2048xf32>
      %swap3A_632 = arith.constant 0 : index
      %swap3A_633 = arith.constant 0 : index
      %swap3A_634 = vector.load %arg8[%swap3A_632, %swap3A_633] : memref<1x2048xf32, #tpu.memory_space<vmem>>, vector<1x2048xf32>
      tpu.vector_store %arg8[%swap3A_632, %swap3A_633], %broadcast_in_dim3A_631 {strides = array<i32>} : memref<1x2048xf32, #tpu.memory_space<vmem>>, vector<1x2048xf32>,
    } else {
    }
    %get3A = arith.constant 0 : index
    %get3A_2 = arith.constant 0 : index
    %get3A_3 = vector.load %arg1[%get3A, %get3A_2] : memref<1024x1024xf32, #tpu.memory_space<vmem>>, vector<1024x1024xf32>
    %get3A_4 = arith.constant 0 : index
    %get3A_5 = arith.constant 0 : index
    %get3A_6 = vector.load %arg2[%get3A_4, %get3A_5] : memref<2048x1024xf32, #tpu.memory_space<vmem>>, vector<2048x1024xf32>
    %dot_general3A = arith.constant dense<0.000000e+00> : vector<1024x2048xf32>
    %dot_general3A_7 = tpu.matmul %get3A_3, %get3A_6, %dot_general3A {dimension_numbers = #tpu.dot_dimension_numbers<[1], [1], [0], [0], [0, 0, 1, 0], [], []>, precision = #tpu.contract_precision<fp32>, transpose_lhs_hint = false} : vector<1024x1024xf32>, vector<2048x1024xf32>, vector<1024x2048xf32> -> vector<1024x2048xf32>
    %get3A_8 = arith.constant 0 : index
    %get3A_9 = arith.constant 0 : index
    %get3A_10 = vector.load %arg3[%get3A_8, %get3A_9] : memref<1x2048xf32, #tpu.memory_space<vmem>>, vector<1x2048xf32>
    %add3A = vector.broadcast %get3A_10 : vector<1x2048xf32> to vector<1024x2048xf32>
    %add3A_11 = arith.addf %dot_general3A_7, %add3A : vector<1024x2048xf32>
    %broadcast_in_dim3A = arith.constant 0 : i32
    %broadcast_in_dim3A_12 = vector.broadcast %broadcast_in_dim3A : i32 to vector<1024x1xi32>
    %slice3A = vector.extract_strided_slice %add3A_11 {offsets = [0, 0], sizes = [1024, 1], strides = [1, 1]} : vector<1024x2048xf32> to vector<1024x1xf32>
    %ge3A = arith.constant 0.000000e+00 : f32
    %ge3A_13 = vector.broadcast %ge3A : f32 to vector<1024x1xf32>
    %ge3A_14 = arith.cmpf oge, %slice3A, %ge3A_13 : vector<1024x1xf32>
    %convert_element_type3A_15 = arith.extui %ge3A_14 : vector<1024x1xi1> to vector<1024x1xi32>
    %mul3A = arith.constant 2 : i32
    %mul3A_16 = vector.broadcast %mul3A : i32 to vector<1024x1xi32>
    %mul3A_17 = arith.muli %broadcast_in_dim3A_12, %mul3A_16 : vector<1024x1xi32>
    %add3A_18 = arith.addi %mul3A_17, %convert_element_type3A_15 : vector<1024x1xi32>
    %slice3A_19 = vector.extract_strided_slice %add3A_11 {offsets = [0, 1], sizes = [1024, 2], strides = [1, 1]} : vector<1024x2048xf32> to vector<1024x2xf32>
    %iota3A = tpu.iota {dimensions = array<i32: 1>} : vector<1024x2xi32>
    %eq3A_20 = vector.broadcast %add3A_18 : vector<1024x1xi32> to vector<1024x2xi32>
    %eq3A_21 = arith.cmpi eq, %iota3A, %eq3A_20 : vector<1024x2xi32>
    %convert_element_type3A_22 = arith.extui %eq3A_21 : vector<1024x2xi1> to vector<1024x2xi32>
    %convert_element_type3A_23 = arith.sitofp %convert_element_type3A_22 : vector<1024x2xi32> to vector<1024x2xf32>
    %mul3A_24 = arith.mulf %slice3A_19, %convert_element_type3A_23 : vector<1024x2xf32>
    %reduce_sum3A = arith.constant dense<0.000000e+00> : vector<1024xf32>
    %reduce_sum3A_25 = vector.multi_reduction <add>, %mul3A_24, %reduce_sum3A [1] : vector<1024x2xf32> to vector<1024xf32>
    %broadcast_in_dim3A_26 = vector.shape_cast %reduce_sum3A_25 : vector<1024xf32> to vector<1024x1xf32>
    %ge3A_27 = arith.constant 0.000000e+00 : f32
    %ge3A_28 = vector.broadcast %ge3A_27 : f32 to vector<1024x1xf32>
    %ge3A_29 = arith.cmpf oge, %broadcast_in_dim3A_26, %ge3A_28 : vector<1024x1xf32>
    %convert_element_type3A_30 = arith.extui %ge3A_29 : vector<1024x1xi1> to vector<1024x1xi32>
    %mul3A_31 = arith.constant 2 : i32
    %mul3A_32 = vector.broadcast %mul3A_31 : i32 to vector<1024x1xi32>
    %mul3A_33 = arith.muli %add3A_18, %mul3A_32 : vector<1024x1xi32>
    %add3A_34 = arith.addi %mul3A_33, %convert_element_type3A_30 : vector<1024x1xi32>
    %slice3A_35 = vector.extract_strided_slice %add3A_11 {offsets = [0, 3], sizes = [1024, 4], strides = [1, 1]} : vector<1024x2048xf32> to vector<1024x4xf32>
    %iota3A_36 = tpu.iota {dimensions = array<i32: 1>} : vector<1024x4xi32>
    %eq3A_37 = vector.broadcast %add3A_34 : vector<1024x1xi32> to vector<1024x4xi32>
    %eq3A_38 = arith.cmpi eq, %iota3A_36, %eq3A_37 : vector<1024x4xi32>
    %convert_element_type3A_39 = arith.extui %eq3A_38 : vector<1024x4xi1> to vector<1024x4xi32>
    %convert_element_type3A_40 = arith.sitofp %convert_element_type3A_39 : vector<1024x4xi32> to vector<1024x4xf32>
    %mul3A_41 = arith.mulf %slice3A_35, %convert_element_type3A_40 : vector<1024x4xf32>
    %reduce_sum3A_42 = arith.constant dense<0.000000e+00> : vector<1024xf32>
    %reduce_sum3A_43 = vector.multi_reduction <add>, %mul3A_41, %reduce_sum3A_42 [1] : vector<1024x4xf32> to vector<1024xf32>
    %broadcast_in_dim3A_44 = vector.shape_cast %reduce_sum3A_43 : vector<1024xf32> to vector<1024x1xf32>
    %ge3A_45 = arith.constant 0.000000e+00 : f32
    %ge3A_46 = vector.broadcast %ge3A_45 : f32 to vector<1024x1xf32>
    %ge3A_47 = arith.cmpf oge, %broadcast_in_dim3A_44, %ge3A_46 : vector<1024x1xf32>
    %convert_element_type3A_48 = arith.extui %ge3A_47 : vector<1024x1xi1> to vector<1024x1xi32>
    %mul3A_49 = arith.constant 2 : i32
    %mul3A_50 = vector.broadcast %mul3A_49 : i32 to vector<1024x1xi32>
    %mul3A_51 = arith.muli %add3A_34, %mul3A_50 : vector<1024x1xi32>
    %add3A_52 = arith.addi %mul3A_51, %convert_element_type3A_48 : vector<1024x1xi32>
    %slice3A_53 = vector.extract_strided_slice %add3A_11 {offsets = [0, 7], sizes = [1024, 8], strides = [1, 1]} : vector<1024x2048xf32> to vector<1024x8xf32>
    %iota3A_54 = tpu.iota {dimensions = array<i32: 1>} : vector<1024x8xi32>
    %eq3A_55 = vector.broadcast %add3A_52 : vector<1024x1xi32> to vector<1024x8xi32>
    %eq3A_56 = arith.cmpi eq, %iota3A_54, %eq3A_55 : vector<1024x8xi32>
    %convert_element_type3A_57 = arith.extui %eq3A_56 : vector<1024x8xi1> to vector<1024x8xi32>
    %convert_element_type3A_58 = arith.sitofp %convert_element_type3A_57 : vector<1024x8xi32> to vector<1024x8xf32>
    %mul3A_59 = arith.mulf %slice3A_53, %convert_element_type3A_58 : vector<1024x8xf32>
    %reduce_sum3A_60 = arith.constant dense<0.000000e+00> : vector<1024xf32>
    %reduce_sum3A_61 = vector.multi_reduction <add>, %mul3A_59, %reduce_sum3A_60 [1] : vector<1024x8xf32> to vector<1024xf32>
    %broadcast_in_dim3A_62 = vector.shape_cast %reduce_sum3A_61 : vector<1024xf32> to vector<1024x1xf32>
    %ge3A_63 = arith.constant 0.000000e+00 : f32
    %ge3A_64 = vector.broadcast %ge3A_63 : f32 to vector<1024x1xf32>
    %ge3A_65 = arith.cmpf oge, %broadcast_in_dim3A_62, %ge3A_64 : vector<1024x1xf32>
    %convert_element_type3A_66 = arith.extui %ge3A_65 : vector<1024x1xi1> to vector<1024x1xi32>
    %mul3A_67 = arith.constant 2 : i32
    %mul3A_68 = vector.broadcast %mul3A_67 : i32 to vector<1024x1xi32>
    %mul3A_69 = arith.muli %add3A_52, %mul3A_68 : vector<1024x1xi32>
    %add3A_70 = arith.addi %mul3A_69, %convert_element_type3A_66 : vector<1024x1xi32>
    %slice3A_71 = vector.extract_strided_slice %add3A_11 {offsets = [0, 15], sizes = [1024, 16], strides = [1, 1]} : vector<1024x2048xf32> to vector<1024x16xf32>
    %iota3A_72 = tpu.iota {dimensions = array<i32: 1>} : vector<1024x16xi32>
    %eq3A_73 = vector.broadcast %add3A_70 : vector<1024x1xi32> to vector<1024x16xi32>
    %eq3A_74 = arith.cmpi eq, %iota3A_72, %eq3A_73 : vector<1024x16xi32>
    %convert_element_type3A_75 = arith.extui %eq3A_74 : vector<1024x16xi1> to vector<1024x16xi32>
    %convert_element_type3A_76 = arith.sitofp %convert_element_type3A_75 : vector<1024x16xi32> to vector<1024x16xf32>
    %mul3A_77 = arith.mulf %slice3A_71, %convert_element_type3A_76 : vector<1024x16xf32>
    %reduce_sum3A_78 = arith.constant dense<0.000000e+00> : vector<1024xf32>
    %reduce_sum3A_79 = vector.multi_reduction <add>, %mul3A_77, %reduce_sum3A_78 [1] : vector<1024x16xf32> to vector<1024xf32>
    %broadcast_in_dim3A_80 = vector.shape_cast %reduce_sum3A_79 : vector<1024xf32> to vector<1024x1xf32>
    %ge3A_81 = arith.constant 0.000000e+00 : f32
    %ge3A_82 = vector.broadcast %ge3A_81 : f32 to vector<1024x1xf32>
    %ge3A_83 = arith.cmpf oge, %broadcast_in_dim3A_80, %ge3A_82 : vector<1024x1xf32>
    %convert_element_type3A_84 = arith.extui %ge3A_83 : vector<1024x1xi1> to vector<1024x1xi32>
    %mul3A_85 = arith.constant 2 : i32
    %mul3A_86 = vector.broadcast %mul3A_85 : i32 to vector<1024x1xi32>
    %mul3A_87 = arith.muli %add3A_70, %mul3A_86 : vector<1024x1xi32>
    %add3A_88 = arith.addi %mul3A_87, %convert_element_type3A_84 : vector<1024x1xi32>
    %slice3A_89 = vector.extract_strided_slice %add3A_11 {offsets = [0, 31], sizes = [1024, 32], strides = [1, 1]} : vector<1024x2048xf32> to vector<1024x32xf32>
    %iota3A_90 = tpu.iota {dimensions = array<i32: 1>} : vector<1024x32xi32>
    %eq3A_91 = vector.broadcast %add3A_88 : vector<1024x1xi32> to vector<1024x32xi32>
    %eq3A_92 = arith.cmpi eq, %iota3A_90, %eq3A_91 : vector<1024x32xi32>
    %convert_element_type3A_93 = arith.extui %eq3A_92 : vector<1024x32xi1> to vector<1024x32xi32>
    %convert_element_type3A_94 = arith.sitofp %convert_element_type3A_93 : vector<1024x32xi32> to vector<1024x32xf32>
    %mul3A_95 = arith.mulf %slice3A_89, %convert_element_type3A_94 : vector<1024x32xf32>
    %reduce_sum3A_96 = arith.constant dense<0.000000e+00> : vector<1024xf32>
    %reduce_sum3A_97 = vector.multi_reduction <add>, %mul3A_95, %reduce_sum3A_96 [1] : vector<1024x32xf32> to vector<1024xf32>
    %broadcast_in_dim3A_98 = vector.shape_cast %reduce_sum3A_97 : vector<1024xf32> to vector<1024x1xf32>
    %ge3A_99 = arith.constant 0.000000e+00 : f32
    %ge3A_100 = vector.broadcast %ge3A_99 : f32 to vector<1024x1xf32>
    %ge3A_101 = arith.cmpf oge, %broadcast_in_dim3A_98, %ge3A_100 : vector<1024x1xf32>
    %convert_element_type3A_102 = arith.extui %ge3A_101 : vector<1024x1xi1> to vector<1024x1xi32>
    %mul3A_103 = arith.constant 2 : i32
    %mul3A_104 = vector.broadcast %mul3A_103 : i32 to vector<1024x1xi32>
    %mul3A_105 = arith.muli %add3A_88, %mul3A_104 : vector<1024x1xi32>
    %add3A_106 = arith.addi %mul3A_105, %convert_element_type3A_102 : vector<1024x1xi32>
    %slice3A_107 = vector.extract_strided_slice %add3A_11 {offsets = [0, 63], sizes = [1024, 64], strides = [1, 1]} : vector<1024x2048xf32> to vector<1024x64xf32>
    %iota3A_108 = tpu.iota {dimensions = array<i32: 1>} : vector<1024x64xi32>
    %eq3A_109 = vector.broadcast %add3A_106 : vector<1024x1xi32> to vector<1024x64xi32>
    %eq3A_110 = arith.cmpi eq, %iota3A_108, %eq3A_109 : vector<1024x64xi32>
    %convert_element_type3A_111 = arith.extui %eq3A_110 : vector<1024x64xi1> to vector<1024x64xi32>
    %convert_element_type3A_112 = arith.sitofp %convert_element_type3A_111 : vector<1024x64xi32> to vector<1024x64xf32>
    %mul3A_113 = arith.mulf %slice3A_107, %convert_element_type3A_112 : vector<1024x64xf32>
    %reduce_sum3A_114 = arith.constant dense<0.000000e+00> : vector<1024xf32>
    %reduce_sum3A_115 = vector.multi_reduction <add>, %mul3A_113, %reduce_sum3A_114 [1] : vector<1024x64xf32> to vector<1024xf32>
    %broadcast_in_dim3A_116 = vector.shape_cast %reduce_sum3A_115 : vector<1024xf32> to vector<1024x1xf32>
    %ge3A_117 = arith.constant 0.000000e+00 : f32
    %ge3A_118 = vector.broadcast %ge3A_117 : f32 to vector<1024x1xf32>
    %ge3A_119 = arith.cmpf oge, %broadcast_in_dim3A_116, %ge3A_118 : vector<1024x1xf32>
    %convert_element_type3A_120 = arith.extui %ge3A_119 : vector<1024x1xi1> to vector<1024x1xi32>
    %mul3A_121 = arith.constant 2 : i32
    %mul3A_122 = vector.broadcast %mul3A_121 : i32 to vector<1024x1xi32>
    %mul3A_123 = arith.muli %add3A_106, %mul3A_122 : vector<1024x1xi32>
    %add3A_124 = arith.addi %mul3A_123, %convert_element_type3A_120 : vector<1024x1xi32>
    %slice3A_125 = vector.extract_strided_slice %add3A_11 {offsets = [0, 127], sizes = [1024, 128], strides = [1, 1]} : vector<1024x2048xf32> to vector<1024x128xf32>
    %iota3A_126 = tpu.iota {dimensions = array<i32: 1>} : vector<1024x128xi32>
    %eq3A_127 = vector.broadcast %add3A_124 : vector<1024x1xi32> to vector<1024x128xi32>
    %eq3A_128 = arith.cmpi eq, %iota3A_126, %eq3A_127 : vector<1024x128xi32>
    %convert_element_type3A_129 = arith.extui %eq3A_128 : vector<1024x128xi1> to vector<1024x128xi32>
    %convert_element_type3A_130 = arith.sitofp %convert_element_type3A_129 : vector<1024x128xi32> to vector<1024x128xf32>
    %mul3A_131 = arith.mulf %slice3A_125, %convert_element_type3A_130 : vector<1024x128xf32>
    %reduce_sum3A_132 = arith.constant dense<0.000000e+00> : vector<1024xf32>
    %reduce_sum3A_133 = vector.multi_reduction <add>, %mul3A_131, %reduce_sum3A_132 [1] : vector<1024x128xf32> to vector<1024xf32>
    %broadcast_in_dim3A_134 = vector.shape_cast %reduce_sum3A_133 : vector<1024xf32> to vector<1024x1xf32>
    %ge3A_135 = arith.constant 0.000000e+00 : f32
    %ge3A_136 = vector.broadcast %ge3A_135 : f32 to vector<1024x1xf32>
    %ge3A_137 = arith.cmpf oge, %broadcast_in_dim3A_134, %ge3A_136 : vector<1024x1xf32>
    %convert_element_type3A_138 = arith.extui %ge3A_137 : vector<1024x1xi1> to vector<1024x1xi32>
    %mul3A_139 = arith.constant 2 : i32
    %mul3A_140 = vector.broadcast %mul3A_139 : i32 to vector<1024x1xi32>
    %mul3A_141 = arith.muli %add3A_124, %mul3A_140 : vector<1024x1xi32>
    %add3A_142 = arith.addi %mul3A_141, %convert_element_type3A_138 : vector<1024x1xi32>
    %slice3A_143 = vector.extract_strided_slice %add3A_11 {offsets = [0, 255], sizes = [1024, 256], strides = [1, 1]} : vector<1024x2048xf32> to vector<1024x256xf32>
    %iota3A_144 = tpu.iota {dimensions = array<i32: 1>} : vector<1024x256xi32>
    %eq3A_145 = vector.broadcast %add3A_142 : vector<1024x1xi32> to vector<1024x256xi32>
    %eq3A_146 = arith.cmpi eq, %iota3A_144, %eq3A_145 : vector<1024x256xi32>
    %convert_element_type3A_147 = arith.extui %eq3A_146 : vector<1024x256xi1> to vector<1024x256xi32>
    %convert_element_type3A_148 = arith.sitofp %convert_element_type3A_147 : vector<1024x256xi32> to vector<1024x256xf32>
    %mul3A_149 = arith.mulf %slice3A_143, %convert_element_type3A_148 : vector<1024x256xf32>
    %reduce_sum3A_150 = arith.constant dense<0.000000e+00> : vector<1024xf32>
    %reduce_sum3A_151 = vector.multi_reduction <add>, %mul3A_149, %reduce_sum3A_150 [1] : vector<1024x256xf32> to vector<1024xf32>
    %broadcast_in_dim3A_152 = vector.shape_cast %reduce_sum3A_151 : vector<1024xf32> to vector<1024x1xf32>
    %ge3A_153 = arith.constant 0.000000e+00 : f32
    %ge3A_154 = vector.broadcast %ge3A_153 : f32 to vector<1024x1xf32>
    %ge3A_155 = arith.cmpf oge, %broadcast_in_dim3A_152, %ge3A_154 : vector<1024x1xf32>
    %convert_element_type3A_156 = arith.extui %ge3A_155 : vector<1024x1xi1> to vector<1024x1xi32>
    %mul3A_157 = arith.constant 2 : i32
    %mul3A_158 = vector.broadcast %mul3A_157 : i32 to vector<1024x1xi32>
    %mul3A_159 = arith.muli %add3A_142, %mul3A_158 : vector<1024x1xi32>
    %add3A_160 = arith.addi %mul3A_159, %convert_element_type3A_156 : vector<1024x1xi32>
    %slice3A_161 = vector.extract_strided_slice %add3A_11 {offsets = [0, 511], sizes = [1024, 512], strides = [1, 1]} : vector<1024x2048xf32> to vector<1024x512xf32>
    %iota3A_162 = tpu.iota {dimensions = array<i32: 1>} : vector<1024x512xi32>
    %eq3A_163 = vector.broadcast %add3A_160 : vector<1024x1xi32> to vector<1024x512xi32>
    %eq3A_164 = arith.cmpi eq, %iota3A_162, %eq3A_163 : vector<1024x512xi32>
    %convert_element_type3A_165 = arith.extui %eq3A_164 : vector<1024x512xi1> to vector<1024x512xi32>
    %convert_element_type3A_166 = arith.sitofp %convert_element_type3A_165 : vector<1024x512xi32> to vector<1024x512xf32>
    %mul3A_167 = arith.mulf %slice3A_161, %convert_element_type3A_166 : vector<1024x512xf32>
    %reduce_sum3A_168 = arith.constant dense<0.000000e+00> : vector<1024xf32>
    %reduce_sum3A_169 = vector.multi_reduction <add>, %mul3A_167, %reduce_sum3A_168 [1] : vector<1024x512xf32> to vector<1024xf32>
    %broadcast_in_dim3A_170 = vector.shape_cast %reduce_sum3A_169 : vector<1024xf32> to vector<1024x1xf32>
    %ge3A_171 = arith.constant 0.000000e+00 : f32
    %ge3A_172 = vector.broadcast %ge3A_171 : f32 to vector<1024x1xf32>
    %ge3A_173 = arith.cmpf oge, %broadcast_in_dim3A_170, %ge3A_172 : vector<1024x1xf32>
    %convert_element_type3A_174 = arith.extui %ge3A_173 : vector<1024x1xi1> to vector<1024x1xi32>
    %mul3A_175 = arith.constant 2 : i32
    %mul3A_176 = vector.broadcast %mul3A_175 : i32 to vector<1024x1xi32>
    %mul3A_177 = arith.muli %add3A_160, %mul3A_176 : vector<1024x1xi32>
    %add3A_178 = arith.addi %mul3A_177, %convert_element_type3A_174 : vector<1024x1xi32>
    %slice3A_179 = vector.extract_strided_slice %add3A_11 {offsets = [0, 1023], sizes = [1024, 1024], strides = [1, 1]} : vector<1024x2048xf32> to vector<1024x1024xf32>
    %iota3A_180 = tpu.iota {dimensions = array<i32: 1>} : vector<1024x1024xi32>
    %eq3A_181 = vector.broadcast %add3A_178 : vector<1024x1xi32> to vector<1024x1024xi32>
    %eq3A_182 = arith.cmpi eq, %iota3A_180, %eq3A_181 : vector<1024x1024xi32>
    %convert_element_type3A_183 = arith.extui %eq3A_182 : vector<1024x1024xi1> to vector<1024x1024xi32>
    %convert_element_type3A_184 = arith.sitofp %convert_element_type3A_183 : vector<1024x1024xi32> to vector<1024x1024xf32>
    %mul3A_185 = arith.mulf %slice3A_179, %convert_element_type3A_184 : vector<1024x1024xf32>
    %reduce_sum3A_186 = arith.constant dense<0.000000e+00> : vector<1024xf32>
    %reduce_sum3A_187 = vector.multi_reduction <add>, %mul3A_185, %reduce_sum3A_186 [1] : vector<1024x1024xf32> to vector<1024xf32>
    %broadcast_in_dim3A_188 = vector.shape_cast %reduce_sum3A_187 : vector<1024xf32> to vector<1024x1xf32>
    %ge3A_189 = arith.constant 0.000000e+00 : f32
    %ge3A_190 = vector.broadcast %ge3A_189 : f32 to vector<1024x1xf32>
    %ge3A_191 = arith.cmpf oge, %broadcast_in_dim3A_188, %ge3A_190 : vector<1024x1xf32>
    %convert_element_type3A_192 = arith.extui %ge3A_191 : vector<1024x1xi1> to vector<1024x1xi32>
    %mul3A_193 = arith.constant 2 : i32
    %mul3A_194 = vector.broadcast %mul3A_193 : i32 to vector<1024x1xi32>
    %mul3A_195 = arith.muli %add3A_178, %mul3A_194 : vector<1024x1xi32>
    %add3A_196 = arith.addi %mul3A_195, %convert_element_type3A_192 : vector<1024x1xi32>
    %swap3A = arith.constant 0 : index
    %swap3A_197 = arith.constant 0 : index
    %swap3A_198 = vector.load %arg4[%swap3A, %swap3A_197] : memref<1024x1xi32, #tpu.memory_space<vmem>>, vector<1024x1xi32>
    tpu.vector_store %arg4[%swap3A, %swap3A_197], %add3A_196 {strides = array<i32>} : memref<1024x1xi32, #tpu.memory_space<vmem>>, vector<1024x1xi32>,
    %get3A_199 = arith.constant 0 : index
    %get3A_200 = arith.constant 0 : index
    %get3A_201 = vector.load %arg8[%get3A_199, %get3A_200] : memref<1x2048xf32, #tpu.memory_space<vmem>>, vector<1x2048xf32>
    %iota3A_202 = tpu.iota {dimensions = array<i32: 1>} : vector<64x2048xi32>
    %iota3A_203 = tpu.iota {dimensions = array<i32: 0>} : vector<64x64xi32>
    %iota3A_204 = tpu.iota {dimensions = array<i32: 1>} : vector<64x64xi32>
    %slice3A_205 = vector.extract_strided_slice %add3A_196 {offsets = [0, 0], sizes = [64, 1], strides = [1, 1]} : vector<1024x1xi32> to vector<64x1xi32>
    %eq3A_206 = vector.broadcast %slice3A_205 : vector<64x1xi32> to vector<64x2048xi32>
    %eq3A_207 = arith.cmpi eq, %iota3A_202, %eq3A_206 : vector<64x2048xi32>
    %convert_element_type3A_208 = arith.extui %eq3A_207 : vector<64x2048xi1> to vector<64x2048xi32>
    %convert_element_type3A_209 = arith.sitofp %convert_element_type3A_208 : vector<64x2048xi32> to vector<64x2048xf32>
    %mul3A_210 = vector.broadcast %get3A_201 : vector<1x2048xf32> to vector<64x2048xf32>
    %mul3A_211 = arith.mulf %convert_element_type3A_209, %mul3A_210 : vector<64x2048xf32>
    %reduce_sum3A_212 = arith.constant dense<0.000000e+00> : vector<64xf32>
    %reduce_sum3A_213 = vector.multi_reduction <add>, %mul3A_211, %reduce_sum3A_212 [1] : vector<64x2048xf32> to vector<64xf32>
    %broadcast_in_dim3A_214 = vector.shape_cast %reduce_sum3A_213 : vector<64xf32> to vector<64x1xf32>
    %reshape3A = vector.shape_cast %slice3A_205 : vector<64x1xi32> to vector<1x64xi32>
    %eq3A_215 = vector.broadcast %slice3A_205 : vector<64x1xi32> to vector<64x64xi32>
    %eq3A_216 = vector.broadcast %reshape3A : vector<1x64xi32> to vector<64x64xi32>
    %eq3A_217 = arith.cmpi eq, %eq3A_215, %eq3A_216 : vector<64x64xi32>
    %gt3A = arith.cmpi sgt, %iota3A_203, %iota3A_204 : vector<64x64xi32>
    %and3A = arith.andi %eq3A_217, %gt3A : vector<64x64xi1>
    %convert_element_type3A_218 = arith.extui %and3A : vector<64x64xi1> to vector<64x64xi32>
    %convert_element_type3A_219 = arith.sitofp %convert_element_type3A_218 : vector<64x64xi32> to vector<64x64xf32>
    %reduce_sum3A_220 = arith.constant dense<0.000000e+00> : vector<64xf32>
    %reduce_sum3A_221 = vector.multi_reduction <add>, %convert_element_type3A_219, %reduce_sum3A_220 [1] : vector<64x64xf32> to vector<64xf32>
    %broadcast_in_dim3A_222 = vector.shape_cast %reduce_sum3A_221 : vector<64xf32> to vector<64x1xf32>
    %add3A_223 = arith.addf %broadcast_in_dim3A_214, %broadcast_in_dim3A_222 : vector<64x1xf32>
    %reduce_sum3A_224 = arith.constant dense<0.000000e+00> : vector<2048xf32>
    %reduce_sum3A_225 = vector.multi_reduction <add>, %convert_element_type3A_209, %reduce_sum3A_224 [0] : vector<64x2048xf32> to vector<2048xf32>
    %broadcast_in_dim3A_226 = vector.shape_cast %reduce_sum3A_225 : vector<2048xf32> to vector<1x2048xf32>
    %add3A_227 = arith.addf %get3A_201, %broadcast_in_dim3A_226 : vector<1x2048xf32>
    %slice3A_228 = vector.extract_strided_slice %add3A_196 {offsets = [64, 0], sizes = [64, 1], strides = [1, 1]} : vector<1024x1xi32> to vector<64x1xi32>
    %eq3A_229 = vector.broadcast %slice3A_228 : vector<64x1xi32> to vector<64x2048xi32>
    %eq3A_230 = arith.cmpi eq, %iota3A_202, %eq3A_229 : vector<64x2048xi32>
    %convert_element_type3A_231 = arith.extui %eq3A_230 : vector<64x2048xi1> to vector<64x2048xi32>
    %convert_element_type3A_232 = arith.sitofp %convert_element_type3A_231 : vector<64x2048xi32> to vector<64x2048xf32>
    %mul3A_233 = vector.broadcast %add3A_227 : vector<1x2048xf32> to vector<64x2048xf32>
    %mul3A_234 = arith.mulf %convert_element_type3A_232, %mul3A_233 : vector<64x2048xf32>
    %reduce_sum3A_235 = arith.constant dense<0.000000e+00> : vector<64xf32>
    %reduce_sum3A_236 = vector.multi_reduction <add>, %mul3A_234, %reduce_sum3A_235 [1] : vector<64x2048xf32> to vector<64xf32>
    %broadcast_in_dim3A_237 = vector.shape_cast %reduce_sum3A_236 : vector<64xf32> to vector<64x1xf32>
    %reshape3A_238 = vector.shape_cast %slice3A_228 : vector<64x1xi32> to vector<1x64xi32>
    %eq3A_239 = vector.broadcast %slice3A_228 : vector<64x1xi32> to vector<64x64xi32>
    %eq3A_240 = vector.broadcast %reshape3A_238 : vector<1x64xi32> to vector<64x64xi32>
    %eq3A_241 = arith.cmpi eq, %eq3A_239, %eq3A_240 : vector<64x64xi32>
    %gt3A_242 = arith.cmpi sgt, %iota3A_203, %iota3A_204 : vector<64x64xi32>
    %and3A_243 = arith.andi %eq3A_241, %gt3A_242 : vector<64x64xi1>
    %convert_element_type3A_244 = arith.extui %and3A_243 : vector<64x64xi1> to vector<64x64xi32>
    %convert_element_type3A_245 = arith.sitofp %convert_element_type3A_244 : vector<64x64xi32> to vector<64x64xf32>
    %reduce_sum3A_246 = arith.constant dense<0.000000e+00> : vector<64xf32>
    %reduce_sum3A_247 = vector.multi_reduction <add>, %convert_element_type3A_245, %reduce_sum3A_246 [1] : vector<64x64xf32> to vector<64xf32>
    %broadcast_in_dim3A_248 = vector.shape_cast %reduce_sum3A_247 : vector<64xf32> to vector<64x1xf32>
    %add3A_249 = arith.addf %broadcast_in_dim3A_237, %broadcast_in_dim3A_248 : vector<64x1xf32>
    %reduce_sum3A_250 = arith.constant dense<0.000000e+00> : vector<2048xf32>
    %reduce_sum3A_251 = vector.multi_reduction <add>, %convert_element_type3A_232, %reduce_sum3A_250 [0] : vector<64x2048xf32> to vector<2048xf32>
    %broadcast_in_dim3A_252 = vector.shape_cast %reduce_sum3A_251 : vector<2048xf32> to vector<1x2048xf32>
    %add3A_253 = arith.addf %add3A_227, %broadcast_in_dim3A_252 : vector<1x2048xf32>
    %slice3A_254 = vector.extract_strided_slice %add3A_196 {offsets = [128, 0], sizes = [64, 1], strides = [1, 1]} : vector<1024x1xi32> to vector<64x1xi32>
    %eq3A_255 = vector.broadcast %slice3A_254 : vector<64x1xi32> to vector<64x2048xi32>
    %eq3A_256 = arith.cmpi eq, %iota3A_202, %eq3A_255 : vector<64x2048xi32>
    %convert_element_type3A_257 = arith.extui %eq3A_256 : vector<64x2048xi1> to vector<64x2048xi32>
    %convert_element_type3A_258 = arith.sitofp %convert_element_type3A_257 : vector<64x2048xi32> to vector<64x2048xf32>
    %mul3A_259 = vector.broadcast %add3A_253 : vector<1x2048xf32> to vector<64x2048xf32>
    %mul3A_260 = arith.mulf %convert_element_type3A_258, %mul3A_259 : vector<64x2048xf32>
    %reduce_sum3A_261 = arith.constant dense<0.000000e+00> : vector<64xf32>
    %reduce_sum3A_262 = vector.multi_reduction <add>, %mul3A_260, %reduce_sum3A_261 [1] : vector<64x2048xf32> to vector<64xf32>
    %broadcast_in_dim3A_263 = vector.shape_cast %reduce_sum3A_262 : vector<64xf32> to vector<64x1xf32>
    %reshape3A_264 = vector.shape_cast %slice3A_254 : vector<64x1xi32> to vector<1x64xi32>
    %eq3A_265 = vector.broadcast %slice3A_254 : vector<64x1xi32> to vector<64x64xi32>
    %eq3A_266 = vector.broadcast %reshape3A_264 : vector<1x64xi32> to vector<64x64xi32>
    %eq3A_267 = arith.cmpi eq, %eq3A_265, %eq3A_266 : vector<64x64xi32>
    %gt3A_268 = arith.cmpi sgt, %iota3A_203, %iota3A_204 : vector<64x64xi32>
    %and3A_269 = arith.andi %eq3A_267, %gt3A_268 : vector<64x64xi1>
    %convert_element_type3A_270 = arith.extui %and3A_269 : vector<64x64xi1> to vector<64x64xi32>
    %convert_element_type3A_271 = arith.sitofp %convert_element_type3A_270 : vector<64x64xi32> to vector<64x64xf32>
    %reduce_sum3A_272 = arith.constant dense<0.000000e+00> : vector<64xf32>
    %reduce_sum3A_273 = vector.multi_reduction <add>, %convert_element_type3A_271, %reduce_sum3A_272 [1] : vector<64x64xf32> to vector<64xf32>
    %broadcast_in_dim3A_274 = vector.shape_cast %reduce_sum3A_273 : vector<64xf32> to vector<64x1xf32>
    %add3A_275 = arith.addf %broadcast_in_dim3A_263, %broadcast_in_dim3A_274 : vector<64x1xf32>
    %reduce_sum3A_276 = arith.constant dense<0.000000e+00> : vector<2048xf32>
    %reduce_sum3A_277 = vector.multi_reduction <add>, %convert_element_type3A_258, %reduce_sum3A_276 [0] : vector<64x2048xf32> to vector<2048xf32>
    %broadcast_in_dim3A_278 = vector.shape_cast %reduce_sum3A_277 : vector<2048xf32> to vector<1x2048xf32>
    %add3A_279 = arith.addf %add3A_253, %broadcast_in_dim3A_278 : vector<1x2048xf32>
    %slice3A_280 = vector.extract_strided_slice %add3A_196 {offsets = [192, 0], sizes = [64, 1], strides = [1, 1]} : vector<1024x1xi32> to vector<64x1xi32>
    %eq3A_281 = vector.broadcast %slice3A_280 : vector<64x1xi32> to vector<64x2048xi32>
    %eq3A_282 = arith.cmpi eq, %iota3A_202, %eq3A_281 : vector<64x2048xi32>
    %convert_element_type3A_283 = arith.extui %eq3A_282 : vector<64x2048xi1> to vector<64x2048xi32>
    %convert_element_type3A_284 = arith.sitofp %convert_element_type3A_283 : vector<64x2048xi32> to vector<64x2048xf32>
    %mul3A_285 = vector.broadcast %add3A_279 : vector<1x2048xf32> to vector<64x2048xf32>
    %mul3A_286 = arith.mulf %convert_element_type3A_284, %mul3A_285 : vector<64x2048xf32>
    %reduce_sum3A_287 = arith.constant dense<0.000000e+00> : vector<64xf32>
    %reduce_sum3A_288 = vector.multi_reduction <add>, %mul3A_286, %reduce_sum3A_287 [1] : vector<64x2048xf32> to vector<64xf32>
    %broadcast_in_dim3A_289 = vector.shape_cast %reduce_sum3A_288 : vector<64xf32> to vector<64x1xf32>
    %reshape3A_290 = vector.shape_cast %slice3A_280 : vector<64x1xi32> to vector<1x64xi32>
    %eq3A_291 = vector.broadcast %slice3A_280 : vector<64x1xi32> to vector<64x64xi32>
    %eq3A_292 = vector.broadcast %reshape3A_290 : vector<1x64xi32> to vector<64x64xi32>
    %eq3A_293 = arith.cmpi eq, %eq3A_291, %eq3A_292 : vector<64x64xi32>
    %gt3A_294 = arith.cmpi sgt, %iota3A_203, %iota3A_204 : vector<64x64xi32>
    %and3A_295 = arith.andi %eq3A_293, %gt3A_294 : vector<64x64xi1>
    %convert_element_type3A_296 = arith.extui %and3A_295 : vector<64x64xi1> to vector<64x64xi32>
    %convert_element_type3A_297 = arith.sitofp %convert_element_type3A_296 : vector<64x64xi32> to vector<64x64xf32>
    %reduce_sum3A_298 = arith.constant dense<0.000000e+00> : vector<64xf32>
    %reduce_sum3A_299 = vector.multi_reduction <add>, %convert_element_type3A_297, %reduce_sum3A_298 [1] : vector<64x64xf32> to vector<64xf32>
    %broadcast_in_dim3A_300 = vector.shape_cast %reduce_sum3A_299 : vector<64xf32> to vector<64x1xf32>
    %add3A_301 = arith.addf %broadcast_in_dim3A_289, %broadcast_in_dim3A_300 : vector<64x1xf32>
    %reduce_sum3A_302 = arith.constant dense<0.000000e+00> : vector<2048xf32>
    %reduce_sum3A_303 = vector.multi_reduction <add>, %convert_element_type3A_284, %reduce_sum3A_302 [0] : vector<64x2048xf32> to vector<2048xf32>
    %broadcast_in_dim3A_304 = vector.shape_cast %reduce_sum3A_303 : vector<2048xf32> to vector<1x2048xf32>
    %add3A_305 = arith.addf %add3A_279, %broadcast_in_dim3A_304 : vector<1x2048xf32>
    %slice3A_306 = vector.extract_strided_slice %add3A_196 {offsets = [256, 0], sizes = [64, 1], strides = [1, 1]} : vector<1024x1xi32> to vector<64x1xi32>
    %eq3A_307 = vector.broadcast %slice3A_306 : vector<64x1xi32> to vector<64x2048xi32>
    %eq3A_308 = arith.cmpi eq, %iota3A_202, %eq3A_307 : vector<64x2048xi32>
    %convert_element_type3A_309 = arith.extui %eq3A_308 : vector<64x2048xi1> to vector<64x2048xi32>
    %convert_element_type3A_310 = arith.sitofp %convert_element_type3A_309 : vector<64x2048xi32> to vector<64x2048xf32>
    %mul3A_311 = vector.broadcast %add3A_305 : vector<1x2048xf32> to vector<64x2048xf32>
    %mul3A_312 = arith.mulf %convert_element_type3A_310, %mul3A_311 : vector<64x2048xf32>
    %reduce_sum3A_313 = arith.constant dense<0.000000e+00> : vector<64xf32>
    %reduce_sum3A_314 = vector.multi_reduction <add>, %mul3A_312, %reduce_sum3A_313 [1] : vector<64x2048xf32> to vector<64xf32>
    %broadcast_in_dim3A_315 = vector.shape_cast %reduce_sum3A_314 : vector<64xf32> to vector<64x1xf32>
    %reshape3A_316 = vector.shape_cast %slice3A_306 : vector<64x1xi32> to vector<1x64xi32>
    %eq3A_317 = vector.broadcast %slice3A_306 : vector<64x1xi32> to vector<64x64xi32>
    %eq3A_318 = vector.broadcast %reshape3A_316 : vector<1x64xi32> to vector<64x64xi32>
    %eq3A_319 = arith.cmpi eq, %eq3A_317, %eq3A_318 : vector<64x64xi32>
    %gt3A_320 = arith.cmpi sgt, %iota3A_203, %iota3A_204 : vector<64x64xi32>
    %and3A_321 = arith.andi %eq3A_319, %gt3A_320 : vector<64x64xi1>
    %convert_element_type3A_322 = arith.extui %and3A_321 : vector<64x64xi1> to vector<64x64xi32>
    %convert_element_type3A_323 = arith.sitofp %convert_element_type3A_322 : vector<64x64xi32> to vector<64x64xf32>
    %reduce_sum3A_324 = arith.constant dense<0.000000e+00> : vector<64xf32>
    %reduce_sum3A_325 = vector.multi_reduction <add>, %convert_element_type3A_323, %reduce_sum3A_324 [1] : vector<64x64xf32> to vector<64xf32>
    %broadcast_in_dim3A_326 = vector.shape_cast %reduce_sum3A_325 : vector<64xf32> to vector<64x1xf32>
    %add3A_327 = arith.addf %broadcast_in_dim3A_315, %broadcast_in_dim3A_326 : vector<64x1xf32>
    %reduce_sum3A_328 = arith.constant dense<0.000000e+00> : vector<2048xf32>
    %reduce_sum3A_329 = vector.multi_reduction <add>, %convert_element_type3A_310, %reduce_sum3A_328 [0] : vector<64x2048xf32> to vector<2048xf32>
    %broadcast_in_dim3A_330 = vector.shape_cast %reduce_sum3A_329 : vector<2048xf32> to vector<1x2048xf32>
    %add3A_331 = arith.addf %add3A_305, %broadcast_in_dim3A_330 : vector<1x2048xf32>
    %slice3A_332 = vector.extract_strided_slice %add3A_196 {offsets = [320, 0], sizes = [64, 1], strides = [1, 1]} : vector<1024x1xi32> to vector<64x1xi32>
    %eq3A_333 = vector.broadcast %slice3A_332 : vector<64x1xi32> to vector<64x2048xi32>
    %eq3A_334 = arith.cmpi eq, %iota3A_202, %eq3A_333 : vector<64x2048xi32>
    %convert_element_type3A_335 = arith.extui %eq3A_334 : vector<64x2048xi1> to vector<64x2048xi32>
    %convert_element_type3A_336 = arith.sitofp %convert_element_type3A_335 : vector<64x2048xi32> to vector<64x2048xf32>
    %mul3A_337 = vector.broadcast %add3A_331 : vector<1x2048xf32> to vector<64x2048xf32>
    %mul3A_338 = arith.mulf %convert_element_type3A_336, %mul3A_337 : vector<64x2048xf32>
    %reduce_sum3A_339 = arith.constant dense<0.000000e+00> : vector<64xf32>
    %reduce_sum3A_340 = vector.multi_reduction <add>, %mul3A_338, %reduce_sum3A_339 [1] : vector<64x2048xf32> to vector<64xf32>
    %broadcast_in_dim3A_341 = vector.shape_cast %reduce_sum3A_340 : vector<64xf32> to vector<64x1xf32>
    %reshape3A_342 = vector.shape_cast %slice3A_332 : vector<64x1xi32> to vector<1x64xi32>
    %eq3A_343 = vector.broadcast %slice3A_332 : vector<64x1xi32> to vector<64x64xi32>
    %eq3A_344 = vector.broadcast %reshape3A_342 : vector<1x64xi32> to vector<64x64xi32>
    %eq3A_345 = arith.cmpi eq, %eq3A_343, %eq3A_344 : vector<64x64xi32>
    %gt3A_346 = arith.cmpi sgt, %iota3A_203, %iota3A_204 : vector<64x64xi32>
    %and3A_347 = arith.andi %eq3A_345, %gt3A_346 : vector<64x64xi1>
    %convert_element_type3A_348 = arith.extui %and3A_347 : vector<64x64xi1> to vector<64x64xi32>
    %convert_element_type3A_349 = arith.sitofp %convert_element_type3A_348 : vector<64x64xi32> to vector<64x64xf32>
    %reduce_sum3A_350 = arith.constant dense<0.000000e+00> : vector<64xf32>
    %reduce_sum3A_351 = vector.multi_reduction <add>, %convert_element_type3A_349, %reduce_sum3A_350 [1] : vector<64x64xf32> to vector<64xf32>
    %broadcast_in_dim3A_352 = vector.shape_cast %reduce_sum3A_351 : vector<64xf32> to vector<64x1xf32>
    %add3A_353 = arith.addf %broadcast_in_dim3A_341, %broadcast_in_dim3A_352 : vector<64x1xf32>
    %reduce_sum3A_354 = arith.constant dense<0.000000e+00> : vector<2048xf32>
    %reduce_sum3A_355 = vector.multi_reduction <add>, %convert_element_type3A_336, %reduce_sum3A_354 [0] : vector<64x2048xf32> to vector<2048xf32>
    %broadcast_in_dim3A_356 = vector.shape_cast %reduce_sum3A_355 : vector<2048xf32> to vector<1x2048xf32>
    %add3A_357 = arith.addf %add3A_331, %broadcast_in_dim3A_356 : vector<1x2048xf32>
    %slice3A_358 = vector.extract_strided_slice %add3A_196 {offsets = [384, 0], sizes = [64, 1], strides = [1, 1]} : vector<1024x1xi32> to vector<64x1xi32>
    %eq3A_359 = vector.broadcast %slice3A_358 : vector<64x1xi32> to vector<64x2048xi32>
    %eq3A_360 = arith.cmpi eq, %iota3A_202, %eq3A_359 : vector<64x2048xi32>
    %convert_element_type3A_361 = arith.extui %eq3A_360 : vector<64x2048xi1> to vector<64x2048xi32>
    %convert_element_type3A_362 = arith.sitofp %convert_element_type3A_361 : vector<64x2048xi32> to vector<64x2048xf32>
    %mul3A_363 = vector.broadcast %add3A_357 : vector<1x2048xf32> to vector<64x2048xf32>
    %mul3A_364 = arith.mulf %convert_element_type3A_362, %mul3A_363 : vector<64x2048xf32>
    %reduce_sum3A_365 = arith.constant dense<0.000000e+00> : vector<64xf32>
    %reduce_sum3A_366 = vector.multi_reduction <add>, %mul3A_364, %reduce_sum3A_365 [1] : vector<64x2048xf32> to vector<64xf32>
    %broadcast_in_dim3A_367 = vector.shape_cast %reduce_sum3A_366 : vector<64xf32> to vector<64x1xf32>
    %reshape3A_368 = vector.shape_cast %slice3A_358 : vector<64x1xi32> to vector<1x64xi32>
    %eq3A_369 = vector.broadcast %slice3A_358 : vector<64x1xi32> to vector<64x64xi32>
    %eq3A_370 = vector.broadcast %reshape3A_368 : vector<1x64xi32> to vector<64x64xi32>
    %eq3A_371 = arith.cmpi eq, %eq3A_369, %eq3A_370 : vector<64x64xi32>
    %gt3A_372 = arith.cmpi sgt, %iota3A_203, %iota3A_204 : vector<64x64xi32>
    %and3A_373 = arith.andi %eq3A_371, %gt3A_372 : vector<64x64xi1>
    %convert_element_type3A_374 = arith.extui %and3A_373 : vector<64x64xi1> to vector<64x64xi32>
    %convert_element_type3A_375 = arith.sitofp %convert_element_type3A_374 : vector<64x64xi32> to vector<64x64xf32>
    %reduce_sum3A_376 = arith.constant dense<0.000000e+00> : vector<64xf32>
    %reduce_sum3A_377 = vector.multi_reduction <add>, %convert_element_type3A_375, %reduce_sum3A_376 [1] : vector<64x64xf32> to vector<64xf32>
    %broadcast_in_dim3A_378 = vector.shape_cast %reduce_sum3A_377 : vector<64xf32> to vector<64x1xf32>
    %add3A_379 = arith.addf %broadcast_in_dim3A_367, %broadcast_in_dim3A_378 : vector<64x1xf32>
    %reduce_sum3A_380 = arith.constant dense<0.000000e+00> : vector<2048xf32>
    %reduce_sum3A_381 = vector.multi_reduction <add>, %convert_element_type3A_362, %reduce_sum3A_380 [0] : vector<64x2048xf32> to vector<2048xf32>
    %broadcast_in_dim3A_382 = vector.shape_cast %reduce_sum3A_381 : vector<2048xf32> to vector<1x2048xf32>
    %add3A_383 = arith.addf %add3A_357, %broadcast_in_dim3A_382 : vector<1x2048xf32>
    %slice3A_384 = vector.extract_strided_slice %add3A_196 {offsets = [448, 0], sizes = [64, 1], strides = [1, 1]} : vector<1024x1xi32> to vector<64x1xi32>
    %eq3A_385 = vector.broadcast %slice3A_384 : vector<64x1xi32> to vector<64x2048xi32>
    %eq3A_386 = arith.cmpi eq, %iota3A_202, %eq3A_385 : vector<64x2048xi32>
    %convert_element_type3A_387 = arith.extui %eq3A_386 : vector<64x2048xi1> to vector<64x2048xi32>
    %convert_element_type3A_388 = arith.sitofp %convert_element_type3A_387 : vector<64x2048xi32> to vector<64x2048xf32>
    %mul3A_389 = vector.broadcast %add3A_383 : vector<1x2048xf32> to vector<64x2048xf32>
    %mul3A_390 = arith.mulf %convert_element_type3A_388, %mul3A_389 : vector<64x2048xf32>
    %reduce_sum3A_391 = arith.constant dense<0.000000e+00> : vector<64xf32>
    %reduce_sum3A_392 = vector.multi_reduction <add>, %mul3A_390, %reduce_sum3A_391 [1] : vector<64x2048xf32> to vector<64xf32>
    %broadcast_in_dim3A_393 = vector.shape_cast %reduce_sum3A_392 : vector<64xf32> to vector<64x1xf32>
    %reshape3A_394 = vector.shape_cast %slice3A_384 : vector<64x1xi32> to vector<1x64xi32>
    %eq3A_395 = vector.broadcast %slice3A_384 : vector<64x1xi32> to vector<64x64xi32>
    %eq3A_396 = vector.broadcast %reshape3A_394 : vector<1x64xi32> to vector<64x64xi32>
    %eq3A_397 = arith.cmpi eq, %eq3A_395, %eq3A_396 : vector<64x64xi32>
    %gt3A_398 = arith.cmpi sgt, %iota3A_203, %iota3A_204 : vector<64x64xi32>
    %and3A_399 = arith.andi %eq3A_397, %gt3A_398 : vector<64x64xi1>
    %convert_element_type3A_400 = arith.extui %and3A_399 : vector<64x64xi1> to vector<64x64xi32>
    %convert_element_type3A_401 = arith.sitofp %convert_element_type3A_400 : vector<64x64xi32> to vector<64x64xf32>
    %reduce_sum3A_402 = arith.constant dense<0.000000e+00> : vector<64xf32>
    %reduce_sum3A_403 = vector.multi_reduction <add>, %convert_element_type3A_401, %reduce_sum3A_402 [1] : vector<64x64xf32> to vector<64xf32>
    %broadcast_in_dim3A_404 = vector.shape_cast %reduce_sum3A_403 : vector<64xf32> to vector<64x1xf32>
    %add3A_405 = arith.addf %broadcast_in_dim3A_393, %broadcast_in_dim3A_404 : vector<64x1xf32>
    %reduce_sum3A_406 = arith.constant dense<0.000000e+00> : vector<2048xf32>
    %reduce_sum3A_407 = vector.multi_reduction <add>, %convert_element_type3A_388, %reduce_sum3A_406 [0] : vector<64x2048xf32> to vector<2048xf32>
    %broadcast_in_dim3A_408 = vector.shape_cast %reduce_sum3A_407 : vector<2048xf32> to vector<1x2048xf32>
    %add3A_409 = arith.addf %add3A_383, %broadcast_in_dim3A_408 : vector<1x2048xf32>
    %slice3A_410 = vector.extract_strided_slice %add3A_196 {offsets = [512, 0], sizes = [64, 1], strides = [1, 1]} : vector<1024x1xi32> to vector<64x1xi32>
    %eq3A_411 = vector.broadcast %slice3A_410 : vector<64x1xi32> to vector<64x2048xi32>
    %eq3A_412 = arith.cmpi eq, %iota3A_202, %eq3A_411 : vector<64x2048xi32>
    %convert_element_type3A_413 = arith.extui %eq3A_412 : vector<64x2048xi1> to vector<64x2048xi32>
    %convert_element_type3A_414 = arith.sitofp %convert_element_type3A_413 : vector<64x2048xi32> to vector<64x2048xf32>
    %mul3A_415 = vector.broadcast %add3A_409 : vector<1x2048xf32> to vector<64x2048xf32>
    %mul3A_416 = arith.mulf %convert_element_type3A_414, %mul3A_415 : vector<64x2048xf32>
    %reduce_sum3A_417 = arith.constant dense<0.000000e+00> : vector<64xf32>
    %reduce_sum3A_418 = vector.multi_reduction <add>, %mul3A_416, %reduce_sum3A_417 [1] : vector<64x2048xf32> to vector<64xf32>
    %broadcast_in_dim3A_419 = vector.shape_cast %reduce_sum3A_418 : vector<64xf32> to vector<64x1xf32>
    %reshape3A_420 = vector.shape_cast %slice3A_410 : vector<64x1xi32> to vector<1x64xi32>
    %eq3A_421 = vector.broadcast %slice3A_410 : vector<64x1xi32> to vector<64x64xi32>
    %eq3A_422 = vector.broadcast %reshape3A_420 : vector<1x64xi32> to vector<64x64xi32>
    %eq3A_423 = arith.cmpi eq, %eq3A_421, %eq3A_422 : vector<64x64xi32>
    %gt3A_424 = arith.cmpi sgt, %iota3A_203, %iota3A_204 : vector<64x64xi32>
    %and3A_425 = arith.andi %eq3A_423, %gt3A_424 : vector<64x64xi1>
    %convert_element_type3A_426 = arith.extui %and3A_425 : vector<64x64xi1> to vector<64x64xi32>
    %convert_element_type3A_427 = arith.sitofp %convert_element_type3A_426 : vector<64x64xi32> to vector<64x64xf32>
    %reduce_sum3A_428 = arith.constant dense<0.000000e+00> : vector<64xf32>
    %reduce_sum3A_429 = vector.multi_reduction <add>, %convert_element_type3A_427, %reduce_sum3A_428 [1] : vector<64x64xf32> to vector<64xf32>
    %broadcast_in_dim3A_430 = vector.shape_cast %reduce_sum3A_429 : vector<64xf32> to vector<64x1xf32>
    %add3A_431 = arith.addf %broadcast_in_dim3A_419, %broadcast_in_dim3A_430 : vector<64x1xf32>
    %reduce_sum3A_432 = arith.constant dense<0.000000e+00> : vector<2048xf32>
    %reduce_sum3A_433 = vector.multi_reduction <add>, %convert_element_type3A_414, %reduce_sum3A_432 [0] : vector<64x2048xf32> to vector<2048xf32>
    %broadcast_in_dim3A_434 = vector.shape_cast %reduce_sum3A_433 : vector<2048xf32> to vector<1x2048xf32>
    %add3A_435 = arith.addf %add3A_409, %broadcast_in_dim3A_434 : vector<1x2048xf32>
    %slice3A_436 = vector.extract_strided_slice %add3A_196 {offsets = [576, 0], sizes = [64, 1], strides = [1, 1]} : vector<1024x1xi32> to vector<64x1xi32>
    %eq3A_437 = vector.broadcast %slice3A_436 : vector<64x1xi32> to vector<64x2048xi32>
    %eq3A_438 = arith.cmpi eq, %iota3A_202, %eq3A_437 : vector<64x2048xi32>
    %convert_element_type3A_439 = arith.extui %eq3A_438 : vector<64x2048xi1> to vector<64x2048xi32>
    %convert_element_type3A_440 = arith.sitofp %convert_element_type3A_439 : vector<64x2048xi32> to vector<64x2048xf32>
    %mul3A_441 = vector.broadcast %add3A_435 : vector<1x2048xf32> to vector<64x2048xf32>
    %mul3A_442 = arith.mulf %convert_element_type3A_440, %mul3A_441 : vector<64x2048xf32>
    %reduce_sum3A_443 = arith.constant dense<0.000000e+00> : vector<64xf32>
    %reduce_sum3A_444 = vector.multi_reduction <add>, %mul3A_442, %reduce_sum3A_443 [1] : vector<64x2048xf32> to vector<64xf32>
    %broadcast_in_dim3A_445 = vector.shape_cast %reduce_sum3A_444 : vector<64xf32> to vector<64x1xf32>
    %reshape3A_446 = vector.shape_cast %slice3A_436 : vector<64x1xi32> to vector<1x64xi32>
    %eq3A_447 = vector.broadcast %slice3A_436 : vector<64x1xi32> to vector<64x64xi32>
    %eq3A_448 = vector.broadcast %reshape3A_446 : vector<1x64xi32> to vector<64x64xi32>
    %eq3A_449 = arith.cmpi eq, %eq3A_447, %eq3A_448 : vector<64x64xi32>
    %gt3A_450 = arith.cmpi sgt, %iota3A_203, %iota3A_204 : vector<64x64xi32>
    %and3A_451 = arith.andi %eq3A_449, %gt3A_450 : vector<64x64xi1>
    %convert_element_type3A_452 = arith.extui %and3A_451 : vector<64x64xi1> to vector<64x64xi32>
    %convert_element_type3A_453 = arith.sitofp %convert_element_type3A_452 : vector<64x64xi32> to vector<64x64xf32>
    %reduce_sum3A_454 = arith.constant dense<0.000000e+00> : vector<64xf32>
    %reduce_sum3A_455 = vector.multi_reduction <add>, %convert_element_type3A_453, %reduce_sum3A_454 [1] : vector<64x64xf32> to vector<64xf32>
    %broadcast_in_dim3A_456 = vector.shape_cast %reduce_sum3A_455 : vector<64xf32> to vector<64x1xf32>
    %add3A_457 = arith.addf %broadcast_in_dim3A_445, %broadcast_in_dim3A_456 : vector<64x1xf32>
    %reduce_sum3A_458 = arith.constant dense<0.000000e+00> : vector<2048xf32>
    %reduce_sum3A_459 = vector.multi_reduction <add>, %convert_element_type3A_440, %reduce_sum3A_458 [0] : vector<64x2048xf32> to vector<2048xf32>
    %broadcast_in_dim3A_460 = vector.shape_cast %reduce_sum3A_459 : vector<2048xf32> to vector<1x2048xf32>
    %add3A_461 = arith.addf %add3A_435, %broadcast_in_dim3A_460 : vector<1x2048xf32>
    %slice3A_462 = vector.extract_strided_slice %add3A_196 {offsets = [640, 0], sizes = [64, 1], strides = [1, 1]} : vector<1024x1xi32> to vector<64x1xi32>
    %eq3A_463 = vector.broadcast %slice3A_462 : vector<64x1xi32> to vector<64x2048xi32>
    %eq3A_464 = arith.cmpi eq, %iota3A_202, %eq3A_463 : vector<64x2048xi32>
    %convert_element_type3A_465 = arith.extui %eq3A_464 : vector<64x2048xi1> to vector<64x2048xi32>
    %convert_element_type3A_466 = arith.sitofp %convert_element_type3A_465 : vector<64x2048xi32> to vector<64x2048xf32>
    %mul3A_467 = vector.broadcast %add3A_461 : vector<1x2048xf32> to vector<64x2048xf32>
    %mul3A_468 = arith.mulf %convert_element_type3A_466, %mul3A_467 : vector<64x2048xf32>
    %reduce_sum3A_469 = arith.constant dense<0.000000e+00> : vector<64xf32>
    %reduce_sum3A_470 = vector.multi_reduction <add>, %mul3A_468, %reduce_sum3A_469 [1] : vector<64x2048xf32> to vector<64xf32>
    %broadcast_in_dim3A_471 = vector.shape_cast %reduce_sum3A_470 : vector<64xf32> to vector<64x1xf32>
    %reshape3A_472 = vector.shape_cast %slice3A_462 : vector<64x1xi32> to vector<1x64xi32>
    %eq3A_473 = vector.broadcast %slice3A_462 : vector<64x1xi32> to vector<64x64xi32>
    %eq3A_474 = vector.broadcast %reshape3A_472 : vector<1x64xi32> to vector<64x64xi32>
    %eq3A_475 = arith.cmpi eq, %eq3A_473, %eq3A_474 : vector<64x64xi32>
    %gt3A_476 = arith.cmpi sgt, %iota3A_203, %iota3A_204 : vector<64x64xi32>
    %and3A_477 = arith.andi %eq3A_475, %gt3A_476 : vector<64x64xi1>
    %convert_element_type3A_478 = arith.extui %and3A_477 : vector<64x64xi1> to vector<64x64xi32>
    %convert_element_type3A_479 = arith.sitofp %convert_element_type3A_478 : vector<64x64xi32> to vector<64x64xf32>
    %reduce_sum3A_480 = arith.constant dense<0.000000e+00> : vector<64xf32>
    %reduce_sum3A_481 = vector.multi_reduction <add>, %convert_element_type3A_479, %reduce_sum3A_480 [1] : vector<64x64xf32> to vector<64xf32>
    %broadcast_in_dim3A_482 = vector.shape_cast %reduce_sum3A_481 : vector<64xf32> to vector<64x1xf32>
    %add3A_483 = arith.addf %broadcast_in_dim3A_471, %broadcast_in_dim3A_482 : vector<64x1xf32>
    %reduce_sum3A_484 = arith.constant dense<0.000000e+00> : vector<2048xf32>
    %reduce_sum3A_485 = vector.multi_reduction <add>, %convert_element_type3A_466, %reduce_sum3A_484 [0] : vector<64x2048xf32> to vector<2048xf32>
    %broadcast_in_dim3A_486 = vector.shape_cast %reduce_sum3A_485 : vector<2048xf32> to vector<1x2048xf32>
    %add3A_487 = arith.addf %add3A_461, %broadcast_in_dim3A_486 : vector<1x2048xf32>
    %slice3A_488 = vector.extract_strided_slice %add3A_196 {offsets = [704, 0], sizes = [64, 1], strides = [1, 1]} : vector<1024x1xi32> to vector<64x1xi32>
    %eq3A_489 = vector.broadcast %slice3A_488 : vector<64x1xi32> to vector<64x2048xi32>
    %eq3A_490 = arith.cmpi eq, %iota3A_202, %eq3A_489 : vector<64x2048xi32>
    %convert_element_type3A_491 = arith.extui %eq3A_490 : vector<64x2048xi1> to vector<64x2048xi32>
    %convert_element_type3A_492 = arith.sitofp %convert_element_type3A_491 : vector<64x2048xi32> to vector<64x2048xf32>
    %mul3A_493 = vector.broadcast %add3A_487 : vector<1x2048xf32> to vector<64x2048xf32>
    %mul3A_494 = arith.mulf %convert_element_type3A_492, %mul3A_493 : vector<64x2048xf32>
    %reduce_sum3A_495 = arith.constant dense<0.000000e+00> : vector<64xf32>
    %reduce_sum3A_496 = vector.multi_reduction <add>, %mul3A_494, %reduce_sum3A_495 [1] : vector<64x2048xf32> to vector<64xf32>
    %broadcast_in_dim3A_497 = vector.shape_cast %reduce_sum3A_496 : vector<64xf32> to vector<64x1xf32>
    %reshape3A_498 = vector.shape_cast %slice3A_488 : vector<64x1xi32> to vector<1x64xi32>
    %eq3A_499 = vector.broadcast %slice3A_488 : vector<64x1xi32> to vector<64x64xi32>
    %eq3A_500 = vector.broadcast %reshape3A_498 : vector<1x64xi32> to vector<64x64xi32>
    %eq3A_501 = arith.cmpi eq, %eq3A_499, %eq3A_500 : vector<64x64xi32>
    %gt3A_502 = arith.cmpi sgt, %iota3A_203, %iota3A_204 : vector<64x64xi32>
    %and3A_503 = arith.andi %eq3A_501, %gt3A_502 : vector<64x64xi1>
    %convert_element_type3A_504 = arith.extui %and3A_503 : vector<64x64xi1> to vector<64x64xi32>
    %convert_element_type3A_505 = arith.sitofp %convert_element_type3A_504 : vector<64x64xi32> to vector<64x64xf32>
    %reduce_sum3A_506 = arith.constant dense<0.000000e+00> : vector<64xf32>
    %reduce_sum3A_507 = vector.multi_reduction <add>, %convert_element_type3A_505, %reduce_sum3A_506 [1] : vector<64x64xf32> to vector<64xf32>
    %broadcast_in_dim3A_508 = vector.shape_cast %reduce_sum3A_507 : vector<64xf32> to vector<64x1xf32>
    %add3A_509 = arith.addf %broadcast_in_dim3A_497, %broadcast_in_dim3A_508 : vector<64x1xf32>
    %reduce_sum3A_510 = arith.constant dense<0.000000e+00> : vector<2048xf32>
    %reduce_sum3A_511 = vector.multi_reduction <add>, %convert_element_type3A_492, %reduce_sum3A_510 [0] : vector<64x2048xf32> to vector<2048xf32>
    %broadcast_in_dim3A_512 = vector.shape_cast %reduce_sum3A_511 : vector<2048xf32> to vector<1x2048xf32>
    %add3A_513 = arith.addf %add3A_487, %broadcast_in_dim3A_512 : vector<1x2048xf32>
    %slice3A_514 = vector.extract_strided_slice %add3A_196 {offsets = [768, 0], sizes = [64, 1], strides = [1, 1]} : vector<1024x1xi32> to vector<64x1xi32>
    %eq3A_515 = vector.broadcast %slice3A_514 : vector<64x1xi32> to vector<64x2048xi32>
    %eq3A_516 = arith.cmpi eq, %iota3A_202, %eq3A_515 : vector<64x2048xi32>
    %convert_element_type3A_517 = arith.extui %eq3A_516 : vector<64x2048xi1> to vector<64x2048xi32>
    %convert_element_type3A_518 = arith.sitofp %convert_element_type3A_517 : vector<64x2048xi32> to vector<64x2048xf32>
    %mul3A_519 = vector.broadcast %add3A_513 : vector<1x2048xf32> to vector<64x2048xf32>
    %mul3A_520 = arith.mulf %convert_element_type3A_518, %mul3A_519 : vector<64x2048xf32>
    %reduce_sum3A_521 = arith.constant dense<0.000000e+00> : vector<64xf32>
    %reduce_sum3A_522 = vector.multi_reduction <add>, %mul3A_520, %reduce_sum3A_521 [1] : vector<64x2048xf32> to vector<64xf32>
    %broadcast_in_dim3A_523 = vector.shape_cast %reduce_sum3A_522 : vector<64xf32> to vector<64x1xf32>
    %reshape3A_524 = vector.shape_cast %slice3A_514 : vector<64x1xi32> to vector<1x64xi32>
    %eq3A_525 = vector.broadcast %slice3A_514 : vector<64x1xi32> to vector<64x64xi32>
    %eq3A_526 = vector.broadcast %reshape3A_524 : vector<1x64xi32> to vector<64x64xi32>
    %eq3A_527 = arith.cmpi eq, %eq3A_525, %eq3A_526 : vector<64x64xi32>
    %gt3A_528 = arith.cmpi sgt, %iota3A_203, %iota3A_204 : vector<64x64xi32>
    %and3A_529 = arith.andi %eq3A_527, %gt3A_528 : vector<64x64xi1>
    %convert_element_type3A_530 = arith.extui %and3A_529 : vector<64x64xi1> to vector<64x64xi32>
    %convert_element_type3A_531 = arith.sitofp %convert_element_type3A_530 : vector<64x64xi32> to vector<64x64xf32>
    %reduce_sum3A_532 = arith.constant dense<0.000000e+00> : vector<64xf32>
    %reduce_sum3A_533 = vector.multi_reduction <add>, %convert_element_type3A_531, %reduce_sum3A_532 [1] : vector<64x64xf32> to vector<64xf32>
    %broadcast_in_dim3A_534 = vector.shape_cast %reduce_sum3A_533 : vector<64xf32> to vector<64x1xf32>
    %add3A_535 = arith.addf %broadcast_in_dim3A_523, %broadcast_in_dim3A_534 : vector<64x1xf32>
    %reduce_sum3A_536 = arith.constant dense<0.000000e+00> : vector<2048xf32>
    %reduce_sum3A_537 = vector.multi_reduction <add>, %convert_element_type3A_518, %reduce_sum3A_536 [0] : vector<64x2048xf32> to vector<2048xf32>
    %broadcast_in_dim3A_538 = vector.shape_cast %reduce_sum3A_537 : vector<2048xf32> to vector<1x2048xf32>
    %add3A_539 = arith.addf %add3A_513, %broadcast_in_dim3A_538 : vector<1x2048xf32>
    %slice3A_540 = vector.extract_strided_slice %add3A_196 {offsets = [832, 0], sizes = [64, 1], strides = [1, 1]} : vector<1024x1xi32> to vector<64x1xi32>
    %eq3A_541 = vector.broadcast %slice3A_540 : vector<64x1xi32> to vector<64x2048xi32>
    %eq3A_542 = arith.cmpi eq, %iota3A_202, %eq3A_541 : vector<64x2048xi32>
    %convert_element_type3A_543 = arith.extui %eq3A_542 : vector<64x2048xi1> to vector<64x2048xi32>
    %convert_element_type3A_544 = arith.sitofp %convert_element_type3A_543 : vector<64x2048xi32> to vector<64x2048xf32>
    %mul3A_545 = vector.broadcast %add3A_539 : vector<1x2048xf32> to vector<64x2048xf32>
    %mul3A_546 = arith.mulf %convert_element_type3A_544, %mul3A_545 : vector<64x2048xf32>
    %reduce_sum3A_547 = arith.constant dense<0.000000e+00> : vector<64xf32>
    %reduce_sum3A_548 = vector.multi_reduction <add>, %mul3A_546, %reduce_sum3A_547 [1] : vector<64x2048xf32> to vector<64xf32>
    %broadcast_in_dim3A_549 = vector.shape_cast %reduce_sum3A_548 : vector<64xf32> to vector<64x1xf32>
    %reshape3A_550 = vector.shape_cast %slice3A_540 : vector<64x1xi32> to vector<1x64xi32>
    %eq3A_551 = vector.broadcast %slice3A_540 : vector<64x1xi32> to vector<64x64xi32>
    %eq3A_552 = vector.broadcast %reshape3A_550 : vector<1x64xi32> to vector<64x64xi32>
    %eq3A_553 = arith.cmpi eq, %eq3A_551, %eq3A_552 : vector<64x64xi32>
    %gt3A_554 = arith.cmpi sgt, %iota3A_203, %iota3A_204 : vector<64x64xi32>
    %and3A_555 = arith.andi %eq3A_553, %gt3A_554 : vector<64x64xi1>
    %convert_element_type3A_556 = arith.extui %and3A_555 : vector<64x64xi1> to vector<64x64xi32>
    %convert_element_type3A_557 = arith.sitofp %convert_element_type3A_556 : vector<64x64xi32> to vector<64x64xf32>
    %reduce_sum3A_558 = arith.constant dense<0.000000e+00> : vector<64xf32>
    %reduce_sum3A_559 = vector.multi_reduction <add>, %convert_element_type3A_557, %reduce_sum3A_558 [1] : vector<64x64xf32> to vector<64xf32>
    %broadcast_in_dim3A_560 = vector.shape_cast %reduce_sum3A_559 : vector<64xf32> to vector<64x1xf32>
    %add3A_561 = arith.addf %broadcast_in_dim3A_549, %broadcast_in_dim3A_560 : vector<64x1xf32>
    %reduce_sum3A_562 = arith.constant dense<0.000000e+00> : vector<2048xf32>
    %reduce_sum3A_563 = vector.multi_reduction <add>, %convert_element_type3A_544, %reduce_sum3A_562 [0] : vector<64x2048xf32> to vector<2048xf32>
    %broadcast_in_dim3A_564 = vector.shape_cast %reduce_sum3A_563 : vector<2048xf32> to vector<1x2048xf32>
    %add3A_565 = arith.addf %add3A_539, %broadcast_in_dim3A_564 : vector<1x2048xf32>
    %slice3A_566 = vector.extract_strided_slice %add3A_196 {offsets = [896, 0], sizes = [64, 1], strides = [1, 1]} : vector<1024x1xi32> to vector<64x1xi32>
    %eq3A_567 = vector.broadcast %slice3A_566 : vector<64x1xi32> to vector<64x2048xi32>
    %eq3A_568 = arith.cmpi eq, %iota3A_202, %eq3A_567 : vector<64x2048xi32>
    %convert_element_type3A_569 = arith.extui %eq3A_568 : vector<64x2048xi1> to vector<64x2048xi32>
    %convert_element_type3A_570 = arith.sitofp %convert_element_type3A_569 : vector<64x2048xi32> to vector<64x2048xf32>
    %mul3A_571 = vector.broadcast %add3A_565 : vector<1x2048xf32> to vector<64x2048xf32>
    %mul3A_572 = arith.mulf %convert_element_type3A_570, %mul3A_571 : vector<64x2048xf32>
    %reduce_sum3A_573 = arith.constant dense<0.000000e+00> : vector<64xf32>
    %reduce_sum3A_574 = vector.multi_reduction <add>, %mul3A_572, %reduce_sum3A_573 [1] : vector<64x2048xf32> to vector<64xf32>
    %broadcast_in_dim3A_575 = vector.shape_cast %reduce_sum3A_574 : vector<64xf32> to vector<64x1xf32>
    %reshape3A_576 = vector.shape_cast %slice3A_566 : vector<64x1xi32> to vector<1x64xi32>
    %eq3A_577 = vector.broadcast %slice3A_566 : vector<64x1xi32> to vector<64x64xi32>
    %eq3A_578 = vector.broadcast %reshape3A_576 : vector<1x64xi32> to vector<64x64xi32>
    %eq3A_579 = arith.cmpi eq, %eq3A_577, %eq3A_578 : vector<64x64xi32>
    %gt3A_580 = arith.cmpi sgt, %iota3A_203, %iota3A_204 : vector<64x64xi32>
    %and3A_581 = arith.andi %eq3A_579, %gt3A_580 : vector<64x64xi1>
    %convert_element_type3A_582 = arith.extui %and3A_581 : vector<64x64xi1> to vector<64x64xi32>
    %convert_element_type3A_583 = arith.sitofp %convert_element_type3A_582 : vector<64x64xi32> to vector<64x64xf32>
    %reduce_sum3A_584 = arith.constant dense<0.000000e+00> : vector<64xf32>
    %reduce_sum3A_585 = vector.multi_reduction <add>, %convert_element_type3A_583, %reduce_sum3A_584 [1] : vector<64x64xf32> to vector<64xf32>
    %broadcast_in_dim3A_586 = vector.shape_cast %reduce_sum3A_585 : vector<64xf32> to vector<64x1xf32>
    %add3A_587 = arith.addf %broadcast_in_dim3A_575, %broadcast_in_dim3A_586 : vector<64x1xf32>
    %reduce_sum3A_588 = arith.constant dense<0.000000e+00> : vector<2048xf32>
    %reduce_sum3A_589 = vector.multi_reduction <add>, %convert_element_type3A_570, %reduce_sum3A_588 [0] : vector<64x2048xf32> to vector<2048xf32>
    %broadcast_in_dim3A_590 = vector.shape_cast %reduce_sum3A_589 : vector<2048xf32> to vector<1x2048xf32>
    %add3A_591 = arith.addf %add3A_565, %broadcast_in_dim3A_590 : vector<1x2048xf32>
    %slice3A_592 = vector.extract_strided_slice %add3A_196 {offsets = [960, 0], sizes = [64, 1], strides = [1, 1]} : vector<1024x1xi32> to vector<64x1xi32>
    %eq3A_593 = vector.broadcast %slice3A_592 : vector<64x1xi32> to vector<64x2048xi32>
    %eq3A_594 = arith.cmpi eq, %iota3A_202, %eq3A_593 : vector<64x2048xi32>
    %convert_element_type3A_595 = arith.extui %eq3A_594 : vector<64x2048xi1> to vector<64x2048xi32>
    %convert_element_type3A_596 = arith.sitofp %convert_element_type3A_595 : vector<64x2048xi32> to vector<64x2048xf32>
    %mul3A_597 = vector.broadcast %add3A_591 : vector<1x2048xf32> to vector<64x2048xf32>
    %mul3A_598 = arith.mulf %convert_element_type3A_596, %mul3A_597 : vector<64x2048xf32>
    %reduce_sum3A_599 = arith.constant dense<0.000000e+00> : vector<64xf32>
    %reduce_sum3A_600 = vector.multi_reduction <add>, %mul3A_598, %reduce_sum3A_599 [1] : vector<64x2048xf32> to vector<64xf32>
    %broadcast_in_dim3A_601 = vector.shape_cast %reduce_sum3A_600 : vector<64xf32> to vector<64x1xf32>
    %reshape3A_602 = vector.shape_cast %slice3A_592 : vector<64x1xi32> to vector<1x64xi32>
    %eq3A_603 = vector.broadcast %slice3A_592 : vector<64x1xi32> to vector<64x64xi32>
    %eq3A_604 = vector.broadcast %reshape3A_602 : vector<1x64xi32> to vector<64x64xi32>
    %eq3A_605 = arith.cmpi eq, %eq3A_603, %eq3A_604 : vector<64x64xi32>
    %gt3A_606 = arith.cmpi sgt, %iota3A_203, %iota3A_204 : vector<64x64xi32>
    %and3A_607 = arith.andi %eq3A_605, %gt3A_606 : vector<64x64xi1>
    %convert_element_type3A_608 = arith.extui %and3A_607 : vector<64x64xi1> to vector<64x64xi32>
    %convert_element_type3A_609 = arith.sitofp %convert_element_type3A_608 : vector<64x64xi32> to vector<64x64xf32>
    %reduce_sum3A_610 = arith.constant dense<0.000000e+00> : vector<64xf32>
    %reduce_sum3A_611 = vector.multi_reduction <add>, %convert_element_type3A_609, %reduce_sum3A_610 [1] : vector<64x64xf32> to vector<64xf32>
    %broadcast_in_dim3A_612 = vector.shape_cast %reduce_sum3A_611 : vector<64xf32> to vector<64x1xf32>
    %add3A_613 = arith.addf %broadcast_in_dim3A_601, %broadcast_in_dim3A_612 : vector<64x1xf32>
    %reduce_sum3A_614 = arith.constant dense<0.000000e+00> : vector<2048xf32>
    %reduce_sum3A_615 = vector.multi_reduction <add>, %convert_element_type3A_596, %reduce_sum3A_614 [0] : vector<64x2048xf32> to vector<2048xf32>
    %broadcast_in_dim3A_616 = vector.shape_cast %reduce_sum3A_615 : vector<2048xf32> to vector<1x2048xf32>
    %add3A_617 = arith.addf %add3A_591, %broadcast_in_dim3A_616 : vector<1x2048xf32>
    %swap3A_618 = arith.constant 0 : index
    %swap3A_619 = arith.constant 0 : index
    %swap3A_620 = vector.load %arg8[%swap3A_618, %swap3A_619] : memref<1x2048xf32, #tpu.memory_space<vmem>>, vector<1x2048xf32>
    tpu.vector_store %arg8[%swap3A_618, %swap3A_619], %add3A_617 {strides = array<i32>} : memref<1x2048xf32, #tpu.memory_space<vmem>>, vector<1x2048xf32>,
    %concatenate3A = tpu.concatenate %add3A_223, %add3A_249, %add3A_275, %add3A_301, %add3A_327, %add3A_353, %add3A_379, %add3A_405, %add3A_431, %add3A_457, %add3A_483, %add3A_509, %add3A_535, %add3A_561, %add3A_587, %add3A_613 in 0 : vector<64x1xf32>, vector<64x1xf32>, vector<64x1xf32>, vector<64x1xf32>, vector<64x1xf32>, vector<64x1xf32>, vector<64x1xf32>, vector<64x1xf32>, vector<64x1xf32>, vector<64x1xf32>, vector<64x1xf32>, vector<64x1xf32>, vector<64x1xf32>, vector<64x1xf32>, vector<64x1xf32>, vector<64x1xf32> -> vector<1024x1xf32>
    %convert_element_type3A_621 = arith.fptosi %concatenate3A : vector<1024x1xf32> to vector<1024x1xi32>
    %swap3A_622 = arith.constant 0 : index
    %swap3A_623 = arith.constant 0 : index
    %swap3A_624 = vector.load %arg5[%swap3A_622, %swap3A_623] : memref<1024x1xi32, #tpu.memory_space<vmem>>, vector<1024x1xi32>
    tpu.vector_store %arg5[%swap3A_622, %swap3A_623], %convert_element_type3A_621 {strides = array<i32>} : memref<1024x1xi32, #tpu.memory_space<vmem>>, vector<1024x1xi32>,
    %eq3A_625 = arith.constant 7 : i32
    %eq3A_626 = arith.cmpi eq, %arg0, %eq3A_625 : i32
    %convert_element_type3A_627 = arith.extui %eq3A_626 : i1 to i32
    %cond3A_628 = arith.constant 0 : i32
    %cond3A_629 = arith.cmpi ne, %convert_element_type3A_627, %cond3A_628 : i32
    scf.if %cond3A_629 {
      %get3A_630 = arith.constant 0 : index
      %get3A_631 = arith.constant 0 : index
      %get3A_632 = vector.load %arg8[%get3A_630, %get3A_631] : memref<1x2048xf32, #tpu.memory_space<vmem>>, vector<1x2048xf32>
      %iota3A_633 = tpu.iota {dimensions = array<i32: 1>} : vector<1x2048xi32>
      %jit3A = arith.constant 16 : i32
      %eq3A_634 = arith.constant 0 : i32
      %eq3A_635 = arith.cmpi eq, %jit3A, %eq3A_634 : i32
      %jit3A_636 = arith.constant 1 : i32
      %select_n3A = arith.select %eq3A_635, %jit3A_636, %jit3A : i32
      %rem3A = vector.broadcast %select_n3A : i32 to vector<1x2048xi32>
      %rem3A_637 = arith.remsi %iota3A_633, %rem3A : vector<1x2048xi32>
      %ne3A = arith.constant 0 : i32
      %ne3A_638 = vector.broadcast %ne3A : i32 to vector<1x2048xi32>
      %ne3A_639 = arith.cmpi ne, %rem3A_637, %ne3A_638 : vector<1x2048xi32>
      %lt3A = arith.constant 0 : i32
      %lt3A_640 = vector.broadcast %lt3A : i32 to vector<1x2048xi32>
      %lt3A_641 = arith.cmpi slt, %rem3A_637, %lt3A_640 : vector<1x2048xi32>
      %lt3A_642 = arith.constant 0 : i32
      %lt3A_643 = arith.cmpi slt, %select_n3A, %lt3A_642 : i32
      %ne3A_644 = vector.broadcast %lt3A_643 : i1 to vector<1x2048xi1>
      %ne3A_645 = vector.broadcast %ne3A_644 : vector<1x2048xi1> to vector<1x2048xi1>
      %ne3A_646 = arith.xori %lt3A_641, %ne3A_645 : vector<1x2048xi1>
      %and3A_647 = arith.andi %ne3A_646, %ne3A_639 : vector<1x2048xi1>
      %add3A_648 = vector.broadcast %select_n3A : i32 to vector<1x2048xi32>
      %add3A_649 = arith.addi %rem3A_637, %add3A_648 : vector<1x2048xi32>
      %select_n3A_650 = arith.select %and3A_647, %add3A_649, %rem3A_637 : vector<1x2048xi1>, vector<1x2048xi32>
      %ge3A_651 = arith.constant 1 : i32
      %ge3A_652 = vector.broadcast %ge3A_651 : i32 to vector<1x2048xi32>
      %ge3A_653 = arith.cmpi sge, %select_n3A_650, %ge3A_652 : vector<1x2048xi32>
      %broadcast_in_dim3A_654 = arith.constant 0.000000e+00 : f32
      %broadcast_in_dim3A_655 = vector.broadcast %broadcast_in_dim3A_654 : f32 to vector<1x1xf32>
      %slice3A_656 = vector.extract_strided_slice %get3A_632 {offsets = [0, 0], sizes = [1, 2047], strides = [1, 1]} : vector<1x2048xf32> to vector<1x2047xf32>
      %concatenate3A_657 = tpu.concatenate %broadcast_in_dim3A_655, %slice3A_656 in 1 : vector<1x1xf32>, vector<1x2047xf32> -> vector<1x2048xf32>
      %jit3A_658 = arith.constant 0.000000e+00 : f32
      %broadcast_in_dim3A_659 = vector.broadcast %jit3A_658 : f32 to vector<1x2048xf32>
      %select_n3A_660 = arith.select %ge3A_653, %concatenate3A_657, %broadcast_in_dim3A_659 : vector<1x2048xi1>, vector<1x2048xf32>
      %add3A_661 = arith.addf %get3A_632, %select_n3A_660 : vector<1x2048xf32>
      %ge3A_662 = arith.constant 2 : i32
      %ge3A_663 = vector.broadcast %ge3A_662 : i32 to vector<1x2048xi32>
      %ge3A_664 = arith.cmpi sge, %select_n3A_650, %ge3A_663 : vector<1x2048xi32>
      %broadcast_in_dim3A_665 = arith.constant 0.000000e+00 : f32
      %broadcast_in_dim3A_666 = vector.broadcast %broadcast_in_dim3A_665 : f32 to vector<1x2xf32>
      %slice3A_667 = vector.extract_strided_slice %add3A_661 {offsets = [0, 0], sizes = [1, 2046], strides = [1, 1]} : vector<1x2048xf32> to vector<1x2046xf32>
      %concatenate3A_668 = tpu.concatenate %broadcast_in_dim3A_666, %slice3A_667 in 1 : vector<1x2xf32>, vector<1x2046xf32> -> vector<1x2048xf32>
      %jit3A_669 = arith.constant 0.000000e+00 : f32
      %broadcast_in_dim3A_670 = vector.broadcast %jit3A_669 : f32 to vector<1x2048xf32>
      %select_n3A_671 = arith.select %ge3A_664, %concatenate3A_668, %broadcast_in_dim3A_670 : vector<1x2048xi1>, vector<1x2048xf32>
      %add3A_672 = arith.addf %add3A_661, %select_n3A_671 : vector<1x2048xf32>
      %ge3A_673 = arith.constant 4 : i32
      %ge3A_674 = vector.broadcast %ge3A_673 : i32 to vector<1x2048xi32>
      %ge3A_675 = arith.cmpi sge, %select_n3A_650, %ge3A_674 : vector<1x2048xi32>
      %broadcast_in_dim3A_676 = arith.constant 0.000000e+00 : f32
      %broadcast_in_dim3A_677 = vector.broadcast %broadcast_in_dim3A_676 : f32 to vector<1x4xf32>
      %slice3A_678 = vector.extract_strided_slice %add3A_672 {offsets = [0, 0], sizes = [1, 2044], strides = [1, 1]} : vector<1x2048xf32> to vector<1x2044xf32>
      %concatenate3A_679 = tpu.concatenate %broadcast_in_dim3A_677, %slice3A_678 in 1 : vector<1x4xf32>, vector<1x2044xf32> -> vector<1x2048xf32>
      %jit3A_680 = arith.constant 0.000000e+00 : f32
      %broadcast_in_dim3A_681 = vector.broadcast %jit3A_680 : f32 to vector<1x2048xf32>
      %select_n3A_682 = arith.select %ge3A_675, %concatenate3A_679, %broadcast_in_dim3A_681 : vector<1x2048xi1>, vector<1x2048xf32>
      %add3A_683 = arith.addf %add3A_672, %select_n3A_682 : vector<1x2048xf32>
      %ge3A_684 = arith.constant 8 : i32
      %ge3A_685 = vector.broadcast %ge3A_684 : i32 to vector<1x2048xi32>
      %ge3A_686 = arith.cmpi sge, %select_n3A_650, %ge3A_685 : vector<1x2048xi32>
      %broadcast_in_dim3A_687 = arith.constant 0.000000e+00 : f32
      %broadcast_in_dim3A_688 = vector.broadcast %broadcast_in_dim3A_687 : f32 to vector<1x8xf32>
      %slice3A_689 = vector.extract_strided_slice %add3A_683 {offsets = [0, 0], sizes = [1, 2040], strides = [1, 1]} : vector<1x2048xf32> to vector<1x2040xf32>
      %concatenate3A_690 = tpu.concatenate %broadcast_in_dim3A_688, %slice3A_689 in 1 : vector<1x8xf32>, vector<1x2040xf32> -> vector<1x2048xf32>
      %jit3A_691 = arith.constant 0.000000e+00 : f32
      %broadcast_in_dim3A_692 = vector.broadcast %jit3A_691 : f32 to vector<1x2048xf32>
      %select_n3A_693 = arith.select %ge3A_686, %concatenate3A_690, %broadcast_in_dim3A_692 : vector<1x2048xi1>, vector<1x2048xf32>
      %add3A_694 = arith.addf %add3A_683, %select_n3A_693 : vector<1x2048xf32>
      %sub3A = arith.subf %add3A_694, %get3A_632 : vector<1x2048xf32>
      %add3A_695 = arith.constant 1 : i32
      %add3A_696 = vector.broadcast %add3A_695 : i32 to vector<1x2048xi32>
      %add3A_697 = arith.addi %select_n3A_650, %add3A_696 : vector<1x2048xi32>
      %lt3A_698 = arith.constant 16 : i32
      %lt3A_699 = vector.broadcast %lt3A_698 : i32 to vector<1x2048xi32>
      %lt3A_700 = arith.cmpi slt, %add3A_697, %lt3A_699 : vector<1x2048xi32>
      %slice3A_701 = vector.extract_strided_slice %add3A_694 {offsets = [0, 1], sizes = [1, 2047], strides = [1, 1]} : vector<1x2048xf32> to vector<1x2047xf32>
      %broadcast_in_dim3A_702 = arith.constant 0.000000e+00 : f32
      %broadcast_in_dim3A_703 = vector.broadcast %broadcast_in_dim3A_702 : f32 to vector<1x1xf32>
      %concatenate3A_704 = tpu.concatenate %slice3A_701, %broadcast_in_dim3A_703 in 1 : vector<1x2047xf32>, vector<1x1xf32> -> vector<1x2048xf32>
      %jit3A_705 = arith.constant 0.000000e+00 : f32
      %broadcast_in_dim3A_706 = vector.broadcast %jit3A_705 : f32 to vector<1x2048xf32>
      %select_n3A_707 = arith.select %lt3A_700, %concatenate3A_704, %broadcast_in_dim3A_706 : vector<1x2048xi1>, vector<1x2048xf32>
      %max3A = arith.maximumf %add3A_694, %select_n3A_707 : vector<1x2048xf32>
      %add3A_708 = arith.constant 2 : i32
      %add3A_709 = vector.broadcast %add3A_708 : i32 to vector<1x2048xi32>
      %add3A_710 = arith.addi %select_n3A_650, %add3A_709 : vector<1x2048xi32>
      %lt3A_711 = arith.constant 16 : i32
      %lt3A_712 = vector.broadcast %lt3A_711 : i32 to vector<1x2048xi32>
      %lt3A_713 = arith.cmpi slt, %add3A_710, %lt3A_712 : vector<1x2048xi32>
      %slice3A_714 = vector.extract_strided_slice %max3A {offsets = [0, 2], sizes = [1, 2046], strides = [1, 1]} : vector<1x2048xf32> to vector<1x2046xf32>
      %broadcast_in_dim3A_715 = arith.constant 0.000000e+00 : f32
      %broadcast_in_dim3A_716 = vector.broadcast %broadcast_in_dim3A_715 : f32 to vector<1x2xf32>
      %concatenate3A_717 = tpu.concatenate %slice3A_714, %broadcast_in_dim3A_716 in 1 : vector<1x2046xf32>, vector<1x2xf32> -> vector<1x2048xf32>
      %jit3A_718 = arith.constant 0.000000e+00 : f32
      %broadcast_in_dim3A_719 = vector.broadcast %jit3A_718 : f32 to vector<1x2048xf32>
      %select_n3A_720 = arith.select %lt3A_713, %concatenate3A_717, %broadcast_in_dim3A_719 : vector<1x2048xi1>, vector<1x2048xf32>
      %max3A_721 = arith.maximumf %max3A, %select_n3A_720 : vector<1x2048xf32>
      %add3A_722 = arith.constant 4 : i32
      %add3A_723 = vector.broadcast %add3A_722 : i32 to vector<1x2048xi32>
      %add3A_724 = arith.addi %select_n3A_650, %add3A_723 : vector<1x2048xi32>
      %lt3A_725 = arith.constant 16 : i32
      %lt3A_726 = vector.broadcast %lt3A_725 : i32 to vector<1x2048xi32>
      %lt3A_727 = arith.cmpi slt, %add3A_724, %lt3A_726 : vector<1x2048xi32>
      %slice3A_728 = vector.extract_strided_slice %max3A_721 {offsets = [0, 4], sizes = [1, 2044], strides = [1, 1]} : vector<1x2048xf32> to vector<1x2044xf32>
      %broadcast_in_dim3A_729 = arith.constant 0.000000e+00 : f32
      %broadcast_in_dim3A_730 = vector.broadcast %broadcast_in_dim3A_729 : f32 to vector<1x4xf32>
      %concatenate3A_731 = tpu.concatenate %slice3A_728, %broadcast_in_dim3A_730 in 1 : vector<1x2044xf32>, vector<1x4xf32> -> vector<1x2048xf32>
      %jit3A_732 = arith.constant 0.000000e+00 : f32
      %broadcast_in_dim3A_733 = vector.broadcast %jit3A_732 : f32 to vector<1x2048xf32>
      %select_n3A_734 = arith.select %lt3A_727, %concatenate3A_731, %broadcast_in_dim3A_733 : vector<1x2048xi1>, vector<1x2048xf32>
      %max3A_735 = arith.maximumf %max3A_721, %select_n3A_734 : vector<1x2048xf32>
      %add3A_736 = arith.constant 8 : i32
      %add3A_737 = vector.broadcast %add3A_736 : i32 to vector<1x2048xi32>
      %add3A_738 = arith.addi %select_n3A_650, %add3A_737 : vector<1x2048xi32>
      %lt3A_739 = arith.constant 16 : i32
      %lt3A_740 = vector.broadcast %lt3A_739 : i32 to vector<1x2048xi32>
      %lt3A_741 = arith.cmpi slt, %add3A_738, %lt3A_740 : vector<1x2048xi32>
      %slice3A_742 = vector.extract_strided_slice %max3A_735 {offsets = [0, 8], sizes = [1, 2040], strides = [1, 1]} : vector<1x2048xf32> to vector<1x2040xf32>
      %broadcast_in_dim3A_743 = arith.constant 0.000000e+00 : f32
      %broadcast_in_dim3A_744 = vector.broadcast %broadcast_in_dim3A_743 : f32 to vector<1x8xf32>
      %concatenate3A_745 = tpu.concatenate %slice3A_742, %broadcast_in_dim3A_744 in 1 : vector<1x2040xf32>, vector<1x8xf32> -> vector<1x2048xf32>
      %jit3A_746 = arith.constant 0.000000e+00 : f32
      %broadcast_in_dim3A_747 = vector.broadcast %jit3A_746 : f32 to vector<1x2048xf32>
      %select_n3A_748 = arith.select %lt3A_741, %concatenate3A_745, %broadcast_in_dim3A_747 : vector<1x2048xi1>, vector<1x2048xf32>
      %max3A_749 = arith.maximumf %max3A_735, %select_n3A_748 : vector<1x2048xf32>
      %div3A = arith.constant 6.400000e+01 : f32
      %div3A_750 = vector.broadcast %div3A : f32 to vector<1x2048xf32>
      %div3A_751 = arith.divf %max3A_749, %div3A_750 : vector<1x2048xf32>
      %ceil3A = math.ceil %div3A_751 : vector<1x2048xf32>
      %mul3A_752 = arith.constant 6.400000e+01 : f32
      %mul3A_753 = vector.broadcast %mul3A_752 : f32 to vector<1x2048xf32>
      %mul3A_754 = arith.mulf %ceil3A, %mul3A_753 : vector<1x2048xf32>
      %eq3A_755 = arith.constant 15 : i32
      %eq3A_756 = vector.broadcast %eq3A_755 : i32 to vector<1x2048xi32>
      %eq3A_757 = arith.cmpi eq, %select_n3A_650, %eq3A_756 : vector<1x2048xi32>
      %jit3A_758 = arith.constant 0.000000e+00 : f32
      %broadcast_in_dim3A_759 = vector.broadcast %jit3A_758 : f32 to vector<1x2048xf32>
      %select_n3A_760 = arith.select %eq3A_757, %mul3A_754, %broadcast_in_dim3A_759 : vector<1x2048xi1>, vector<1x2048xf32>
      %broadcast_in_dim3A_761 = arith.constant 0.000000e+00 : f32
      %broadcast_in_dim3A_762 = vector.broadcast %broadcast_in_dim3A_761 : f32 to vector<1x1xf32>
      %slice3A_763 = vector.extract_strided_slice %select_n3A_760 {offsets = [0, 0], sizes = [1, 2047], strides = [1, 1]} : vector<1x2048xf32> to vector<1x2047xf32>
      %concatenate3A_764 = tpu.concatenate %broadcast_in_dim3A_762, %slice3A_763 in 1 : vector<1x1xf32>, vector<1x2047xf32> -> vector<1x2048xf32>
      %add3A_765 = arith.addf %select_n3A_760, %concatenate3A_764 : vector<1x2048xf32>
      %broadcast_in_dim3A_766 = arith.constant 0.000000e+00 : f32
      %broadcast_in_dim3A_767 = vector.broadcast %broadcast_in_dim3A_766 : f32 to vector<1x2xf32>
      %slice3A_768 = vector.extract_strided_slice %add3A_765 {offsets = [0, 0], sizes = [1, 2046], strides = [1, 1]} : vector<1x2048xf32> to vector<1x2046xf32>
      %concatenate3A_769 = tpu.concatenate %broadcast_in_dim3A_767, %slice3A_768 in 1 : vector<1x2xf32>, vector<1x2046xf32> -> vector<1x2048xf32>
      %add3A_770 = arith.addf %add3A_765, %concatenate3A_769 : vector<1x2048xf32>
      %broadcast_in_dim3A_771 = arith.constant 0.000000e+00 : f32
      %broadcast_in_dim3A_772 = vector.broadcast %broadcast_in_dim3A_771 : f32 to vector<1x4xf32>
      %slice3A_773 = vector.extract_strided_slice %add3A_770 {offsets = [0, 0], sizes = [1, 2044], strides = [1, 1]} : vector<1x2048xf32> to vector<1x2044xf32>
      %concatenate3A_774 = tpu.concatenate %broadcast_in_dim3A_772, %slice3A_773 in 1 : vector<1x4xf32>, vector<1x2044xf32> -> vector<1x2048xf32>
      %add3A_775 = arith.addf %add3A_770, %concatenate3A_774 : vector<1x2048xf32>
      %broadcast_in_dim3A_776 = arith.constant 0.000000e+00 : f32
      %broadcast_in_dim3A_777 = vector.broadcast %broadcast_in_dim3A_776 : f32 to vector<1x8xf32>
      %slice3A_778 = vector.extract_strided_slice %add3A_775 {offsets = [0, 0], sizes = [1, 2040], strides = [1, 1]} : vector<1x2048xf32> to vector<1x2040xf32>
      %concatenate3A_779 = tpu.concatenate %broadcast_in_dim3A_777, %slice3A_778 in 1 : vector<1x8xf32>, vector<1x2040xf32> -> vector<1x2048xf32>
      %add3A_780 = arith.addf %add3A_775, %concatenate3A_779 : vector<1x2048xf32>
      %broadcast_in_dim3A_781 = arith.constant 0.000000e+00 : f32
      %broadcast_in_dim3A_782 = vector.broadcast %broadcast_in_dim3A_781 : f32 to vector<1x16xf32>
      %slice3A_783 = vector.extract_strided_slice %add3A_780 {offsets = [0, 0], sizes = [1, 2032], strides = [1, 1]} : vector<1x2048xf32> to vector<1x2032xf32>
      %concatenate3A_784 = tpu.concatenate %broadcast_in_dim3A_782, %slice3A_783 in 1 : vector<1x16xf32>, vector<1x2032xf32> -> vector<1x2048xf32>
      %add3A_785 = arith.addf %add3A_780, %concatenate3A_784 : vector<1x2048xf32>
      %broadcast_in_dim3A_786 = arith.constant 0.000000e+00 : f32
      %broadcast_in_dim3A_787 = vector.broadcast %broadcast_in_dim3A_786 : f32 to vector<1x32xf32>
      %slice3A_788 = vector.extract_strided_slice %add3A_785 {offsets = [0, 0], sizes = [1, 2016], strides = [1, 1]} : vector<1x2048xf32> to vector<1x2016xf32>
      %concatenate3A_789 = tpu.concatenate %broadcast_in_dim3A_787, %slice3A_788 in 1 : vector<1x32xf32>, vector<1x2016xf32> -> vector<1x2048xf32>
      %add3A_790 = arith.addf %add3A_785, %concatenate3A_789 : vector<1x2048xf32>
      %broadcast_in_dim3A_791 = arith.constant 0.000000e+00 : f32
      %broadcast_in_dim3A_792 = vector.broadcast %broadcast_in_dim3A_791 : f32 to vector<1x64xf32>
      %slice3A_793 = vector.extract_strided_slice %add3A_790 {offsets = [0, 0], sizes = [1, 1984], strides = [1, 1]} : vector<1x2048xf32> to vector<1x1984xf32>
      %concatenate3A_794 = tpu.concatenate %broadcast_in_dim3A_792, %slice3A_793 in 1 : vector<1x64xf32>, vector<1x1984xf32> -> vector<1x2048xf32>
      %add3A_795 = arith.addf %add3A_790, %concatenate3A_794 : vector<1x2048xf32>
      %broadcast_in_dim3A_796 = arith.constant 0.000000e+00 : f32
      %broadcast_in_dim3A_797 = vector.broadcast %broadcast_in_dim3A_796 : f32 to vector<1x128xf32>
      %slice3A_798 = vector.extract_strided_slice %add3A_795 {offsets = [0, 0], sizes = [1, 1920], strides = [1, 1]} : vector<1x2048xf32> to vector<1x1920xf32>
      %concatenate3A_799 = tpu.concatenate %broadcast_in_dim3A_797, %slice3A_798 in 1 : vector<1x128xf32>, vector<1x1920xf32> -> vector<1x2048xf32>
      %add3A_800 = arith.addf %add3A_795, %concatenate3A_799 : vector<1x2048xf32>
      %broadcast_in_dim3A_801 = arith.constant 0.000000e+00 : f32
      %broadcast_in_dim3A_802 = vector.broadcast %broadcast_in_dim3A_801 : f32 to vector<1x256xf32>
      %slice3A_803 = vector.extract_strided_slice %add3A_800 {offsets = [0, 0], sizes = [1, 1792], strides = [1, 1]} : vector<1x2048xf32> to vector<1x1792xf32>
      %concatenate3A_804 = tpu.concatenate %broadcast_in_dim3A_802, %slice3A_803 in 1 : vector<1x256xf32>, vector<1x1792xf32> -> vector<1x2048xf32>
      %add3A_805 = arith.addf %add3A_800, %concatenate3A_804 : vector<1x2048xf32>
      %broadcast_in_dim3A_806 = arith.constant 0.000000e+00 : f32
      %broadcast_in_dim3A_807 = vector.broadcast %broadcast_in_dim3A_806 : f32 to vector<1x512xf32>
      %slice3A_808 = vector.extract_strided_slice %add3A_805 {offsets = [0, 0], sizes = [1, 1536], strides = [1, 1]} : vector<1x2048xf32> to vector<1x1536xf32>
      %concatenate3A_809 = tpu.concatenate %broadcast_in_dim3A_807, %slice3A_808 in 1 : vector<1x512xf32>, vector<1x1536xf32> -> vector<1x2048xf32>
      %add3A_810 = arith.addf %add3A_805, %concatenate3A_809 : vector<1x2048xf32>
      %broadcast_in_dim3A_811 = arith.constant 0.000000e+00 : f32
      %broadcast_in_dim3A_812 = vector.broadcast %broadcast_in_dim3A_811 : f32 to vector<1x1024xf32>
      %slice3A_813 = vector.extract_strided_slice %add3A_810 {offsets = [0, 0], sizes = [1, 1024], strides = [1, 1]} : vector<1x2048xf32> to vector<1x1024xf32>
      %concatenate3A_814 = tpu.concatenate %broadcast_in_dim3A_812, %slice3A_813 in 1 : vector<1x1024xf32>, vector<1x1024xf32> -> vector<1x2048xf32>
      %add3A_815 = arith.addf %add3A_810, %concatenate3A_814 : vector<1x2048xf32>
      %sub3A_816 = arith.subf %add3A_815, %select_n3A_760 : vector<1x2048xf32>
      %add3A_817 = arith.addf %sub3A_816, %sub3A : vector<1x2048xf32>
      %reduce_sum3A_818 = vector.shape_cast %select_n3A_760 : vector<1x2048xf32> to vector<1x1x2048xf32>
      %reduce_sum3A_819 = arith.constant dense<0.000000e+00> : vector<1xf32>
      %reduce_sum3A_820 = vector.multi_reduction <add>, %reduce_sum3A_818, %reduce_sum3A_819 [1, 2] : vector<1x1x2048xf32> to vector<1xf32>
      %reduce_sum3A_821 = vector.shape_cast %reduce_sum3A_820 : vector<1xf32> to vector<1x1x1xf32>
      %reduce_sum3A_822 = vector.extract %reduce_sum3A_821[0, 0, 0] : f32 from vector<1x1x1xf32>
      %broadcast_in_dim3A_823 = arith.constant 1.000000e+00 : f32
      %broadcast_in_dim3A_824 = vector.broadcast %broadcast_in_dim3A_823 : f32 to vector<1x128xf32>
      %mul3A_825 = vector.broadcast %reduce_sum3A_822 : f32 to vector<1x128xf32>
      %mul3A_826 = arith.mulf %broadcast_in_dim3A_824, %mul3A_825 : vector<1x128xf32>
      %concatenate3A_827 = tpu.concatenate %add3A_817, %mul3A_826 in 1 : vector<1x2048xf32>, vector<1x128xf32> -> vector<1x2176xf32>
      %convert_element_type3A_828 = arith.fptosi %concatenate3A_827 : vector<1x2176xf32> to vector<1x2176xi32>
      %swap3A_829 = arith.constant 0 : index
      %swap3A_830 = arith.constant 0 : index
      %swap3A_831 = vector.load %arg6[%swap3A_829, %swap3A_830] : memref<1x2176xi32, #tpu.memory_space<vmem>>, vector<1x2176xi32>
      tpu.vector_store %arg6[%swap3A_829, %swap3A_830], %convert_element_type3A_828 {strides = array<i32>} : memref<1x2176xi32, #tpu.memory_space<vmem>>, vector<1x2176xi32>,
      %iota3A_832 = tpu.iota {dimensions = array<i32: 0>} : vector<256x1xi32>
      %convert_element_type3A_833 = arith.sitofp %iota3A_832 : vector<256x1xi32> to vector<256x1xf32>
      %mul3A_834 = arith.constant 6.400000e+01 : f32
      %mul3A_835 = vector.broadcast %mul3A_834 : f32 to vector<256x1xf32>
      %mul3A_836 = arith.mulf %convert_element_type3A_833, %mul3A_835 : vector<256x1xf32>
      %eq3A_837 = arith.constant 0 : i32
      %eq3A_838 = vector.broadcast %eq3A_837 : i32 to vector<1x2048xi32>
      %eq3A_839 = arith.cmpi eq, %select_n3A_650, %eq3A_838 : vector<1x2048xi32>
      %le3A = vector.broadcast %sub3A_816 : vector<1x2048xf32> to vector<256x2048xf32>
      %le3A_840 = vector.broadcast %mul3A_836 : vector<256x1xf32> to vector<256x2048xf32>
      %le3A_841 = arith.cmpf ole, %le3A, %le3A_840 : vector<256x2048xf32>
      %and3A_842 = vector.broadcast %eq3A_839 : vector<1x2048xi1> to vector<256x2048xi1>
      %and3A_843 = arith.andi %le3A_841, %and3A_842 : vector<256x2048xi1>
      %convert_element_type3A_844 = arith.extui %and3A_843 : vector<256x2048xi1> to vector<256x2048xi32>
      %convert_element_type3A_845 = arith.sitofp %convert_element_type3A_844 : vector<256x2048xi32> to vector<256x2048xf32>
      %reduce_sum3A_846 = arith.constant dense<0.000000e+00> : vector<256xf32>
      %reduce_sum3A_847 = vector.multi_reduction <add>, %convert_element_type3A_845, %reduce_sum3A_846 [1] : vector<256x2048xf32> to vector<256xf32>
      %broadcast_in_dim3A_848 = vector.shape_cast %reduce_sum3A_847 : vector<256xf32> to vector<256x1xf32>
      %sub3A_849 = arith.constant 1.000000e+00 : f32
      %sub3A_850 = vector.broadcast %sub3A_849 : f32 to vector<256x1xf32>
      %sub3A_851 = arith.subf %broadcast_in_dim3A_848, %sub3A_850 : vector<256x1xf32>
      %convert_element_type3A_852 = arith.fptosi %sub3A_851 : vector<256x1xf32> to vector<256x1xi32>
      %swap3A_853 = arith.constant 0 : index
      %swap3A_854 = arith.constant 0 : index
      %swap3A_855 = vector.load %arg7[%swap3A_853, %swap3A_854] : memref<256x1xi32, #tpu.memory_space<vmem>>, vector<256x1xi32>
      tpu.vector_store %arg7[%swap3A_853, %swap3A_854], %convert_element_type3A_852 {strides = array<i32>} : memref<256x1xi32, #tpu.memory_space<vmem>>, vector<256x1xi32>,
    } else {
    }
    return
  }
  func.func @transform_0(%arg0: i32) -> (i32, i32) {
    %c0_i32 = arith.constant 0 : i32
    %c0_i32_0 = arith.constant 0 : i32
    return %arg0, %c0_i32 : i32, i32
  }
  func.func @transform_1(%arg0: i32) -> (i32, i32) {
    %c0_i32 = arith.constant 0 : i32
    %c0_i32_0 = arith.constant 0 : i32
    %c0_i32_1 = arith.constant 0 : i32
    return %c0_i32, %c0_i32_0 : i32, i32
  }
  func.func @transform_2(%arg0: i32) -> (i32, i32) {
    %c0_i32 = arith.constant 0 : i32
    %c0_i32_0 = arith.constant 0 : i32
    %c0_i32_1 = arith.constant 0 : i32
    return %c0_i32, %c0_i32_0 : i32, i32
  }
  func.func @transform_3(%arg0: i32) -> (i32, i32) {
    %c0_i32 = arith.constant 0 : i32
    %c0_i32_0 = arith.constant 0 : i32
    return %arg0, %c0_i32 : i32, i32
  }
  func.func @transform_4(%arg0: i32) -> (i32, i32) {
    %c0_i32 = arith.constant 0 : i32
    %c0_i32_0 = arith.constant 0 : i32
    return %arg0, %c0_i32 : i32, i32
  }
  func.func @transform_5(%arg0: i32) -> (i32, i32) {
    %c0_i32 = arith.constant 0 : i32
    %c0_i32_0 = arith.constant 0 : i32
    %c0_i32_1 = arith.constant 0 : i32
    return %c0_i32, %c0_i32_0 : i32, i32
  }
  func.func @transform_6(%arg0: i32) -> (i32, i32) {
    %c0_i32 = arith.constant 0 : i32
    %c0_i32_0 = arith.constant 0 : i32
    %c0_i32_1 = arith.constant 0 : i32
    return %c0_i32, %c0_i32_0 : i32, i32
  }
}

module attributes {stable_mosaic.version = 14 : i64} {
  func.func @_expert_body(%arg0: i32, %arg1: memref<2176xi32, #tpu.memory_space<smem>>, %arg2: memref<256xi32, #tpu.memory_space<smem>>, %arg3: memref<1024x256xf32, #tpu.memory_space<vmem>>, %arg4: memref<256x1024xf32, #tpu.memory_space<vmem>>, %arg5: memref<1x1x256xf32, #tpu.memory_space<vmem>>, %arg6: memref<64x1024xf32, #tpu.memory_space<vmem>>, %arg7: memref<64x1024xf32, #tpu.memory_space<vmem>>) attributes {dimension_semantics = [#tpu.dimension_semantics<arbitrary>], iteration_bounds = array<i64: 256>, scalar_prefetch = 2 : i64, scratch_operands = 0 : i64, tpu.core_type = #tpu.core_type<tc>, window_params = [{transform_indices = @transform_0, window_bounds = array<i64: 1024, 256>}, {transform_indices = @transform_1, window_bounds = array<i64: 256, 1024>}, {transform_indices = @transform_2, window_bounds = array<i64: 1, 1, 256>}, {transform_indices = @transform_3, window_bounds = array<i64: 64, 1024>}, {transform_indices = @transform_4, window_bounds = array<i64: 64, 1024>}]} {
    %get3A = arith.index_cast %arg0 : i32 to index
    %get3A_0 = memref.load %arg2[%get3A] : memref<256xi32, #tpu.memory_space<smem>>
    %mul3A = arith.constant 64 : i32
    %mul3A_1 = arith.muli %arg0, %mul3A : i32
    %get3A_2 = arith.constant 0 : index
    %get3A_3 = arith.constant 0 : index
    %get3A_4 = vector.load %arg6[%get3A_2, %get3A_3] : memref<64x1024xf32, #tpu.memory_space<vmem>>, vector<64x1024xf32>
    %get3A_5 = arith.constant 0 : index
    %get3A_6 = arith.constant 0 : index
    %get3A_7 = vector.load %arg3[%get3A_5, %get3A_6] : memref<1024x256xf32, #tpu.memory_space<vmem>>, vector<1024x256xf32>
    %dot_general3A = arith.constant dense<0.000000e+00> : vector<64x256xf32>
    %dot_general3A_8 = tpu.matmul %get3A_4, %get3A_7, %dot_general3A {dimension_numbers = #tpu.dot_dimension_numbers<[1], [0], [0], [1], [0, 0, 1, 1], [], []>, transpose_lhs_hint = false} : vector<64x1024xf32>, vector<1024x256xf32>, vector<64x256xf32> -> vector<64x256xf32>
    %get3A_9 = arith.constant 0 : index
    %get3A_10 = arith.constant 0 : index
    %get3A_11 = arith.constant 0 : index
    %get3A_12 = vector.load %arg5[%get3A_9, %get3A_10, %get3A_11] : memref<1x1x256xf32, #tpu.memory_space<vmem>>, vector<1x1x256xf32>
    %get3A_13 = vector.shape_cast %get3A_12 : vector<1x1x256xf32> to vector<1x256xf32>
    %add3A = vector.broadcast %get3A_13 : vector<1x256xf32> to vector<64x256xf32>
    %add3A_14 = arith.addf %dot_general3A_8, %add3A : vector<64x256xf32>
    %integer_pow3A = arith.mulf %add3A_14, %add3A_14 : vector<64x256xf32>
    %integer_pow3A_15 = arith.mulf %add3A_14, %integer_pow3A : vector<64x256xf32>
    %mul3A_16 = arith.constant 4.471500e-02 : f32
    %mul3A_17 = vector.broadcast %mul3A_16 : f32 to vector<64x256xf32>
    %mul3A_18 = arith.mulf %mul3A_17, %integer_pow3A_15 : vector<64x256xf32>
    %add3A_19 = arith.addf %add3A_14, %mul3A_18 : vector<64x256xf32>
    %mul3A_20 = arith.constant 0.797884583 : f32
    %mul3A_21 = vector.broadcast %mul3A_20 : f32 to vector<64x256xf32>
    %mul3A_22 = arith.mulf %mul3A_21, %add3A_19 : vector<64x256xf32>
    %tanh3A = math.tanh %mul3A_22 : vector<64x256xf32>
    %add3A_23 = arith.constant 1.000000e+00 : f32
    %add3A_24 = vector.broadcast %add3A_23 : f32 to vector<64x256xf32>
    %add3A_25 = arith.addf %add3A_24, %tanh3A : vector<64x256xf32>
    %mul3A_26 = arith.constant 5.000000e-01 : f32
    %mul3A_27 = vector.broadcast %mul3A_26 : f32 to vector<64x256xf32>
    %mul3A_28 = arith.mulf %mul3A_27, %add3A_25 : vector<64x256xf32>
    %mul3A_29 = arith.mulf %add3A_14, %mul3A_28 : vector<64x256xf32>
    %iota3A = tpu.iota {dimensions = array<i32: 0>} : vector<64x1xi32>
    %add3A_30 = vector.broadcast %mul3A_1 : i32 to vector<64x1xi32>
    %add3A_31 = arith.addi %add3A_30, %iota3A : vector<64x1xi32>
    %mul3A_32 = arith.constant 16 : i32
    %mul3A_33 = arith.muli %mul3A_32, %get3A_0 : i32
    %add3A_34 = arith.constant 0 : i32
    %add3A_35 = arith.addi %mul3A_33, %add3A_34 : i32
    %get3A_36 = arith.index_cast %add3A_35 : i32 to index
    %get3A_37 = memref.load %arg1[%get3A_36] : memref<2176xi32, #tpu.memory_space<smem>>
    %ge3A = vector.broadcast %get3A_37 : i32 to vector<64x1xi32>
    %ge3A_38 = arith.cmpi sge, %add3A_31, %ge3A : vector<64x1xi32>
    %mul3A_39 = arith.constant 16 : i32
    %mul3A_40 = arith.muli %mul3A_39, %get3A_0 : i32
    %add3A_41 = arith.constant 0 : i32
    %add3A_42 = arith.addi %mul3A_40, %add3A_41 : i32
    %add3A_43 = arith.constant 1 : i32
    %add3A_44 = arith.addi %add3A_42, %add3A_43 : i32
    %get3A_45 = arith.index_cast %add3A_44 : i32 to index
    %get3A_46 = memref.load %arg1[%get3A_45] : memref<2176xi32, #tpu.memory_space<smem>>
    %lt3A = vector.broadcast %get3A_46 : i32 to vector<64x1xi32>
    %lt3A_47 = arith.cmpi slt, %add3A_31, %lt3A : vector<64x1xi32>
    %and3A = arith.andi %ge3A_38, %lt3A_47 : vector<64x1xi1>
    %broadcast_in_dim3A = vector.shape_cast %and3A : vector<64x1xi1> to vector<64x1xi1>
    %broadcast_in_dim3A_48 = vector.broadcast %broadcast_in_dim3A : vector<64x1xi1> to vector<64x16xi1>
    %convert_element_type3A = arith.extui %broadcast_in_dim3A_48 : vector<64x16xi1> to vector<64x16xi32>
    %convert_element_type3A_49 = arith.sitofp %convert_element_type3A : vector<64x16xi32> to vector<64x16xf32>
    %mul3A_50 = arith.constant 16 : i32
    %mul3A_51 = arith.muli %mul3A_50, %get3A_0 : i32
    %add3A_52 = arith.constant 1 : i32
    %add3A_53 = arith.addi %mul3A_51, %add3A_52 : i32
    %get3A_54 = arith.index_cast %add3A_53 : i32 to index
    %get3A_55 = memref.load %arg1[%get3A_54] : memref<2176xi32, #tpu.memory_space<smem>>
    %ge3A_56 = vector.broadcast %get3A_55 : i32 to vector<64x1xi32>
    %ge3A_57 = arith.cmpi sge, %add3A_31, %ge3A_56 : vector<64x1xi32>
    %mul3A_58 = arith.constant 16 : i32
    %mul3A_59 = arith.muli %mul3A_58, %get3A_0 : i32
    %add3A_60 = arith.constant 1 : i32
    %add3A_61 = arith.addi %mul3A_59, %add3A_60 : i32
    %add3A_62 = arith.constant 1 : i32
    %add3A_63 = arith.addi %add3A_61, %add3A_62 : i32
    %get3A_64 = arith.index_cast %add3A_63 : i32 to index
    %get3A_65 = memref.load %arg1[%get3A_64] : memref<2176xi32, #tpu.memory_space<smem>>
    %lt3A_66 = vector.broadcast %get3A_65 : i32 to vector<64x1xi32>
    %lt3A_67 = arith.cmpi slt, %add3A_31, %lt3A_66 : vector<64x1xi32>
    %and3A_68 = arith.andi %ge3A_57, %lt3A_67 : vector<64x1xi1>
    %broadcast_in_dim3A_69 = vector.shape_cast %and3A_68 : vector<64x1xi1> to vector<64x1xi1>
    %broadcast_in_dim3A_70 = vector.broadcast %broadcast_in_dim3A_69 : vector<64x1xi1> to vector<64x16xi1>
    %convert_element_type3A_71 = arith.extui %broadcast_in_dim3A_70 : vector<64x16xi1> to vector<64x16xi32>
    %convert_element_type3A_72 = arith.sitofp %convert_element_type3A_71 : vector<64x16xi32> to vector<64x16xf32>
    %mul3A_73 = arith.constant 16 : i32
    %mul3A_74 = arith.muli %mul3A_73, %get3A_0 : i32
    %add3A_75 = arith.constant 2 : i32
    %add3A_76 = arith.addi %mul3A_74, %add3A_75 : i32
    %get3A_77 = arith.index_cast %add3A_76 : i32 to index
    %get3A_78 = memref.load %arg1[%get3A_77] : memref<2176xi32, #tpu.memory_space<smem>>
    %ge3A_79 = vector.broadcast %get3A_78 : i32 to vector<64x1xi32>
    %ge3A_80 = arith.cmpi sge, %add3A_31, %ge3A_79 : vector<64x1xi32>
    %mul3A_81 = arith.constant 16 : i32
    %mul3A_82 = arith.muli %mul3A_81, %get3A_0 : i32
    %add3A_83 = arith.constant 2 : i32
    %add3A_84 = arith.addi %mul3A_82, %add3A_83 : i32
    %add3A_85 = arith.constant 1 : i32
    %add3A_86 = arith.addi %add3A_84, %add3A_85 : i32
    %get3A_87 = arith.index_cast %add3A_86 : i32 to index
    %get3A_88 = memref.load %arg1[%get3A_87] : memref<2176xi32, #tpu.memory_space<smem>>
    %lt3A_89 = vector.broadcast %get3A_88 : i32 to vector<64x1xi32>
    %lt3A_90 = arith.cmpi slt, %add3A_31, %lt3A_89 : vector<64x1xi32>
    %and3A_91 = arith.andi %ge3A_80, %lt3A_90 : vector<64x1xi1>
    %broadcast_in_dim3A_92 = vector.shape_cast %and3A_91 : vector<64x1xi1> to vector<64x1xi1>
    %broadcast_in_dim3A_93 = vector.broadcast %broadcast_in_dim3A_92 : vector<64x1xi1> to vector<64x16xi1>
    %convert_element_type3A_94 = arith.extui %broadcast_in_dim3A_93 : vector<64x16xi1> to vector<64x16xi32>
    %convert_element_type3A_95 = arith.sitofp %convert_element_type3A_94 : vector<64x16xi32> to vector<64x16xf32>
    %mul3A_96 = arith.constant 16 : i32
    %mul3A_97 = arith.muli %mul3A_96, %get3A_0 : i32
    %add3A_98 = arith.constant 3 : i32
    %add3A_99 = arith.addi %mul3A_97, %add3A_98 : i32
    %get3A_100 = arith.index_cast %add3A_99 : i32 to index
    %get3A_101 = memref.load %arg1[%get3A_100] : memref<2176xi32, #tpu.memory_space<smem>>
    %ge3A_102 = vector.broadcast %get3A_101 : i32 to vector<64x1xi32>
    %ge3A_103 = arith.cmpi sge, %add3A_31, %ge3A_102 : vector<64x1xi32>
    %mul3A_104 = arith.constant 16 : i32
    %mul3A_105 = arith.muli %mul3A_104, %get3A_0 : i32
    %add3A_106 = arith.constant 3 : i32
    %add3A_107 = arith.addi %mul3A_105, %add3A_106 : i32
    %add3A_108 = arith.constant 1 : i32
    %add3A_109 = arith.addi %add3A_107, %add3A_108 : i32
    %get3A_110 = arith.index_cast %add3A_109 : i32 to index
    %get3A_111 = memref.load %arg1[%get3A_110] : memref<2176xi32, #tpu.memory_space<smem>>
    %lt3A_112 = vector.broadcast %get3A_111 : i32 to vector<64x1xi32>
    %lt3A_113 = arith.cmpi slt, %add3A_31, %lt3A_112 : vector<64x1xi32>
    %and3A_114 = arith.andi %ge3A_103, %lt3A_113 : vector<64x1xi1>
    %broadcast_in_dim3A_115 = vector.shape_cast %and3A_114 : vector<64x1xi1> to vector<64x1xi1>
    %broadcast_in_dim3A_116 = vector.broadcast %broadcast_in_dim3A_115 : vector<64x1xi1> to vector<64x16xi1>
    %convert_element_type3A_117 = arith.extui %broadcast_in_dim3A_116 : vector<64x16xi1> to vector<64x16xi32>
    %convert_element_type3A_118 = arith.sitofp %convert_element_type3A_117 : vector<64x16xi32> to vector<64x16xf32>
    %mul3A_119 = arith.constant 16 : i32
    %mul3A_120 = arith.muli %mul3A_119, %get3A_0 : i32
    %add3A_121 = arith.constant 4 : i32
    %add3A_122 = arith.addi %mul3A_120, %add3A_121 : i32
    %get3A_123 = arith.index_cast %add3A_122 : i32 to index
    %get3A_124 = memref.load %arg1[%get3A_123] : memref<2176xi32, #tpu.memory_space<smem>>
    %ge3A_125 = vector.broadcast %get3A_124 : i32 to vector<64x1xi32>
    %ge3A_126 = arith.cmpi sge, %add3A_31, %ge3A_125 : vector<64x1xi32>
    %mul3A_127 = arith.constant 16 : i32
    %mul3A_128 = arith.muli %mul3A_127, %get3A_0 : i32
    %add3A_129 = arith.constant 4 : i32
    %add3A_130 = arith.addi %mul3A_128, %add3A_129 : i32
    %add3A_131 = arith.constant 1 : i32
    %add3A_132 = arith.addi %add3A_130, %add3A_131 : i32
    %get3A_133 = arith.index_cast %add3A_132 : i32 to index
    %get3A_134 = memref.load %arg1[%get3A_133] : memref<2176xi32, #tpu.memory_space<smem>>
    %lt3A_135 = vector.broadcast %get3A_134 : i32 to vector<64x1xi32>
    %lt3A_136 = arith.cmpi slt, %add3A_31, %lt3A_135 : vector<64x1xi32>
    %and3A_137 = arith.andi %ge3A_126, %lt3A_136 : vector<64x1xi1>
    %broadcast_in_dim3A_138 = vector.shape_cast %and3A_137 : vector<64x1xi1> to vector<64x1xi1>
    %broadcast_in_dim3A_139 = vector.broadcast %broadcast_in_dim3A_138 : vector<64x1xi1> to vector<64x16xi1>
    %convert_element_type3A_140 = arith.extui %broadcast_in_dim3A_139 : vector<64x16xi1> to vector<64x16xi32>
    %convert_element_type3A_141 = arith.sitofp %convert_element_type3A_140 : vector<64x16xi32> to vector<64x16xf32>
    %mul3A_142 = arith.constant 16 : i32
    %mul3A_143 = arith.muli %mul3A_142, %get3A_0 : i32
    %add3A_144 = arith.constant 5 : i32
    %add3A_145 = arith.addi %mul3A_143, %add3A_144 : i32
    %get3A_146 = arith.index_cast %add3A_145 : i32 to index
    %get3A_147 = memref.load %arg1[%get3A_146] : memref<2176xi32, #tpu.memory_space<smem>>
    %ge3A_148 = vector.broadcast %get3A_147 : i32 to vector<64x1xi32>
    %ge3A_149 = arith.cmpi sge, %add3A_31, %ge3A_148 : vector<64x1xi32>
    %mul3A_150 = arith.constant 16 : i32
    %mul3A_151 = arith.muli %mul3A_150, %get3A_0 : i32
    %add3A_152 = arith.constant 5 : i32
    %add3A_153 = arith.addi %mul3A_151, %add3A_152 : i32
    %add3A_154 = arith.constant 1 : i32
    %add3A_155 = arith.addi %add3A_153, %add3A_154 : i32
    %get3A_156 = arith.index_cast %add3A_155 : i32 to index
    %get3A_157 = memref.load %arg1[%get3A_156] : memref<2176xi32, #tpu.memory_space<smem>>
    %lt3A_158 = vector.broadcast %get3A_157 : i32 to vector<64x1xi32>
    %lt3A_159 = arith.cmpi slt, %add3A_31, %lt3A_158 : vector<64x1xi32>
    %and3A_160 = arith.andi %ge3A_149, %lt3A_159 : vector<64x1xi1>
    %broadcast_in_dim3A_161 = vector.shape_cast %and3A_160 : vector<64x1xi1> to vector<64x1xi1>
    %broadcast_in_dim3A_162 = vector.broadcast %broadcast_in_dim3A_161 : vector<64x1xi1> to vector<64x16xi1>
    %convert_element_type3A_163 = arith.extui %broadcast_in_dim3A_162 : vector<64x16xi1> to vector<64x16xi32>
    %convert_element_type3A_164 = arith.sitofp %convert_element_type3A_163 : vector<64x16xi32> to vector<64x16xf32>
    %mul3A_165 = arith.constant 16 : i32
    %mul3A_166 = arith.muli %mul3A_165, %get3A_0 : i32
    %add3A_167 = arith.constant 6 : i32
    %add3A_168 = arith.addi %mul3A_166, %add3A_167 : i32
    %get3A_169 = arith.index_cast %add3A_168 : i32 to index
    %get3A_170 = memref.load %arg1[%get3A_169] : memref<2176xi32, #tpu.memory_space<smem>>
    %ge3A_171 = vector.broadcast %get3A_170 : i32 to vector<64x1xi32>
    %ge3A_172 = arith.cmpi sge, %add3A_31, %ge3A_171 : vector<64x1xi32>
    %mul3A_173 = arith.constant 16 : i32
    %mul3A_174 = arith.muli %mul3A_173, %get3A_0 : i32
    %add3A_175 = arith.constant 6 : i32
    %add3A_176 = arith.addi %mul3A_174, %add3A_175 : i32
    %add3A_177 = arith.constant 1 : i32
    %add3A_178 = arith.addi %add3A_176, %add3A_177 : i32
    %get3A_179 = arith.index_cast %add3A_178 : i32 to index
    %get3A_180 = memref.load %arg1[%get3A_179] : memref<2176xi32, #tpu.memory_space<smem>>
    %lt3A_181 = vector.broadcast %get3A_180 : i32 to vector<64x1xi32>
    %lt3A_182 = arith.cmpi slt, %add3A_31, %lt3A_181 : vector<64x1xi32>
    %and3A_183 = arith.andi %ge3A_172, %lt3A_182 : vector<64x1xi1>
    %broadcast_in_dim3A_184 = vector.shape_cast %and3A_183 : vector<64x1xi1> to vector<64x1xi1>
    %broadcast_in_dim3A_185 = vector.broadcast %broadcast_in_dim3A_184 : vector<64x1xi1> to vector<64x16xi1>
    %convert_element_type3A_186 = arith.extui %broadcast_in_dim3A_185 : vector<64x16xi1> to vector<64x16xi32>
    %convert_element_type3A_187 = arith.sitofp %convert_element_type3A_186 : vector<64x16xi32> to vector<64x16xf32>
    %mul3A_188 = arith.constant 16 : i32
    %mul3A_189 = arith.muli %mul3A_188, %get3A_0 : i32
    %add3A_190 = arith.constant 7 : i32
    %add3A_191 = arith.addi %mul3A_189, %add3A_190 : i32
    %get3A_192 = arith.index_cast %add3A_191 : i32 to index
    %get3A_193 = memref.load %arg1[%get3A_192] : memref<2176xi32, #tpu.memory_space<smem>>
    %ge3A_194 = vector.broadcast %get3A_193 : i32 to vector<64x1xi32>
    %ge3A_195 = arith.cmpi sge, %add3A_31, %ge3A_194 : vector<64x1xi32>
    %mul3A_196 = arith.constant 16 : i32
    %mul3A_197 = arith.muli %mul3A_196, %get3A_0 : i32
    %add3A_198 = arith.constant 7 : i32
    %add3A_199 = arith.addi %mul3A_197, %add3A_198 : i32
    %add3A_200 = arith.constant 1 : i32
    %add3A_201 = arith.addi %add3A_199, %add3A_200 : i32
    %get3A_202 = arith.index_cast %add3A_201 : i32 to index
    %get3A_203 = memref.load %arg1[%get3A_202] : memref<2176xi32, #tpu.memory_space<smem>>
    %lt3A_204 = vector.broadcast %get3A_203 : i32 to vector<64x1xi32>
    %lt3A_205 = arith.cmpi slt, %add3A_31, %lt3A_204 : vector<64x1xi32>
    %and3A_206 = arith.andi %ge3A_195, %lt3A_205 : vector<64x1xi1>
    %broadcast_in_dim3A_207 = vector.shape_cast %and3A_206 : vector<64x1xi1> to vector<64x1xi1>
    %broadcast_in_dim3A_208 = vector.broadcast %broadcast_in_dim3A_207 : vector<64x1xi1> to vector<64x16xi1>
    %convert_element_type3A_209 = arith.extui %broadcast_in_dim3A_208 : vector<64x16xi1> to vector<64x16xi32>
    %convert_element_type3A_210 = arith.sitofp %convert_element_type3A_209 : vector<64x16xi32> to vector<64x16xf32>
    %mul3A_211 = arith.constant 16 : i32
    %mul3A_212 = arith.muli %mul3A_211, %get3A_0 : i32
    %add3A_213 = arith.constant 8 : i32
    %add3A_214 = arith.addi %mul3A_212, %add3A_213 : i32
    %get3A_215 = arith.index_cast %add3A_214 : i32 to index
    %get3A_216 = memref.load %arg1[%get3A_215] : memref<2176xi32, #tpu.memory_space<smem>>
    %ge3A_217 = vector.broadcast %get3A_216 : i32 to vector<64x1xi32>
    %ge3A_218 = arith.cmpi sge, %add3A_31, %ge3A_217 : vector<64x1xi32>
    %mul3A_219 = arith.constant 16 : i32
    %mul3A_220 = arith.muli %mul3A_219, %get3A_0 : i32
    %add3A_221 = arith.constant 8 : i32
    %add3A_222 = arith.addi %mul3A_220, %add3A_221 : i32
    %add3A_223 = arith.constant 1 : i32
    %add3A_224 = arith.addi %add3A_222, %add3A_223 : i32
    %get3A_225 = arith.index_cast %add3A_224 : i32 to index
    %get3A_226 = memref.load %arg1[%get3A_225] : memref<2176xi32, #tpu.memory_space<smem>>
    %lt3A_227 = vector.broadcast %get3A_226 : i32 to vector<64x1xi32>
    %lt3A_228 = arith.cmpi slt, %add3A_31, %lt3A_227 : vector<64x1xi32>
    %and3A_229 = arith.andi %ge3A_218, %lt3A_228 : vector<64x1xi1>
    %broadcast_in_dim3A_230 = vector.shape_cast %and3A_229 : vector<64x1xi1> to vector<64x1xi1>
    %broadcast_in_dim3A_231 = vector.broadcast %broadcast_in_dim3A_230 : vector<64x1xi1> to vector<64x16xi1>
    %convert_element_type3A_232 = arith.extui %broadcast_in_dim3A_231 : vector<64x16xi1> to vector<64x16xi32>
    %convert_element_type3A_233 = arith.sitofp %convert_element_type3A_232 : vector<64x16xi32> to vector<64x16xf32>
    %mul3A_234 = arith.constant 16 : i32
    %mul3A_235 = arith.muli %mul3A_234, %get3A_0 : i32
    %add3A_236 = arith.constant 9 : i32
    %add3A_237 = arith.addi %mul3A_235, %add3A_236 : i32
    %get3A_238 = arith.index_cast %add3A_237 : i32 to index
    %get3A_239 = memref.load %arg1[%get3A_238] : memref<2176xi32, #tpu.memory_space<smem>>
    %ge3A_240 = vector.broadcast %get3A_239 : i32 to vector<64x1xi32>
    %ge3A_241 = arith.cmpi sge, %add3A_31, %ge3A_240 : vector<64x1xi32>
    %mul3A_242 = arith.constant 16 : i32
    %mul3A_243 = arith.muli %mul3A_242, %get3A_0 : i32
    %add3A_244 = arith.constant 9 : i32
    %add3A_245 = arith.addi %mul3A_243, %add3A_244 : i32
    %add3A_246 = arith.constant 1 : i32
    %add3A_247 = arith.addi %add3A_245, %add3A_246 : i32
    %get3A_248 = arith.index_cast %add3A_247 : i32 to index
    %get3A_249 = memref.load %arg1[%get3A_248] : memref<2176xi32, #tpu.memory_space<smem>>
    %lt3A_250 = vector.broadcast %get3A_249 : i32 to vector<64x1xi32>
    %lt3A_251 = arith.cmpi slt, %add3A_31, %lt3A_250 : vector<64x1xi32>
    %and3A_252 = arith.andi %ge3A_241, %lt3A_251 : vector<64x1xi1>
    %broadcast_in_dim3A_253 = vector.shape_cast %and3A_252 : vector<64x1xi1> to vector<64x1xi1>
    %broadcast_in_dim3A_254 = vector.broadcast %broadcast_in_dim3A_253 : vector<64x1xi1> to vector<64x16xi1>
    %convert_element_type3A_255 = arith.extui %broadcast_in_dim3A_254 : vector<64x16xi1> to vector<64x16xi32>
    %convert_element_type3A_256 = arith.sitofp %convert_element_type3A_255 : vector<64x16xi32> to vector<64x16xf32>
    %mul3A_257 = arith.constant 16 : i32
    %mul3A_258 = arith.muli %mul3A_257, %get3A_0 : i32
    %add3A_259 = arith.constant 10 : i32
    %add3A_260 = arith.addi %mul3A_258, %add3A_259 : i32
    %get3A_261 = arith.index_cast %add3A_260 : i32 to index
    %get3A_262 = memref.load %arg1[%get3A_261] : memref<2176xi32, #tpu.memory_space<smem>>
    %ge3A_263 = vector.broadcast %get3A_262 : i32 to vector<64x1xi32>
    %ge3A_264 = arith.cmpi sge, %add3A_31, %ge3A_263 : vector<64x1xi32>
    %mul3A_265 = arith.constant 16 : i32
    %mul3A_266 = arith.muli %mul3A_265, %get3A_0 : i32
    %add3A_267 = arith.constant 10 : i32
    %add3A_268 = arith.addi %mul3A_266, %add3A_267 : i32
    %add3A_269 = arith.constant 1 : i32
    %add3A_270 = arith.addi %add3A_268, %add3A_269 : i32
    %get3A_271 = arith.index_cast %add3A_270 : i32 to index
    %get3A_272 = memref.load %arg1[%get3A_271] : memref<2176xi32, #tpu.memory_space<smem>>
    %lt3A_273 = vector.broadcast %get3A_272 : i32 to vector<64x1xi32>
    %lt3A_274 = arith.cmpi slt, %add3A_31, %lt3A_273 : vector<64x1xi32>
    %and3A_275 = arith.andi %ge3A_264, %lt3A_274 : vector<64x1xi1>
    %broadcast_in_dim3A_276 = vector.shape_cast %and3A_275 : vector<64x1xi1> to vector<64x1xi1>
    %broadcast_in_dim3A_277 = vector.broadcast %broadcast_in_dim3A_276 : vector<64x1xi1> to vector<64x16xi1>
    %convert_element_type3A_278 = arith.extui %broadcast_in_dim3A_277 : vector<64x16xi1> to vector<64x16xi32>
    %convert_element_type3A_279 = arith.sitofp %convert_element_type3A_278 : vector<64x16xi32> to vector<64x16xf32>
    %mul3A_280 = arith.constant 16 : i32
    %mul3A_281 = arith.muli %mul3A_280, %get3A_0 : i32
    %add3A_282 = arith.constant 11 : i32
    %add3A_283 = arith.addi %mul3A_281, %add3A_282 : i32
    %get3A_284 = arith.index_cast %add3A_283 : i32 to index
    %get3A_285 = memref.load %arg1[%get3A_284] : memref<2176xi32, #tpu.memory_space<smem>>
    %ge3A_286 = vector.broadcast %get3A_285 : i32 to vector<64x1xi32>
    %ge3A_287 = arith.cmpi sge, %add3A_31, %ge3A_286 : vector<64x1xi32>
    %mul3A_288 = arith.constant 16 : i32
    %mul3A_289 = arith.muli %mul3A_288, %get3A_0 : i32
    %add3A_290 = arith.constant 11 : i32
    %add3A_291 = arith.addi %mul3A_289, %add3A_290 : i32
    %add3A_292 = arith.constant 1 : i32
    %add3A_293 = arith.addi %add3A_291, %add3A_292 : i32
    %get3A_294 = arith.index_cast %add3A_293 : i32 to index
    %get3A_295 = memref.load %arg1[%get3A_294] : memref<2176xi32, #tpu.memory_space<smem>>
    %lt3A_296 = vector.broadcast %get3A_295 : i32 to vector<64x1xi32>
    %lt3A_297 = arith.cmpi slt, %add3A_31, %lt3A_296 : vector<64x1xi32>
    %and3A_298 = arith.andi %ge3A_287, %lt3A_297 : vector<64x1xi1>
    %broadcast_in_dim3A_299 = vector.shape_cast %and3A_298 : vector<64x1xi1> to vector<64x1xi1>
    %broadcast_in_dim3A_300 = vector.broadcast %broadcast_in_dim3A_299 : vector<64x1xi1> to vector<64x16xi1>
    %convert_element_type3A_301 = arith.extui %broadcast_in_dim3A_300 : vector<64x16xi1> to vector<64x16xi32>
    %convert_element_type3A_302 = arith.sitofp %convert_element_type3A_301 : vector<64x16xi32> to vector<64x16xf32>
    %mul3A_303 = arith.constant 16 : i32
    %mul3A_304 = arith.muli %mul3A_303, %get3A_0 : i32
    %add3A_305 = arith.constant 12 : i32
    %add3A_306 = arith.addi %mul3A_304, %add3A_305 : i32
    %get3A_307 = arith.index_cast %add3A_306 : i32 to index
    %get3A_308 = memref.load %arg1[%get3A_307] : memref<2176xi32, #tpu.memory_space<smem>>
    %ge3A_309 = vector.broadcast %get3A_308 : i32 to vector<64x1xi32>
    %ge3A_310 = arith.cmpi sge, %add3A_31, %ge3A_309 : vector<64x1xi32>
    %mul3A_311 = arith.constant 16 : i32
    %mul3A_312 = arith.muli %mul3A_311, %get3A_0 : i32
    %add3A_313 = arith.constant 12 : i32
    %add3A_314 = arith.addi %mul3A_312, %add3A_313 : i32
    %add3A_315 = arith.constant 1 : i32
    %add3A_316 = arith.addi %add3A_314, %add3A_315 : i32
    %get3A_317 = arith.index_cast %add3A_316 : i32 to index
    %get3A_318 = memref.load %arg1[%get3A_317] : memref<2176xi32, #tpu.memory_space<smem>>
    %lt3A_319 = vector.broadcast %get3A_318 : i32 to vector<64x1xi32>
    %lt3A_320 = arith.cmpi slt, %add3A_31, %lt3A_319 : vector<64x1xi32>
    %and3A_321 = arith.andi %ge3A_310, %lt3A_320 : vector<64x1xi1>
    %broadcast_in_dim3A_322 = vector.shape_cast %and3A_321 : vector<64x1xi1> to vector<64x1xi1>
    %broadcast_in_dim3A_323 = vector.broadcast %broadcast_in_dim3A_322 : vector<64x1xi1> to vector<64x16xi1>
    %convert_element_type3A_324 = arith.extui %broadcast_in_dim3A_323 : vector<64x16xi1> to vector<64x16xi32>
    %convert_element_type3A_325 = arith.sitofp %convert_element_type3A_324 : vector<64x16xi32> to vector<64x16xf32>
    %mul3A_326 = arith.constant 16 : i32
    %mul3A_327 = arith.muli %mul3A_326, %get3A_0 : i32
    %add3A_328 = arith.constant 13 : i32
    %add3A_329 = arith.addi %mul3A_327, %add3A_328 : i32
    %get3A_330 = arith.index_cast %add3A_329 : i32 to index
    %get3A_331 = memref.load %arg1[%get3A_330] : memref<2176xi32, #tpu.memory_space<smem>>
    %ge3A_332 = vector.broadcast %get3A_331 : i32 to vector<64x1xi32>
    %ge3A_333 = arith.cmpi sge, %add3A_31, %ge3A_332 : vector<64x1xi32>
    %mul3A_334 = arith.constant 16 : i32
    %mul3A_335 = arith.muli %mul3A_334, %get3A_0 : i32
    %add3A_336 = arith.constant 13 : i32
    %add3A_337 = arith.addi %mul3A_335, %add3A_336 : i32
    %add3A_338 = arith.constant 1 : i32
    %add3A_339 = arith.addi %add3A_337, %add3A_338 : i32
    %get3A_340 = arith.index_cast %add3A_339 : i32 to index
    %get3A_341 = memref.load %arg1[%get3A_340] : memref<2176xi32, #tpu.memory_space<smem>>
    %lt3A_342 = vector.broadcast %get3A_341 : i32 to vector<64x1xi32>
    %lt3A_343 = arith.cmpi slt, %add3A_31, %lt3A_342 : vector<64x1xi32>
    %and3A_344 = arith.andi %ge3A_333, %lt3A_343 : vector<64x1xi1>
    %broadcast_in_dim3A_345 = vector.shape_cast %and3A_344 : vector<64x1xi1> to vector<64x1xi1>
    %broadcast_in_dim3A_346 = vector.broadcast %broadcast_in_dim3A_345 : vector<64x1xi1> to vector<64x16xi1>
    %convert_element_type3A_347 = arith.extui %broadcast_in_dim3A_346 : vector<64x16xi1> to vector<64x16xi32>
    %convert_element_type3A_348 = arith.sitofp %convert_element_type3A_347 : vector<64x16xi32> to vector<64x16xf32>
    %mul3A_349 = arith.constant 16 : i32
    %mul3A_350 = arith.muli %mul3A_349, %get3A_0 : i32
    %add3A_351 = arith.constant 14 : i32
    %add3A_352 = arith.addi %mul3A_350, %add3A_351 : i32
    %get3A_353 = arith.index_cast %add3A_352 : i32 to index
    %get3A_354 = memref.load %arg1[%get3A_353] : memref<2176xi32, #tpu.memory_space<smem>>
    %ge3A_355 = vector.broadcast %get3A_354 : i32 to vector<64x1xi32>
    %ge3A_356 = arith.cmpi sge, %add3A_31, %ge3A_355 : vector<64x1xi32>
    %mul3A_357 = arith.constant 16 : i32
    %mul3A_358 = arith.muli %mul3A_357, %get3A_0 : i32
    %add3A_359 = arith.constant 14 : i32
    %add3A_360 = arith.addi %mul3A_358, %add3A_359 : i32
    %add3A_361 = arith.constant 1 : i32
    %add3A_362 = arith.addi %add3A_360, %add3A_361 : i32
    %get3A_363 = arith.index_cast %add3A_362 : i32 to index
    %get3A_364 = memref.load %arg1[%get3A_363] : memref<2176xi32, #tpu.memory_space<smem>>
    %lt3A_365 = vector.broadcast %get3A_364 : i32 to vector<64x1xi32>
    %lt3A_366 = arith.cmpi slt, %add3A_31, %lt3A_365 : vector<64x1xi32>
    %and3A_367 = arith.andi %ge3A_356, %lt3A_366 : vector<64x1xi1>
    %broadcast_in_dim3A_368 = vector.shape_cast %and3A_367 : vector<64x1xi1> to vector<64x1xi1>
    %broadcast_in_dim3A_369 = vector.broadcast %broadcast_in_dim3A_368 : vector<64x1xi1> to vector<64x16xi1>
    %convert_element_type3A_370 = arith.extui %broadcast_in_dim3A_369 : vector<64x16xi1> to vector<64x16xi32>
    %convert_element_type3A_371 = arith.sitofp %convert_element_type3A_370 : vector<64x16xi32> to vector<64x16xf32>
    %mul3A_372 = arith.constant 16 : i32
    %mul3A_373 = arith.muli %mul3A_372, %get3A_0 : i32
    %add3A_374 = arith.constant 15 : i32
    %add3A_375 = arith.addi %mul3A_373, %add3A_374 : i32
    %get3A_376 = arith.index_cast %add3A_375 : i32 to index
    %get3A_377 = memref.load %arg1[%get3A_376] : memref<2176xi32, #tpu.memory_space<smem>>
    %ge3A_378 = vector.broadcast %get3A_377 : i32 to vector<64x1xi32>
    %ge3A_379 = arith.cmpi sge, %add3A_31, %ge3A_378 : vector<64x1xi32>
    %mul3A_380 = arith.constant 16 : i32
    %mul3A_381 = arith.muli %mul3A_380, %get3A_0 : i32
    %add3A_382 = arith.constant 15 : i32
    %add3A_383 = arith.addi %mul3A_381, %add3A_382 : i32
    %add3A_384 = arith.constant 1 : i32
    %add3A_385 = arith.addi %add3A_383, %add3A_384 : i32
    %get3A_386 = arith.index_cast %add3A_385 : i32 to index
    %get3A_387 = memref.load %arg1[%get3A_386] : memref<2176xi32, #tpu.memory_space<smem>>
    %lt3A_388 = vector.broadcast %get3A_387 : i32 to vector<64x1xi32>
    %lt3A_389 = arith.cmpi slt, %add3A_31, %lt3A_388 : vector<64x1xi32>
    %and3A_390 = arith.andi %ge3A_379, %lt3A_389 : vector<64x1xi1>
    %broadcast_in_dim3A_391 = vector.shape_cast %and3A_390 : vector<64x1xi1> to vector<64x1xi1>
    %broadcast_in_dim3A_392 = vector.broadcast %broadcast_in_dim3A_391 : vector<64x1xi1> to vector<64x16xi1>
    %convert_element_type3A_393 = arith.extui %broadcast_in_dim3A_392 : vector<64x16xi1> to vector<64x16xi32>
    %convert_element_type3A_394 = arith.sitofp %convert_element_type3A_393 : vector<64x16xi32> to vector<64x16xf32>
    %concatenate3A = tpu.concatenate %convert_element_type3A_49, %convert_element_type3A_72, %convert_element_type3A_95, %convert_element_type3A_118, %convert_element_type3A_141, %convert_element_type3A_164, %convert_element_type3A_187, %convert_element_type3A_210, %convert_element_type3A_233, %convert_element_type3A_256, %convert_element_type3A_279, %convert_element_type3A_302, %convert_element_type3A_325, %convert_element_type3A_348, %convert_element_type3A_371, %convert_element_type3A_394 in 1 : vector<64x16xf32>, vector<64x16xf32>, vector<64x16xf32>, vector<64x16xf32>, vector<64x16xf32>, vector<64x16xf32>, vector<64x16xf32>, vector<64x16xf32>, vector<64x16xf32>, vector<64x16xf32>, vector<64x16xf32>, vector<64x16xf32>, vector<64x16xf32>, vector<64x16xf32>, vector<64x16xf32>, vector<64x16xf32> -> vector<64x256xf32>
    %mul3A_395 = arith.mulf %mul3A_29, %concatenate3A : vector<64x256xf32>
    %get3A_396 = arith.constant 0 : index
    %get3A_397 = arith.constant 0 : index
    %get3A_398 = vector.load %arg4[%get3A_396, %get3A_397] : memref<256x1024xf32, #tpu.memory_space<vmem>>, vector<256x1024xf32>
    %dot_general3A_399 = arith.constant dense<0.000000e+00> : vector<64x1024xf32>
    %dot_general3A_400 = tpu.matmul %mul3A_395, %get3A_398, %dot_general3A_399 {dimension_numbers = #tpu.dot_dimension_numbers<[1], [0], [0], [1], [0, 0, 1, 1], [], []>, transpose_lhs_hint = false} : vector<64x256xf32>, vector<256x1024xf32>, vector<64x1024xf32> -> vector<64x1024xf32>
    %swap3A = arith.constant 0 : index
    %swap3A_401 = arith.constant 0 : index
    %swap3A_402 = vector.load %arg7[%swap3A, %swap3A_401] : memref<64x1024xf32, #tpu.memory_space<vmem>>, vector<64x1024xf32>
    tpu.vector_store %arg7[%swap3A, %swap3A_401], %dot_general3A_400 {strides = array<i32>} : memref<64x1024xf32, #tpu.memory_space<vmem>>, vector<64x1024xf32>,
    return
  }
  func.func @transform_0(%arg0: i32, %arg1: memref<2176xi32, #tpu.memory_space<smem>>, %arg2: memref<256xi32, #tpu.memory_space<smem>>) -> (i32, i32) {
    %get3A = arith.index_cast %arg0 : i32 to index
    %get3A_0 = memref.load %arg2[%get3A] : memref<256xi32, #tpu.memory_space<smem>>
    %c0_i32 = arith.constant 0 : i32
    %c0_i32_1 = arith.constant 0 : i32
    return %c0_i32, %get3A_0 : i32, i32
  }
  func.func @transform_1(%arg0: i32, %arg1: memref<2176xi32, #tpu.memory_space<smem>>, %arg2: memref<256xi32, #tpu.memory_space<smem>>) -> (i32, i32) {
    %get3A = arith.index_cast %arg0 : i32 to index
    %get3A_0 = memref.load %arg2[%get3A] : memref<256xi32, #tpu.memory_space<smem>>
    %c0_i32 = arith.constant 0 : i32
    %c0_i32_1 = arith.constant 0 : i32
    return %get3A_0, %c0_i32 : i32, i32
  }
  func.func @transform_2(%arg0: i32, %arg1: memref<2176xi32, #tpu.memory_space<smem>>, %arg2: memref<256xi32, #tpu.memory_space<smem>>) -> (i32, i32, i32) {
    %get3A = arith.index_cast %arg0 : i32 to index
    %get3A_0 = memref.load %arg2[%get3A] : memref<256xi32, #tpu.memory_space<smem>>
    %c0_i32 = arith.constant 0 : i32
    %c0_i32_1 = arith.constant 0 : i32
    %c0_i32_2 = arith.constant 0 : i32
    return %get3A_0, %c0_i32, %c0_i32_1 : i32, i32, i32
  }
  func.func @transform_3(%arg0: i32, %arg1: memref<2176xi32, #tpu.memory_space<smem>>, %arg2: memref<256xi32, #tpu.memory_space<smem>>) -> (i32, i32) {
    %c0_i32 = arith.constant 0 : i32
    %c0_i32_0 = arith.constant 0 : i32
    return %arg0, %c0_i32 : i32, i32
  }
  func.func @transform_4(%arg0: i32, %arg1: memref<2176xi32, #tpu.memory_space<smem>>, %arg2: memref<256xi32, #tpu.memory_space<smem>>) -> (i32, i32) {
    %c0_i32 = arith.constant 0 : i32
    %c0_i32_0 = arith.constant 0 : i32
    return %arg0, %c0_i32 : i32, i32
  }
}

</mosaic_0001>

<sc_bundles>
// kernel: kernel.6.cloned.1.call-start
scs
__scs_entry_jumppad:
0x0: {  	(pc) =	sbr.rel $0x88, $3  }
0x1: {  	(tag) =	ssettag $0x0;
	lr =	simm.s32 $0x1  }
0x2: {  	[smem:$0x3F9B] =	sst lr;
	_ =	strace $0xD0000000  }
0x3: {  	_ = 	snop  }
0x4: {  	_ = 	snop  }
0x5: {  	_ = 	snop  }
0x6: {  	_ = 	snop  }
0x7: {  	_ = 	snop  }
__scs_overlays_trampoline_lowered:
0x8: {  	[smem:$0x3FAA] =	sst s0  }
0x9: {  	[smem:$0x3FAB] =	sst s1  }
0xa: {  	[smem:$0x3FAC] =	sst s2  }
0xb: {  	[smem:$0x3FAD] =	sst s3  }
0xc: {  	[smem:$0x3FAE] =	sst s4  }
0xd: {  	[smem:$0x3FAF] =	sst s5  }
0xe: {  	[smem:$0x3FB0] =	sst s6  }
0xf: {  	[smem:$0x3FB1] =	sst s7  }
0x10: {  	[smem:$0x3FB2] =	sst s8  }
0x11: {  	[smem:$0x3FB3] =	sst s9;
	s0 =	simm.s32 @!p0 $0x0  }
0x12: {  	s1 =	sld [smem:$0x3F99];
	s0 =	simm.s32 @p0 $0x1  }
0x13: {  	[smem:$0x3FB4] =	sst s0;
	s0 =	simm.s32 @!p1 $0x0  }
0x14: {  	s2 =	sld [smem:$0x3F98];
	s0 =	simm.s32 @p1 $0x1  }
0x15: {  	[smem:$0x3FB5] =	sst s0;
	s0 =	simm.s32 @!p2 $0x0  }
0x16: {  	s3 =	sld [smem:$0x3FDB];
	s0 =	simm.s32 @p2 $0x1  }
0x17: {  	s4 =	simm.s32 $0x1BF5;
	[smem:$0x3FB7] =	sst s0  }
0x18: {  	s0 =	sld [smem:$0x3F9A];
	_ =	swait.ge [sflag:s4], $0x0  }
0x19: {  	s7 =	sld [smem:$0x3F9B]  }
0x1a: {  	s8 =	sadd.s32 $0xFFFFE003, lr  }
0x1b: {  	s9 =	sadd.s32 $0xFFFFFEF7, lr;
	s5 =	simm.s32 $0xFFFFFFFF;
	p2 =	slt.u32 s8, $0xFFFFF086  }
0x1c: {  	p1 =	slt.u32 s9, $0xF7A;
	s5 =	simm.s32 @!p2 $0x0  }
0x1d: {  	s5 =	simm.s32 @p1 $0x1;
	p0 =	seq.s32 s7, s2  }
0x1e: {  	s7 =	smul.u32 @!p0 $0xF7A, s2;
	p2 =	seq.s32 @!p0 s5, $0x0  }
0x1f: {  	s9 =	smul.u32 $0xF7A, s1;
	s8 =	simm.s32 @!p0 $0x1BF5;
	p2 =	por !p2, p0  }
0x20: {  	[sflag:s8] =	ssyncset.s32 @!p0 $0xFFFFF086;
	s6 =	sadd.s32 @!p0 s3, s7;
	s7 =	simm.s32 @!p0 $0x108  }
0x21: {  	s3 =	sadd.s32 s3, s9;
	s6 =	sadd.s32 @!p0 $0x88, s6;
	s7 =	simm.s32 @p2 $0x1082  }
0x22: {  	[simem:s7], [sflag:s8] =	dma.local @!p0 [hbm:s6], $0xF7A  }
0x23: {  	s9 =	sor.u32 $0xD0000000, s2;
	s6 =	simm.s32 $0x108;
	_ =	swait.ge @!p0 [sflag:s8], $0x0  }
0x24: {  	s3 =	sadd.s32 $0x88, s3;
	s6 =	simm.s32 @!p1 $0x1082;
	[sflag:s4] =	ssyncset.s32 $0xFFFFF086  }
0x25: {  	[simem:s6], [sflag:s4] =	dma.local [hbm:s3], $0xF7A  }
0x26: {  	[smem:$0x3F9B] =	sst s1;
	(tag) =	ssettag s2;
	_ =	strace s9  }
0x27: {  	s1 =	sld [smem:$0x3FAB]  }
0x28: {  	s2 =	sld [smem:$0x3FAC]  }
0x29: {  	s4 =	sld [smem:$0x3FAE]  }
0x2a: {  	p0 =	seq.s32 s5, $0x0;
	s5 =	sld [smem:$0x3FAF]  }
0x2b: {  	s6 =	sld [smem:$0x3FB0]  }
0x2c: {  	s7 =	sld [smem:$0x3FB1]  }
0x2d: {  	s3 =	simm.s32 $0x108;
	s8 =	sld [smem:$0x3FB2]  }
0x2e: {  	s3 =	simm.s32 @!p0 $0x1082;
	s9 =	sld [smem:$0x3FB3]  }
0x2f: {  	lr =	sadd.s32 s0, s3;
	s0 =	sld [smem:$0x3FAA]  }
0x30: {  	s3 =	sld [smem:$0x3FAD]  }
0x31: {  	[smem:$0x3FB6] =	sst s10  }
0x32: {  	s10 =	sld [smem:$0x3FB4];
	_ =	sdelay $0x3  }
0x33: {  	p0 =	seq.s32 s10, $0x1;
	s10 =	sld [smem:$0x3FB6];
	_ =	sdelay $0x3  }
0x34: {  	[smem:$0x3FB6] =	sst s10  }
0x35: {  	s10 =	sld [smem:$0x3FB5];
	_ =	sdelay $0x3  }
0x36: {  	p1 =	seq.s32 s10, $0x1;
	s10 =	sld [smem:$0x3FB6];
	_ =	sdelay $0x3  }
0x37: {  	[smem:$0x3FB6] =	sst s10  }
0x38: {  	s10 =	sld [smem:$0x3FB7]  }
0x39: {  	_ = 	snop;
	(pc) =	sbr.ind lr, $3  }
0x3a: {  	_ = 	snop  }
0x3b: {  	_ = 	snop  }
0x3c: {  	p2 =	seq.s32 s10, $0x1;
	s10 =	sld [smem:$0x3FB6]  }
0x3d: {  	_ =	shalt  }
0x3e: {  	_ =	shalt  }
0x3f: {  	_ =	shalt  }
0x40: {  	_ =	shalt  }
0x41: {  	_ =	shalt  }
0x42: {  	_ =	shalt  }
0x43: {  	_ =	shalt  }
0x44: {  	_ =	shalt  }
0x45: {  	_ =	shalt  }
0x46: {  	_ =	shalt  }
0x47: {  	_ =	shalt  }
0x48: {  	_ =	shalt  }
0x49: {  	_ =	shalt  }
0x4a: {  	_ =	shalt  }
0x4b: {  	_ =	shalt  }
0x4c: {  	_ =	shalt  }
0x4d: {  	_ =	shalt  }
0x4e: {  	_ =	shalt  }
0x4f: {  	_ =	shalt  }
0x50: {  	_ =	shalt  }
0x51: {  	_ =	shalt  }
0x52: {  	_ =	shalt  }
0x53: {  	_ =	shalt  }
0x54: {  	_ =	shalt  }
0x55: {  	_ =	shalt  }
0x56: {  	_ =	shalt  }
0x57: {  	_ =	shalt  }
0x58: {  	_ =	shalt  }
0x59: {  	_ =	shalt  }
0x5a: {  	_ =	shalt  }
0x5b: {  	_ =	shalt  }
0x5c: {  	_ =	shalt  }
0x5d: {  	_ =	shalt  }
0x5e: {  	_ =	shalt  }
0x5f: {  	_ =	shalt  }
0x60: {  	_ =	shalt  }
0x61: {  	_ =	shalt  }
0x62: {  	_ =	shalt  }
0x63: {  	_ =	shalt  }
0x64: {  	_ =	shalt  }
0x65: {  	_ =	shalt  }
0x66: {  	_ =	shalt  }
0x67: {  	_ =	shalt  }
0x68: {  	_ =	shalt  }
0x69: {  	_ =	shalt  }
0x6a: {  	_ =	shalt  }
0x6b: {  	_ =	shalt  }
0x6c: {  	_ =	shalt  }
0x6d: {  	_ =	shalt  }
0x6e: {  	_ =	shalt  }
0x6f: {  	_ =	shalt  }
0x70: {  	_ =	shalt  }
0x71: {  	_ =	shalt  }
0x72: {  	_ =	shalt  }
0x73: {  	_ =	shalt  }
0x74: {  	_ =	shalt  }
0x75: {  	_ =	shalt  }
0x76: {  	_ =	shalt  }
0x77: {  	_ =	shalt  }
0x78: {  	_ =	shalt  }
0x79: {  	_ =	shalt  }
0x7a: {  	_ =	shalt  }
0x7b: {  	_ =	shalt  }
0x7c: {  	_ =	shalt  }
0x7d: {  	_ =	shalt  }
0x7e: {  	_ =	shalt  }
0x7f: {  	_ =	shalt  }
0x80: {  	_ =	shalt  }
0x81: {  	_ =	shalt  }
0x82: {  	_ =	shalt  }
0x83: {  	_ =	shalt  }
0x84: {  	_ =	shalt  }
0x85: {  	_ =	shalt  }
0x86: {  	_ =	shalt  }
0x87: {  	_ =	shalt  }
.Lfunc_end0:
.L_simem_size_0:
called_computation_lowered:
.L_overlay_start_0:
0x88: {  	s2 =	sld [smem:$0x3FD9]  }
0x89: {  	s3 =	sld [smem:$0x3FFE];
	_ =	sdelay $0x1  }
0x8a: {  	s1 =	srdreg.scid  }
0x8b: {  	s0 =	sand.u32 $0x1, s1  }
0x8c: {  	s17 =	sshll.u32 s0, $0xA;
	s2 =	sadd.s32 s3, s2  }
0x8d: {  	s2 =	sadd.s32 s2, s17  }
0x8e: {  	[smem:$0x3FC2] =	sst s2  }
0x8f: {  	_ = 	snop  }
0x90: {  	s2 =	sld [smem:$0x3FC9]  }
0x91: {  	s18 =	sld [smem:$0x3FD0];
	(tm) =	ssettm $0x1  }
0x92: {  	s4 =	sld [smem:$0x3FFB];
	_ =	sdelay $0x3  }
0x93: {  	_ =	strace s4  }
0x94: {  	s4 =	sld [smem:$0x3FFC];
	_ =	sdelay $0x3  }
0x95: {  	_ =	strace s4  }
0x96: {  	s4 =	sld [smem:$0x3FFD];
	_ =	sdelay $0x3  }
0x97: {  	_ =	strace s4  }
0x98: {  	_ =	strace $0x8FFFFFFF  }
0x99: {  	s19 =	sld [smem:$0x3FDB];
	_ =	sdelay $0x1  }
0x9a: {  	s5 =	simm.s32 $_scs_section_size  }
0x9b: {  	s6 =	simm.s32 $_size__tile_overlayer_lowered;
	s7 =	simm.s32 $_tile_overlayer_lowered  }
0x9c: {  	s22 =	simm.s32 $0x1BFF;
	s21 =	sshll.u32 s7, $0x1;
	s4 =	sadd.s32 s5, s19  }
0x9d: {  	s8 =	simm.s32 $0x0;
	s20 =	sshll.u32 s6, $0x1;
	s6 =	sadd.s32 s21, s4  }
0x9e: {  	[timem:s8], [sflag:s22] =	dma.local [hbm:s6], s20  }
0x9f: {  	_ =	swait.ge [sflag:s22], s20  }
0xa0: {  	s5 =	ssub.s32 $0x0, s20;
	[sflag:s22] =	ssyncset.done $0x0  }
0xa1: {  	[sflag:s22] =	ssyncadd.s32 s5;
	_ =	sdelay $0x1  }
0xa2: {  	s23 =	simm.s32 $0x1B8B  }
0xa3: {  	_ =	swait.ge [sflag:s23], $0x1  }
0xa4: {  	[sflag:s23] =	ssyncset.done $0x0  }
0xa5: {  	s25 =	simm.s32 $0x1B8E;
	s24 =	sld [smem:$0x3FFE];
	[sflag:s23] =	ssyncadd.s32 $0xFFFFFFFF  }
0xa6: {  	s26 =	simm.s32 $execute0_lowered;
	[smem:$0x3FD2] =	sst s25  }
0xa7: {  	s6 =	sshll.u32 s26, $0x1;
	_ =	strace $0x80000046;
	[dreg:$0x1] =	wrdreg $0xFFFFFFFF  }
0xa8: {  	s28 =	simm.s32 $_size_execute0_lowered;
	s4 =	sadd.s32 s4, s6;
	[dreg:$0x0] =	wrdreg $0x0  }
0xa9: {  	s6 =	sshll.u32 s28, $0x1;
	[dreg:$0x2] =	wrdreg s4  }
0xaa: {  	[dreg:$0x3] =	wrdreg s6  }
0xab: {  	[dreg:$0x4] =	wrdreg $0xC0  }
0xac: {  	_ =	task [dreg:s8], $0x5FFFF  }
0xad: {  	[dreg:$0x1] =	wrdreg $0xFFFFFFFF  }
0xae: {  	[dreg:$0x0] =	wrdreg $0x60  }
0xaf: {  	[dreg:$0x2] =	wrdreg s2  }
0xb0: {  	[dreg:$0x3] =	wrdreg s18  }
0xb1: {  	[dreg:$0x4] =	wrdreg s24  }
0xb2: {  	[dreg:$0x5] =	wrdreg $0x9  }
0xb3: {  	_ =	task.clear_ibuf [dreg:s8], $0x6FFFF;
	_ =	strace $0x90000046  }
0xb4: {  	s29 =	simm.s32 $0x9;
	_ =	strace $0x80000048  }
0xb5: {  	_ =	swait.ge [sflag:s29], $0x1  }
0xb6: {  	[sflag:s29] =	ssyncadd.s32 $0xFFFFFFFF  }
0xb7: {  	_ =	strace $0x90000048  }
0xb8: {  	_ =	sfence  }
0xb9: {  	s30 =	sld [smem:$0x0];
	_ =	sdelay $0x2  }
0xba: {  	s31 =	sshll.u32 s1, $0xD;
	s1 =	sshrl.u32 s1, $0x2  }
0xbb: {  	s3 =	sand.u32 $0x4000, s31;
	s1 =	sadd.s32 s1, s30  }
0xbc: {  	s0 =	sor.u32 s3, s0;
	s1 =	sshll.u32 s1, $0x11  }
0xbd: {  	s0 =	sor.u32 s1, s0  }
0xbe: {  	s0 =	sadd.s32 $0x8F2B, s0  }
0xbf: {  	[sflag:s0] =	ssyncadd.remote.s32 $0x1  }
0xc0: {  	_ =	sfence.sel $0xFFFF  }
0xc1: {  	[dreg:$0x0] =	wrdreg $0xFFFFFFFF;
	(pc) =	sbr.abs _section_cstart, $3  }
0xc2: {  	[dreg:$0x1] =	wrdreg $0xFFFFFFFF  }
0xc3: {  	_ =	task.clear_ibuf [dreg:s8], $0x2FFFF;
	_ =	strace $0x9FFFFFFF  }
0xc4: {  	(tm) =	ssettm $0x7FFFFFFF  }
0xc5: {  	_ =	shalt  }
tec
execute0_lowered:
.L_overlay_start_1:
0x0: {  	(tag) =	ssettag $0x1  }
0x1: {  	s0 =	rddreg [dreg:$0x0]  }
0x2: {  	s5 =	rddreg [dreg:$0x1]  }
0x3: {  	s2 =	rddreg [dreg:$0x2];
	s3 =	srdreg.scid  }
0x4: {  	s1 =	stileid.u32;
	s28 =	simm.s32 $0x8000;
	s29 =	simm.s32 $0x1  }
0x5: {  	s30 =	simm.s32 $0x8A80;
	s31 =	simm.s32 $0x8B00;
	s9 =	sand.u32 $0x1, s3  }
0x6: {  	s3 =	simm.s32 $0x0;
	s4 =	sshll.u32 s1, $0x9;
	s6 =	sshll.u32 s9, $0x8  }
0x7: {  	s7 =	sadd.s32 $0x202600, s2;
	[smem:$0x7FF] =	sst s3;
	s8 =	sor.u32 s6, s4  }
0x8: {  	s9 =	ssub.s32 $0x2, s9;
	_ =	strace $0x80000047;
	s4 =	sshrl.u32 s8, $0x3  }
0x9: {  	s6 =	sadd.s32 $0x200, s2;
	s11 =	sshll.u32 s8, $0x7;
	s10 =	sadd.s32 s5, s4  }
0xa: {  	s16 =	sor.u32 $0x20, s8;
	s14 =	sadd.s32 s6, s4;
	[dreg:$0x4] =	wrdreg s10  }
0xb: {  	s21 =	sor.u32 $0x40, s8;
	s15 =	sadd.s32 s0, s11;
	[dreg:$0x5] =	wrdreg s14  }
0xc: {  	s4 =	sadd.s32 s7, s4;
	s17 =	sshrl.u32 s16, $0x3;
	[dreg:$0x6] =	wrdreg s15  }
0xd: {  	s1 =	sor.u32 $0x60, s8;
	[dreg:$0x7] =	wrdreg s4;
	s18 =	sadd.s32 s5, s17  }
0xe: {  	s11 =	sshll.u32 s16, $0x7;
	s19 =	sadd.s32 s6, s17;
	[dreg:$0x8] =	wrdreg s18  }
0xf: {  	s23 =	sshrl.u32 s21, $0x3;
	s20 =	sadd.s32 s0, s11;
	[dreg:$0x9] =	wrdreg s19  }
0x10: {  	s13 =	sshrl.u32 s1, $0x3;
	s22 =	sadd.s32 s7, s17;
	[dreg:$0xa] =	wrdreg s20  }
0x11: {  	s24 =	sadd.s32 s5, s23;
	s25 =	sadd.s32 s6, s23;
	[dreg:$0xb] =	wrdreg s22  }
0x12: {  	s11 =	sshll.u32 s21, $0x7;
	s12 =	sadd.s32 s7, s23;
	[dreg:$0xc] =	wrdreg s24  }
0x13: {  	s14 =	sadd.s32 s5, s13;
	s15 =	sadd.s32 s6, s13;
	[dreg:$0xd] =	wrdreg s25  }
0x14: {  	s17 =	sor.u32 $0x80, s8;
	s10 =	sadd.s32 s7, s13;
	[dreg:$0xf] =	wrdreg s12  }
0x15: {  	s4 =	sadd.s32 $0x600, s2;
	s21 =	sor.u32 $0xA0, s8;
	[dreg:$0x10] =	wrdreg s14  }
0x16: {  	s13 =	sshrl.u32 s9, $0x1;
	s26 =	sadd.s32 s0, s11;
	[dreg:$0x11] =	wrdreg s15  }
0x17: {  	s11 =	sshll.u32 s1, $0x7;
	s12 =	sshrl.u32 s17, $0x3;
	[dreg:$0x13] =	wrdreg s10  }
0x18: {  	s23 =	sshrl.u32 s21, $0x3;
	s1 =	sor.u32 $0xC0, s8;
	s8 =	sor.u32 $0xE0, s8  }
0x19: {  	s9 =	ssub.s32 s9, s13;
	[dreg:$0xe] =	wrdreg s26;
	s16 =	sadd.s32 s0, s11  }
0x1a: {  	s10 =	simm.s32 $0x8C00;
	s18 =	sadd.s32 s5, s12;
	[dreg:$0x12] =	wrdreg s16  }
0x1b: {  	s13 =	simm.s32 $0x1000;
	s19 =	sadd.s32 s6, s12;
	[dreg:$0x14] =	wrdreg s18  }
0x1c: {  	s11 =	sshll.u32 s17, $0x7;
	s22 =	sadd.s32 s7, s12;
	[dreg:$0x15] =	wrdreg s19  }
0x1d: {  	s24 =	sadd.s32 s5, s23;
	s25 =	sadd.s32 s6, s23;
	[dreg:$0x17] =	wrdreg s22  }
0x1e: {  	s14 =	sadd.s32 s7, s23;
	s15 =	sshrl.u32 s1, $0x3;
	[dreg:$0x18] =	wrdreg s24  }
0x1f: {  	s12 =	simm.s32 $0x800;
	s23 =	simm.s32 $0x8880;
	[dreg:$0x19] =	wrdreg s25  }
0x20: {  	s20 =	sadd.s32 s0, s11;
	s11 =	sshll.u32 s21, $0x7;
	[dreg:$0x1b] =	wrdreg s14  }
0x21: {  	s16 =	sadd.s32 s5, s15;
	s17 =	sadd.s32 s6, s15;
	s19 =	sadd.s32 s7, s15  }
0x22: {  	s14 =	simm.s32 $0x1800;
	s15 =	simm.s32 $0x2000;
	[smem:$0x7FA] =	sst s23  }
0x23: {  	s22 =	simm.s32 $0x8800;
	s24 =	simm.s32 $0x8900;
	[dreg:$0x16] =	wrdreg s20  }
0x24: {  	s25 =	simm.s32 $0x8980;
	s23 =	simm.s32 $0x6000;
	[dreg:$0x1c] =	wrdreg s16  }
0x25: {  	s26 =	sadd.s32 s0, s11;
	s11 =	sshll.u32 s1, $0x7;
	[dreg:$0x1d] =	wrdreg s17  }
0x26: {  	s20 =	sshrl.u32 s8, $0x3;
	[dreg:$0x1f] =	wrdreg s19;
	s8 =	sshll.u32 s8, $0x7  }
0x27: {  	s16 =	simm.s32 $0x2800;
	s17 =	simm.s32 $0x3000;
	[smem:$0x7F9] =	sst s22  }
0x28: {  	s19 =	simm.s32 $0x4000;
	s22 =	simm.s32 $0x5800;
	[smem:$0x7FB] =	sst s24  }
0x29: {  	[smem:$0x7FC] =	sst s25;
	s24 =	simm.s32 $0x6800;
	s25 =	simm.s32 $0x7000  }
0x2a: {  	[dreg:$0x1a] =	wrdreg s26;
	s18 =	sadd.s32 s0, s11;
	s5 =	sadd.s32 s5, s20  }
0x2b: {  	s6 =	sadd.s32 s6, s20;
	s0 =	sadd.s32 s0, s8;
	s21 =	sadd.s32 s7, s20  }
0x2c: {  	s7 =	sadd.s32 $0x900, s2;
	s8 =	smax.u32 s9, $0x1;
	[dreg:$0x1e] =	wrdreg s18  }
0x2d: {  	s9 =	simm.s32 $0x2;
	s11 =	simm.s32 $0x8C80;
	[smem:$0x7F5] =	sst s5  }
0x2e: {  	s20 =	simm.s32 $0x4800;
	s26 =	simm.s32 $0x8A00;
	[smem:$0x7F6] =	sst s6  }
0x2f: {  	v2 =	vlaneseq.u32;
	s5 =	sadd.s32 $0x700, s2;
	s6 =	sadd.s32 $0x800, s2;
	[smem:$0x7F7] =	sst s0  }
0x30: {  	vm0 =	vmmov $0xffff;
	v1 =	vshrl.u32 v2, $0x3;
	[smem:$0x7F8] =	sst s21;
	s18 =	simm.s32 $0x3800;
	s21 =	simm.s32 $0x5000  }
0x31: {  	v0 =	vand.u32 $0x7, v2;
	v2 =	vor.u32 $0x8, v2;
	v1 =	vmul.u32 $0x8, v1;
	[smem:$0x7FD] =	sst s26;
	s26 =	simm.s32 $0x7800;
	s0 =	simm.s32 $0x8B80  }
.LBB2_1:
0x32: {  	s1 =	rddreg [dreg:$0x2]  }
0x33: {  	[tilespmem:s3], [sflag:$0x2] =	stream.linear.gather [hbm4b:s1+s3], $0x800, $0x38;
	[tilespmem:$0x8D00] =	vst v63  }
0x34: {  	_ =	swait.ge [sflag:s9], $0x800  }
0x35: {  	[sflag:s9] =	ssyncset.done $0x0  }
0x36: {  	s2 =	rddreg [dreg:$0x4];
	[sflag:s9] =	ssyncadd.s32 $0xFFFFF800  }
0x37: {  	[tilespmem:s10], [sflag:$0x2] =	stream.linear.gather [hbm4b:s2+s3], $0x20, $0x38;
	[tilespmem:$0x8D00] =	vst v63  }
0x38: {  	_ =	swait.ge [sflag:s9], $0x20  }
0x39: {  	[sflag:s9] =	ssyncset.done $0x0  }
0x3a: {  	s2 =	rddreg [dreg:$0x5];
	[sflag:s9] =	ssyncadd.s32 $0xFFFFFFE0  }
0x3b: {  	[tilespmem:s11], [sflag:$0x2] =	stream.linear.gather [hbm4b:s2+s3], $0x20, $0x38;
	[tilespmem:$0x8D00] =	vst v63  }
0x3c: {  	_ =	swait.ge [sflag:s9], $0x20  }
0x3d: {  	[sflag:s9] =	ssyncset.done $0x0  }
0x3e: {  	[sflag:s9] =	ssyncadd.s32 $0xFFFFFFE0  }
0x3f: {  	v3 =	vld [tilespmem:$0x8C00];
	_ =	sdelay $0x5  }
0x40: {  	v4 =	vld [tilespmem:$0x8C10]  }
0x41: {  	v5 =	vld [tilespmem:$0x8C80]  }
0x42: {  	v3 =	vld.idx.msk [tilespmem:v3+s3+$0x0], $0xffff;
	_ =	sdelay $0x4  }
0x43: {  	v3 =	vadd.s32 v3, v5  }
0x44: {  	v26 =	vld [tilespmem:$0x8C90];
	[tilespmem:$0x8800] =	vst v3  }
0x45: {  	v3 =	vld.idx.msk [tilespmem:v4+s3+$0x0], $0xffff;
	_ =	sdelay $0x4  }
0x46: {  	v3 =	vadd.s32 v3, v26  }
0x47: {  	s2 =	rddreg [dreg:$0x6];
	[tilespmem:$0x8810] =	vst v3  }
0x48: {  	[tilespmem:s12], [sflag:$0x2] =	stream.linear.gather [hbm4b:s2+s3], $0x8000, $0x38;
	[tilespmem:$0x8D00] =	vst v63  }
0x49: {  	_ =	swait.ge [sflag:s9], $0x8000  }
0x4a: {  	[sflag:s9] =	ssyncset.done $0x0  }
0x4b: {  	[sflag:s9] =	ssyncadd.s32 $0xFFFF8000  }
0x4c: {  	v3 =	vld [tilespmem:$0x8800];
	_ =	sdelay $0x4  }
0x4d: {  	v27 =	vshll.u32 v3, $0x3  }
0x4e: {  	v3 =	vand.u32 $0x7, v3;
	v4 =	vand.u32 $0xFFFFFFC0, v27  }
0x4f: {  	v3 =	vor.u32 v3, v4  }
0x50: {  	v4 =	vperm.xlane v3, v0;
	_ =	sdelay $0x1  }
0x51: {  	v4 =	vadd.s32 v1, v4;
	_ =	sdelay $0x4  }
0x52: {  	[hbm4b:s4+s3] =	stream.indirect_vreg.scatter [tilespmem:s12], [sflag:$0x1], $0x80, v4, vm0, $0xb8;
	[tilespmem:$0x8D00] =	vst v63  }
0x53: {  	v3 =	vperm.xlane v3, v2  }
0x54: {  	[hbm4b:s5+s3] =	stream.indirect_vreg.scatter [tilespmem:s13], [sflag:$0x1], $0x80, v4, vm0, $0xb8;
	[tilespmem:$0x8D00] =	vst v63  }
0x55: {  	v3 =	vadd.s32 v1, v3  }
0x56: {  	[hbm4b:s6+s3] =	stream.indirect_vreg.scatter [tilespmem:s14], [sflag:$0x1], $0x80, v4, vm0, $0xb8;
	[tilespmem:$0x8D00] =	vst v63  }
0x57: {  	_ = 	snop  }
0x58: {  	[hbm4b:s7+s3] =	stream.indirect_vreg.scatter [tilespmem:s15], [sflag:$0x1], $0x80, v4, vm0, $0xb8;
	[tilespmem:$0x8D00] =	vst v63  }
0x59: {  	_ = 	snop  }
0x5a: {  	[hbm4b:s4+s3] =	stream.indirect_vreg.scatter [tilespmem:s16], [sflag:$0x1], $0x80, v3, vm0, $0xb8;
	[tilespmem:$0x8D00] =	vst v63  }
0x5b: {  	_ = 	snop  }
0x5c: {  	[hbm4b:s5+s3] =	stream.indirect_vreg.scatter [tilespmem:s17], [sflag:$0x1], $0x80, v3, vm0, $0xb8;
	[tilespmem:$0x8D00] =	vst v63  }
0x5d: {  	_ = 	snop  }
0x5e: {  	[hbm4b:s6+s3] =	stream.indirect_vreg.scatter [tilespmem:s18], [sflag:$0x1], $0x80, v3, vm0, $0xb8;
	[tilespmem:$0x8D00] =	vst v63  }
0x5f: {  	_ = 	snop  }
0x60: {  	[hbm4b:s7+s3] =	stream.indirect_vreg.scatter [tilespmem:s19], [sflag:$0x1], $0x80, v3, vm0, $0xb8;
	[tilespmem:$0x8D00] =	vst v63  }
0x61: {  	v3 =	vld [tilespmem:$0x8810];
	_ =	sdelay $0x4  }
0x62: {  	v28 =	vshll.u32 v3, $0x3  }
0x63: {  	v3 =	vand.u32 $0x7, v3;
	v4 =	vand.u32 $0xFFFFFFC0, v28  }
0x64: {  	v3 =	vor.u32 v3, v4  }
0x65: {  	v4 =	vperm.xlane v3, v0;
	_ =	sdelay $0x1  }
0x66: {  	v4 =	vadd.s32 v1, v4;
	_ =	sdelay $0x4  }
0x67: {  	[hbm4b:s4+s3] =	stream.indirect_vreg.scatter [tilespmem:s20], [sflag:$0x1], $0x80, v4, vm0, $0xb8;
	[tilespmem:$0x8D00] =	vst v63  }
0x68: {  	v3 =	vperm.xlane v3, v2  }
0x69: {  	[hbm4b:s5+s3] =	stream.indirect_vreg.scatter [tilespmem:s21], [sflag:$0x1], $0x80, v4, vm0, $0xb8;
	[tilespmem:$0x8D00] =	vst v63  }
0x6a: {  	v3 =	vadd.s32 v1, v3  }
0x6b: {  	[hbm4b:s6+s3] =	stream.indirect_vreg.scatter [tilespmem:s22], [sflag:$0x1], $0x80, v4, vm0, $0xb8;
	[tilespmem:$0x8D00] =	vst v63  }
0x6c: {  	_ = 	snop  }
0x6d: {  	[hbm4b:s7+s3] =	stream.indirect_vreg.scatter [tilespmem:s23], [sflag:$0x1], $0x80, v4, vm0, $0xb8;
	[tilespmem:$0x8D00] =	vst v63  }
0x6e: {  	_ = 	snop  }
0x6f: {  	[hbm4b:s4+s3] =	stream.indirect_vreg.scatter [tilespmem:s24], [sflag:$0x1], $0x80, v3, vm0, $0xb8;
	[tilespmem:$0x8D00] =	vst v63  }
0x70: {  	_ = 	snop  }
0x71: {  	[hbm4b:s5+s3] =	stream.indirect_vreg.scatter [tilespmem:s25], [sflag:$0x1], $0x80, v3, vm0, $0xb8;
	[tilespmem:$0x8D00] =	vst v63  }
0x72: {  	_ = 	snop  }
0x73: {  	[hbm4b:s6+s3] =	stream.indirect_vreg.scatter [tilespmem:s26], [sflag:$0x1], $0x80, v3, vm0, $0xb8;
	[tilespmem:$0x8D00] =	vst v63  }
0x74: {  	_ = 	snop  }
0x75: {  	[hbm4b:s7+s3] =	stream.indirect_vreg.scatter [tilespmem:s28], [sflag:$0x1], $0x80, v3, vm0, $0xb8;
	[tilespmem:$0x8D00] =	vst v63  }
0x76: {  	_ =	swait.ge [sflag:s29], $0x8000  }
0x77: {  	s2 =	sld [smem:$0x7F9]  }
0x78: {  	[sflag:s29] =	ssyncset.done $0x0  }
0x79: {  	s1 =	rddreg [dreg:$0x7];
	[sflag:s29] =	ssyncadd.s32 $0xFFFF8000  }
0x7a: {  	[hbm4b:s1+s3] =	stream.linear.scatter [tilespmem:s2], [sflag:$0x2], $0x20, $0x38;
	[tilespmem:$0x8D00] =	vst v63  }
0x7b: {  	_ =	swait.ge [sflag:s9], $0x20  }
0x7c: {  	[sflag:s9] =	ssyncset.done $0x0  }
0x7d: {  	s2 =	rddreg [dreg:$0x8];
	[sflag:s9] =	ssyncadd.s32 $0xFFFFFFE0  }
0x7e: {  	[tilespmem:s10], [sflag:$0x2] =	stream.linear.gather [hbm4b:s2+s3], $0x20, $0x38;
	[tilespmem:$0x8D00] =	vst v63  }
0x7f: {  	_ =	swait.ge [sflag:s9], $0x20  }
0x80: {  	[sflag:s9] =	ssyncset.done $0x0  }
0x81: {  	s2 =	rddreg [dreg:$0x9];
	[sflag:s9] =	ssyncadd.s32 $0xFFFFFFE0  }
0x82: {  	[tilespmem:s11], [sflag:$0x2] =	stream.linear.gather [hbm4b:s2+s3], $0x20, $0x38;
	[tilespmem:$0x8D00] =	vst v63  }
0x83: {  	_ =	swait.ge [sflag:s9], $0x20  }
0x84: {  	[sflag:s9] =	ssyncset.done $0x0  }
0x85: {  	[sflag:s9] =	ssyncadd.s32 $0xFFFFFFE0  }
0x86: {  	v3 =	vld [tilespmem:$0x8C00];
	_ =	sdelay $0x5  }
0x87: {  	v29 =	vld [tilespmem:$0x8C10]  }
0x88: {  	v30 =	vld [tilespmem:$0x8C80]  }
0x89: {  	v3 =	vld.idx.msk [tilespmem:v3+s3+$0x0], $0xffff;
	_ =	sdelay $0x4  }
0x8a: {  	v3 =	vadd.s32 v3, v30  }
0x8b: {  	v31 =	vld [tilespmem:$0x8C90];
	[tilespmem:$0x8880] =	vst v3  }
0x8c: {  	v3 =	vld.idx.msk [tilespmem:v29+s3+$0x0], $0xffff;
	_ =	sdelay $0x4  }
0x8d: {  	v3 =	vadd.s32 v3, v31  }
0x8e: {  	s2 =	rddreg [dreg:$0xa];
	[tilespmem:$0x8890] =	vst v3  }
0x8f: {  	[tilespmem:s12], [sflag:$0x2] =	stream.linear.gather [hbm4b:s2+s3], $0x8000, $0x38;
	[tilespmem:$0x8D00] =	vst v63  }
0x90: {  	_ =	swait.ge [sflag:s9], $0x8000  }
0x91: {  	[sflag:s9] =	ssyncset.done $0x0  }
0x92: {  	[sflag:s9] =	ssyncadd.s32 $0xFFFF8000  }
0x93: {  	v3 =	vld [tilespmem:$0x8880];
	_ =	sdelay $0x4  }
0x94: {  	v32 =	vshll.u32 v3, $0x3  }
0x95: {  	v3 =	vand.u32 $0x7, v3;
	v4 =	vand.u32 $0xFFFFFFC0, v32  }
0x96: {  	v3 =	vor.u32 v3, v4  }
0x97: {  	v4 =	vperm.xlane v3, v0;
	_ =	sdelay $0x1  }
0x98: {  	v4 =	vadd.s32 v1, v4;
	_ =	sdelay $0x4  }
0x99: {  	[hbm4b:s4+s3] =	stream.indirect_vreg.scatter [tilespmem:s12], [sflag:$0x1], $0x80, v4, vm0, $0xb8;
	[tilespmem:$0x8D00] =	vst v63  }
0x9a: {  	v3 =	vperm.xlane v3, v2  }
0x9b: {  	[hbm4b:s5+s3] =	stream.indirect_vreg.scatter [tilespmem:s13], [sflag:$0x1], $0x80, v4, vm0, $0xb8;
	[tilespmem:$0x8D00] =	vst v63  }
0x9c: {  	v3 =	vadd.s32 v1, v3  }
0x9d: {  	[hbm4b:s6+s3] =	stream.indirect_vreg.scatter [tilespmem:s14], [sflag:$0x1], $0x80, v4, vm0, $0xb8;
	[tilespmem:$0x8D00] =	vst v63  }
0x9e: {  	_ = 	snop  }
0x9f: {  	[hbm4b:s7+s3] =	stream.indirect_vreg.scatter [tilespmem:s15], [sflag:$0x1], $0x80, v4, vm0, $0xb8;
	[tilespmem:$0x8D00] =	vst v63  }
0xa0: {  	_ = 	snop  }
0xa1: {  	[hbm4b:s4+s3] =	stream.indirect_vreg.scatter [tilespmem:s16], [sflag:$0x1], $0x80, v3, vm0, $0xb8;
	[tilespmem:$0x8D00] =	vst v63  }
0xa2: {  	_ = 	snop  }
0xa3: {  	[hbm4b:s5+s3] =	stream.indirect_vreg.scatter [tilespmem:s17], [sflag:$0x1], $0x80, v3, vm0, $0xb8;
	[tilespmem:$0x8D00] =	vst v63  }
0xa4: {  	_ = 	snop  }
0xa5: {  	[hbm4b:s6+s3] =	stream.indirect_vreg.scatter [tilespmem:s18], [sflag:$0x1], $0x80, v3, vm0, $0xb8;
	[tilespmem:$0x8D00] =	vst v63  }
0xa6: {  	_ = 	snop  }
0xa7: {  	[hbm4b:s7+s3] =	stream.indirect_vreg.scatter [tilespmem:s19], [sflag:$0x1], $0x80, v3, vm0, $0xb8;
	[tilespmem:$0x8D00] =	vst v63  }
0xa8: {  	v3 =	vld [tilespmem:$0x8890];
	_ =	sdelay $0x4  }
0xa9: {  	v33 =	vshll.u32 v3, $0x3  }
0xaa: {  	v3 =	vand.u32 $0x7, v3;
	v4 =	vand.u32 $0xFFFFFFC0, v33  }
0xab: {  	v3 =	vor.u32 v3, v4  }
0xac: {  	v4 =	vperm.xlane v3, v0;
	_ =	sdelay $0x1  }
0xad: {  	v4 =	vadd.s32 v1, v4;
	_ =	sdelay $0x4  }
0xae: {  	[hbm4b:s4+s3] =	stream.indirect_vreg.scatter [tilespmem:s20], [sflag:$0x1], $0x80, v4, vm0, $0xb8;
	[tilespmem:$0x8D00] =	vst v63  }
0xaf: {  	v3 =	vperm.xlane v3, v2  }
0xb0: {  	[hbm4b:s5+s3] =	stream.indirect_vreg.scatter [tilespmem:s21], [sflag:$0x1], $0x80, v4, vm0, $0xb8;
	[tilespmem:$0x8D00] =	vst v63  }
0xb1: {  	v3 =	vadd.s32 v1, v3  }
0xb2: {  	[hbm4b:s6+s3] =	stream.indirect_vreg.scatter [tilespmem:s22], [sflag:$0x1], $0x80, v4, vm0, $0xb8;
	[tilespmem:$0x8D00] =	vst v63  }
0xb3: {  	_ = 	snop  }
0xb4: {  	[hbm4b:s7+s3] =	stream.indirect_vreg.scatter [tilespmem:s23], [sflag:$0x1], $0x80, v4, vm0, $0xb8;
	[tilespmem:$0x8D00] =	vst v63  }
0xb5: {  	_ = 	snop  }
0xb6: {  	[hbm4b:s4+s3] =	stream.indirect_vreg.scatter [tilespmem:s24], [sflag:$0x1], $0x80, v3, vm0, $0xb8;
	[tilespmem:$0x8D00] =	vst v63  }
0xb7: {  	_ = 	snop  }
0xb8: {  	[hbm4b:s5+s3] =	stream.indirect_vreg.scatter [tilespmem:s25], [sflag:$0x1], $0x80, v3, vm0, $0xb8;
	[tilespmem:$0x8D00] =	vst v63  }
0xb9: {  	_ = 	snop  }
0xba: {  	[hbm4b:s6+s3] =	stream.indirect_vreg.scatter [tilespmem:s26], [sflag:$0x1], $0x80, v3, vm0, $0xb8;
	[tilespmem:$0x8D00] =	vst v63  }
0xbb: {  	_ = 	snop  }
0xbc: {  	[hbm4b:s7+s3] =	stream.indirect_vreg.scatter [tilespmem:s28], [sflag:$0x1], $0x80, v3, vm0, $0xb8;
	[tilespmem:$0x8D00] =	vst v63  }
0xbd: {  	_ =	swait.ge [sflag:s29], $0x8000  }
0xbe: {  	s2 =	sld [smem:$0x7FA]  }
0xbf: {  	[sflag:s29] =	ssyncset.done $0x0  }
0xc0: {  	s1 =	rddreg [dreg:$0xb];
	[sflag:s29] =	ssyncadd.s32 $0xFFFF8000  }
0xc1: {  	[hbm4b:s1+s3] =	stream.linear.scatter [tilespmem:s2], [sflag:$0x2], $0x20, $0x38;
	[tilespmem:$0x8D00] =	vst v63  }
0xc2: {  	_ =	swait.ge [sflag:s9], $0x20  }
0xc3: {  	[sflag:s9] =	ssyncset.done $0x0  }
0xc4: {  	s2 =	rddreg [dreg:$0xc];
	[sflag:s9] =	ssyncadd.s32 $0xFFFFFFE0  }
0xc5: {  	[tilespmem:s10], [sflag:$0x2] =	stream.linear.gather [hbm4b:s2+s3], $0x20, $0x38;
	[tilespmem:$0x8D00] =	vst v63  }
0xc6: {  	_ =	swait.ge [sflag:s9], $0x20  }
0xc7: {  	[sflag:s9] =	ssyncset.done $0x0  }
0xc8: {  	s2 =	rddreg [dreg:$0xd];
	[sflag:s9] =	ssyncadd.s32 $0xFFFFFFE0  }
0xc9: {  	[tilespmem:s11], [sflag:$0x2] =	stream.linear.gather [hbm4b:s2+s3], $0x20, $0x38;
	[tilespmem:$0x8D00] =	vst v63  }
0xca: {  	_ =	swait.ge [sflag:s9], $0x20  }
0xcb: {  	[sflag:s9] =	ssyncset.done $0x0  }
0xcc: {  	[sflag:s9] =	ssyncadd.s32 $0xFFFFFFE0  }
0xcd: {  	v3 =	vld [tilespmem:$0x8C00];
	_ =	sdelay $0x5  }
0xce: {  	v34 =	vld [tilespmem:$0x8C10]  }
0xcf: {  	v35 =	vld [tilespmem:$0x8C80]  }
0xd0: {  	v3 =	vld.idx.msk [tilespmem:v3+s3+$0x0], $0xffff;
	_ =	sdelay $0x4  }
0xd1: {  	v3 =	vadd.s32 v3, v35  }
0xd2: {  	v36 =	vld [tilespmem:$0x8C90];
	[tilespmem:$0x8900] =	vst v3  }
0xd3: {  	v3 =	vld.idx.msk [tilespmem:v34+s3+$0x0], $0xffff;
	_ =	sdelay $0x4  }
0xd4: {  	v3 =	vadd.s32 v3, v36  }
0xd5: {  	s2 =	rddreg [dreg:$0xe];
	[tilespmem:$0x8910] =	vst v3  }
0xd6: {  	[tilespmem:s12], [sflag:$0x2] =	stream.linear.gather [hbm4b:s2+s3], $0x8000, $0x38;
	[tilespmem:$0x8D00] =	vst v63  }
0xd7: {  	_ =	swait.ge [sflag:s9], $0x8000  }
0xd8: {  	[sflag:s9] =	ssyncset.done $0x0  }
0xd9: {  	[sflag:s9] =	ssyncadd.s32 $0xFFFF8000  }
0xda: {  	v3 =	vld [tilespmem:$0x8900];
	_ =	sdelay $0x4  }
0xdb: {  	v37 =	vshll.u32 v3, $0x3  }
0xdc: {  	v3 =	vand.u32 $0x7, v3;
	v4 =	vand.u32 $0xFFFFFFC0, v37  }
0xdd: {  	v3 =	vor.u32 v3, v4  }
0xde: {  	v4 =	vperm.xlane v3, v0;
	_ =	sdelay $0x1  }
0xdf: {  	v4 =	vadd.s32 v1, v4;
	_ =	sdelay $0x4  }
0xe0: {  	[hbm4b:s4+s3] =	stream.indirect_vreg.scatter [tilespmem:s12], [sflag:$0x1], $0x80, v4, vm0, $0xb8;
	[tilespmem:$0x8D00] =	vst v63  }
0xe1: {  	v3 =	vperm.xlane v3, v2  }
0xe2: {  	[hbm4b:s5+s3] =	stream.indirect_vreg.scatter [tilespmem:s13], [sflag:$0x1], $0x80, v4, vm0, $0xb8;
	[tilespmem:$0x8D00] =	vst v63  }
0xe3: {  	v3 =	vadd.s32 v1, v3  }
0xe4: {  	[hbm4b:s6+s3] =	stream.indirect_vreg.scatter [tilespmem:s14], [sflag:$0x1], $0x80, v4, vm0, $0xb8;
	[tilespmem:$0x8D00] =	vst v63  }
0xe5: {  	_ = 	snop  }
0xe6: {  	[hbm4b:s7+s3] =	stream.indirect_vreg.scatter [tilespmem:s15], [sflag:$0x1], $0x80, v4, vm0, $0xb8;
	[tilespmem:$0x8D00] =	vst v63  }
0xe7: {  	_ = 	snop  }
0xe8: {  	[hbm4b:s4+s3] =	stream.indirect_vreg.scatter [tilespmem:s16], [sflag:$0x1], $0x80, v3, vm0, $0xb8;
	[tilespmem:$0x8D00] =	vst v63  }
0xe9: {  	_ = 	snop  }
0xea: {  	[hbm4b:s5+s3] =	stream.indirect_vreg.scatter [tilespmem:s17], [sflag:$0x1], $0x80, v3, vm0, $0xb8;
	[tilespmem:$0x8D00] =	vst v63  }
0xeb: {  	_ = 	snop  }
0xec: {  	[hbm4b:s6+s3] =	stream.indirect_vreg.scatter [tilespmem:s18], [sflag:$0x1], $0x80, v3, vm0, $0xb8;
	[tilespmem:$0x8D00] =	vst v63  }
0xed: {  	_ = 	snop  }
0xee: {  	[hbm4b:s7+s3] =	stream.indirect_vreg.scatter [tilespmem:s19], [sflag:$0x1], $0x80, v3, vm0, $0xb8;
	[tilespmem:$0x8D00] =	vst v63  }
0xef: {  	v3 =	vld [tilespmem:$0x8910];
	_ =	sdelay $0x4  }
0xf0: {  	v38 =	vshll.u32 v3, $0x3  }
0xf1: {  	v3 =	vand.u32 $0x7, v3;
	v4 =	vand.u32 $0xFFFFFFC0, v38  }
0xf2: {  	v3 =	vor.u32 v3, v4  }
0xf3: {  	v4 =	vperm.xlane v3, v0;
	_ =	sdelay $0x1  }
0xf4: {  	v4 =	vadd.s32 v1, v4;
	_ =	sdelay $0x4  }
0xf5: {  	[hbm4b:s4+s3] =	stream.indirect_vreg.scatter [tilespmem:s20], [sflag:$0x1], $0x80, v4, vm0, $0xb8;
	[tilespmem:$0x8D00] =	vst v63  }
0xf6: {  	v3 =	vperm.xlane v3, v2  }
0xf7: {  	[hbm4b:s5+s3] =	stream.indirect_vreg.scatter [tilespmem:s21], [sflag:$0x1], $0x80, v4, vm0, $0xb8;
	[tilespmem:$0x8D00] =	vst v63  }
0xf8: {  	v3 =	vadd.s32 v1, v3  }
0xf9: {  	[hbm4b:s6+s3] =	stream.indirect_vreg.scatter [tilespmem:s22], [sflag:$0x1], $0x80, v4, vm0, $0xb8;
	[tilespmem:$0x8D00] =	vst v63  }
0xfa: {  	_ = 	snop  }
0xfb: {  	[hbm4b:s7+s3] =	stream.indirect_vreg.scatter [tilespmem:s23], [sflag:$0x1], $0x80, v4, vm0, $0xb8;
	[tilespmem:$0x8D00] =	vst v63  }
0xfc: {  	_ = 	snop  }
0xfd: {  	[hbm4b:s4+s3] =	stream.indirect_vreg.scatter [tilespmem:s24], [sflag:$0x1], $0x80, v3, vm0, $0xb8;
	[tilespmem:$0x8D00] =	vst v63  }
0xfe: {  	_ = 	snop  }
0xff: {  	[hbm4b:s5+s3] =	stream.indirect_vreg.scatter [tilespmem:s25], [sflag:$0x1], $0x80, v3, vm0, $0xb8;
	[tilespmem:$0x8D00] =	vst v63  }
0x100: {  	_ = 	snop  }
0x101: {  	[hbm4b:s6+s3] =	stream.indirect_vreg.scatter [tilespmem:s26], [sflag:$0x1], $0x80, v3, vm0, $0xb8;
	[tilespmem:$0x8D00] =	vst v63  }
0x102: {  	_ = 	snop  }
0x103: {  	[hbm4b:s7+s3] =	stream.indirect_vreg.scatter [tilespmem:s28], [sflag:$0x1], $0x80, v3, vm0, $0xb8;
	[tilespmem:$0x8D00] =	vst v63  }
0x104: {  	_ =	swait.ge [sflag:s29], $0x8000  }
0x105: {  	s2 =	sld [smem:$0x7FB]  }
0x106: {  	[sflag:s29] =	ssyncset.done $0x0  }
0x107: {  	s1 =	rddreg [dreg:$0xf];
	[sflag:s29] =	ssyncadd.s32 $0xFFFF8000  }
0x108: {  	[hbm4b:s1+s3] =	stream.linear.scatter [tilespmem:s2], [sflag:$0x2], $0x20, $0x38;
	[tilespmem:$0x8D00] =	vst v63  }
0x109: {  	_ =	swait.ge [sflag:s9], $0x20  }
0x10a: {  	[sflag:s9] =	ssyncset.done $0x0  }
0x10b: {  	s2 =	rddreg [dreg:$0x10];
	[sflag:s9] =	ssyncadd.s32 $0xFFFFFFE0  }
0x10c: {  	[tilespmem:s10], [sflag:$0x2] =	stream.linear.gather [hbm4b:s2+s3], $0x20, $0x38;
	[tilespmem:$0x8D00] =	vst v63  }
0x10d: {  	_ =	swait.ge [sflag:s9], $0x20  }
0x10e: {  	[sflag:s9] =	ssyncset.done $0x0  }
0x10f: {  	s2 =	rddreg [dreg:$0x11];
	[sflag:s9] =	ssyncadd.s32 $0xFFFFFFE0  }
0x110: {  	[tilespmem:s11], [sflag:$0x2] =	stream.linear.gather [hbm4b:s2+s3], $0x20, $0x38;
	[tilespmem:$0x8D00] =	vst v63  }
0x111: {  	_ =	swait.ge [sflag:s9], $0x20  }
0x112: {  	[sflag:s9] =	ssyncset.done $0x0  }
0x113: {  	[sflag:s9] =	ssyncadd.s32 $0xFFFFFFE0  }
0x114: {  	v3 =	vld [tilespmem:$0x8C00];
	_ =	sdelay $0x5  }
0x115: {  	v39 =	vld [tilespmem:$0x8C10]  }
0x116: {  	v40 =	vld [tilespmem:$0x8C80]  }
0x117: {  	v3 =	vld.idx.msk [tilespmem:v3+s3+$0x0], $0xffff;
	_ =	sdelay $0x4  }
0x118: {  	v3 =	vadd.s32 v3, v40  }
0x119: {  	v41 =	vld [tilespmem:$0x8C90];
	[tilespmem:$0x8980] =	vst v3  }
0x11a: {  	v3 =	vld.idx.msk [tilespmem:v39+s3+$0x0], $0xffff;
	_ =	sdelay $0x4  }
0x11b: {  	v3 =	vadd.s32 v3, v41  }
0x11c: {  	s2 =	rddreg [dreg:$0x12];
	[tilespmem:$0x8990] =	vst v3  }
0x11d: {  	[tilespmem:s12], [sflag:$0x2] =	stream.linear.gather [hbm4b:s2+s3], $0x8000, $0x38;
	[tilespmem:$0x8D00] =	vst v63  }
0x11e: {  	_ =	swait.ge [sflag:s9], $0x8000  }
0x11f: {  	[sflag:s9] =	ssyncset.done $0x0  }
0x120: {  	[sflag:s9] =	ssyncadd.s32 $0xFFFF8000  }
0x121: {  	v3 =	vld [tilespmem:$0x8980];
	_ =	sdelay $0x4  }
0x122: {  	v42 =	vshll.u32 v3, $0x3  }
0x123: {  	v3 =	vand.u32 $0x7, v3;
	v4 =	vand.u32 $0xFFFFFFC0, v42  }
0x124: {  	v3 =	vor.u32 v3, v4  }
0x125: {  	v4 =	vperm.xlane v3, v0;
	_ =	sdelay $0x1  }
0x126: {  	v4 =	vadd.s32 v1, v4;
	_ =	sdelay $0x4  }
0x127: {  	[hbm4b:s4+s3] =	stream.indirect_vreg.scatter [tilespmem:s12], [sflag:$0x1], $0x80, v4, vm0, $0xb8;
	[tilespmem:$0x8D00] =	vst v63  }
0x128: {  	v3 =	vperm.xlane v3, v2  }
0x129: {  	[hbm4b:s5+s3] =	stream.indirect_vreg.scatter [tilespmem:s13], [sflag:$0x1], $0x80, v4, vm0, $0xb8;
	[tilespmem:$0x8D00] =	vst v63  }
0x12a: {  	v3 =	vadd.s32 v1, v3  }
0x12b: {  	[hbm4b:s6+s3] =	stream.indirect_vreg.scatter [tilespmem:s14], [sflag:$0x1], $0x80, v4, vm0, $0xb8;
	[tilespmem:$0x8D00] =	vst v63  }
0x12c: {  	_ = 	snop  }
0x12d: {  	[hbm4b:s7+s3] =	stream.indirect_vreg.scatter [tilespmem:s15], [sflag:$0x1], $0x80, v4, vm0, $0xb8;
	[tilespmem:$0x8D00] =	vst v63  }
0x12e: {  	_ = 	snop  }
0x12f: {  	[hbm4b:s4+s3] =	stream.indirect_vreg.scatter [tilespmem:s16], [sflag:$0x1], $0x80, v3, vm0, $0xb8;
	[tilespmem:$0x8D00] =	vst v63  }
0x130: {  	_ = 	snop  }
0x131: {  	[hbm4b:s5+s3] =	stream.indirect_vreg.scatter [tilespmem:s17], [sflag:$0x1], $0x80, v3, vm0, $0xb8;
	[tilespmem:$0x8D00] =	vst v63  }
0x132: {  	_ = 	snop  }
0x133: {  	[hbm4b:s6+s3] =	stream.indirect_vreg.scatter [tilespmem:s18], [sflag:$0x1], $0x80, v3, vm0, $0xb8;
	[tilespmem:$0x8D00] =	vst v63  }
0x134: {  	_ = 	snop  }
0x135: {  	[hbm4b:s7+s3] =	stream.indirect_vreg.scatter [tilespmem:s19], [sflag:$0x1], $0x80, v3, vm0, $0xb8;
	[tilespmem:$0x8D00] =	vst v63  }
0x136: {  	v3 =	vld [tilespmem:$0x8990];
	_ =	sdelay $0x4  }
0x137: {  	v43 =	vshll.u32 v3, $0x3  }
0x138: {  	v3 =	vand.u32 $0x7, v3;
	v4 =	vand.u32 $0xFFFFFFC0, v43  }
0x139: {  	v3 =	vor.u32 v3, v4  }
0x13a: {  	v4 =	vperm.xlane v3, v0;
	_ =	sdelay $0x1  }
0x13b: {  	v4 =	vadd.s32 v1, v4;
	_ =	sdelay $0x4  }
0x13c: {  	[hbm4b:s4+s3] =	stream.indirect_vreg.scatter [tilespmem:s20], [sflag:$0x1], $0x80, v4, vm0, $0xb8;
	[tilespmem:$0x8D00] =	vst v63  }
0x13d: {  	v3 =	vperm.xlane v3, v2  }
0x13e: {  	[hbm4b:s5+s3] =	stream.indirect_vreg.scatter [tilespmem:s21], [sflag:$0x1], $0x80, v4, vm0, $0xb8;
	[tilespmem:$0x8D00] =	vst v63  }
0x13f: {  	v3 =	vadd.s32 v1, v3  }
0x140: {  	[hbm4b:s6+s3] =	stream.indirect_vreg.scatter [tilespmem:s22], [sflag:$0x1], $0x80, v4, vm0, $0xb8;
	[tilespmem:$0x8D00] =	vst v63  }
0x141: {  	_ = 	snop  }
0x142: {  	[hbm4b:s7+s3] =	stream.indirect_vreg.scatter [tilespmem:s23], [sflag:$0x1], $0x80, v4, vm0, $0xb8;
	[tilespmem:$0x8D00] =	vst v63  }
0x143: {  	_ = 	snop  }
0x144: {  	[hbm4b:s4+s3] =	stream.indirect_vreg.scatter [tilespmem:s24], [sflag:$0x1], $0x80, v3, vm0, $0xb8;
	[tilespmem:$0x8D00] =	vst v63  }
0x145: {  	_ = 	snop  }
0x146: {  	[hbm4b:s5+s3] =	stream.indirect_vreg.scatter [tilespmem:s25], [sflag:$0x1], $0x80, v3, vm0, $0xb8;
	[tilespmem:$0x8D00] =	vst v63  }
0x147: {  	_ = 	snop  }
0x148: {  	[hbm4b:s6+s3] =	stream.indirect_vreg.scatter [tilespmem:s26], [sflag:$0x1], $0x80, v3, vm0, $0xb8;
	[tilespmem:$0x8D00] =	vst v63  }
0x149: {  	_ = 	snop  }
0x14a: {  	[hbm4b:s7+s3] =	stream.indirect_vreg.scatter [tilespmem:s28], [sflag:$0x1], $0x80, v3, vm0, $0xb8;
	[tilespmem:$0x8D00] =	vst v63  }
0x14b: {  	_ =	swait.ge [sflag:s29], $0x8000  }
0x14c: {  	s2 =	sld [smem:$0x7FC]  }
0x14d: {  	[sflag:s29] =	ssyncset.done $0x0  }
0x14e: {  	s1 =	rddreg [dreg:$0x13];
	[sflag:s29] =	ssyncadd.s32 $0xFFFF8000  }
0x14f: {  	[hbm4b:s1+s3] =	stream.linear.scatter [tilespmem:s2], [sflag:$0x2], $0x20, $0x38;
	[tilespmem:$0x8D00] =	vst v63  }
0x150: {  	_ =	swait.ge [sflag:s9], $0x20  }
0x151: {  	[sflag:s9] =	ssyncset.done $0x0  }
0x152: {  	s2 =	rddreg [dreg:$0x14];
	[sflag:s9] =	ssyncadd.s32 $0xFFFFFFE0  }
0x153: {  	[tilespmem:s10], [sflag:$0x2] =	stream.linear.gather [hbm4b:s2+s3], $0x20, $0x38;
	[tilespmem:$0x8D00] =	vst v63  }
0x154: {  	_ =	swait.ge [sflag:s9], $0x20  }
0x155: {  	[sflag:s9] =	ssyncset.done $0x0  }
0x156: {  	s2 =	rddreg [dreg:$0x15];
	[sflag:s9] =	ssyncadd.s32 $0xFFFFFFE0  }
0x157: {  	[tilespmem:s11], [sflag:$0x2] =	stream.linear.gather [hbm4b:s2+s3], $0x20, $0x38;
	[tilespmem:$0x8D00] =	vst v63  }
0x158: {  	_ =	swait.ge [sflag:s9], $0x20  }
0x159: {  	[sflag:s9] =	ssyncset.done $0x0  }
0x15a: {  	[sflag:s9] =	ssyncadd.s32 $0xFFFFFFE0  }
0x15b: {  	v3 =	vld [tilespmem:$0x8C00];
	_ =	sdelay $0x5  }
0x15c: {  	v44 =	vld [tilespmem:$0x8C10]  }
0x15d: {  	v45 =	vld [tilespmem:$0x8C80]  }
0x15e: {  	v3 =	vld.idx.msk [tilespmem:v3+s3+$0x0], $0xffff;
	_ =	sdelay $0x4  }
0x15f: {  	v3 =	vadd.s32 v3, v45  }
0x160: {  	v46 =	vld [tilespmem:$0x8C90];
	[tilespmem:$0x8A00] =	vst v3  }
0x161: {  	v3 =	vld.idx.msk [tilespmem:v44+s3+$0x0], $0xffff;
	_ =	sdelay $0x4  }
0x162: {  	v3 =	vadd.s32 v3, v46  }
0x163: {  	s2 =	rddreg [dreg:$0x16];
	[tilespmem:$0x8A10] =	vst v3  }
0x164: {  	[tilespmem:s12], [sflag:$0x2] =	stream.linear.gather [hbm4b:s2+s3], $0x8000, $0x38;
	[tilespmem:$0x8D00] =	vst v63  }
0x165: {  	_ =	swait.ge [sflag:s9], $0x8000  }
0x166: {  	[sflag:s9] =	ssyncset.done $0x0  }
0x167: {  	[sflag:s9] =	ssyncadd.s32 $0xFFFF8000  }
0x168: {  	v3 =	vld [tilespmem:$0x8A00];
	_ =	sdelay $0x4  }
0x169: {  	v47 =	vshll.u32 v3, $0x3  }
0x16a: {  	v3 =	vand.u32 $0x7, v3;
	v4 =	vand.u32 $0xFFFFFFC0, v47  }
0x16b: {  	v3 =	vor.u32 v3, v4  }
0x16c: {  	v4 =	vperm.xlane v3, v0;
	_ =	sdelay $0x1  }
0x16d: {  	v4 =	vadd.s32 v1, v4;
	_ =	sdelay $0x4  }
0x16e: {  	[hbm4b:s4+s3] =	stream.indirect_vreg.scatter [tilespmem:s12], [sflag:$0x1], $0x80, v4, vm0, $0xb8;
	[tilespmem:$0x8D00] =	vst v63  }
0x16f: {  	v3 =	vperm.xlane v3, v2  }
0x170: {  	[hbm4b:s5+s3] =	stream.indirect_vreg.scatter [tilespmem:s13], [sflag:$0x1], $0x80, v4, vm0, $0xb8;
	[tilespmem:$0x8D00] =	vst v63  }
0x171: {  	v3 =	vadd.s32 v1, v3  }
0x172: {  	[hbm4b:s6+s3] =	stream.indirect_vreg.scatter [tilespmem:s14], [sflag:$0x1], $0x80, v4, vm0, $0xb8;
	[tilespmem:$0x8D00] =	vst v63  }
0x173: {  	_ = 	snop  }
0x174: {  	[hbm4b:s7+s3] =	stream.indirect_vreg.scatter [tilespmem:s15], [sflag:$0x1], $0x80, v4, vm0, $0xb8;
	[tilespmem:$0x8D00] =	vst v63  }
0x175: {  	_ = 	snop  }
0x176: {  	[hbm4b:s4+s3] =	stream.indirect_vreg.scatter [tilespmem:s16], [sflag:$0x1], $0x80, v3, vm0, $0xb8;
	[tilespmem:$0x8D00] =	vst v63  }
0x177: {  	_ = 	snop  }
0x178: {  	[hbm4b:s5+s3] =	stream.indirect_vreg.scatter [tilespmem:s17], [sflag:$0x1], $0x80, v3, vm0, $0xb8;
	[tilespmem:$0x8D00] =	vst v63  }
0x179: {  	_ = 	snop  }
0x17a: {  	[hbm4b:s6+s3] =	stream.indirect_vreg.scatter [tilespmem:s18], [sflag:$0x1], $0x80, v3, vm0, $0xb8;
	[tilespmem:$0x8D00] =	vst v63  }
0x17b: {  	_ = 	snop  }
0x17c: {  	[hbm4b:s7+s3] =	stream.indirect_vreg.scatter [tilespmem:s19], [sflag:$0x1], $0x80, v3, vm0, $0xb8;
	[tilespmem:$0x8D00] =	vst v63  }
0x17d: {  	v3 =	vld [tilespmem:$0x8A10];
	_ =	sdelay $0x4  }
0x17e: {  	v48 =	vshll.u32 v3, $0x3  }
0x17f: {  	v3 =	vand.u32 $0x7, v3;
	v4 =	vand.u32 $0xFFFFFFC0, v48  }
0x180: {  	v3 =	vor.u32 v3, v4  }
0x181: {  	v4 =	vperm.xlane v3, v0;
	_ =	sdelay $0x1  }
0x182: {  	v4 =	vadd.s32 v1, v4;
	_ =	sdelay $0x4  }
0x183: {  	[hbm4b:s4+s3] =	stream.indirect_vreg.scatter [tilespmem:s20], [sflag:$0x1], $0x80, v4, vm0, $0xb8;
	[tilespmem:$0x8D00] =	vst v63  }
0x184: {  	v3 =	vperm.xlane v3, v2  }
0x185: {  	[hbm4b:s5+s3] =	stream.indirect_vreg.scatter [tilespmem:s21], [sflag:$0x1], $0x80, v4, vm0, $0xb8;
	[tilespmem:$0x8D00] =	vst v63  }
0x186: {  	v3 =	vadd.s32 v1, v3  }
0x187: {  	[hbm4b:s6+s3] =	stream.indirect_vreg.scatter [tilespmem:s22], [sflag:$0x1], $0x80, v4, vm0, $0xb8;
	[tilespmem:$0x8D00] =	vst v63  }
0x188: {  	_ = 	snop  }
0x189: {  	[hbm4b:s7+s3] =	stream.indirect_vreg.scatter [tilespmem:s23], [sflag:$0x1], $0x80, v4, vm0, $0xb8;
	[tilespmem:$0x8D00] =	vst v63  }
0x18a: {  	_ = 	snop  }
0x18b: {  	[hbm4b:s4+s3] =	stream.indirect_vreg.scatter [tilespmem:s24], [sflag:$0x1], $0x80, v3, vm0, $0xb8;
	[tilespmem:$0x8D00] =	vst v63  }
0x18c: {  	_ = 	snop  }
0x18d: {  	[hbm4b:s5+s3] =	stream.indirect_vreg.scatter [tilespmem:s25], [sflag:$0x1], $0x80, v3, vm0, $0xb8;
	[tilespmem:$0x8D00] =	vst v63  }
0x18e: {  	_ = 	snop  }
0x18f: {  	[hbm4b:s6+s3] =	stream.indirect_vreg.scatter [tilespmem:s26], [sflag:$0x1], $0x80, v3, vm0, $0xb8;
	[tilespmem:$0x8D00] =	vst v63  }
0x190: {  	_ = 	snop  }
0x191: {  	[hbm4b:s7+s3] =	stream.indirect_vreg.scatter [tilespmem:s28], [sflag:$0x1], $0x80, v3, vm0, $0xb8;
	[tilespmem:$0x8D00] =	vst v63  }
0x192: {  	_ =	swait.ge [sflag:s29], $0x8000  }
0x193: {  	s2 =	sld [smem:$0x7FD]  }
0x194: {  	[sflag:s29] =	ssyncset.done $0x0  }
0x195: {  	s1 =	rddreg [dreg:$0x17];
	[sflag:s29] =	ssyncadd.s32 $0xFFFF8000  }
0x196: {  	[hbm4b:s1+s3] =	stream.linear.scatter [tilespmem:s2], [sflag:$0x2], $0x20, $0x38;
	[tilespmem:$0x8D00] =	vst v63  }
0x197: {  	_ =	swait.ge [sflag:s9], $0x20  }
0x198: {  	[sflag:s9] =	ssyncset.done $0x0  }
0x199: {  	s2 =	rddreg [dreg:$0x18];
	[sflag:s9] =	ssyncadd.s32 $0xFFFFFFE0  }
0x19a: {  	[tilespmem:s10], [sflag:$0x2] =	stream.linear.gather [hbm4b:s2+s3], $0x20, $0x38;
	[tilespmem:$0x8D00] =	vst v63  }
0x19b: {  	_ =	swait.ge [sflag:s9], $0x20  }
0x19c: {  	[sflag:s9] =	ssyncset.done $0x0  }
0x19d: {  	s2 =	rddreg [dreg:$0x19];
	[sflag:s9] =	ssyncadd.s32 $0xFFFFFFE0  }
0x19e: {  	[tilespmem:s11], [sflag:$0x2] =	stream.linear.gather [hbm4b:s2+s3], $0x20, $0x38;
	[tilespmem:$0x8D00] =	vst v63  }
0x19f: {  	_ =	swait.ge [sflag:s9], $0x20  }
0x1a0: {  	[sflag:s9] =	ssyncset.done $0x0  }
0x1a1: {  	[sflag:s9] =	ssyncadd.s32 $0xFFFFFFE0  }
0x1a2: {  	v3 =	vld [tilespmem:$0x8C00];
	_ =	sdelay $0x5  }
0x1a3: {  	v49 =	vld [tilespmem:$0x8C10]  }
0x1a4: {  	v50 =	vld [tilespmem:$0x8C80]  }
0x1a5: {  	v3 =	vld.idx.msk [tilespmem:v3+s3+$0x0], $0xffff;
	_ =	sdelay $0x4  }
0x1a6: {  	v3 =	vadd.s32 v3, v50  }
0x1a7: {  	v51 =	vld [tilespmem:$0x8C90];
	[tilespmem:$0x8A80] =	vst v3  }
0x1a8: {  	v3 =	vld.idx.msk [tilespmem:v49+s3+$0x0], $0xffff;
	_ =	sdelay $0x4  }
0x1a9: {  	v3 =	vadd.s32 v3, v51  }
0x1aa: {  	s2 =	rddreg [dreg:$0x1a];
	[tilespmem:$0x8A90] =	vst v3  }
0x1ab: {  	[tilespmem:s12], [sflag:$0x2] =	stream.linear.gather [hbm4b:s2+s3], $0x8000, $0x38;
	[tilespmem:$0x8D00] =	vst v63  }
0x1ac: {  	_ =	swait.ge [sflag:s9], $0x8000  }
0x1ad: {  	[sflag:s9] =	ssyncset.done $0x0  }
0x1ae: {  	[sflag:s9] =	ssyncadd.s32 $0xFFFF8000  }
0x1af: {  	v3 =	vld [tilespmem:$0x8A80];
	_ =	sdelay $0x4  }
0x1b0: {  	v52 =	vshll.u32 v3, $0x3  }
0x1b1: {  	v3 =	vand.u32 $0x7, v3;
	v4 =	vand.u32 $0xFFFFFFC0, v52  }
0x1b2: {  	v3 =	vor.u32 v3, v4  }
0x1b3: {  	v4 =	vperm.xlane v3, v0;
	_ =	sdelay $0x1  }
0x1b4: {  	v4 =	vadd.s32 v1, v4;
	_ =	sdelay $0x4  }
0x1b5: {  	[hbm4b:s4+s3] =	stream.indirect_vreg.scatter [tilespmem:s12], [sflag:$0x1], $0x80, v4, vm0, $0xb8;
	[tilespmem:$0x8D00] =	vst v63  }
0x1b6: {  	v3 =	vperm.xlane v3, v2  }
0x1b7: {  	[hbm4b:s5+s3] =	stream.indirect_vreg.scatter [tilespmem:s13], [sflag:$0x1], $0x80, v4, vm0, $0xb8;
	[tilespmem:$0x8D00] =	vst v63  }
0x1b8: {  	v3 =	vadd.s32 v1, v3  }
0x1b9: {  	[hbm4b:s6+s3] =	stream.indirect_vreg.scatter [tilespmem:s14], [sflag:$0x1], $0x80, v4, vm0, $0xb8;
	[tilespmem:$0x8D00] =	vst v63  }
0x1ba: {  	_ = 	snop  }
0x1bb: {  	[hbm4b:s7+s3] =	stream.indirect_vreg.scatter [tilespmem:s15], [sflag:$0x1], $0x80, v4, vm0, $0xb8;
	[tilespmem:$0x8D00] =	vst v63  }
0x1bc: {  	_ = 	snop  }
0x1bd: {  	[hbm4b:s4+s3] =	stream.indirect_vreg.scatter [tilespmem:s16], [sflag:$0x1], $0x80, v3, vm0, $0xb8;
	[tilespmem:$0x8D00] =	vst v63  }
0x1be: {  	_ = 	snop  }
0x1bf: {  	[hbm4b:s5+s3] =	stream.indirect_vreg.scatter [tilespmem:s17], [sflag:$0x1], $0x80, v3, vm0, $0xb8;
	[tilespmem:$0x8D00] =	vst v63  }
0x1c0: {  	_ = 	snop  }
0x1c1: {  	[hbm4b:s6+s3] =	stream.indirect_vreg.scatter [tilespmem:s18], [sflag:$0x1], $0x80, v3, vm0, $0xb8;
	[tilespmem:$0x8D00] =	vst v63  }
0x1c2: {  	_ = 	snop  }
0x1c3: {  	[hbm4b:s7+s3] =	stream.indirect_vreg.scatter [tilespmem:s19], [sflag:$0x1], $0x80, v3, vm0, $0xb8;
	[tilespmem:$0x8D00] =	vst v63  }
0x1c4: {  	v3 =	vld [tilespmem:$0x8A90];
	_ =	sdelay $0x4  }
0x1c5: {  	v53 =	vshll.u32 v3, $0x3  }
0x1c6: {  	v3 =	vand.u32 $0x7, v3;
	v4 =	vand.u32 $0xFFFFFFC0, v53  }
0x1c7: {  	v3 =	vor.u32 v3, v4  }
0x1c8: {  	v4 =	vperm.xlane v3, v0;
	_ =	sdelay $0x1  }
0x1c9: {  	v4 =	vadd.s32 v1, v4;
	_ =	sdelay $0x4  }
0x1ca: {  	[hbm4b:s4+s3] =	stream.indirect_vreg.scatter [tilespmem:s20], [sflag:$0x1], $0x80, v4, vm0, $0xb8;
	[tilespmem:$0x8D00] =	vst v63  }
0x1cb: {  	v3 =	vperm.xlane v3, v2  }
0x1cc: {  	[hbm4b:s5+s3] =	stream.indirect_vreg.scatter [tilespmem:s21], [sflag:$0x1], $0x80, v4, vm0, $0xb8;
	[tilespmem:$0x8D00] =	vst v63  }
0x1cd: {  	v3 =	vadd.s32 v1, v3  }
0x1ce: {  	[hbm4b:s6+s3] =	stream.indirect_vreg.scatter [tilespmem:s22], [sflag:$0x1], $0x80, v4, vm0, $0xb8;
	[tilespmem:$0x8D00] =	vst v63  }
0x1cf: {  	_ = 	snop  }
0x1d0: {  	[hbm4b:s7+s3] =	stream.indirect_vreg.scatter [tilespmem:s23], [sflag:$0x1], $0x80, v4, vm0, $0xb8;
	[tilespmem:$0x8D00] =	vst v63  }
0x1d1: {  	_ = 	snop  }
0x1d2: {  	[hbm4b:s4+s3] =	stream.indirect_vreg.scatter [tilespmem:s24], [sflag:$0x1], $0x80, v3, vm0, $0xb8;
	[tilespmem:$0x8D00] =	vst v63  }
0x1d3: {  	_ = 	snop  }
0x1d4: {  	[hbm4b:s5+s3] =	stream.indirect_vreg.scatter [tilespmem:s25], [sflag:$0x1], $0x80, v3, vm0, $0xb8;
	[tilespmem:$0x8D00] =	vst v63  }
0x1d5: {  	_ = 	snop  }
0x1d6: {  	[hbm4b:s6+s3] =	stream.indirect_vreg.scatter [tilespmem:s26], [sflag:$0x1], $0x80, v3, vm0, $0xb8;
	[tilespmem:$0x8D00] =	vst v63  }
0x1d7: {  	_ = 	snop  }
0x1d8: {  	[hbm4b:s7+s3] =	stream.indirect_vreg.scatter [tilespmem:s28], [sflag:$0x1], $0x80, v3, vm0, $0xb8;
	[tilespmem:$0x8D00] =	vst v63  }
0x1d9: {  	_ =	swait.ge [sflag:s29], $0x8000  }
0x1da: {  	[sflag:s29] =	ssyncset.done $0x0  }
0x1db: {  	s2 =	rddreg [dreg:$0x1b];
	[sflag:s29] =	ssyncadd.s32 $0xFFFF8000  }
0x1dc: {  	[hbm4b:s2+s3] =	stream.linear.scatter [tilespmem:s30], [sflag:$0x2], $0x20, $0x38;
	[tilespmem:$0x8D00] =	vst v63  }
0x1dd: {  	_ =	swait.ge [sflag:s9], $0x20  }
0x1de: {  	[sflag:s9] =	ssyncset.done $0x0  }
0x1df: {  	s2 =	rddreg [dreg:$0x1c];
	[sflag:s9] =	ssyncadd.s32 $0xFFFFFFE0  }
0x1e0: {  	[tilespmem:s10], [sflag:$0x2] =	stream.linear.gather [hbm4b:s2+s3], $0x20, $0x38;
	[tilespmem:$0x8D00] =	vst v63  }
0x1e1: {  	_ =	swait.ge [sflag:s9], $0x20  }
0x1e2: {  	[sflag:s9] =	ssyncset.done $0x0  }
0x1e3: {  	s2 =	rddreg [dreg:$0x1d];
	[sflag:s9] =	ssyncadd.s32 $0xFFFFFFE0  }
0x1e4: {  	[tilespmem:s11], [sflag:$0x2] =	stream.linear.gather [hbm4b:s2+s3], $0x20, $0x38;
	[tilespmem:$0x8D00] =	vst v63  }
0x1e5: {  	_ =	swait.ge [sflag:s9], $0x20  }
0x1e6: {  	[sflag:s9] =	ssyncset.done $0x0  }
0x1e7: {  	[sflag:s9] =	ssyncadd.s32 $0xFFFFFFE0  }
0x1e8: {  	v3 =	vld [tilespmem:$0x8C00];
	_ =	sdelay $0x5  }
0x1e9: {  	v54 =	vld [tilespmem:$0x8C10]  }
0x1ea: {  	v55 =	vld [tilespmem:$0x8C80]  }
0x1eb: {  	v3 =	vld.idx.msk [tilespmem:v3+s3+$0x0], $0xffff;
	_ =	sdelay $0x4  }
0x1ec: {  	v3 =	vadd.s32 v3, v55  }
0x1ed: {  	v56 =	vld [tilespmem:$0x8C90];
	[tilespmem:$0x8B00] =	vst v3  }
0x1ee: {  	v3 =	vld.idx.msk [tilespmem:v54+s3+$0x0], $0xffff;
	_ =	sdelay $0x4  }
0x1ef: {  	v3 =	vadd.s32 v3, v56  }
0x1f0: {  	s2 =	rddreg [dreg:$0x1e];
	[tilespmem:$0x8B10] =	vst v3  }
0x1f1: {  	[tilespmem:s12], [sflag:$0x2] =	stream.linear.gather [hbm4b:s2+s3], $0x8000, $0x38;
	[tilespmem:$0x8D00] =	vst v63  }
0x1f2: {  	_ =	swait.ge [sflag:s9], $0x8000  }
0x1f3: {  	[sflag:s9] =	ssyncset.done $0x0  }
0x1f4: {  	[sflag:s9] =	ssyncadd.s32 $0xFFFF8000  }
0x1f5: {  	v3 =	vld [tilespmem:$0x8B00];
	_ =	sdelay $0x4  }
0x1f6: {  	v57 =	vshll.u32 v3, $0x3  }
0x1f7: {  	v3 =	vand.u32 $0x7, v3;
	v4 =	vand.u32 $0xFFFFFFC0, v57  }
0x1f8: {  	v3 =	vor.u32 v3, v4  }
0x1f9: {  	v4 =	vperm.xlane v3, v0;
	_ =	sdelay $0x1  }
0x1fa: {  	v4 =	vadd.s32 v1, v4;
	_ =	sdelay $0x4  }
0x1fb: {  	[hbm4b:s4+s3] =	stream.indirect_vreg.scatter [tilespmem:s12], [sflag:$0x1], $0x80, v4, vm0, $0xb8;
	[tilespmem:$0x8D00] =	vst v63  }
0x1fc: {  	v3 =	vperm.xlane v3, v2  }
0x1fd: {  	[hbm4b:s5+s3] =	stream.indirect_vreg.scatter [tilespmem:s13], [sflag:$0x1], $0x80, v4, vm0, $0xb8;
	[tilespmem:$0x8D00] =	vst v63  }
0x1fe: {  	v3 =	vadd.s32 v1, v3  }
0x1ff: {  	[hbm4b:s6+s3] =	stream.indirect_vreg.scatter [tilespmem:s14], [sflag:$0x1], $0x80, v4, vm0, $0xb8;
	[tilespmem:$0x8D00] =	vst v63  }
0x200: {  	_ = 	snop  }
0x201: {  	[hbm4b:s7+s3] =	stream.indirect_vreg.scatter [tilespmem:s15], [sflag:$0x1], $0x80, v4, vm0, $0xb8;
	[tilespmem:$0x8D00] =	vst v63  }
0x202: {  	_ = 	snop  }
0x203: {  	[hbm4b:s4+s3] =	stream.indirect_vreg.scatter [tilespmem:s16], [sflag:$0x1], $0x80, v3, vm0, $0xb8;
	[tilespmem:$0x8D00] =	vst v63  }
0x204: {  	_ = 	snop  }
0x205: {  	[hbm4b:s5+s3] =	stream.indirect_vreg.scatter [tilespmem:s17], [sflag:$0x1], $0x80, v3, vm0, $0xb8;
	[tilespmem:$0x8D00] =	vst v63  }
0x206: {  	_ = 	snop  }
0x207: {  	[hbm4b:s6+s3] =	stream.indirect_vreg.scatter [tilespmem:s18], [sflag:$0x1], $0x80, v3, vm0, $0xb8;
	[tilespmem:$0x8D00] =	vst v63  }
0x208: {  	_ = 	snop  }
0x209: {  	[hbm4b:s7+s3] =	stream.indirect_vreg.scatter [tilespmem:s19], [sflag:$0x1], $0x80, v3, vm0, $0xb8;
	[tilespmem:$0x8D00] =	vst v63  }
0x20a: {  	v3 =	vld [tilespmem:$0x8B10];
	_ =	sdelay $0x4  }
0x20b: {  	v58 =	vshll.u32 v3, $0x3  }
0x20c: {  	v3 =	vand.u32 $0x7, v3;
	v4 =	vand.u32 $0xFFFFFFC0, v58  }
0x20d: {  	v3 =	vor.u32 v3, v4  }
0x20e: {  	v4 =	vperm.xlane v3, v0;
	_ =	sdelay $0x1  }
0x20f: {  	v4 =	vadd.s32 v1, v4;
	_ =	sdelay $0x4  }
0x210: {  	[hbm4b:s4+s3] =	stream.indirect_vreg.scatter [tilespmem:s20], [sflag:$0x1], $0x80, v4, vm0, $0xb8;
	[tilespmem:$0x8D00] =	vst v63  }
0x211: {  	v3 =	vperm.xlane v3, v2  }
0x212: {  	[hbm4b:s5+s3] =	stream.indirect_vreg.scatter [tilespmem:s21], [sflag:$0x1], $0x80, v4, vm0, $0xb8;
	[tilespmem:$0x8D00] =	vst v63  }
0x213: {  	v3 =	vadd.s32 v1, v3  }
0x214: {  	[hbm4b:s6+s3] =	stream.indirect_vreg.scatter [tilespmem:s22], [sflag:$0x1], $0x80, v4, vm0, $0xb8;
	[tilespmem:$0x8D00] =	vst v63  }
0x215: {  	_ = 	snop  }
0x216: {  	[hbm4b:s7+s3] =	stream.indirect_vreg.scatter [tilespmem:s23], [sflag:$0x1], $0x80, v4, vm0, $0xb8;
	[tilespmem:$0x8D00] =	vst v63  }
0x217: {  	_ = 	snop  }
0x218: {  	[hbm4b:s4+s3] =	stream.indirect_vreg.scatter [tilespmem:s24], [sflag:$0x1], $0x80, v3, vm0, $0xb8;
	[tilespmem:$0x8D00] =	vst v63  }
0x219: {  	_ = 	snop  }
0x21a: {  	[hbm4b:s5+s3] =	stream.indirect_vreg.scatter [tilespmem:s25], [sflag:$0x1], $0x80, v3, vm0, $0xb8;
	[tilespmem:$0x8D00] =	vst v63  }
0x21b: {  	_ = 	snop  }
0x21c: {  	[hbm4b:s6+s3] =	stream.indirect_vreg.scatter [tilespmem:s26], [sflag:$0x1], $0x80, v3, vm0, $0xb8;
	[tilespmem:$0x8D00] =	vst v63  }
0x21d: {  	_ = 	snop  }
0x21e: {  	[hbm4b:s7+s3] =	stream.indirect_vreg.scatter [tilespmem:s28], [sflag:$0x1], $0x80, v3, vm0, $0xb8;
	[tilespmem:$0x8D00] =	vst v63  }
0x21f: {  	_ =	swait.ge [sflag:s29], $0x8000  }
0x220: {  	[sflag:s29] =	ssyncset.done $0x0  }
0x221: {  	s2 =	rddreg [dreg:$0x1f];
	[sflag:s29] =	ssyncadd.s32 $0xFFFF8000  }
0x222: {  	[hbm4b:s2+s3] =	stream.linear.scatter [tilespmem:s31], [sflag:$0x2], $0x20, $0x38;
	[tilespmem:$0x8D00] =	vst v63  }
0x223: {  	_ =	swait.ge [sflag:s9], $0x20  }
0x224: {  	s2 =	sld [smem:$0x7F5]  }
0x225: {  	[sflag:s9] =	ssyncset.done $0x0  }
0x226: {  	[sflag:s9] =	ssyncadd.s32 $0xFFFFFFE0  }
0x227: {  	[tilespmem:s10], [sflag:$0x2] =	stream.linear.gather [hbm4b:s2+s3], $0x20, $0x38;
	[tilespmem:$0x8D00] =	vst v63  }
0x228: {  	_ =	swait.ge [sflag:s9], $0x20  }
0x229: {  	s2 =	sld [smem:$0x7F6]  }
0x22a: {  	[sflag:s9] =	ssyncset.done $0x0  }
0x22b: {  	[sflag:s9] =	ssyncadd.s32 $0xFFFFFFE0  }
0x22c: {  	[tilespmem:s11], [sflag:$0x2] =	stream.linear.gather [hbm4b:s2+s3], $0x20, $0x38;
	[tilespmem:$0x8D00] =	vst v63  }
0x22d: {  	_ =	swait.ge [sflag:s9], $0x20  }
0x22e: {  	[sflag:s9] =	ssyncset.done $0x0  }
0x22f: {  	[sflag:s9] =	ssyncadd.s32 $0xFFFFFFE0  }
0x230: {  	v3 =	vld [tilespmem:$0x8C00];
	_ =	sdelay $0x5  }
0x231: {  	v59 =	vld [tilespmem:$0x8C10]  }
0x232: {  	v60 =	vld [tilespmem:$0x8C80]  }
0x233: {  	v3 =	vld.idx.msk [tilespmem:v3+s3+$0x0], $0xffff;
	_ =	sdelay $0x4  }
0x234: {  	v3 =	vadd.s32 v3, v60  }
0x235: {  	v61 =	vld [tilespmem:$0x8C90];
	[tilespmem:$0x8B80] =	vst v3  }
0x236: {  	v3 =	vld.idx.msk [tilespmem:v59+s3+$0x0], $0xffff;
	_ =	sdelay $0x3  }
0x237: {  	s2 =	sld [smem:$0x7F7]  }
0x238: {  	v3 =	vadd.s32 v3, v61  }
0x239: {  	[tilespmem:$0x8B90] =	vst v3  }
0x23a: {  	[tilespmem:s12], [sflag:$0x2] =	stream.linear.gather [hbm4b:s2+s3], $0x8000, $0x38;
	[tilespmem:$0x8D00] =	vst v63  }
0x23b: {  	_ =	swait.ge [sflag:s9], $0x8000  }
0x23c: {  	[sflag:s9] =	ssyncset.done $0x0  }
0x23d: {  	[sflag:s9] =	ssyncadd.s32 $0xFFFF8000  }
0x23e: {  	v3 =	vld [tilespmem:$0x8B80];
	_ =	sdelay $0x4  }
0x23f: {  	v62 =	vshll.u32 v3, $0x3  }
0x240: {  	v3 =	vand.u32 $0x7, v3;
	v4 =	vand.u32 $0xFFFFFFC0, v62  }
0x241: {  	v3 =	vor.u32 v3, v4  }
0x242: {  	v4 =	vperm.xlane v3, v0;
	_ =	sdelay $0x1  }
0x243: {  	v4 =	vadd.s32 v1, v4;
	_ =	sdelay $0x4  }
0x244: {  	[hbm4b:s4+s3] =	stream.indirect_vreg.scatter [tilespmem:s12], [sflag:$0x1], $0x80, v4, vm0, $0xb8;
	[tilespmem:$0x8D00] =	vst v63  }
0x245: {  	v3 =	vperm.xlane v3, v2  }
0x246: {  	[hbm4b:s5+s3] =	stream.indirect_vreg.scatter [tilespmem:s13], [sflag:$0x1], $0x80, v4, vm0, $0xb8;
	[tilespmem:$0x8D00] =	vst v63  }
0x247: {  	v3 =	vadd.s32 v1, v3  }
0x248: {  	[hbm4b:s6+s3] =	stream.indirect_vreg.scatter [tilespmem:s14], [sflag:$0x1], $0x80, v4, vm0, $0xb8;
	[tilespmem:$0x8D00] =	vst v63  }
0x249: {  	_ = 	snop  }
0x24a: {  	[hbm4b:s7+s3] =	stream.indirect_vreg.scatter [tilespmem:s15], [sflag:$0x1], $0x80, v4, vm0, $0xb8;
	[tilespmem:$0x8D00] =	vst v63  }
0x24b: {  	_ = 	snop  }
0x24c: {  	[hbm4b:s4+s3] =	stream.indirect_vreg.scatter [tilespmem:s16], [sflag:$0x1], $0x80, v3, vm0, $0xb8;
	[tilespmem:$0x8D00] =	vst v63  }
0x24d: {  	_ = 	snop  }
0x24e: {  	[hbm4b:s5+s3] =	stream.indirect_vreg.scatter [tilespmem:s17], [sflag:$0x1], $0x80, v3, vm0, $0xb8;
	[tilespmem:$0x8D00] =	vst v63  }
0x24f: {  	_ = 	snop  }
0x250: {  	[hbm4b:s6+s3] =	stream.indirect_vreg.scatter [tilespmem:s18], [sflag:$0x1], $0x80, v3, vm0, $0xb8;
	[tilespmem:$0x8D00] =	vst v63  }
0x251: {  	_ = 	snop  }
0x252: {  	[hbm4b:s7+s3] =	stream.indirect_vreg.scatter [tilespmem:s19], [sflag:$0x1], $0x80, v3, vm0, $0xb8;
	[tilespmem:$0x8D00] =	vst v63  }
0x253: {  	v3 =	vld [tilespmem:$0x8B90];
	_ =	sdelay $0x4  }
0x254: {  	v63 =	vshll.u32 v3, $0x3  }
0x255: {  	v3 =	vand.u32 $0x7, v3;
	v4 =	vand.u32 $0xFFFFFFC0, v63  }
0x256: {  	v3 =	vor.u32 v3, v4  }
0x257: {  	v4 =	vperm.xlane v3, v0;
	_ =	sdelay $0x1  }
0x258: {  	v4 =	vadd.s32 v1, v4;
	_ =	sdelay $0x4  }
0x259: {  	[hbm4b:s4+s3] =	stream.indirect_vreg.scatter [tilespmem:s20], [sflag:$0x1], $0x80, v4, vm0, $0xb8;
	[tilespmem:$0x8D00] =	vst v63  }
0x25a: {  	v3 =	vperm.xlane v3, v2  }
0x25b: {  	[hbm4b:s5+s3] =	stream.indirect_vreg.scatter [tilespmem:s21], [sflag:$0x1], $0x80, v4, vm0, $0xb8;
	[tilespmem:$0x8D00] =	vst v63  }
0x25c: {  	v3 =	vadd.s32 v1, v3  }
0x25d: {  	[hbm4b:s6+s3] =	stream.indirect_vreg.scatter [tilespmem:s22], [sflag:$0x1], $0x80, v4, vm0, $0xb8;
	[tilespmem:$0x8D00] =	vst v63  }
0x25e: {  	_ = 	snop  }
0x25f: {  	[hbm4b:s7+s3] =	stream.indirect_vreg.scatter [tilespmem:s23], [sflag:$0x1], $0x80, v4, vm0, $0xb8;
	[tilespmem:$0x8D00] =	vst v63  }
0x260: {  	_ = 	snop  }
0x261: {  	[hbm4b:s4+s3] =	stream.indirect_vreg.scatter [tilespmem:s24], [sflag:$0x1], $0x80, v3, vm0, $0xb8;
	[tilespmem:$0x8D00] =	vst v63  }
0x262: {  	_ = 	snop  }
0x263: {  	[hbm4b:s5+s3] =	stream.indirect_vreg.scatter [tilespmem:s25], [sflag:$0x1], $0x80, v3, vm0, $0xb8;
	[tilespmem:$0x8D00] =	vst v63  }
0x264: {  	_ = 	snop  }
0x265: {  	[hbm4b:s6+s3] =	stream.indirect_vreg.scatter [tilespmem:s26], [sflag:$0x1], $0x80, v3, vm0, $0xb8;
	[tilespmem:$0x8D00] =	vst v63  }
0x266: {  	_ = 	snop  }
0x267: {  	[hbm4b:s7+s3] =	stream.indirect_vreg.scatter [tilespmem:s28], [sflag:$0x1], $0x80, v3, vm0, $0xb8;
	[tilespmem:$0x8D00] =	vst v63  }
0x268: {  	_ =	swait.ge [sflag:s29], $0x8000  }
0x269: {  	s2 =	sld [smem:$0x7F8]  }
0x26a: {  	p0 =	sne.s32 s8, $0x1;
	[sflag:s29] =	ssyncset.done $0x0  }
.Ltmp0:
0x26b: {  	[sflag:s29] =	ssyncadd.s32 $0xFFFF8000;
	(pc) =	sbr.rel @p0 .LBB2_1-.Ltmp0, $4  }
0x26c: {  	[hbm4b:s2+s3] =	stream.linear.scatter [tilespmem:s0], [sflag:$0x2], $0x20, $0x38;
	[tilespmem:$0x8D00] =	vst v63  }
0x26d: {  	_ =	swait.ge [sflag:s9], $0x20  }
0x26e: {  	[sflag:s9] =	ssyncset.done $0x0  }
0x26f: {  	s8 =	sadd.s32 $0xFFFFFFFF, s8;
	[sflag:s9] =	ssyncadd.s32 $0xFFFFFFE0  }
0x270: {  	_ =	sfence.sel $0x180000  }
0x271: {  	[bflag:$0x0] =	sbarrier.arrive $0xFFFF  }
0x272: {  	_ =	strace $0x90000047  }
0x273: {  	s0 =	stileid.u32;
	[bflag:$0x2] =	sbarrier.arrive $0xFFFF  }
0x274: {  	p0 =	sne.s32 s0, $0x0;
	s0 =	rddreg [dreg:$0x3]  }
0x275: {  	s0 =	sadd.s32 @!p0 $0x100000, s0  }
0x276: {  	[sflag:s0] =	ssyncadd.tile.s32 @!p0 $0x1;
	_ =	shalt  }
.Lfunc_end2:
_tile_overlayer_lowered:
.L_overlay_start_2:
0x277: {  	(tag) =	ssettag $0x2  }
0x278: {  	s0 =	rddreg [dreg:$0x0];
	s2 =	stileid.u32  }
0x279: {  	s1 =	rddreg [dreg:$0x1];
	p0 =	sne.s32 s2, $0x0  }
0x27a: {  	s3 =	rddreg [dreg:$0x2];
	[bflag:$0x3] =	sbarrier.arrive $0xFFFF;
	s2 =	simm.s32 @!p0 $0x1C02  }
0x27b: {  	[timem:s3], [sflag:s2] =	dma.local @!p0 [hbm:s0], s1  }
0x27c: {  	s0 =	simm.s32 @!p0 $0x2  }
0x27d: {  	_ =	swait.ge @!p0 [sflag:s0], s1  }
0x27e: {  	s1 =	ssub.s32 @!p0 $0x0, s1;
	[sflag:s0] =	ssyncset.done @!p0 $0x0  }
0x27f: {  	[sflag:s0] =	ssyncadd.s32 @!p0 s1  }
0x280: {  	[bflag:$0x3] =	sbarrier.arrive $0xFFFF  }
0x281: {  	_ =	shalt  }

// kernel: kernel.9.cloned.1.call-start
scs
__scs_entry_jumppad:
0x0: {  	(pc) =	sbr.rel $0x88, $3  }
0x1: {  	(tag) =	ssettag $0x0;
	lr =	simm.s32 $0x1  }
0x2: {  	[smem:$0x3F9B] =	sst lr;
	_ =	strace $0xD0000000  }
0x3: {  	_ = 	snop  }
0x4: {  	_ = 	snop  }
0x5: {  	_ = 	snop  }
0x6: {  	_ = 	snop  }
0x7: {  	_ = 	snop  }
__scs_overlays_trampoline_lowered:
0x8: {  	[smem:$0x3FAA] =	sst s0  }
0x9: {  	[smem:$0x3FAB] =	sst s1  }
0xa: {  	[smem:$0x3FAC] =	sst s2  }
0xb: {  	[smem:$0x3FAD] =	sst s3  }
0xc: {  	[smem:$0x3FAE] =	sst s4  }
0xd: {  	[smem:$0x3FAF] =	sst s5  }
0xe: {  	[smem:$0x3FB0] =	sst s6  }
0xf: {  	[smem:$0x3FB1] =	sst s7  }
0x10: {  	[smem:$0x3FB2] =	sst s8  }
0x11: {  	[smem:$0x3FB3] =	sst s9;
	s0 =	simm.s32 @!p0 $0x0  }
0x12: {  	s1 =	sld [smem:$0x3F99];
	s0 =	simm.s32 @p0 $0x1  }
0x13: {  	[smem:$0x3FB4] =	sst s0;
	s0 =	simm.s32 @!p1 $0x0  }
0x14: {  	s2 =	sld [smem:$0x3F98];
	s0 =	simm.s32 @p1 $0x1  }
0x15: {  	[smem:$0x3FB5] =	sst s0;
	s0 =	simm.s32 @!p2 $0x0  }
0x16: {  	s3 =	sld [smem:$0x3FDB];
	s0 =	simm.s32 @p2 $0x1  }
0x17: {  	s4 =	simm.s32 $0x1BF5;
	[smem:$0x3FB7] =	sst s0  }
0x18: {  	s0 =	sld [smem:$0x3F9A];
	_ =	swait.ge [sflag:s4], $0x0  }
0x19: {  	s7 =	sld [smem:$0x3F9B]  }
0x1a: {  	s8 =	sadd.s32 $0xFFFFE003, lr  }
0x1b: {  	s9 =	sadd.s32 $0xFFFFFEF7, lr;
	s5 =	simm.s32 $0xFFFFFFFF;
	p2 =	slt.u32 s8, $0xFFFFF086  }
0x1c: {  	p1 =	slt.u32 s9, $0xF7A;
	s5 =	simm.s32 @!p2 $0x0  }
0x1d: {  	s5 =	simm.s32 @p1 $0x1;
	p0 =	seq.s32 s7, s2  }
0x1e: {  	s7 =	smul.u32 @!p0 $0xF7A, s2;
	p2 =	seq.s32 @!p0 s5, $0x0  }
0x1f: {  	s9 =	smul.u32 $0xF7A, s1;
	s8 =	simm.s32 @!p0 $0x1BF5;
	p2 =	por !p2, p0  }
0x20: {  	[sflag:s8] =	ssyncset.s32 @!p0 $0xFFFFF086;
	s6 =	sadd.s32 @!p0 s3, s7;
	s7 =	simm.s32 @!p0 $0x108  }
0x21: {  	s3 =	sadd.s32 s3, s9;
	s6 =	sadd.s32 @!p0 $0x88, s6;
	s7 =	simm.s32 @p2 $0x1082  }
0x22: {  	[simem:s7], [sflag:s8] =	dma.local @!p0 [hbm:s6], $0xF7A  }
0x23: {  	s9 =	sor.u32 $0xD0000000, s2;
	s6 =	simm.s32 $0x108;
	_ =	swait.ge @!p0 [sflag:s8], $0x0  }
0x24: {  	s3 =	sadd.s32 $0x88, s3;
	s6 =	simm.s32 @!p1 $0x1082;
	[sflag:s4] =	ssyncset.s32 $0xFFFFF086  }
0x25: {  	[simem:s6], [sflag:s4] =	dma.local [hbm:s3], $0xF7A  }
0x26: {  	[smem:$0x3F9B] =	sst s1;
	(tag) =	ssettag s2;
	_ =	strace s9  }
0x27: {  	s1 =	sld [smem:$0x3FAB]  }
0x28: {  	s2 =	sld [smem:$0x3FAC]  }
0x29: {  	s4 =	sld [smem:$0x3FAE]  }
0x2a: {  	p0 =	seq.s32 s5, $0x0;
	s5 =	sld [smem:$0x3FAF]  }
0x2b: {  	s6 =	sld [smem:$0x3FB0]  }
0x2c: {  	s7 =	sld [smem:$0x3FB1]  }
0x2d: {  	s3 =	simm.s32 $0x108;
	s8 =	sld [smem:$0x3FB2]  }
0x2e: {  	s3 =	simm.s32 @!p0 $0x1082;
	s9 =	sld [smem:$0x3FB3]  }
0x2f: {  	lr =	sadd.s32 s0, s3;
	s0 =	sld [smem:$0x3FAA]  }
0x30: {  	s3 =	sld [smem:$0x3FAD]  }
0x31: {  	[smem:$0x3FB6] =	sst s10  }
0x32: {  	s10 =	sld [smem:$0x3FB4];
	_ =	sdelay $0x3  }
0x33: {  	p0 =	seq.s32 s10, $0x1;
	s10 =	sld [smem:$0x3FB6];
	_ =	sdelay $0x3  }
0x34: {  	[smem:$0x3FB6] =	sst s10  }
0x35: {  	s10 =	sld [smem:$0x3FB5];
	_ =	sdelay $0x3  }
0x36: {  	p1 =	seq.s32 s10, $0x1;
	s10 =	sld [smem:$0x3FB6];
	_ =	sdelay $0x3  }
0x37: {  	[smem:$0x3FB6] =	sst s10  }
0x38: {  	s10 =	sld [smem:$0x3FB7]  }
0x39: {  	_ = 	snop;
	(pc) =	sbr.ind lr, $3  }
0x3a: {  	_ = 	snop  }
0x3b: {  	_ = 	snop  }
0x3c: {  	p2 =	seq.s32 s10, $0x1;
	s10 =	sld [smem:$0x3FB6]  }
0x3d: {  	_ =	shalt  }
0x3e: {  	_ =	shalt  }
0x3f: {  	_ =	shalt  }
0x40: {  	_ =	shalt  }
0x41: {  	_ =	shalt  }
0x42: {  	_ =	shalt  }
0x43: {  	_ =	shalt  }
0x44: {  	_ =	shalt  }
0x45: {  	_ =	shalt  }
0x46: {  	_ =	shalt  }
0x47: {  	_ =	shalt  }
0x48: {  	_ =	shalt  }
0x49: {  	_ =	shalt  }
0x4a: {  	_ =	shalt  }
0x4b: {  	_ =	shalt  }
0x4c: {  	_ =	shalt  }
0x4d: {  	_ =	shalt  }
0x4e: {  	_ =	shalt  }
0x4f: {  	_ =	shalt  }
0x50: {  	_ =	shalt  }
0x51: {  	_ =	shalt  }
0x52: {  	_ =	shalt  }
0x53: {  	_ =	shalt  }
0x54: {  	_ =	shalt  }
0x55: {  	_ =	shalt  }
0x56: {  	_ =	shalt  }
0x57: {  	_ =	shalt  }
0x58: {  	_ =	shalt  }
0x59: {  	_ =	shalt  }
0x5a: {  	_ =	shalt  }
0x5b: {  	_ =	shalt  }
0x5c: {  	_ =	shalt  }
0x5d: {  	_ =	shalt  }
0x5e: {  	_ =	shalt  }
0x5f: {  	_ =	shalt  }
0x60: {  	_ =	shalt  }
0x61: {  	_ =	shalt  }
0x62: {  	_ =	shalt  }
0x63: {  	_ =	shalt  }
0x64: {  	_ =	shalt  }
0x65: {  	_ =	shalt  }
0x66: {  	_ =	shalt  }
0x67: {  	_ =	shalt  }
0x68: {  	_ =	shalt  }
0x69: {  	_ =	shalt  }
0x6a: {  	_ =	shalt  }
0x6b: {  	_ =	shalt  }
0x6c: {  	_ =	shalt  }
0x6d: {  	_ =	shalt  }
0x6e: {  	_ =	shalt  }
0x6f: {  	_ =	shalt  }
0x70: {  	_ =	shalt  }
0x71: {  	_ =	shalt  }
0x72: {  	_ =	shalt  }
0x73: {  	_ =	shalt  }
0x74: {  	_ =	shalt  }
0x75: {  	_ =	shalt  }
0x76: {  	_ =	shalt  }
0x77: {  	_ =	shalt  }
0x78: {  	_ =	shalt  }
0x79: {  	_ =	shalt  }
0x7a: {  	_ =	shalt  }
0x7b: {  	_ =	shalt  }
0x7c: {  	_ =	shalt  }
0x7d: {  	_ =	shalt  }
0x7e: {  	_ =	shalt  }
0x7f: {  	_ =	shalt  }
0x80: {  	_ =	shalt  }
0x81: {  	_ =	shalt  }
0x82: {  	_ =	shalt  }
0x83: {  	_ =	shalt  }
0x84: {  	_ =	shalt  }
0x85: {  	_ =	shalt  }
0x86: {  	_ =	shalt  }
0x87: {  	_ =	shalt  }
.Lfunc_end0:
.L_simem_size_0:
called_computation.1_lowered:
.L_overlay_start_0:
0x88: {  	s2 =	sld [smem:$0x3FD9]  }
0x89: {  	s3 =	sld [smem:$0x3FFE];
	_ =	sdelay $0x1  }
0x8a: {  	s1 =	srdreg.scid  }
0x8b: {  	s0 =	sand.u32 $0x1, s1  }
0x8c: {  	s17 =	sshll.u32 s0, $0xA;
	s2 =	sadd.s32 s3, s2  }
0x8d: {  	s2 =	sadd.s32 s2, s17  }
0x8e: {  	[smem:$0x3FC2] =	sst s2  }
0x8f: {  	_ = 	snop  }
0x90: {  	s2 =	sld [smem:$0x3FD0];
	(tm) =	ssettm $0x1  }
0x91: {  	s18 =	sld [smem:$0x3FFB];
	_ =	sdelay $0x3  }
0x92: {  	_ =	strace s18  }
0x93: {  	s3 =	sld [smem:$0x3FFC];
	_ =	sdelay $0x3  }
0x94: {  	_ =	strace s3  }
0x95: {  	s3 =	sld [smem:$0x3FFD];
	_ =	sdelay $0x3  }
0x96: {  	_ =	strace s3  }
0x97: {  	_ =	strace $0x8FFFFFFF  }
0x98: {  	s19 =	sld [smem:$0x3FDB];
	_ =	sdelay $0x1  }
0x99: {  	s4 =	simm.s32 $_scs_section_size  }
0x9a: {  	s5 =	simm.s32 $_size__tile_overlayer_lowered;
	s6 =	simm.s32 $_tile_overlayer_lowered  }
0x9b: {  	s22 =	simm.s32 $0x1BFF;
	s21 =	sshll.u32 s6, $0x1;
	s3 =	sadd.s32 s4, s19  }
0x9c: {  	s7 =	simm.s32 $0x0;
	s20 =	sshll.u32 s5, $0x1;
	s5 =	sadd.s32 s21, s3  }
0x9d: {  	[timem:s7], [sflag:s22] =	dma.local [hbm:s5], s20  }
0x9e: {  	_ =	swait.ge [sflag:s22], s20  }
0x9f: {  	s4 =	ssub.s32 $0x0, s20;
	[sflag:s22] =	ssyncset.done $0x0  }
0xa0: {  	[sflag:s22] =	ssyncadd.s32 s4;
	_ =	sdelay $0x1  }
0xa1: {  	s23 =	simm.s32 $0x1B8B  }
0xa2: {  	_ =	swait.ge [sflag:s23], $0x1  }
0xa3: {  	[sflag:s23] =	ssyncset.done $0x0  }
0xa4: {  	s25 =	simm.s32 $0x1B8E;
	s24 =	sld [smem:$0x3FFE];
	[sflag:s23] =	ssyncadd.s32 $0xFFFFFFFF  }
0xa5: {  	s26 =	simm.s32 $execute0_lowered;
	[smem:$0x3FD2] =	sst s25  }
0xa6: {  	s5 =	sshll.u32 s26, $0x1;
	_ =	strace $0x80000049;
	[dreg:$0x1] =	wrdreg $0xFFFFFFFF  }
0xa7: {  	s28 =	simm.s32 $_size_execute0_lowered;
	s3 =	sadd.s32 s3, s5;
	[dreg:$0x0] =	wrdreg $0x0  }
0xa8: {  	s5 =	sshll.u32 s28, $0x1;
	[dreg:$0x2] =	wrdreg s3  }
0xa9: {  	[dreg:$0x3] =	wrdreg s5  }
0xaa: {  	[dreg:$0x4] =	wrdreg $0xC0  }
0xab: {  	_ =	task [dreg:s7], $0x5FFFF  }
0xac: {  	[dreg:$0x1] =	wrdreg $0xFFFFFFFF  }
0xad: {  	[dreg:$0x0] =	wrdreg $0x60  }
0xae: {  	[dreg:$0x2] =	wrdreg s24  }
0xaf: {  	[dreg:$0x3] =	wrdreg s2  }
0xb0: {  	[dreg:$0x4] =	wrdreg $0x9  }
0xb1: {  	_ =	task.clear_ibuf [dreg:s7], $0x5FFFF;
	_ =	strace $0x90000049  }
0xb2: {  	s29 =	simm.s32 $0x9;
	_ =	strace $0x8000004B  }
0xb3: {  	_ =	swait.ge [sflag:s29], $0x1  }
0xb4: {  	[sflag:s29] =	ssyncadd.s32 $0xFFFFFFFF  }
0xb5: {  	_ =	strace $0x9000004B  }
0xb6: {  	_ =	sfence  }
0xb7: {  	s30 =	sld [smem:$0x0];
	_ =	sdelay $0x2  }
0xb8: {  	s31 =	sshll.u32 s1, $0xD;
	s1 =	sshrl.u32 s1, $0x2  }
0xb9: {  	s3 =	sand.u32 $0x4000, s31;
	s1 =	sadd.s32 s1, s30  }
0xba: {  	s0 =	sor.u32 s3, s0;
	s1 =	sshll.u32 s1, $0x11  }
0xbb: {  	s0 =	sor.u32 s1, s0  }
0xbc: {  	s0 =	sadd.s32 $0x8F2B, s0  }
0xbd: {  	[sflag:s0] =	ssyncadd.remote.s32 $0x1  }
0xbe: {  	_ =	sfence.sel $0xFFFF  }
0xbf: {  	[dreg:$0x0] =	wrdreg $0xFFFFFFFF;
	(pc) =	sbr.abs _section_cstart, $3  }
0xc0: {  	[dreg:$0x1] =	wrdreg $0xFFFFFFFF  }
0xc1: {  	_ =	task.clear_ibuf [dreg:s7], $0x2FFFF;
	_ =	strace $0x9FFFFFFF  }
0xc2: {  	(tm) =	ssettm $0x7FFFFFFF  }
0xc3: {  	_ =	shalt  }
tec
execute0_lowered:
.L_overlay_start_1:
0x0: {  	(tag) =	ssettag $0x1  }
0x1: {  	s6 =	rddreg [dreg:$0x0]  }
0x2: {  	s0 =	rddreg [dreg:$0x1];
	s3 =	srdreg.scid  }
0x3: {  	s2 =	simm.s32 $0x0;
	s1 =	stileid.u32;
	s28 =	simm.s32 $0x6000  }
0x4: {  	s29 =	simm.s32 $0x6800;
	s30 =	simm.s32 $0x7000;
	s31 =	simm.s32 $0x7800  }
0x5: {  	s4 =	sand.u32 $0x1, s3;
	[smem:$0x7FF] =	sst s2;
	s5 =	sshll.u32 s1, $0x9  }
0x6: {  	s3 =	sadd.s32 $0x602A00, s6;
	s11 =	sadd.s32 $0x202600, s6;
	s7 =	sshll.u32 s4, $0x8  }
0x7: {  	_ =	strace $0x8000004A;
	s4 =	ssub.s32 $0x2, s4;
	s10 =	sor.u32 s7, s5  }
0x8: {  	s25 =	sshrl.u32 s4, $0x1;
	s5 =	sshrl.u32 s10, $0x3;
	s8 =	sshll.u32 s10, $0x7  }
0x9: {  	s1 =	sor.u32 $0x20, s10;
	s13 =	ssub.s32 s4, s25;
	s9 =	sor.u32 $0x40, s10  }
0xa: {  	s17 =	sor.u32 $0x60, s10;
	s19 =	sor.u32 $0x80, s10;
	s23 =	sor.u32 $0xA0, s10  }
0xb: {  	s5 =	sadd.s32 s11, s5;
	s26 =	sadd.s32 s0, s8;
	s7 =	sshrl.u32 s1, $0x3  }
0xc: {  	s8 =	sshll.u32 s1, $0x7;
	s14 =	sshrl.u32 s9, $0x3;
	s16 =	sshll.u32 s9, $0x7  }
0xd: {  	s18 =	sshrl.u32 s17, $0x3;
	s21 =	sshrl.u32 s19, $0x3;
	s24 =	sshrl.u32 s23, $0x3  }
0xe: {  	s9 =	sshll.u32 s23, $0x7;
	s13 =	smax.u32 s13, $0x1;
	[dreg:$0x3] =	wrdreg s5  }
0xf: {  	s23 =	simm.s32 $0x4000;
	[dreg:$0x4] =	wrdreg s26;
	s4 =	sadd.s32 s11, s7  }
0x10: {  	s12 =	sadd.s32 s0, s8;
	s15 =	sadd.s32 s11, s14;
	s5 =	sadd.s32 s0, s16  }
0x11: {  	s7 =	sshll.u32 s17, $0x7;
	s8 =	sshll.u32 s19, $0x7;
	[dreg:$0x5] =	wrdreg s4  }
0x12: {  	s14 =	sor.u32 $0xE0, s10;
	s16 =	simm.s32 $0x800;
	[dreg:$0x6] =	wrdreg s12  }
0x13: {  	s17 =	simm.s32 $0x1000;
	s19 =	simm.s32 $0x2000;
	[dreg:$0x7] =	wrdreg s15  }
0x14: {  	s4 =	sadd.s32 $0x602B00, s6;
	[dreg:$0x8] =	wrdreg s5;
	s5 =	sadd.s32 s11, s18  }
0x15: {  	s20 =	sadd.s32 s0, s7;
	s7 =	sadd.s32 s11, s21;
	s22 =	sadd.s32 s0, s8  }
0x16: {  	s12 =	sor.u32 $0xC0, s10;
	s8 =	sadd.s32 s0, s9;
	s26 =	sshrl.u32 s14, $0x3  }
0x17: {  	s14 =	sshll.u32 s14, $0x7;
	s15 =	simm.s32 $0x2;
	[dreg:$0x9] =	wrdreg s5  }
0x18: {  	s18 =	simm.s32 $0x1800;
	s21 =	simm.s32 $0x3000;
	[dreg:$0xa] =	wrdreg s20  }
0x19: {  	s5 =	sadd.s32 $0x602C00, s6;
	[dreg:$0xb] =	wrdreg s7;
	s6 =	sadd.s32 $0x602D00, s6  }
0x1a: {  	[dreg:$0xc] =	wrdreg s22;
	s7 =	sadd.s32 s11, s24;
	s25 =	sshrl.u32 s12, $0x3  }
0x1b: {  	s12 =	sshll.u32 s12, $0x7;
	s20 =	simm.s32 $0x2800;
	s22 =	simm.s32 $0x3800  }
0x1c: {  	v2 =	vlaneseq.u32;
	s24 =	simm.s32 $0x4800;
	s9 =	sadd.s32 s11, s25;
	s10 =	sadd.s32 s0, s12  }
0x1d: {  	vm0 =	vmmov $0xffff;
	v1 =	vshrl.u32 v2, $0x3;
	s11 =	sadd.s32 s11, s26;
	s12 =	sadd.s32 s0, s14;
	s14 =	simm.s32 $0x8000  }
0x1e: {  	v0 =	vand.u32 $0x7, v2;
	v2 =	vor.u32 $0x8, v2;
	v1 =	vmul.u32 $0x8, v1;
	s25 =	simm.s32 $0x5000;
	s26 =	simm.s32 $0x5800;
	s0 =	simm.s32 $0x1  }
.LBB2_1:
0x1f: {  	s1 =	rddreg [dreg:$0x3]  }
0x20: {  	[tilespmem:s14], [sflag:$0x2] =	stream.linear.gather [hbm4b:s1+s2], $0x20, $0x38;
	[tilespmem:$0x8080] =	vst v63  }
0x21: {  	_ =	swait.ge [sflag:s15], $0x20  }
0x22: {  	[sflag:s15] =	ssyncset.done $0x0  }
0x23: {  	[sflag:s15] =	ssyncadd.s32 $0xFFFFFFE0  }
0x24: {  	v3 =	vld [tilespmem:$0x8000];
	_ =	sdelay $0x4  }
0x25: {  	v4 =	vshll.u32 v3, $0x3  }
0x26: {  	v3 =	vand.u32 $0x7, v3;
	v4 =	vand.u32 $0xFFFFFFC0, v4  }
0x27: {  	v3 =	vor.u32 v3, v4  }
0x28: {  	v4 =	vperm.xlane v3, v0;
	_ =	sdelay $0x1  }
0x29: {  	v4 =	vadd.s32 v1, v4;
	_ =	sdelay $0x4  }
0x2a: {  	[tilespmem:s2], [sflag:$0x1] =	stream.indirect_vreg.gather [hbm4b:s3+s2], $0x80, v4, vm0, $0xb8;
	[tilespmem:$0x8080] =	vst v63  }
0x2b: {  	v3 =	vperm.xlane v3, v2  }
0x2c: {  	[tilespmem:s16], [sflag:$0x1] =	stream.indirect_vreg.gather [hbm4b:s4+s2], $0x80, v4, vm0, $0xb8;
	[tilespmem:$0x8080] =	vst v63  }
0x2d: {  	v3 =	vadd.s32 v1, v3  }
0x2e: {  	[tilespmem:s17], [sflag:$0x1] =	stream.indirect_vreg.gather [hbm4b:s5+s2], $0x80, v4, vm0, $0xb8;
	[tilespmem:$0x8080] =	vst v63  }
0x2f: {  	_ = 	snop  }
0x30: {  	[tilespmem:s18], [sflag:$0x1] =	stream.indirect_vreg.gather [hbm4b:s6+s2], $0x80, v4, vm0, $0xb8;
	[tilespmem:$0x8080] =	vst v63  }
0x31: {  	_ = 	snop  }
0x32: {  	[tilespmem:s19], [sflag:$0x1] =	stream.indirect_vreg.gather [hbm4b:s3+s2], $0x80, v3, vm0, $0xb8;
	[tilespmem:$0x8080] =	vst v63  }
0x33: {  	_ = 	snop  }
0x34: {  	[tilespmem:s20], [sflag:$0x1] =	stream.indirect_vreg.gather [hbm4b:s4+s2], $0x80, v3, vm0, $0xb8;
	[tilespmem:$0x8080] =	vst v63  }
0x35: {  	_ = 	snop  }
0x36: {  	[tilespmem:s21], [sflag:$0x1] =	stream.indirect_vreg.gather [hbm4b:s5+s2], $0x80, v3, vm0, $0xb8;
	[tilespmem:$0x8080] =	vst v63  }
0x37: {  	_ = 	snop  }
0x38: {  	[tilespmem:s22], [sflag:$0x1] =	stream.indirect_vreg.gather [hbm4b:s6+s2], $0x80, v3, vm0, $0xb8;
	[tilespmem:$0x8080] =	vst v63  }
0x39: {  	v3 =	vld [tilespmem:$0x8010];
	_ =	sdelay $0x4  }
0x3a: {  	v49 =	vshll.u32 v3, $0x3  }
0x3b: {  	v3 =	vand.u32 $0x7, v3;
	v4 =	vand.u32 $0xFFFFFFC0, v49  }
0x3c: {  	v3 =	vor.u32 v3, v4  }
0x3d: {  	v4 =	vperm.xlane v3, v0;
	_ =	sdelay $0x1  }
0x3e: {  	v4 =	vadd.s32 v1, v4;
	_ =	sdelay $0x4  }
0x3f: {  	[tilespmem:s23], [sflag:$0x1] =	stream.indirect_vreg.gather [hbm4b:s3+s2], $0x80, v4, vm0, $0xb8;
	[tilespmem:$0x8080] =	vst v63  }
0x40: {  	v3 =	vperm.xlane v3, v2  }
0x41: {  	[tilespmem:s24], [sflag:$0x1] =	stream.indirect_vreg.gather [hbm4b:s4+s2], $0x80, v4, vm0, $0xb8;
	[tilespmem:$0x8080] =	vst v63  }
0x42: {  	v3 =	vadd.s32 v1, v3  }
0x43: {  	[tilespmem:s25], [sflag:$0x1] =	stream.indirect_vreg.gather [hbm4b:s5+s2], $0x80, v4, vm0, $0xb8;
	[tilespmem:$0x8080] =	vst v63  }
0x44: {  	_ = 	snop  }
0x45: {  	[tilespmem:s26], [sflag:$0x1] =	stream.indirect_vreg.gather [hbm4b:s6+s2], $0x80, v4, vm0, $0xb8;
	[tilespmem:$0x8080] =	vst v63  }
0x46: {  	_ = 	snop  }
0x47: {  	[tilespmem:s28], [sflag:$0x1] =	stream.indirect_vreg.gather [hbm4b:s3+s2], $0x80, v3, vm0, $0xb8;
	[tilespmem:$0x8080] =	vst v63  }
0x48: {  	_ = 	snop  }
0x49: {  	[tilespmem:s29], [sflag:$0x1] =	stream.indirect_vreg.gather [hbm4b:s4+s2], $0x80, v3, vm0, $0xb8;
	[tilespmem:$0x8080] =	vst v63  }
0x4a: {  	_ = 	snop  }
0x4b: {  	[tilespmem:s30], [sflag:$0x1] =	stream.indirect_vreg.gather [hbm4b:s5+s2], $0x80, v3, vm0, $0xb8;
	[tilespmem:$0x8080] =	vst v63  }
0x4c: {  	_ = 	snop  }
0x4d: {  	[tilespmem:s31], [sflag:$0x1] =	stream.indirect_vreg.gather [hbm4b:s6+s2], $0x80, v3, vm0, $0xb8;
	[tilespmem:$0x8080] =	vst v63  }
0x4e: {  	_ =	swait.ge [sflag:s0], $0x8000  }
0x4f: {  	[sflag:s0] =	ssyncset.done $0x0  }
0x50: {  	s1 =	rddreg [dreg:$0x4];
	[sflag:s0] =	ssyncadd.s32 $0xFFFF8000  }
0x51: {  	[hbm4b:s1+s2] =	stream.linear.scatter [tilespmem:s2], [sflag:$0x2], $0x8000, $0x38;
	[tilespmem:$0x8080] =	vst v63  }
0x52: {  	_ =	swait.ge [sflag:s15], $0x8000  }
0x53: {  	[sflag:s15] =	ssyncset.done $0x0  }
0x54: {  	s1 =	rddreg [dreg:$0x5];
	[sflag:s15] =	ssyncadd.s32 $0xFFFF8000  }
0x55: {  	[tilespmem:s14], [sflag:$0x2] =	stream.linear.gather [hbm4b:s1+s2], $0x20, $0x38;
	[tilespmem:$0x8080] =	vst v63  }
0x56: {  	_ =	swait.ge [sflag:s15], $0x20  }
0x57: {  	[sflag:s15] =	ssyncset.done $0x0  }
0x58: {  	[sflag:s15] =	ssyncadd.s32 $0xFFFFFFE0  }
0x59: {  	v3 =	vld [tilespmem:$0x8000];
	_ =	sdelay $0x4  }
0x5a: {  	v50 =	vshll.u32 v3, $0x3  }
0x5b: {  	v3 =	vand.u32 $0x7, v3;
	v4 =	vand.u32 $0xFFFFFFC0, v50  }
0x5c: {  	v3 =	vor.u32 v3, v4  }
0x5d: {  	v4 =	vperm.xlane v3, v0;
	_ =	sdelay $0x1  }
0x5e: {  	v4 =	vadd.s32 v1, v4;
	_ =	sdelay $0x4  }
0x5f: {  	[tilespmem:s2], [sflag:$0x1] =	stream.indirect_vreg.gather [hbm4b:s3+s2], $0x80, v4, vm0, $0xb8;
	[tilespmem:$0x8080] =	vst v63  }
0x60: {  	v3 =	vperm.xlane v3, v2  }
0x61: {  	[tilespmem:s16], [sflag:$0x1] =	stream.indirect_vreg.gather [hbm4b:s4+s2], $0x80, v4, vm0, $0xb8;
	[tilespmem:$0x8080] =	vst v63  }
0x62: {  	v3 =	vadd.s32 v1, v3  }
0x63: {  	[tilespmem:s17], [sflag:$0x1] =	stream.indirect_vreg.gather [hbm4b:s5+s2], $0x80, v4, vm0, $0xb8;
	[tilespmem:$0x8080] =	vst v63  }
0x64: {  	_ = 	snop  }
0x65: {  	[tilespmem:s18], [sflag:$0x1] =	stream.indirect_vreg.gather [hbm4b:s6+s2], $0x80, v4, vm0, $0xb8;
	[tilespmem:$0x8080] =	vst v63  }
0x66: {  	_ = 	snop  }
0x67: {  	[tilespmem:s19], [sflag:$0x1] =	stream.indirect_vreg.gather [hbm4b:s3+s2], $0x80, v3, vm0, $0xb8;
	[tilespmem:$0x8080] =	vst v63  }
0x68: {  	_ = 	snop  }
0x69: {  	[tilespmem:s20], [sflag:$0x1] =	stream.indirect_vreg.gather [hbm4b:s4+s2], $0x80, v3, vm0, $0xb8;
	[tilespmem:$0x8080] =	vst v63  }
0x6a: {  	_ = 	snop  }
0x6b: {  	[tilespmem:s21], [sflag:$0x1] =	stream.indirect_vreg.gather [hbm4b:s5+s2], $0x80, v3, vm0, $0xb8;
	[tilespmem:$0x8080] =	vst v63  }
0x6c: {  	_ = 	snop  }
0x6d: {  	[tilespmem:s22], [sflag:$0x1] =	stream.indirect_vreg.gather [hbm4b:s6+s2], $0x80, v3, vm0, $0xb8;
	[tilespmem:$0x8080] =	vst v63  }
0x6e: {  	v3 =	vld [tilespmem:$0x8010];
	_ =	sdelay $0x4  }
0x6f: {  	v51 =	vshll.u32 v3, $0x3  }
0x70: {  	v3 =	vand.u32 $0x7, v3;
	v4 =	vand.u32 $0xFFFFFFC0, v51  }
0x71: {  	v3 =	vor.u32 v3, v4  }
0x72: {  	v4 =	vperm.xlane v3, v0;
	_ =	sdelay $0x1  }
0x73: {  	v4 =	vadd.s32 v1, v4;
	_ =	sdelay $0x4  }
0x74: {  	[tilespmem:s23], [sflag:$0x1] =	stream.indirect_vreg.gather [hbm4b:s3+s2], $0x80, v4, vm0, $0xb8;
	[tilespmem:$0x8080] =	vst v63  }
0x75: {  	v3 =	vperm.xlane v3, v2  }
0x76: {  	[tilespmem:s24], [sflag:$0x1] =	stream.indirect_vreg.gather [hbm4b:s4+s2], $0x80, v4, vm0, $0xb8;
	[tilespmem:$0x8080] =	vst v63  }
0x77: {  	v3 =	vadd.s32 v1, v3  }
0x78: {  	[tilespmem:s25], [sflag:$0x1] =	stream.indirect_vreg.gather [hbm4b:s5+s2], $0x80, v4, vm0, $0xb8;
	[tilespmem:$0x8080] =	vst v63  }
0x79: {  	_ = 	snop  }
0x7a: {  	[tilespmem:s26], [sflag:$0x1] =	stream.indirect_vreg.gather [hbm4b:s6+s2], $0x80, v4, vm0, $0xb8;
	[tilespmem:$0x8080] =	vst v63  }
0x7b: {  	_ = 	snop  }
0x7c: {  	[tilespmem:s28], [sflag:$0x1] =	stream.indirect_vreg.gather [hbm4b:s3+s2], $0x80, v3, vm0, $0xb8;
	[tilespmem:$0x8080] =	vst v63  }
0x7d: {  	_ = 	snop  }
0x7e: {  	[tilespmem:s29], [sflag:$0x1] =	stream.indirect_vreg.gather [hbm4b:s4+s2], $0x80, v3, vm0, $0xb8;
	[tilespmem:$0x8080] =	vst v63  }
0x7f: {  	_ = 	snop  }
0x80: {  	[tilespmem:s30], [sflag:$0x1] =	stream.indirect_vreg.gather [hbm4b:s5+s2], $0x80, v3, vm0, $0xb8;
	[tilespmem:$0x8080] =	vst v63  }
0x81: {  	_ = 	snop  }
0x82: {  	[tilespmem:s31], [sflag:$0x1] =	stream.indirect_vreg.gather [hbm4b:s6+s2], $0x80, v3, vm0, $0xb8;
	[tilespmem:$0x8080] =	vst v63  }
0x83: {  	_ =	swait.ge [sflag:s0], $0x8000  }
0x84: {  	[sflag:s0] =	ssyncset.done $0x0  }
0x85: {  	s1 =	rddreg [dreg:$0x6];
	[sflag:s0] =	ssyncadd.s32 $0xFFFF8000  }
0x86: {  	[hbm4b:s1+s2] =	stream.linear.scatter [tilespmem:s2], [sflag:$0x2], $0x8000, $0x38;
	[tilespmem:$0x8080] =	vst v63  }
0x87: {  	_ =	swait.ge [sflag:s15], $0x8000  }
0x88: {  	[sflag:s15] =	ssyncset.done $0x0  }
0x89: {  	s1 =	rddreg [dreg:$0x7];
	[sflag:s15] =	ssyncadd.s32 $0xFFFF8000  }
0x8a: {  	[tilespmem:s14], [sflag:$0x2] =	stream.linear.gather [hbm4b:s1+s2], $0x20, $0x38;
	[tilespmem:$0x8080] =	vst v63  }
0x8b: {  	_ =	swait.ge [sflag:s15], $0x20  }
0x8c: {  	[sflag:s15] =	ssyncset.done $0x0  }
0x8d: {  	[sflag:s15] =	ssyncadd.s32 $0xFFFFFFE0  }
0x8e: {  	v3 =	vld [tilespmem:$0x8000];
	_ =	sdelay $0x4  }
0x8f: {  	v52 =	vshll.u32 v3, $0x3  }
0x90: {  	v3 =	vand.u32 $0x7, v3;
	v4 =	vand.u32 $0xFFFFFFC0, v52  }
0x91: {  	v3 =	vor.u32 v3, v4  }
0x92: {  	v4 =	vperm.xlane v3, v0;
	_ =	sdelay $0x1  }
0x93: {  	v4 =	vadd.s32 v1, v4;
	_ =	sdelay $0x4  }
0x94: {  	[tilespmem:s2], [sflag:$0x1] =	stream.indirect_vreg.gather [hbm4b:s3+s2], $0x80, v4, vm0, $0xb8;
	[tilespmem:$0x8080] =	vst v63  }
0x95: {  	v3 =	vperm.xlane v3, v2  }
0x96: {  	[tilespmem:s16], [sflag:$0x1] =	stream.indirect_vreg.gather [hbm4b:s4+s2], $0x80, v4, vm0, $0xb8;
	[tilespmem:$0x8080] =	vst v63  }
0x97: {  	v3 =	vadd.s32 v1, v3  }
0x98: {  	[tilespmem:s17], [sflag:$0x1] =	stream.indirect_vreg.gather [hbm4b:s5+s2], $0x80, v4, vm0, $0xb8;
	[tilespmem:$0x8080] =	vst v63  }
0x99: {  	_ = 	snop  }
0x9a: {  	[tilespmem:s18], [sflag:$0x1] =	stream.indirect_vreg.gather [hbm4b:s6+s2], $0x80, v4, vm0, $0xb8;
	[tilespmem:$0x8080] =	vst v63  }
0x9b: {  	_ = 	snop  }
0x9c: {  	[tilespmem:s19], [sflag:$0x1] =	stream.indirect_vreg.gather [hbm4b:s3+s2], $0x80, v3, vm0, $0xb8;
	[tilespmem:$0x8080] =	vst v63  }
0x9d: {  	_ = 	snop  }
0x9e: {  	[tilespmem:s20], [sflag:$0x1] =	stream.indirect_vreg.gather [hbm4b:s4+s2], $0x80, v3, vm0, $0xb8;
	[tilespmem:$0x8080] =	vst v63  }
0x9f: {  	_ = 	snop  }
0xa0: {  	[tilespmem:s21], [sflag:$0x1] =	stream.indirect_vreg.gather [hbm4b:s5+s2], $0x80, v3, vm0, $0xb8;
	[tilespmem:$0x8080] =	vst v63  }
0xa1: {  	_ = 	snop  }
0xa2: {  	[tilespmem:s22], [sflag:$0x1] =	stream.indirect_vreg.gather [hbm4b:s6+s2], $0x80, v3, vm0, $0xb8;
	[tilespmem:$0x8080] =	vst v63  }
0xa3: {  	v3 =	vld [tilespmem:$0x8010];
	_ =	sdelay $0x4  }
0xa4: {  	v53 =	vshll.u32 v3, $0x3  }
0xa5: {  	v3 =	vand.u32 $0x7, v3;
	v4 =	vand.u32 $0xFFFFFFC0, v53  }
0xa6: {  	v3 =	vor.u32 v3, v4  }
0xa7: {  	v4 =	vperm.xlane v3, v0;
	_ =	sdelay $0x1  }
0xa8: {  	v4 =	vadd.s32 v1, v4;
	_ =	sdelay $0x4  }
0xa9: {  	[tilespmem:s23], [sflag:$0x1] =	stream.indirect_vreg.gather [hbm4b:s3+s2], $0x80, v4, vm0, $0xb8;
	[tilespmem:$0x8080] =	vst v63  }
0xaa: {  	v3 =	vperm.xlane v3, v2  }
0xab: {  	[tilespmem:s24], [sflag:$0x1] =	stream.indirect_vreg.gather [hbm4b:s4+s2], $0x80, v4, vm0, $0xb8;
	[tilespmem:$0x8080] =	vst v63  }
0xac: {  	v3 =	vadd.s32 v1, v3  }
0xad: {  	[tilespmem:s25], [sflag:$0x1] =	stream.indirect_vreg.gather [hbm4b:s5+s2], $0x80, v4, vm0, $0xb8;
	[tilespmem:$0x8080] =	vst v63  }
0xae: {  	_ = 	snop  }
0xaf: {  	[tilespmem:s26], [sflag:$0x1] =	stream.indirect_vreg.gather [hbm4b:s6+s2], $0x80, v4, vm0, $0xb8;
	[tilespmem:$0x8080] =	vst v63  }
0xb0: {  	_ = 	snop  }
0xb1: {  	[tilespmem:s28], [sflag:$0x1] =	stream.indirect_vreg.gather [hbm4b:s3+s2], $0x80, v3, vm0, $0xb8;
	[tilespmem:$0x8080] =	vst v63  }
0xb2: {  	_ = 	snop  }
0xb3: {  	[tilespmem:s29], [sflag:$0x1] =	stream.indirect_vreg.gather [hbm4b:s4+s2], $0x80, v3, vm0, $0xb8;
	[tilespmem:$0x8080] =	vst v63  }
0xb4: {  	_ = 	snop  }
0xb5: {  	[tilespmem:s30], [sflag:$0x1] =	stream.indirect_vreg.gather [hbm4b:s5+s2], $0x80, v3, vm0, $0xb8;
	[tilespmem:$0x8080] =	vst v63  }
0xb6: {  	_ = 	snop  }
0xb7: {  	[tilespmem:s31], [sflag:$0x1] =	stream.indirect_vreg.gather [hbm4b:s6+s2], $0x80, v3, vm0, $0xb8;
	[tilespmem:$0x8080] =	vst v63  }
0xb8: {  	_ =	swait.ge [sflag:s0], $0x8000  }
0xb9: {  	[sflag:s0] =	ssyncset.done $0x0  }
0xba: {  	s1 =	rddreg [dreg:$0x8];
	[sflag:s0] =	ssyncadd.s32 $0xFFFF8000  }
0xbb: {  	[hbm4b:s1+s2] =	stream.linear.scatter [tilespmem:s2], [sflag:$0x2], $0x8000, $0x38;
	[tilespmem:$0x8080] =	vst v63  }
0xbc: {  	_ =	swait.ge [sflag:s15], $0x8000  }
0xbd: {  	[sflag:s15] =	ssyncset.done $0x0  }
0xbe: {  	s1 =	rddreg [dreg:$0x9];
	[sflag:s15] =	ssyncadd.s32 $0xFFFF8000  }
0xbf: {  	[tilespmem:s14], [sflag:$0x2] =	stream.linear.gather [hbm4b:s1+s2], $0x20, $0x38;
	[tilespmem:$0x8080] =	vst v63  }
0xc0: {  	_ =	swait.ge [sflag:s15], $0x20  }
0xc1: {  	[sflag:s15] =	ssyncset.done $0x0  }
0xc2: {  	[sflag:s15] =	ssyncadd.s32 $0xFFFFFFE0  }
0xc3: {  	v3 =	vld [tilespmem:$0x8000];
	_ =	sdelay $0x4  }
0xc4: {  	v54 =	vshll.u32 v3, $0x3  }
0xc5: {  	v3 =	vand.u32 $0x7, v3;
	v4 =	vand.u32 $0xFFFFFFC0, v54  }
0xc6: {  	v3 =	vor.u32 v3, v4  }
0xc7: {  	v4 =	vperm.xlane v3, v0;
	_ =	sdelay $0x1  }
0xc8: {  	v4 =	vadd.s32 v1, v4;
	_ =	sdelay $0x4  }
0xc9: {  	[tilespmem:s2], [sflag:$0x1] =	stream.indirect_vreg.gather [hbm4b:s3+s2], $0x80, v4, vm0, $0xb8;
	[tilespmem:$0x8080] =	vst v63  }
0xca: {  	v3 =	vperm.xlane v3, v2  }
0xcb: {  	[tilespmem:s16], [sflag:$0x1] =	stream.indirect_vreg.gather [hbm4b:s4+s2], $0x80, v4, vm0, $0xb8;
	[tilespmem:$0x8080] =	vst v63  }
0xcc: {  	v3 =	vadd.s32 v1, v3  }
0xcd: {  	[tilespmem:s17], [sflag:$0x1] =	stream.indirect_vreg.gather [hbm4b:s5+s2], $0x80, v4, vm0, $0xb8;
	[tilespmem:$0x8080] =	vst v63  }
0xce: {  	_ = 	snop  }
0xcf: {  	[tilespmem:s18], [sflag:$0x1] =	stream.indirect_vreg.gather [hbm4b:s6+s2], $0x80, v4, vm0, $0xb8;
	[tilespmem:$0x8080] =	vst v63  }
0xd0: {  	_ = 	snop  }
0xd1: {  	[tilespmem:s19], [sflag:$0x1] =	stream.indirect_vreg.gather [hbm4b:s3+s2], $0x80, v3, vm0, $0xb8;
	[tilespmem:$0x8080] =	vst v63  }
0xd2: {  	_ = 	snop  }
0xd3: {  	[tilespmem:s20], [sflag:$0x1] =	stream.indirect_vreg.gather [hbm4b:s4+s2], $0x80, v3, vm0, $0xb8;
	[tilespmem:$0x8080] =	vst v63  }
0xd4: {  	_ = 	snop  }
0xd5: {  	[tilespmem:s21], [sflag:$0x1] =	stream.indirect_vreg.gather [hbm4b:s5+s2], $0x80, v3, vm0, $0xb8;
	[tilespmem:$0x8080] =	vst v63  }
0xd6: {  	_ = 	snop  }
0xd7: {  	[tilespmem:s22], [sflag:$0x1] =	stream.indirect_vreg.gather [hbm4b:s6+s2], $0x80, v3, vm0, $0xb8;
	[tilespmem:$0x8080] =	vst v63  }
0xd8: {  	v3 =	vld [tilespmem:$0x8010];
	_ =	sdelay $0x4  }
0xd9: {  	v55 =	vshll.u32 v3, $0x3  }
0xda: {  	v3 =	vand.u32 $0x7, v3;
	v4 =	vand.u32 $0xFFFFFFC0, v55  }
0xdb: {  	v3 =	vor.u32 v3, v4  }
0xdc: {  	v4 =	vperm.xlane v3, v0;
	_ =	sdelay $0x1  }
0xdd: {  	v4 =	vadd.s32 v1, v4;
	_ =	sdelay $0x4  }
0xde: {  	[tilespmem:s23], [sflag:$0x1] =	stream.indirect_vreg.gather [hbm4b:s3+s2], $0x80, v4, vm0, $0xb8;
	[tilespmem:$0x8080] =	vst v63  }
0xdf: {  	v3 =	vperm.xlane v3, v2  }
0xe0: {  	[tilespmem:s24], [sflag:$0x1] =	stream.indirect_vreg.gather [hbm4b:s4+s2], $0x80, v4, vm0, $0xb8;
	[tilespmem:$0x8080] =	vst v63  }
0xe1: {  	v3 =	vadd.s32 v1, v3  }
0xe2: {  	[tilespmem:s25], [sflag:$0x1] =	stream.indirect_vreg.gather [hbm4b:s5+s2], $0x80, v4, vm0, $0xb8;
	[tilespmem:$0x8080] =	vst v63  }
0xe3: {  	_ = 	snop  }
0xe4: {  	[tilespmem:s26], [sflag:$0x1] =	stream.indirect_vreg.gather [hbm4b:s6+s2], $0x80, v4, vm0, $0xb8;
	[tilespmem:$0x8080] =	vst v63  }
0xe5: {  	_ = 	snop  }
0xe6: {  	[tilespmem:s28], [sflag:$0x1] =	stream.indirect_vreg.gather [hbm4b:s3+s2], $0x80, v3, vm0, $0xb8;
	[tilespmem:$0x8080] =	vst v63  }
0xe7: {  	_ = 	snop  }
0xe8: {  	[tilespmem:s29], [sflag:$0x1] =	stream.indirect_vreg.gather [hbm4b:s4+s2], $0x80, v3, vm0, $0xb8;
	[tilespmem:$0x8080] =	vst v63  }
0xe9: {  	_ = 	snop  }
0xea: {  	[tilespmem:s30], [sflag:$0x1] =	stream.indirect_vreg.gather [hbm4b:s5+s2], $0x80, v3, vm0, $0xb8;
	[tilespmem:$0x8080] =	vst v63  }
0xeb: {  	_ = 	snop  }
0xec: {  	[tilespmem:s31], [sflag:$0x1] =	stream.indirect_vreg.gather [hbm4b:s6+s2], $0x80, v3, vm0, $0xb8;
	[tilespmem:$0x8080] =	vst v63  }
0xed: {  	_ =	swait.ge [sflag:s0], $0x8000  }
0xee: {  	[sflag:s0] =	ssyncset.done $0x0  }
0xef: {  	s1 =	rddreg [dreg:$0xa];
	[sflag:s0] =	ssyncadd.s32 $0xFFFF8000  }
0xf0: {  	[hbm4b:s1+s2] =	stream.linear.scatter [tilespmem:s2], [sflag:$0x2], $0x8000, $0x38;
	[tilespmem:$0x8080] =	vst v63  }
0xf1: {  	_ =	swait.ge [sflag:s15], $0x8000  }
0xf2: {  	[sflag:s15] =	ssyncset.done $0x0  }
0xf3: {  	s1 =	rddreg [dreg:$0xb];
	[sflag:s15] =	ssyncadd.s32 $0xFFFF8000  }
0xf4: {  	[tilespmem:s14], [sflag:$0x2] =	stream.linear.gather [hbm4b:s1+s2], $0x20, $0x38;
	[tilespmem:$0x8080] =	vst v63  }
0xf5: {  	_ =	swait.ge [sflag:s15], $0x20  }
0xf6: {  	[sflag:s15] =	ssyncset.done $0x0  }
0xf7: {  	[sflag:s15] =	ssyncadd.s32 $0xFFFFFFE0  }
0xf8: {  	v3 =	vld [tilespmem:$0x8000];
	_ =	sdelay $0x4  }
0xf9: {  	v56 =	vshll.u32 v3, $0x3  }
0xfa: {  	v3 =	vand.u32 $0x7, v3;
	v4 =	vand.u32 $0xFFFFFFC0, v56  }
0xfb: {  	v3 =	vor.u32 v3, v4  }
0xfc: {  	v4 =	vperm.xlane v3, v0;
	_ =	sdelay $0x1  }
0xfd: {  	v4 =	vadd.s32 v1, v4;
	_ =	sdelay $0x4  }
0xfe: {  	[tilespmem:s2], [sflag:$0x1] =	stream.indirect_vreg.gather [hbm4b:s3+s2], $0x80, v4, vm0, $0xb8;
	[tilespmem:$0x8080] =	vst v63  }
0xff: {  	v3 =	vperm.xlane v3, v2  }
0x100: {  	[tilespmem:s16], [sflag:$0x1] =	stream.indirect_vreg.gather [hbm4b:s4+s2], $0x80, v4, vm0, $0xb8;
	[tilespmem:$0x8080] =	vst v63  }
0x101: {  	v3 =	vadd.s32 v1, v3  }
0x102: {  	[tilespmem:s17], [sflag:$0x1] =	stream.indirect_vreg.gather [hbm4b:s5+s2], $0x80, v4, vm0, $0xb8;
	[tilespmem:$0x8080] =	vst v63  }
0x103: {  	_ = 	snop  }
0x104: {  	[tilespmem:s18], [sflag:$0x1] =	stream.indirect_vreg.gather [hbm4b:s6+s2], $0x80, v4, vm0, $0xb8;
	[tilespmem:$0x8080] =	vst v63  }
0x105: {  	_ = 	snop  }
0x106: {  	[tilespmem:s19], [sflag:$0x1] =	stream.indirect_vreg.gather [hbm4b:s3+s2], $0x80, v3, vm0, $0xb8;
	[tilespmem:$0x8080] =	vst v63  }
0x107: {  	_ = 	snop  }
0x108: {  	[tilespmem:s20], [sflag:$0x1] =	stream.indirect_vreg.gather [hbm4b:s4+s2], $0x80, v3, vm0, $0xb8;
	[tilespmem:$0x8080] =	vst v63  }
0x109: {  	_ = 	snop  }
0x10a: {  	[tilespmem:s21], [sflag:$0x1] =	stream.indirect_vreg.gather [hbm4b:s5+s2], $0x80, v3, vm0, $0xb8;
	[tilespmem:$0x8080] =	vst v63  }
0x10b: {  	_ = 	snop  }
0x10c: {  	[tilespmem:s22], [sflag:$0x1] =	stream.indirect_vreg.gather [hbm4b:s6+s2], $0x80, v3, vm0, $0xb8;
	[tilespmem:$0x8080] =	vst v63  }
0x10d: {  	v3 =	vld [tilespmem:$0x8010];
	_ =	sdelay $0x4  }
0x10e: {  	v57 =	vshll.u32 v3, $0x3  }
0x10f: {  	v3 =	vand.u32 $0x7, v3;
	v4 =	vand.u32 $0xFFFFFFC0, v57  }
0x110: {  	v3 =	vor.u32 v3, v4  }
0x111: {  	v4 =	vperm.xlane v3, v0;
	_ =	sdelay $0x1  }
0x112: {  	v4 =	vadd.s32 v1, v4;
	_ =	sdelay $0x4  }
0x113: {  	[tilespmem:s23], [sflag:$0x1] =	stream.indirect_vreg.gather [hbm4b:s3+s2], $0x80, v4, vm0, $0xb8;
	[tilespmem:$0x8080] =	vst v63  }
0x114: {  	v3 =	vperm.xlane v3, v2  }
0x115: {  	[tilespmem:s24], [sflag:$0x1] =	stream.indirect_vreg.gather [hbm4b:s4+s2], $0x80, v4, vm0, $0xb8;
	[tilespmem:$0x8080] =	vst v63  }
0x116: {  	v3 =	vadd.s32 v1, v3  }
0x117: {  	[tilespmem:s25], [sflag:$0x1] =	stream.indirect_vreg.gather [hbm4b:s5+s2], $0x80, v4, vm0, $0xb8;
	[tilespmem:$0x8080] =	vst v63  }
0x118: {  	_ = 	snop  }
0x119: {  	[tilespmem:s26], [sflag:$0x1] =	stream.indirect_vreg.gather [hbm4b:s6+s2], $0x80, v4, vm0, $0xb8;
	[tilespmem:$0x8080] =	vst v63  }
0x11a: {  	_ = 	snop  }
0x11b: {  	[tilespmem:s28], [sflag:$0x1] =	stream.indirect_vreg.gather [hbm4b:s3+s2], $0x80, v3, vm0, $0xb8;
	[tilespmem:$0x8080] =	vst v63  }
0x11c: {  	_ = 	snop  }
0x11d: {  	[tilespmem:s29], [sflag:$0x1] =	stream.indirect_vreg.gather [hbm4b:s4+s2], $0x80, v3, vm0, $0xb8;
	[tilespmem:$0x8080] =	vst v63  }
0x11e: {  	_ = 	snop  }
0x11f: {  	[tilespmem:s30], [sflag:$0x1] =	stream.indirect_vreg.gather [hbm4b:s5+s2], $0x80, v3, vm0, $0xb8;
	[tilespmem:$0x8080] =	vst v63  }
0x120: {  	_ = 	snop  }
0x121: {  	[tilespmem:s31], [sflag:$0x1] =	stream.indirect_vreg.gather [hbm4b:s6+s2], $0x80, v3, vm0, $0xb8;
	[tilespmem:$0x8080] =	vst v63  }
0x122: {  	_ =	swait.ge [sflag:s0], $0x8000  }
0x123: {  	[sflag:s0] =	ssyncset.done $0x0  }
0x124: {  	s1 =	rddreg [dreg:$0xc];
	[sflag:s0] =	ssyncadd.s32 $0xFFFF8000  }
0x125: {  	[hbm4b:s1+s2] =	stream.linear.scatter [tilespmem:s2], [sflag:$0x2], $0x8000, $0x38;
	[tilespmem:$0x8080] =	vst v63  }
0x126: {  	_ =	swait.ge [sflag:s15], $0x8000  }
0x127: {  	[sflag:s15] =	ssyncset.done $0x0  }
0x128: {  	[sflag:s15] =	ssyncadd.s32 $0xFFFF8000  }
0x129: {  	[tilespmem:s14], [sflag:$0x2] =	stream.linear.gather [hbm4b:s7+s2], $0x20, $0x38;
	[tilespmem:$0x8080] =	vst v63  }
0x12a: {  	_ =	swait.ge [sflag:s15], $0x20  }
0x12b: {  	[sflag:s15] =	ssyncset.done $0x0  }
0x12c: {  	[sflag:s15] =	ssyncadd.s32 $0xFFFFFFE0  }
0x12d: {  	v3 =	vld [tilespmem:$0x8000];
	_ =	sdelay $0x4  }
0x12e: {  	v58 =	vshll.u32 v3, $0x3  }
0x12f: {  	v3 =	vand.u32 $0x7, v3;
	v4 =	vand.u32 $0xFFFFFFC0, v58  }
0x130: {  	v3 =	vor.u32 v3, v4  }
0x131: {  	v4 =	vperm.xlane v3, v0;
	_ =	sdelay $0x1  }
0x132: {  	v4 =	vadd.s32 v1, v4;
	_ =	sdelay $0x4  }
0x133: {  	[tilespmem:s2], [sflag:$0x1] =	stream.indirect_vreg.gather [hbm4b:s3+s2], $0x80, v4, vm0, $0xb8;
	[tilespmem:$0x8080] =	vst v63  }
0x134: {  	v3 =	vperm.xlane v3, v2  }
0x135: {  	[tilespmem:s16], [sflag:$0x1] =	stream.indirect_vreg.gather [hbm4b:s4+s2], $0x80, v4, vm0, $0xb8;
	[tilespmem:$0x8080] =	vst v63  }
0x136: {  	v3 =	vadd.s32 v1, v3  }
0x137: {  	[tilespmem:s17], [sflag:$0x1] =	stream.indirect_vreg.gather [hbm4b:s5+s2], $0x80, v4, vm0, $0xb8;
	[tilespmem:$0x8080] =	vst v63  }
0x138: {  	_ = 	snop  }
0x139: {  	[tilespmem:s18], [sflag:$0x1] =	stream.indirect_vreg.gather [hbm4b:s6+s2], $0x80, v4, vm0, $0xb8;
	[tilespmem:$0x8080] =	vst v63  }
0x13a: {  	_ = 	snop  }
0x13b: {  	[tilespmem:s19], [sflag:$0x1] =	stream.indirect_vreg.gather [hbm4b:s3+s2], $0x80, v3, vm0, $0xb8;
	[tilespmem:$0x8080] =	vst v63  }
0x13c: {  	_ = 	snop  }
0x13d: {  	[tilespmem:s20], [sflag:$0x1] =	stream.indirect_vreg.gather [hbm4b:s4+s2], $0x80, v3, vm0, $0xb8;
	[tilespmem:$0x8080] =	vst v63  }
0x13e: {  	_ = 	snop  }
0x13f: {  	[tilespmem:s21], [sflag:$0x1] =	stream.indirect_vreg.gather [hbm4b:s5+s2], $0x80, v3, vm0, $0xb8;
	[tilespmem:$0x8080] =	vst v63  }
0x140: {  	_ = 	snop  }
0x141: {  	[tilespmem:s22], [sflag:$0x1] =	stream.indirect_vreg.gather [hbm4b:s6+s2], $0x80, v3, vm0, $0xb8;
	[tilespmem:$0x8080] =	vst v63  }
0x142: {  	v3 =	vld [tilespmem:$0x8010];
	_ =	sdelay $0x4  }
0x143: {  	v59 =	vshll.u32 v3, $0x3  }
0x144: {  	v3 =	vand.u32 $0x7, v3;
	v4 =	vand.u32 $0xFFFFFFC0, v59  }
0x145: {  	v3 =	vor.u32 v3, v4  }
0x146: {  	v4 =	vperm.xlane v3, v0;
	_ =	sdelay $0x1  }
0x147: {  	v4 =	vadd.s32 v1, v4;
	_ =	sdelay $0x4  }
0x148: {  	[tilespmem:s23], [sflag:$0x1] =	stream.indirect_vreg.gather [hbm4b:s3+s2], $0x80, v4, vm0, $0xb8;
	[tilespmem:$0x8080] =	vst v63  }
0x149: {  	v3 =	vperm.xlane v3, v2  }
0x14a: {  	[tilespmem:s24], [sflag:$0x1] =	stream.indirect_vreg.gather [hbm4b:s4+s2], $0x80, v4, vm0, $0xb8;
	[tilespmem:$0x8080] =	vst v63  }
0x14b: {  	v3 =	vadd.s32 v1, v3  }
0x14c: {  	[tilespmem:s25], [sflag:$0x1] =	stream.indirect_vreg.gather [hbm4b:s5+s2], $0x80, v4, vm0, $0xb8;
	[tilespmem:$0x8080] =	vst v63  }
0x14d: {  	_ = 	snop  }
0x14e: {  	[tilespmem:s26], [sflag:$0x1] =	stream.indirect_vreg.gather [hbm4b:s6+s2], $0x80, v4, vm0, $0xb8;
	[tilespmem:$0x8080] =	vst v63  }
0x14f: {  	_ = 	snop  }
0x150: {  	[tilespmem:s28], [sflag:$0x1] =	stream.indirect_vreg.gather [hbm4b:s3+s2], $0x80, v3, vm0, $0xb8;
	[tilespmem:$0x8080] =	vst v63  }
0x151: {  	_ = 	snop  }
0x152: {  	[tilespmem:s29], [sflag:$0x1] =	stream.indirect_vreg.gather [hbm4b:s4+s2], $0x80, v3, vm0, $0xb8;
	[tilespmem:$0x8080] =	vst v63  }
0x153: {  	_ = 	snop  }
0x154: {  	[tilespmem:s30], [sflag:$0x1] =	stream.indirect_vreg.gather [hbm4b:s5+s2], $0x80, v3, vm0, $0xb8;
	[tilespmem:$0x8080] =	vst v63  }
0x155: {  	_ = 	snop  }
0x156: {  	[tilespmem:s31], [sflag:$0x1] =	stream.indirect_vreg.gather [hbm4b:s6+s2], $0x80, v3, vm0, $0xb8;
	[tilespmem:$0x8080] =	vst v63  }
0x157: {  	_ =	swait.ge [sflag:s0], $0x8000  }
0x158: {  	[sflag:s0] =	ssyncset.done $0x0  }
0x159: {  	[sflag:s0] =	ssyncadd.s32 $0xFFFF8000  }
0x15a: {  	[hbm4b:s8+s2] =	stream.linear.scatter [tilespmem:s2], [sflag:$0x2], $0x8000, $0x38;
	[tilespmem:$0x8080] =	vst v63  }
0x15b: {  	_ =	swait.ge [sflag:s15], $0x8000  }
0x15c: {  	[sflag:s15] =	ssyncset.done $0x0  }
0x15d: {  	[sflag:s15] =	ssyncadd.s32 $0xFFFF8000  }
0x15e: {  	[tilespmem:s14], [sflag:$0x2] =	stream.linear.gather [hbm4b:s9+s2], $0x20, $0x38;
	[tilespmem:$0x8080] =	vst v63  }
0x15f: {  	_ =	swait.ge [sflag:s15], $0x20  }
0x160: {  	[sflag:s15] =	ssyncset.done $0x0  }
0x161: {  	[sflag:s15] =	ssyncadd.s32 $0xFFFFFFE0  }
0x162: {  	v3 =	vld [tilespmem:$0x8000];
	_ =	sdelay $0x4  }
0x163: {  	v60 =	vshll.u32 v3, $0x3  }
0x164: {  	v3 =	vand.u32 $0x7, v3;
	v4 =	vand.u32 $0xFFFFFFC0, v60  }
0x165: {  	v3 =	vor.u32 v3, v4  }
0x166: {  	v4 =	vperm.xlane v3, v0;
	_ =	sdelay $0x1  }
0x167: {  	v4 =	vadd.s32 v1, v4;
	_ =	sdelay $0x4  }
0x168: {  	[tilespmem:s2], [sflag:$0x1] =	stream.indirect_vreg.gather [hbm4b:s3+s2], $0x80, v4, vm0, $0xb8;
	[tilespmem:$0x8080] =	vst v63  }
0x169: {  	v3 =	vperm.xlane v3, v2  }
0x16a: {  	[tilespmem:s16], [sflag:$0x1] =	stream.indirect_vreg.gather [hbm4b:s4+s2], $0x80, v4, vm0, $0xb8;
	[tilespmem:$0x8080] =	vst v63  }
0x16b: {  	v3 =	vadd.s32 v1, v3  }
0x16c: {  	[tilespmem:s17], [sflag:$0x1] =	stream.indirect_vreg.gather [hbm4b:s5+s2], $0x80, v4, vm0, $0xb8;
	[tilespmem:$0x8080] =	vst v63  }
0x16d: {  	_ = 	snop  }
0x16e: {  	[tilespmem:s18], [sflag:$0x1] =	stream.indirect_vreg.gather [hbm4b:s6+s2], $0x80, v4, vm0, $0xb8;
	[tilespmem:$0x8080] =	vst v63  }
0x16f: {  	_ = 	snop  }
0x170: {  	[tilespmem:s19], [sflag:$0x1] =	stream.indirect_vreg.gather [hbm4b:s3+s2], $0x80, v3, vm0, $0xb8;
	[tilespmem:$0x8080] =	vst v63  }
0x171: {  	_ = 	snop  }
0x172: {  	[tilespmem:s20], [sflag:$0x1] =	stream.indirect_vreg.gather [hbm4b:s4+s2], $0x80, v3, vm0, $0xb8;
	[tilespmem:$0x8080] =	vst v63  }
0x173: {  	_ = 	snop  }
0x174: {  	[tilespmem:s21], [sflag:$0x1] =	stream.indirect_vreg.gather [hbm4b:s5+s2], $0x80, v3, vm0, $0xb8;
	[tilespmem:$0x8080] =	vst v63  }
0x175: {  	_ = 	snop  }
0x176: {  	[tilespmem:s22], [sflag:$0x1] =	stream.indirect_vreg.gather [hbm4b:s6+s2], $0x80, v3, vm0, $0xb8;
	[tilespmem:$0x8080] =	vst v63  }
0x177: {  	v3 =	vld [tilespmem:$0x8010];
	_ =	sdelay $0x4  }
0x178: {  	v61 =	vshll.u32 v3, $0x3  }
0x179: {  	v3 =	vand.u32 $0x7, v3;
	v4 =	vand.u32 $0xFFFFFFC0, v61  }
0x17a: {  	v3 =	vor.u32 v3, v4  }
0x17b: {  	v4 =	vperm.xlane v3, v0;
	_ =	sdelay $0x1  }
0x17c: {  	v4 =	vadd.s32 v1, v4;
	_ =	sdelay $0x4  }
0x17d: {  	[tilespmem:s23], [sflag:$0x1] =	stream.indirect_vreg.gather [hbm4b:s3+s2], $0x80, v4, vm0, $0xb8;
	[tilespmem:$0x8080] =	vst v63  }
0x17e: {  	v3 =	vperm.xlane v3, v2  }
0x17f: {  	[tilespmem:s24], [sflag:$0x1] =	stream.indirect_vreg.gather [hbm4b:s4+s2], $0x80, v4, vm0, $0xb8;
	[tilespmem:$0x8080] =	vst v63  }
0x180: {  	v3 =	vadd.s32 v1, v3  }
0x181: {  	[tilespmem:s25], [sflag:$0x1] =	stream.indirect_vreg.gather [hbm4b:s5+s2], $0x80, v4, vm0, $0xb8;
	[tilespmem:$0x8080] =	vst v63  }
0x182: {  	_ = 	snop  }
0x183: {  	[tilespmem:s26], [sflag:$0x1] =	stream.indirect_vreg.gather [hbm4b:s6+s2], $0x80, v4, vm0, $0xb8;
	[tilespmem:$0x8080] =	vst v63  }
0x184: {  	_ = 	snop  }
0x185: {  	[tilespmem:s28], [sflag:$0x1] =	stream.indirect_vreg.gather [hbm4b:s3+s2], $0x80, v3, vm0, $0xb8;
	[tilespmem:$0x8080] =	vst v63  }
0x186: {  	_ = 	snop  }
0x187: {  	[tilespmem:s29], [sflag:$0x1] =	stream.indirect_vreg.gather [hbm4b:s4+s2], $0x80, v3, vm0, $0xb8;
	[tilespmem:$0x8080] =	vst v63  }
0x188: {  	_ = 	snop  }
0x189: {  	[tilespmem:s30], [sflag:$0x1] =	stream.indirect_vreg.gather [hbm4b:s5+s2], $0x80, v3, vm0, $0xb8;
	[tilespmem:$0x8080] =	vst v63  }
0x18a: {  	_ = 	snop  }
0x18b: {  	[tilespmem:s31], [sflag:$0x1] =	stream.indirect_vreg.gather [hbm4b:s6+s2], $0x80, v3, vm0, $0xb8;
	[tilespmem:$0x8080] =	vst v63  }
0x18c: {  	_ =	swait.ge [sflag:s0], $0x8000  }
0x18d: {  	[sflag:s0] =	ssyncset.done $0x0  }
0x18e: {  	[sflag:s0] =	ssyncadd.s32 $0xFFFF8000  }
0x18f: {  	[hbm4b:s10+s2] =	stream.linear.scatter [tilespmem:s2], [sflag:$0x2], $0x8000, $0x38;
	[tilespmem:$0x8080] =	vst v63  }
0x190: {  	_ =	swait.ge [sflag:s15], $0x8000  }
0x191: {  	[sflag:s15] =	ssyncset.done $0x0  }
0x192: {  	[sflag:s15] =	ssyncadd.s32 $0xFFFF8000  }
0x193: {  	[tilespmem:s14], [sflag:$0x2] =	stream.linear.gather [hbm4b:s11+s2], $0x20, $0x38;
	[tilespmem:$0x8080] =	vst v63  }
0x194: {  	_ =	swait.ge [sflag:s15], $0x20  }
0x195: {  	[sflag:s15] =	ssyncset.done $0x0  }
0x196: {  	[sflag:s15] =	ssyncadd.s32 $0xFFFFFFE0  }
0x197: {  	v3 =	vld [tilespmem:$0x8000];
	_ =	sdelay $0x4  }
0x198: {  	v62 =	vshll.u32 v3, $0x3  }
0x199: {  	v3 =	vand.u32 $0x7, v3;
	v4 =	vand.u32 $0xFFFFFFC0, v62  }
0x19a: {  	v3 =	vor.u32 v3, v4  }
0x19b: {  	v4 =	vperm.xlane v3, v0;
	_ =	sdelay $0x1  }
0x19c: {  	v4 =	vadd.s32 v1, v4;
	_ =	sdelay $0x4  }
0x19d: {  	[tilespmem:s2], [sflag:$0x1] =	stream.indirect_vreg.gather [hbm4b:s3+s2], $0x80, v4, vm0, $0xb8;
	[tilespmem:$0x8080] =	vst v63  }
0x19e: {  	v3 =	vperm.xlane v3, v2  }
0x19f: {  	[tilespmem:s16], [sflag:$0x1] =	stream.indirect_vreg.gather [hbm4b:s4+s2], $0x80, v4, vm0, $0xb8;
	[tilespmem:$0x8080] =	vst v63  }
0x1a0: {  	v3 =	vadd.s32 v1, v3  }
0x1a1: {  	[tilespmem:s17], [sflag:$0x1] =	stream.indirect_vreg.gather [hbm4b:s5+s2], $0x80, v4, vm0, $0xb8;
	[tilespmem:$0x8080] =	vst v63  }
0x1a2: {  	_ = 	snop  }
0x1a3: {  	[tilespmem:s18], [sflag:$0x1] =	stream.indirect_vreg.gather [hbm4b:s6+s2], $0x80, v4, vm0, $0xb8;
	[tilespmem:$0x8080] =	vst v63  }
0x1a4: {  	_ = 	snop  }
0x1a5: {  	[tilespmem:s19], [sflag:$0x1] =	stream.indirect_vreg.gather [hbm4b:s3+s2], $0x80, v3, vm0, $0xb8;
	[tilespmem:$0x8080] =	vst v63  }
0x1a6: {  	_ = 	snop  }
0x1a7: {  	[tilespmem:s20], [sflag:$0x1] =	stream.indirect_vreg.gather [hbm4b:s4+s2], $0x80, v3, vm0, $0xb8;
	[tilespmem:$0x8080] =	vst v63  }
0x1a8: {  	_ = 	snop  }
0x1a9: {  	[tilespmem:s21], [sflag:$0x1] =	stream.indirect_vreg.gather [hbm4b:s5+s2], $0x80, v3, vm0, $0xb8;
	[tilespmem:$0x8080] =	vst v63  }
0x1aa: {  	_ = 	snop  }
0x1ab: {  	[tilespmem:s22], [sflag:$0x1] =	stream.indirect_vreg.gather [hbm4b:s6+s2], $0x80, v3, vm0, $0xb8;
	[tilespmem:$0x8080] =	vst v63  }
0x1ac: {  	v3 =	vld [tilespmem:$0x8010];
	_ =	sdelay $0x4  }
0x1ad: {  	v63 =	vshll.u32 v3, $0x3  }
0x1ae: {  	v3 =	vand.u32 $0x7, v3;
	v4 =	vand.u32 $0xFFFFFFC0, v63  }
0x1af: {  	v3 =	vor.u32 v3, v4  }
0x1b0: {  	v4 =	vperm.xlane v3, v0;
	_ =	sdelay $0x1  }
0x1b1: {  	v4 =	vadd.s32 v1, v4;
	_ =	sdelay $0x4  }
0x1b2: {  	[tilespmem:s23], [sflag:$0x1] =	stream.indirect_vreg.gather [hbm4b:s3+s2], $0x80, v4, vm0, $0xb8;
	[tilespmem:$0x8080] =	vst v63  }
0x1b3: {  	v3 =	vperm.xlane v3, v2  }
0x1b4: {  	[tilespmem:s24], [sflag:$0x1] =	stream.indirect_vreg.gather [hbm4b:s4+s2], $0x80, v4, vm0, $0xb8;
	[tilespmem:$0x8080] =	vst v63  }
0x1b5: {  	v3 =	vadd.s32 v1, v3  }
0x1b6: {  	[tilespmem:s25], [sflag:$0x1] =	stream.indirect_vreg.gather [hbm4b:s5+s2], $0x80, v4, vm0, $0xb8;
	[tilespmem:$0x8080] =	vst v63  }
0x1b7: {  	_ = 	snop  }
0x1b8: {  	[tilespmem:s26], [sflag:$0x1] =	stream.indirect_vreg.gather [hbm4b:s6+s2], $0x80, v4, vm0, $0xb8;
	[tilespmem:$0x8080] =	vst v63  }
0x1b9: {  	_ = 	snop  }
0x1ba: {  	[tilespmem:s28], [sflag:$0x1] =	stream.indirect_vreg.gather [hbm4b:s3+s2], $0x80, v3, vm0, $0xb8;
	[tilespmem:$0x8080] =	vst v63  }
0x1bb: {  	_ = 	snop  }
0x1bc: {  	[tilespmem:s29], [sflag:$0x1] =	stream.indirect_vreg.gather [hbm4b:s4+s2], $0x80, v3, vm0, $0xb8;
	[tilespmem:$0x8080] =	vst v63  }
0x1bd: {  	_ = 	snop  }
0x1be: {  	[tilespmem:s30], [sflag:$0x1] =	stream.indirect_vreg.gather [hbm4b:s5+s2], $0x80, v3, vm0, $0xb8;
	[tilespmem:$0x8080] =	vst v63  }
0x1bf: {  	_ = 	snop  }
0x1c0: {  	[tilespmem:s31], [sflag:$0x1] =	stream.indirect_vreg.gather [hbm4b:s6+s2], $0x80, v3, vm0, $0xb8;
	[tilespmem:$0x8080] =	vst v63  }
0x1c1: {  	_ =	swait.ge [sflag:s0], $0x8000  }
0x1c2: {  	p0 =	sne.s32 s13, $0x1;
	[sflag:s0] =	ssyncset.done $0x0  }
.Ltmp0:
0x1c3: {  	[sflag:s0] =	ssyncadd.s32 $0xFFFF8000;
	(pc) =	sbr.rel @p0 .LBB2_1-.Ltmp0, $4  }
0x1c4: {  	[hbm4b:s12+s2] =	stream.linear.scatter [tilespmem:s2], [sflag:$0x2], $0x8000, $0x38;
	[tilespmem:$0x8080] =	vst v63  }
0x1c5: {  	_ =	swait.ge [sflag:s15], $0x8000  }
0x1c6: {  	[sflag:s15] =	ssyncset.done $0x0  }
0x1c7: {  	s13 =	sadd.s32 $0xFFFFFFFF, s13;
	[sflag:s15] =	ssyncadd.s32 $0xFFFF8000  }
0x1c8: {  	_ =	sfence.sel $0x180000  }
0x1c9: {  	[bflag:$0x0] =	sbarrier.arrive $0xFFFF  }
0x1ca: {  	_ =	strace $0x9000004A  }
0x1cb: {  	s0 =	stileid.u32;
	[bflag:$0x2] =	sbarrier.arrive $0xFFFF  }
0x1cc: {  	p0 =	sne.s32 s0, $0x0;
	s0 =	rddreg [dreg:$0x2]  }
0x1cd: {  	s0 =	sadd.s32 @!p0 $0x100000, s0  }
0x1ce: {  	[sflag:s0] =	ssyncadd.tile.s32 @!p0 $0x1;
	_ =	shalt  }
.Lfunc_end2:
_tile_overlayer_lowered:
.L_overlay_start_2:
0x1cf: {  	(tag) =	ssettag $0x2  }
0x1d0: {  	s0 =	rddreg [dreg:$0x0];
	s2 =	stileid.u32  }
0x1d1: {  	s1 =	rddreg [dreg:$0x1];
	p0 =	sne.s32 s2, $0x0  }
0x1d2: {  	s3 =	rddreg [dreg:$0x2];
	[bflag:$0x3] =	sbarrier.arrive $0xFFFF;
	s2 =	simm.s32 @!p0 $0x1C02  }
0x1d3: {  	[timem:s3], [sflag:s2] =	dma.local @!p0 [hbm:s0], s1  }
0x1d4: {  	s0 =	simm.s32 @!p0 $0x2  }
0x1d5: {  	_ =	swait.ge @!p0 [sflag:s0], s1  }
0x1d6: {  	s1 =	ssub.s32 @!p0 $0x0, s1;
	[sflag:s0] =	ssyncset.done @!p0 $0x0  }
0x1d7: {  	[sflag:s0] =	ssyncadd.s32 @!p0 s1  }
0x1d8: {  	[bflag:$0x3] =	sbarrier.arrive $0xFFFF  }
0x1d9: {  	_ =	shalt  }

</sc_bundles>
